<compile_context>
chip_gen: v7x
topology: tpu7x:2x2x1
jax: 0.10.2.dev20260603
libtpu: 0.0.44.dev20260713+nightly
codegen_flags: <defaults>
</compile_context>

<pallas_src>
import functools

import jax
import jax.numpy as jnp
from jax import lax
from jax.experimental import pallas as pl
from jax.experimental.pallas import tpu as pltpu
from jax.experimental.pallas import tpu_sc as plsc

N = 10000
E = 320000
NC, NS = 2, 16
NW = NC * NS
EPW = E // NW
K = 80
NWIN = EPW // K
RPT = 1000
RPT2 = 2000

_MESH = plsc.VectorSubcoreMesh(core_axis_name="c", subcore_axis_name="s")


def _sc_degrees(src3, dstn3, ew, ones_k, z2n):
    @functools.partial(
        pl.kernel,
        mesh=_MESH,
        compiler_params=pltpu.CompilerParams(
            needs_layout_passes=False, use_tc_tiling_on_sc=False),
        out_type=jax.ShapeDtypeStruct((NC * 2 * 2 * N,), jnp.float32),
        scratch_types=[
            pltpu.VMEM((NWIN, K), jnp.int32),
            pltpu.VMEM((NWIN, K), jnp.int32),
            pltpu.VMEM((EPW,), jnp.float32),
            pltpu.VMEM((K,), jnp.float32),
            pltpu.VMEM((RPT2,), jnp.float32),
            pltpu.SemaphoreType.DMA,
            pltpu.VMEM_SHARED((2 * N,), jnp.float32),
            pltpu.VMEM_SHARED((2 * N,), jnp.float32),
        ],
    )
    def k(src_hbm, dstn_hbm, ew_hbm, ones_hbm, z_hbm, out_hbm,
          srcv, dstnv, ewv, onesv, buf, sem, wacc, dacc):
        cid = lax.axis_index("c")
        sid = lax.axis_index("s")
        wid = sid * NC + cid
        pltpu.sync_copy(src_hbm.at[wid], srcv)
        pltpu.sync_copy(dstn_hbm.at[wid], dstnv)
        pltpu.sync_copy(ew_hbm.at[pl.ds(wid * EPW, EPW)], ewv)
        pltpu.sync_copy(ones_hbm, onesv)
        @pl.when(sid < 10)
        def _():
            pltpu.sync_copy(z_hbm.at[pl.ds(sid * RPT2, RPT2)], buf)
            pltpu.sync_copy(buf, wacc.at[pl.ds(sid * RPT2, RPT2)])
            pltpu.sync_copy(buf, dacc.at[pl.ds(sid * RPT2, RPT2)])
        plsc.subcore_barrier()

        def win(w, carry):
            ews = ewv.at[pl.ds(w * K, K)]
            pltpu.async_copy(ews, wacc.at[srcv.at[w]], sem, add=True)
            pltpu.async_copy(ews, wacc.at[dstnv.at[w]], sem, add=True)
            pltpu.async_copy(onesv, dacc.at[srcv.at[w]], sem, add=True)
            pltpu.async_copy(onesv, dacc.at[dstnv.at[w]], sem, add=True)
            return carry

        lax.fori_loop(0, NWIN, win, 0)

        def drain(w, carry):
            pltpu.make_async_copy(
                ewv.at[pl.ds(0, K)], wacc.at[srcv.at[0]], sem).wait()
            return carry

        lax.fori_loop(0, 4 * NWIN, drain, 0)
        plsc.subcore_barrier()

        @pl.when(sid < 10)
        def _():
            pltpu.sync_copy(wacc.at[pl.ds(sid * RPT2, RPT2)], buf)
            pltpu.sync_copy(
                buf, out_hbm.at[pl.ds(cid * 4 * N + sid * RPT2, RPT2)])
            pltpu.sync_copy(dacc.at[pl.ds(sid * RPT2, RPT2)], buf)
            pltpu.sync_copy(
                buf, out_hbm.at[pl.ds(cid * 4 * N + 2 * N + sid * RPT2, RPT2)])

    return k(src3, dstn3, ew, ones_k, z2n)


def _sc_layer(gt, src, dst3, m, zeros, d):
    @functools.partial(
        pl.kernel,
        mesh=_MESH,
        compiler_params=pltpu.CompilerParams(
            needs_layout_passes=False, use_tc_tiling_on_sc=False),
        out_type=jax.ShapeDtypeStruct((NC * N, d), jnp.float32),
        scratch_types=[
            pltpu.VMEM((EPW,), jnp.int32),
            pltpu.VMEM((NWIN, K), jnp.int32),
            pltpu.VMEM((EPW,), jnp.float32),
            pltpu.VMEM((K, d), jnp.float32),
            pltpu.VMEM((K, d), jnp.float32),
            pltpu.SemaphoreType.DMA,
            pltpu.SemaphoreType.DMA,
            pltpu.VMEM_SHARED((N, d), jnp.float32),
        ],
    )
    def k(gt_hbm, src_hbm, dst_hbm, m_hbm, z_hbm, out_hbm,
          srcv, dstv, mv, rows0, rows1, gsem0, gsem1, acc):
        cid = lax.axis_index("c")
        sid = lax.axis_index("s")
        wid = sid * NC + cid
        pltpu.sync_copy(src_hbm.at[pl.ds(wid * EPW, EPW)], srcv)
        pltpu.sync_copy(dst_hbm.at[wid], dstv)
        pltpu.sync_copy(m_hbm.at[pl.ds(wid * EPW, EPW)], mv)
        @pl.when(sid < 10)
        def _():
            pltpu.sync_copy(z_hbm.at[pl.ds(sid * RPT, RPT)],
                            acc.at[pl.ds(sid * RPT, RPT)])
        plsc.subcore_barrier()

        def start(w, rows, gsem):
            pltpu.async_copy(gt_hbm.at[srcv.at[pl.ds(w * K, K)]], rows, gsem)

        def finish(w, rows, gsem):
            pltpu.make_async_copy(
                gt_hbm.at[srcv.at[pl.ds(w * K, K)]], rows, gsem).wait()

            @plsc.parallel_loop(0, K, unroll=8)
            def row(r):
                bidx = jnp.full((16,), w * K + r, jnp.int32)
                wvec = plsc.load_gather(mv, [bidx])
                for j in range(d // 16):
                    sl = pl.ds(j * 16, 16)
                    rows[r, sl] = rows[r, sl] * wvec
            pltpu.sync_copy(rows, acc.at[dstv.at[w]], add=True)

        start(0, rows0, gsem0)

        def pair(g, carry):
            w = 2 * g
            start(w + 1, rows1, gsem1)
            finish(w, rows0, gsem0)
            start(w + 2, rows0, gsem0)
            finish(w + 1, rows1, gsem1)
            return carry

        lax.fori_loop(0, (NWIN - 1) // 2, pair, 0)
        finish(NWIN - 1, rows0, gsem0)
        plsc.subcore_barrier()

        @pl.when(sid < 10)
        def _():
            pltpu.sync_copy(acc.at[pl.ds(sid * RPT, RPT)],
                            out_hbm.at[pl.ds(cid * N + sid * RPT, RPT)])

    return k(gt, src, dst3, m, zeros)


def _tc_first(d4, feats, w0):
    def body(d_ref, x_ref, w_ref, s_ref, t_ref, gt_ref):
        wdeg = d_ref[0, :] + d_ref[2, :]
        deg = d_ref[1, :] + d_ref[3, :]
        wdeg = jnp.where(wdeg <= 0.0, 1.0, wdeg)
        deg = jnp.maximum(deg, 1.0)
        st = lax.rsqrt(wdeg) * lax.rsqrt(deg)
        s = st[:N].reshape(N, 1)
        t = st[N:].reshape(N, 1)
        s_ref[...] = s
        t_ref[...] = t
        gt_ref[...] = jnp.dot(x_ref[...] * s, w_ref[...],
                              preferred_element_type=jnp.float32)

    return pl.pallas_call(
        body,
        out_shape=(
            jax.ShapeDtypeStruct((N, 1), jnp.float32),
            jax.ShapeDtypeStruct((N, 1), jnp.float32),
            jax.ShapeDtypeStruct((N, 128), jnp.float32),
        ),
    )(d4, feats, w0)


def _tc_mid(pp, b, w, scol, tcol):
    dn = w.shape[1]

    def body(p_ref, b_ref, w_ref, s_ref, t_ref, gt_ref):
        p = p_ref[pl.ds(0, N), :] + p_ref[pl.ds(N, N), :]
        x = jnp.maximum(p * t_ref[...] + b_ref[...], 0.0)
        gt_ref[...] = jnp.dot(x * s_ref[...], w_ref[...],
                              preferred_element_type=jnp.float32)

    return pl.pallas_call(
        body,
        out_shape=jax.ShapeDtypeStruct((N, dn), jnp.float32),
    )(pp, b, w, scol, tcol)


def _tc_final(pp, b, tcol):
    d = b.shape[1]

    def body(p_ref, b_ref, t_ref, o_ref):
        p = p_ref[pl.ds(0, N), pl.ds(0, d)] + p_ref[pl.ds(N, N), pl.ds(0, d)]
        o_ref[...] = p * t_ref[...] + b_ref[...]

    return pl.pallas_call(
        body,
        out_shape=jax.ShapeDtypeStruct((N, d), jnp.float32),
    )(pp, b, tcol)


def kernel(features, edge_index, edge_weight, W0, b0, W1, b1, W2, b2):
    src = edge_index[0]
    dst = edge_index[1]
    src3 = src.reshape(NW, NWIN, K)
    dst3 = dst.reshape(NW, NWIN, K)
    dstn3 = (dst + N).reshape(NW, NWIN, K)
    ones_k = jnp.ones((K,), jnp.float32)
    z2n = jnp.zeros((2 * N,), jnp.float32)
    z128 = jnp.zeros((N, 128), jnp.float32)
    W2p = jnp.pad(W2, ((0, 0), (0, 128 - W2.shape[1])))

    dtab = _sc_degrees(src3, dstn3, edge_weight, ones_k, z2n)
    scol, tcol, gt0 = _tc_first(dtab.reshape(4, 2 * N), features, W0)
    p0 = _sc_layer(gt0, src, dst3, edge_weight, z128, 128)
    gt1 = _tc_mid(p0, b0.reshape(1, 128), W1, scol, tcol)
    p1 = _sc_layer(gt1, src, dst3, edge_weight, z128, 128)
    gt2 = _tc_mid(p1, b1.reshape(1, 128), W2p, scol, tcol)
    p2 = _sc_layer(gt2, src, dst3, edge_weight, z128, 128)
    return _tc_final(p2, b2.reshape(1, 64), tcol)

# --- scband reference (transcript-rebuilt; emitter-appended) ---
"""Pipeline reference for scband-wgcn-26809185861706 (READ-ONLY COPY).

The authoritative reference and input builder live on the scoring server;
editing this copy changes nothing except your own understanding.
"""

import jax, jax.numpy as jnp
import numpy as np

N = 10000
E = 320000
D_IN, D_HID, D_OUT = 128, 128, 64


def setup_inputs(seed: int = 0) -> dict:
    key = jax.random.key(seed)
    ks = jax.random.split(key, 10)
    features = jax.random.normal(ks[0], (N, D_IN), dtype=jnp.float32)
    edge_weight = jax.random.uniform(ks[1], (E,), dtype=jnp.float32, minval=0.0, maxval=1.0) + 1e-3
    edge_index = jax.random.randint(ks[2], (2, E), 0, N, dtype=jnp.int32)
    W0 = jax.random.normal(ks[3], (D_IN, D_HID), dtype=jnp.float32) * (1.0 / np.sqrt(D_IN))
    b0 = jnp.zeros((D_HID,), dtype=jnp.float32)
    W1 = jax.random.normal(ks[4], (D_HID, D_HID), dtype=jnp.float32) * (1.0 / np.sqrt(D_HID))
    b1 = jnp.zeros((D_HID,), dtype=jnp.float32)
    W2 = jax.random.normal(ks[5], (D_HID, D_OUT), dtype=jnp.float32) * (1.0 / np.sqrt(D_HID))
    b2 = jnp.zeros((D_OUT,), dtype=jnp.float32)
    return {"features": features, "edge_index": edge_index, "edge_weight": edge_weight,
            "W0": W0, "b0": b0, "W1": W1, "b1": b1, "W2": W2, "b2": b2}


def _graph_conv(x, ew, src, dst, W, b, act):
    # DGL GraphConv with norm='both', weight=True, bias=True, edge_weight given.
    ones = jnp.ones_like(ew)
    deg_out = jnp.maximum(jax.ops.segment_sum(ones, src, num_segments=N), 1.0)
    deg_in = jnp.maximum(jax.ops.segment_sum(ones, dst, num_segments=N), 1.0)
    h = x * jax.lax.rsqrt(deg_out)[:, None]
    h = h @ W
    msg = h[src] * ew[:, None]
    agg = jax.ops.segment_sum(msg, dst, num_segments=N)
    out = agg * jax.lax.rsqrt(deg_in)[:, None] + b
    if act:
        out = jax.nn.relu(out)
    return out


def reference(features, edge_index, edge_weight, W0, b0, W1, b1, W2, b2):
    src = edge_index[0]
    dst = edge_index[1]
    # EdgeWeightNorm(norm='both'): w_e / sqrt(wdeg_out[src] * wdeg_in[dst])
    wdeg_out = jax.ops.segment_sum(edge_weight, src, num_segments=N)
    wdeg_in = jax.ops.segment_sum(edge_weight, dst, num_segments=N)
    wdeg_out = jnp.where(wdeg_out <= 0.0, 1.0, wdeg_out)
    wdeg_in = jnp.where(wdeg_in <= 0.0, 1.0, wdeg_in)
    norm_ew = edge_weight * jax.lax.rsqrt(wdeg_out[src] * wdeg_in[dst])
    h = _graph_conv(features, norm_ew, src, dst, W0, b0, True)
    h = _graph_conv(h, norm_ew, src, dst, W1, b1, True)
    h = _graph_conv(h, norm_ew, src, dst, W2, b2, False)
    return h

if __name__ == "__main__":
    import jax
    _d = setup_inputs()
    print(jax.jit(kernel)(*tuple(_d.values())))

</pallas_src>

<mosaic_0001>
#map = affine_map<(d0, d1) -> (0, 0, 0)>
#map1 = affine_map<(d0, d1) -> (0)>
module attributes {stable_mosaic.version = 14 : i64} {
  func.func @k(%arg0: i32, %arg1: i32, %arg2: memref<32x125x80xi32, #tpu.memory_space<hbm>>, %arg3: memref<32x125x80xi32, #tpu.memory_space<hbm>>, %arg4: memref<320000xf32, #tpu.memory_space<hbm>>, %arg5: memref<80xf32, #tpu.memory_space<hbm>>, %arg6: memref<20000xf32, #tpu.memory_space<hbm>>, %arg7: memref<80000xf32, #tpu.memory_space<hbm>>, %arg8: memref<125x80xi32, #tpu.memory_space<vmem>>, %arg9: memref<125x80xi32, #tpu.memory_space<vmem>>, %arg10: memref<10000xf32, #tpu.memory_space<vmem>>, %arg11: memref<80xf32, #tpu.memory_space<vmem>>, %arg12: memref<2000xf32, #tpu.memory_space<vmem>>, %arg13: memref<!tpu.dma_semaphore, #tpu.memory_space<semaphore_mem>>, %arg14: memref<20000xf32, #tpu.memory_space<vmem_shared>>, %arg15: memref<20000xf32, #tpu.memory_space<vmem_shared>>) attributes {dimension_semantics = [#tpu.dimension_semantics<core_parallel>, #tpu.dimension_semantics<subcore_parallel>], iteration_bounds = array<i64: 2, 16>, scalar_prefetch = 0 : i64, scratch_operands = 8 : i64, tpu.core_type = #tpu.core_type<sc_vector_subcore>, window_params = [{transform_indices = #map}, {transform_indices = #map}, {transform_indices = #map1}, {transform_indices = #map1}, {transform_indices = #map1}, {transform_indices = #map1}]} {
    %mul3A = arith.constant 2 : i32
    %mul3A_0 = arith.muli %arg1, %mul3A : i32
    %add3A = arith.addi %mul3A_0, %arg0 : i32
    "tpu.region"() ({
      %run_scoped3A = tpu.sem_alloc : memref<!tpu.dma_semaphore, #tpu.memory_space<semaphore_mem>>
      %dma_start3A = arith.constant 0 : i32
      %dma_start3A_22 = arith.constant 0 : i32
      %dma_start3A_23 = tpu.memref_slice %arg2[%add3A, %dma_start3A, %dma_start3A_22] : memref<32x125x80xi32, #tpu.memory_space<hbm>> -> memref<1x125x80xi32, #tpu.memory_space<hbm>>
      %dma_start3A_24 = tpu.memref_squeeze %dma_start3A_23 : memref<1x125x80xi32, #tpu.memory_space<hbm>> -> memref<125x80xi32, #tpu.memory_space<hbm>>
      %dma_start3A_25 = arith.constant 0 : i32
      %dma_start3A_26 = arith.constant 0 : i32
      %dma_start3A_27 = tpu.memref_slice %arg2[%add3A, %dma_start3A_25, %dma_start3A_26] : memref<32x125x80xi32, #tpu.memory_space<hbm>> -> memref<1x125x80xi32, #tpu.memory_space<hbm>>
      %dma_start3A_28 = tpu.memref_squeeze %dma_start3A_27 : memref<1x125x80xi32, #tpu.memory_space<hbm>> -> memref<125x80xi32, #tpu.memory_space<hbm>>
      tpu.enqueue_dma source(%dma_start3A_28 : memref<125x80xi32, #tpu.memory_space<hbm>>) target(%arg8 : memref<125x80xi32, #tpu.memory_space<vmem>>) target_semaphore(%run_scoped3A : memref<!tpu.dma_semaphore, #tpu.memory_space<semaphore_mem>>)
      %dma_wait3A = arith.constant 0 : i32
      %dma_wait3A_29 = arith.constant 0 : i32
      %dma_wait3A_30 = tpu.memref_slice %arg2[%add3A, %dma_wait3A, %dma_wait3A_29] : memref<32x125x80xi32, #tpu.memory_space<hbm>> -> memref<1x125x80xi32, #tpu.memory_space<hbm>>
      %dma_wait3A_31 = tpu.memref_squeeze %dma_wait3A_30 : memref<1x125x80xi32, #tpu.memory_space<hbm>> -> memref<125x80xi32, #tpu.memory_space<hbm>>
      %dma_wait3A_32 = arith.constant 0 : i32
      %dma_wait3A_33 = arith.constant 0 : i32
      %dma_wait3A_34 = tpu.memref_slice %arg2[%add3A, %dma_wait3A_32, %dma_wait3A_33] : memref<32x125x80xi32, #tpu.memory_space<hbm>> -> memref<1x125x80xi32, #tpu.memory_space<hbm>>
      %dma_wait3A_35 = tpu.memref_squeeze %dma_wait3A_34 : memref<1x125x80xi32, #tpu.memory_space<hbm>> -> memref<125x80xi32, #tpu.memory_space<hbm>>
      tpu.wait_dma2 semaphore(%run_scoped3A : memref<!tpu.dma_semaphore, #tpu.memory_space<semaphore_mem>>) src(%dma_wait3A_35 : memref<125x80xi32, #tpu.memory_space<hbm>>) dst(%arg8 : memref<125x80xi32, #tpu.memory_space<vmem>>)
      tpu.yield
    }) : () -> ()
    "tpu.region"() ({
      %run_scoped3A = tpu.sem_alloc : memref<!tpu.dma_semaphore, #tpu.memory_space<semaphore_mem>>
      %dma_start3A = arith.constant 0 : i32
      %dma_start3A_22 = arith.constant 0 : i32
      %dma_start3A_23 = tpu.memref_slice %arg3[%add3A, %dma_start3A, %dma_start3A_22] : memref<32x125x80xi32, #tpu.memory_space<hbm>> -> memref<1x125x80xi32, #tpu.memory_space<hbm>>
      %dma_start3A_24 = tpu.memref_squeeze %dma_start3A_23 : memref<1x125x80xi32, #tpu.memory_space<hbm>> -> memref<125x80xi32, #tpu.memory_space<hbm>>
      %dma_start3A_25 = arith.constant 0 : i32
      %dma_start3A_26 = arith.constant 0 : i32
      %dma_start3A_27 = tpu.memref_slice %arg3[%add3A, %dma_start3A_25, %dma_start3A_26] : memref<32x125x80xi32, #tpu.memory_space<hbm>> -> memref<1x125x80xi32, #tpu.memory_space<hbm>>
      %dma_start3A_28 = tpu.memref_squeeze %dma_start3A_27 : memref<1x125x80xi32, #tpu.memory_space<hbm>> -> memref<125x80xi32, #tpu.memory_space<hbm>>
      tpu.enqueue_dma source(%dma_start3A_28 : memref<125x80xi32, #tpu.memory_space<hbm>>) target(%arg9 : memref<125x80xi32, #tpu.memory_space<vmem>>) target_semaphore(%run_scoped3A : memref<!tpu.dma_semaphore, #tpu.memory_space<semaphore_mem>>)
      %dma_wait3A = arith.constant 0 : i32
      %dma_wait3A_29 = arith.constant 0 : i32
      %dma_wait3A_30 = tpu.memref_slice %arg3[%add3A, %dma_wait3A, %dma_wait3A_29] : memref<32x125x80xi32, #tpu.memory_space<hbm>> -> memref<1x125x80xi32, #tpu.memory_space<hbm>>
      %dma_wait3A_31 = tpu.memref_squeeze %dma_wait3A_30 : memref<1x125x80xi32, #tpu.memory_space<hbm>> -> memref<125x80xi32, #tpu.memory_space<hbm>>
      %dma_wait3A_32 = arith.constant 0 : i32
      %dma_wait3A_33 = arith.constant 0 : i32
      %dma_wait3A_34 = tpu.memref_slice %arg3[%add3A, %dma_wait3A_32, %dma_wait3A_33] : memref<32x125x80xi32, #tpu.memory_space<hbm>> -> memref<1x125x80xi32, #tpu.memory_space<hbm>>
      %dma_wait3A_35 = tpu.memref_squeeze %dma_wait3A_34 : memref<1x125x80xi32, #tpu.memory_space<hbm>> -> memref<125x80xi32, #tpu.memory_space<hbm>>
      tpu.wait_dma2 semaphore(%run_scoped3A : memref<!tpu.dma_semaphore, #tpu.memory_space<semaphore_mem>>) src(%dma_wait3A_35 : memref<125x80xi32, #tpu.memory_space<hbm>>) dst(%arg9 : memref<125x80xi32, #tpu.memory_space<vmem>>)
      tpu.yield
    }) : () -> ()
    %mul3A_1 = arith.constant 10000 : i32
    %mul3A_2 = arith.muli %add3A, %mul3A_1 : i32
    "tpu.region"() ({
      %run_scoped3A = tpu.sem_alloc : memref<!tpu.dma_semaphore, #tpu.memory_space<semaphore_mem>>
      %dma_start3A = tpu.memref_slice %arg4[%mul3A_2] : memref<320000xf32, #tpu.memory_space<hbm>> -> memref<10000xf32, #tpu.memory_space<hbm>>
      %dma_start3A_22 = tpu.memref_slice %arg4[%mul3A_2] : memref<320000xf32, #tpu.memory_space<hbm>> -> memref<10000xf32, #tpu.memory_space<hbm>>
      tpu.enqueue_dma source(%dma_start3A_22 : memref<10000xf32, #tpu.memory_space<hbm>>) target(%arg10 : memref<10000xf32, #tpu.memory_space<vmem>>) target_semaphore(%run_scoped3A : memref<!tpu.dma_semaphore, #tpu.memory_space<semaphore_mem>>)
      %dma_wait3A = tpu.memref_slice %arg4[%mul3A_2] : memref<320000xf32, #tpu.memory_space<hbm>> -> memref<10000xf32, #tpu.memory_space<hbm>>
      %dma_wait3A_23 = tpu.memref_slice %arg4[%mul3A_2] : memref<320000xf32, #tpu.memory_space<hbm>> -> memref<10000xf32, #tpu.memory_space<hbm>>
      tpu.wait_dma2 semaphore(%run_scoped3A : memref<!tpu.dma_semaphore, #tpu.memory_space<semaphore_mem>>) src(%dma_wait3A_23 : memref<10000xf32, #tpu.memory_space<hbm>>) dst(%arg10 : memref<10000xf32, #tpu.memory_space<vmem>>)
      tpu.yield
    }) : () -> ()
    "tpu.region"() ({
      %run_scoped3A = tpu.sem_alloc : memref<!tpu.dma_semaphore, #tpu.memory_space<semaphore_mem>>
      tpu.enqueue_dma source(%arg5 : memref<80xf32, #tpu.memory_space<hbm>>) target(%arg11 : memref<80xf32, #tpu.memory_space<vmem>>) target_semaphore(%run_scoped3A : memref<!tpu.dma_semaphore, #tpu.memory_space<semaphore_mem>>)
      tpu.wait_dma2 semaphore(%run_scoped3A : memref<!tpu.dma_semaphore, #tpu.memory_space<semaphore_mem>>) src(%arg5 : memref<80xf32, #tpu.memory_space<hbm>>) dst(%arg11 : memref<80xf32, #tpu.memory_space<vmem>>)
      tpu.yield
    }) : () -> ()
    %lt3A = arith.constant 10 : i32
    %lt3A_3 = arith.cmpi slt, %arg1, %lt3A : i32
    %convert_element_type3A = arith.extui %lt3A_3 : i1 to i32
    %cond3A = arith.constant 0 : i32
    %cond3A_4 = arith.cmpi ne, %convert_element_type3A, %cond3A : i32
    scf.if %cond3A_4 {
      %mul3A_22 = arith.constant 2000 : i32
      %mul3A_23 = arith.muli %arg1, %mul3A_22 : i32
      "tpu.region"() ({
        %run_scoped3A = tpu.sem_alloc : memref<!tpu.dma_semaphore, #tpu.memory_space<semaphore_mem>>
        %dma_start3A = tpu.memref_slice %arg6[%mul3A_23] : memref<20000xf32, #tpu.memory_space<hbm>> -> memref<2000xf32, #tpu.memory_space<hbm>>
        %dma_start3A_28 = tpu.memref_slice %arg6[%mul3A_23] : memref<20000xf32, #tpu.memory_space<hbm>> -> memref<2000xf32, #tpu.memory_space<hbm>>
        tpu.enqueue_dma source(%dma_start3A_28 : memref<2000xf32, #tpu.memory_space<hbm>>) target(%arg12 : memref<2000xf32, #tpu.memory_space<vmem>>) target_semaphore(%run_scoped3A : memref<!tpu.dma_semaphore, #tpu.memory_space<semaphore_mem>>)
        %dma_wait3A = tpu.memref_slice %arg6[%mul3A_23] : memref<20000xf32, #tpu.memory_space<hbm>> -> memref<2000xf32, #tpu.memory_space<hbm>>
        %dma_wait3A_29 = tpu.memref_slice %arg6[%mul3A_23] : memref<20000xf32, #tpu.memory_space<hbm>> -> memref<2000xf32, #tpu.memory_space<hbm>>
        tpu.wait_dma2 semaphore(%run_scoped3A : memref<!tpu.dma_semaphore, #tpu.memory_space<semaphore_mem>>) src(%dma_wait3A_29 : memref<2000xf32, #tpu.memory_space<hbm>>) dst(%arg12 : memref<2000xf32, #tpu.memory_space<vmem>>)
        tpu.yield
      }) : () -> ()
      %mul3A_24 = arith.constant 2000 : i32
      %mul3A_25 = arith.muli %arg1, %mul3A_24 : i32
      "tpu.region"() ({
        %run_scoped3A = tpu.sem_alloc : memref<!tpu.dma_semaphore, #tpu.memory_space<semaphore_mem>>
        %dma_start3A = tpu.memref_slice %arg14[%mul3A_25] : memref<20000xf32, #tpu.memory_space<vmem_shared>> -> memref<2000xf32, #tpu.memory_space<vmem_shared>>
        %dma_start3A_28 = tpu.memref_slice %arg14[%mul3A_25] : memref<20000xf32, #tpu.memory_space<vmem_shared>> -> memref<2000xf32, #tpu.memory_space<vmem_shared>>
        tpu.enqueue_dma source(%arg12 : memref<2000xf32, #tpu.memory_space<vmem>>) target(%dma_start3A_28 : memref<2000xf32, #tpu.memory_space<vmem_shared>>) target_semaphore(%run_scoped3A : memref<!tpu.dma_semaphore, #tpu.memory_space<semaphore_mem>>)
        %dma_wait3A = tpu.memref_slice %arg14[%mul3A_25] : memref<20000xf32, #tpu.memory_space<vmem_shared>> -> memref<2000xf32, #tpu.memory_space<vmem_shared>>
        %dma_wait3A_29 = tpu.memref_slice %arg14[%mul3A_25] : memref<20000xf32, #tpu.memory_space<vmem_shared>> -> memref<2000xf32, #tpu.memory_space<vmem_shared>>
        tpu.wait_dma2 semaphore(%run_scoped3A : memref<!tpu.dma_semaphore, #tpu.memory_space<semaphore_mem>>) src(%arg12 : memref<2000xf32, #tpu.memory_space<vmem>>) dst(%dma_wait3A_29 : memref<2000xf32, #tpu.memory_space<vmem_shared>>)
        tpu.yield
      }) : () -> ()
      %mul3A_26 = arith.constant 2000 : i32
      %mul3A_27 = arith.muli %arg1, %mul3A_26 : i32
      "tpu.region"() ({
        %run_scoped3A = tpu.sem_alloc : memref<!tpu.dma_semaphore, #tpu.memory_space<semaphore_mem>>
        %dma_start3A = tpu.memref_slice %arg15[%mul3A_27] : memref<20000xf32, #tpu.memory_space<vmem_shared>> -> memref<2000xf32, #tpu.memory_space<vmem_shared>>
        %dma_start3A_28 = tpu.memref_slice %arg15[%mul3A_27] : memref<20000xf32, #tpu.memory_space<vmem_shared>> -> memref<2000xf32, #tpu.memory_space<vmem_shared>>
        tpu.enqueue_dma source(%arg12 : memref<2000xf32, #tpu.memory_space<vmem>>) target(%dma_start3A_28 : memref<2000xf32, #tpu.memory_space<vmem_shared>>) target_semaphore(%run_scoped3A : memref<!tpu.dma_semaphore, #tpu.memory_space<semaphore_mem>>)
        %dma_wait3A = tpu.memref_slice %arg15[%mul3A_27] : memref<20000xf32, #tpu.memory_space<vmem_shared>> -> memref<2000xf32, #tpu.memory_space<vmem_shared>>
        %dma_wait3A_29 = tpu.memref_slice %arg15[%mul3A_27] : memref<20000xf32, #tpu.memory_space<vmem_shared>> -> memref<2000xf32, #tpu.memory_space<vmem_shared>>
        tpu.wait_dma2 semaphore(%run_scoped3A : memref<!tpu.dma_semaphore, #tpu.memory_space<semaphore_mem>>) src(%arg12 : memref<2000xf32, #tpu.memory_space<vmem>>) dst(%dma_wait3A_29 : memref<2000xf32, #tpu.memory_space<vmem_shared>>)
        tpu.yield
      }) : () -> ()
    } else {
    }
    %barrier3A = arith.constant 0 : index
    tpu.barrier barrier_id(%barrier3A)
    %scan3A = arith.constant 0 : i32
    %scan3A_5 = arith.constant 0 : i32
    %scan3A_6 = arith.constant 125 : i32
    %scan3A_7 = arith.addi %scan3A_5, %scan3A_6 : i32
    %scan3A_8 = arith.constant 1 : i32
    scf.for %scan3A_22 = %scan3A_5 to %scan3A_7 step %scan3A_8  : i32 {
      %mul3A_23 = arith.constant 80 : i32
      %mul3A_24 = arith.muli %scan3A_22, %mul3A_23 : i32
      %dma_start3A = tpu.memref_slice %arg10[%mul3A_24] : memref<10000xf32, #tpu.memory_space<vmem>> -> memref<80xf32, #tpu.memory_space<vmem>>
      %dma_start3A_25 = arith.constant 0 : i32
      %dma_start3A_26 = tpu.memref_slice %arg8[%scan3A_22, %dma_start3A_25] : memref<125x80xi32, #tpu.memory_space<vmem>> -> memref<1x80xi32, #tpu.memory_space<vmem>>
      %dma_start3A_27 = tpu.memref_squeeze %dma_start3A_26 : memref<1x80xi32, #tpu.memory_space<vmem>> -> memref<80xi32, #tpu.memory_space<vmem>>
      %dma_start3A_28 = arith.constant 0 : i32
      %dma_start3A_29 = tpu.memref_slice %arg14[%dma_start3A_28] : memref<20000xf32, #tpu.memory_space<vmem_shared>> -> memref<20000xf32, #tpu.memory_space<vmem_shared>>
      tpu.enqueue_indirect_dma source(%dma_start3A : memref<80xf32, #tpu.memory_space<vmem>>) target(%dma_start3A_29 : memref<20000xf32, #tpu.memory_space<vmem_shared>>) offsets(%dma_start3A_27 : memref<80xi32, #tpu.memory_space<vmem>>) semaphore(%arg13 : memref<!tpu.dma_semaphore, #tpu.memory_space<semaphore_mem>>) {add = true}
      %dma_start3A_30 = tpu.memref_slice %arg10[%mul3A_24] : memref<10000xf32, #tpu.memory_space<vmem>> -> memref<80xf32, #tpu.memory_space<vmem>>
      %dma_start3A_31 = arith.constant 0 : i32
      %dma_start3A_32 = tpu.memref_slice %arg9[%scan3A_22, %dma_start3A_31] : memref<125x80xi32, #tpu.memory_space<vmem>> -> memref<1x80xi32, #tpu.memory_space<vmem>>
      %dma_start3A_33 = tpu.memref_squeeze %dma_start3A_32 : memref<1x80xi32, #tpu.memory_space<vmem>> -> memref<80xi32, #tpu.memory_space<vmem>>
      %dma_start3A_34 = arith.constant 0 : i32
      %dma_start3A_35 = tpu.memref_slice %arg14[%dma_start3A_34] : memref<20000xf32, #tpu.memory_space<vmem_shared>> -> memref<20000xf32, #tpu.memory_space<vmem_shared>>
      tpu.enqueue_indirect_dma source(%dma_start3A_30 : memref<80xf32, #tpu.memory_space<vmem>>) target(%dma_start3A_35 : memref<20000xf32, #tpu.memory_space<vmem_shared>>) offsets(%dma_start3A_33 : memref<80xi32, #tpu.memory_space<vmem>>) semaphore(%arg13 : memref<!tpu.dma_semaphore, #tpu.memory_space<semaphore_mem>>) {add = true}
      %dma_start3A_36 = arith.constant 0 : i32
      %dma_start3A_37 = tpu.memref_slice %arg8[%scan3A_22, %dma_start3A_36] : memref<125x80xi32, #tpu.memory_space<vmem>> -> memref<1x80xi32, #tpu.memory_space<vmem>>
      %dma_start3A_38 = tpu.memref_squeeze %dma_start3A_37 : memref<1x80xi32, #tpu.memory_space<vmem>> -> memref<80xi32, #tpu.memory_space<vmem>>
      %dma_start3A_39 = arith.constant 0 : i32
      %dma_start3A_40 = tpu.memref_slice %arg15[%dma_start3A_39] : memref<20000xf32, #tpu.memory_space<vmem_shared>> -> memref<20000xf32, #tpu.memory_space<vmem_shared>>
      tpu.enqueue_indirect_dma source(%arg11 : memref<80xf32, #tpu.memory_space<vmem>>) target(%dma_start3A_40 : memref<20000xf32, #tpu.memory_space<vmem_shared>>) offsets(%dma_start3A_38 : memref<80xi32, #tpu.memory_space<vmem>>) semaphore(%arg13 : memref<!tpu.dma_semaphore, #tpu.memory_space<semaphore_mem>>) {add = true}
      %dma_start3A_41 = arith.constant 0 : i32
      %dma_start3A_42 = tpu.memref_slice %arg9[%scan3A_22, %dma_start3A_41] : memref<125x80xi32, #tpu.memory_space<vmem>> -> memref<1x80xi32, #tpu.memory_space<vmem>>
      %dma_start3A_43 = tpu.memref_squeeze %dma_start3A_42 : memref<1x80xi32, #tpu.memory_space<vmem>> -> memref<80xi32, #tpu.memory_space<vmem>>
      %dma_start3A_44 = arith.constant 0 : i32
      %dma_start3A_45 = tpu.memref_slice %arg15[%dma_start3A_44] : memref<20000xf32, #tpu.memory_space<vmem_shared>> -> memref<20000xf32, #tpu.memory_space<vmem_shared>>
      tpu.enqueue_indirect_dma source(%arg11 : memref<80xf32, #tpu.memory_space<vmem>>) target(%dma_start3A_45 : memref<20000xf32, #tpu.memory_space<vmem_shared>>) offsets(%dma_start3A_43 : memref<80xi32, #tpu.memory_space<vmem>>) semaphore(%arg13 : memref<!tpu.dma_semaphore, #tpu.memory_space<semaphore_mem>>) {add = true}
    }
    %scan3A_9 = arith.constant 125 : i32
    %scan3A_10 = arith.constant 0 : i32
    %scan3A_11 = arith.constant 0 : i32
    %scan3A_12 = arith.constant 500 : i32
    %scan3A_13 = arith.addi %scan3A_11, %scan3A_12 : i32
    %scan3A_14 = arith.constant 1 : i32
    scf.for %scan3A_22 = %scan3A_11 to %scan3A_13 step %scan3A_14  : i32 {
      %dma_wait3A = arith.constant 0 : i32
      %dma_wait3A_23 = arith.constant 0 : i32
      %dma_wait3A_24 = tpu.memref_slice %arg10[%dma_wait3A_23] : memref<10000xf32, #tpu.memory_space<vmem>> -> memref<80xf32, #tpu.memory_space<vmem>>
      %dma_wait3A_25 = arith.constant 0 : i32
      %dma_wait3A_26 = tpu.memref_slice %arg8[%dma_wait3A, %dma_wait3A_25] : memref<125x80xi32, #tpu.memory_space<vmem>> -> memref<1x80xi32, #tpu.memory_space<vmem>>
      %dma_wait3A_27 = tpu.memref_squeeze %dma_wait3A_26 : memref<1x80xi32, #tpu.memory_space<vmem>> -> memref<80xi32, #tpu.memory_space<vmem>>
      %dma_wait3A_28 = arith.constant 0 : i32
      %dma_wait3A_29 = tpu.memref_slice %arg14[%dma_wait3A_28] : memref<20000xf32, #tpu.memory_space<vmem_shared>> -> memref<20000xf32, #tpu.memory_space<vmem_shared>>
      tpu.wait_indirect_dma semaphore(%arg13 : memref<!tpu.dma_semaphore, #tpu.memory_space<semaphore_mem>>) src(%dma_wait3A_24 : memref<80xf32, #tpu.memory_space<vmem>>) dst(%dma_wait3A_29 : memref<20000xf32, #tpu.memory_space<vmem_shared>>)
    }
    %scan3A_15 = arith.constant 500 : i32
    %barrier3A_16 = arith.constant 0 : index
    tpu.barrier barrier_id(%barrier3A_16)
    %lt3A_17 = arith.constant 10 : i32
    %lt3A_18 = arith.cmpi slt, %arg1, %lt3A_17 : i32
    %convert_element_type3A_19 = arith.extui %lt3A_18 : i1 to i32
    %cond3A_20 = arith.constant 0 : i32
    %cond3A_21 = arith.cmpi ne, %convert_element_type3A_19, %cond3A_20 : i32
    scf.if %cond3A_21 {
      %mul3A_22 = arith.constant 2000 : i32
      %mul3A_23 = arith.muli %arg1, %mul3A_22 : i32
      "tpu.region"() ({
        %run_scoped3A = tpu.sem_alloc : memref<!tpu.dma_semaphore, #tpu.memory_space<semaphore_mem>>
        %dma_start3A = tpu.memref_slice %arg14[%mul3A_23] : memref<20000xf32, #tpu.memory_space<vmem_shared>> -> memref<2000xf32, #tpu.memory_space<vmem_shared>>
        %dma_start3A_42 = tpu.memref_slice %arg14[%mul3A_23] : memref<20000xf32, #tpu.memory_space<vmem_shared>> -> memref<2000xf32, #tpu.memory_space<vmem_shared>>
        tpu.enqueue_dma source(%dma_start3A_42 : memref<2000xf32, #tpu.memory_space<vmem_shared>>) target(%arg12 : memref<2000xf32, #tpu.memory_space<vmem>>) target_semaphore(%run_scoped3A : memref<!tpu.dma_semaphore, #tpu.memory_space<semaphore_mem>>)
        %dma_wait3A = tpu.memref_slice %arg14[%mul3A_23] : memref<20000xf32, #tpu.memory_space<vmem_shared>> -> memref<2000xf32, #tpu.memory_space<vmem_shared>>
        %dma_wait3A_43 = tpu.memref_slice %arg14[%mul3A_23] : memref<20000xf32, #tpu.memory_space<vmem_shared>> -> memref<2000xf32, #tpu.memory_space<vmem_shared>>
        tpu.wait_dma2 semaphore(%run_scoped3A : memref<!tpu.dma_semaphore, #tpu.memory_space<semaphore_mem>>) src(%dma_wait3A_43 : memref<2000xf32, #tpu.memory_space<vmem_shared>>) dst(%arg12 : memref<2000xf32, #tpu.memory_space<vmem>>)
        tpu.yield
      }) : () -> ()
      %mul3A_24 = arith.constant 4 : i32
      %mul3A_25 = arith.muli %arg0, %mul3A_24 : i32
      %mul3A_26 = arith.constant 10000 : i32
      %mul3A_27 = arith.muli %mul3A_25, %mul3A_26 : i32
      %mul3A_28 = arith.constant 2000 : i32
      %mul3A_29 = arith.muli %arg1, %mul3A_28 : i32
      %add3A_30 = arith.addi %mul3A_27, %mul3A_29 : i32
      "tpu.region"() ({
        %run_scoped3A = tpu.sem_alloc : memref<!tpu.dma_semaphore, #tpu.memory_space<semaphore_mem>>
        %dma_start3A = tpu.memref_slice %arg7[%add3A_30] : memref<80000xf32, #tpu.memory_space<hbm>> -> memref<2000xf32, #tpu.memory_space<hbm>>
        %dma_start3A_42 = tpu.memref_slice %arg7[%add3A_30] : memref<80000xf32, #tpu.memory_space<hbm>> -> memref<2000xf32, #tpu.memory_space<hbm>>
        tpu.enqueue_dma source(%arg12 : memref<2000xf32, #tpu.memory_space<vmem>>) target(%dma_start3A_42 : memref<2000xf32, #tpu.memory_space<hbm>>) target_semaphore(%run_scoped3A : memref<!tpu.dma_semaphore, #tpu.memory_space<semaphore_mem>>)
        %dma_wait3A = tpu.memref_slice %arg7[%add3A_30] : memref<80000xf32, #tpu.memory_space<hbm>> -> memref<2000xf32, #tpu.memory_space<hbm>>
        %dma_wait3A_43 = tpu.memref_slice %arg7[%add3A_30] : memref<80000xf32, #tpu.memory_space<hbm>> -> memref<2000xf32, #tpu.memory_space<hbm>>
        tpu.wait_dma2 semaphore(%run_scoped3A : memref<!tpu.dma_semaphore, #tpu.memory_space<semaphore_mem>>) src(%arg12 : memref<2000xf32, #tpu.memory_space<vmem>>) dst(%dma_wait3A_43 : memref<2000xf32, #tpu.memory_space<hbm>>)
        tpu.yield
      }) : () -> ()
      %mul3A_31 = arith.constant 2000 : i32
      %mul3A_32 = arith.muli %arg1, %mul3A_31 : i32
      "tpu.region"() ({
        %run_scoped3A = tpu.sem_alloc : memref<!tpu.dma_semaphore, #tpu.memory_space<semaphore_mem>>
        %dma_start3A = tpu.memref_slice %arg15[%mul3A_32] : memref<20000xf32, #tpu.memory_space<vmem_shared>> -> memref<2000xf32, #tpu.memory_space<vmem_shared>>
        %dma_start3A_42 = tpu.memref_slice %arg15[%mul3A_32] : memref<20000xf32, #tpu.memory_space<vmem_shared>> -> memref<2000xf32, #tpu.memory_space<vmem_shared>>
        tpu.enqueue_dma source(%dma_start3A_42 : memref<2000xf32, #tpu.memory_space<vmem_shared>>) target(%arg12 : memref<2000xf32, #tpu.memory_space<vmem>>) target_semaphore(%run_scoped3A : memref<!tpu.dma_semaphore, #tpu.memory_space<semaphore_mem>>)
        %dma_wait3A = tpu.memref_slice %arg15[%mul3A_32] : memref<20000xf32, #tpu.memory_space<vmem_shared>> -> memref<2000xf32, #tpu.memory_space<vmem_shared>>
        %dma_wait3A_43 = tpu.memref_slice %arg15[%mul3A_32] : memref<20000xf32, #tpu.memory_space<vmem_shared>> -> memref<2000xf32, #tpu.memory_space<vmem_shared>>
        tpu.wait_dma2 semaphore(%run_scoped3A : memref<!tpu.dma_semaphore, #tpu.memory_space<semaphore_mem>>) src(%dma_wait3A_43 : memref<2000xf32, #tpu.memory_space<vmem_shared>>) dst(%arg12 : memref<2000xf32, #tpu.memory_space<vmem>>)
        tpu.yield
      }) : () -> ()
      %mul3A_33 = arith.constant 4 : i32
      %mul3A_34 = arith.muli %arg0, %mul3A_33 : i32
      %mul3A_35 = arith.constant 10000 : i32
      %mul3A_36 = arith.muli %mul3A_34, %mul3A_35 : i32
      %add3A_37 = arith.constant 20000 : i32
      %add3A_38 = arith.addi %mul3A_36, %add3A_37 : i32
      %mul3A_39 = arith.constant 2000 : i32
      %mul3A_40 = arith.muli %arg1, %mul3A_39 : i32
      %add3A_41 = arith.addi %add3A_38, %mul3A_40 : i32
      "tpu.region"() ({
        %run_scoped3A = tpu.sem_alloc : memref<!tpu.dma_semaphore, #tpu.memory_space<semaphore_mem>>
        %dma_start3A = tpu.memref_slice %arg7[%add3A_41] : memref<80000xf32, #tpu.memory_space<hbm>> -> memref<2000xf32, #tpu.memory_space<hbm>>
        %dma_start3A_42 = tpu.memref_slice %arg7[%add3A_41] : memref<80000xf32, #tpu.memory_space<hbm>> -> memref<2000xf32, #tpu.memory_space<hbm>>
        tpu.enqueue_dma source(%arg12 : memref<2000xf32, #tpu.memory_space<vmem>>) target(%dma_start3A_42 : memref<2000xf32, #tpu.memory_space<hbm>>) target_semaphore(%run_scoped3A : memref<!tpu.dma_semaphore, #tpu.memory_space<semaphore_mem>>)
        %dma_wait3A = tpu.memref_slice %arg7[%add3A_41] : memref<80000xf32, #tpu.memory_space<hbm>> -> memref<2000xf32, #tpu.memory_space<hbm>>
        %dma_wait3A_43 = tpu.memref_slice %arg7[%add3A_41] : memref<80000xf32, #tpu.memory_space<hbm>> -> memref<2000xf32, #tpu.memory_space<hbm>>
        tpu.wait_dma2 semaphore(%run_scoped3A : memref<!tpu.dma_semaphore, #tpu.memory_space<semaphore_mem>>) src(%arg12 : memref<2000xf32, #tpu.memory_space<vmem>>) dst(%dma_wait3A_43 : memref<2000xf32, #tpu.memory_space<hbm>>)
        tpu.yield
      }) : () -> ()
    } else {
    }
    return
  }
}

#map = affine_map<(d0, d1) -> (0, 0)>
#map1 = affine_map<(d0, d1) -> (0)>
#map2 = affine_map<(d0, d1) -> (0, 0, 0)>
module attributes {stable_mosaic.version = 14 : i64} {
  func.func @k(%arg0: i32, %arg1: i32, %arg2: memref<10000x128xf32, #tpu.memory_space<hbm>>, %arg3: memref<320000xi32, #tpu.memory_space<hbm>>, %arg4: memref<32x125x80xi32, #tpu.memory_space<hbm>>, %arg5: memref<320000xf32, #tpu.memory_space<hbm>>, %arg6: memref<10000x128xf32, #tpu.memory_space<hbm>>, %arg7: memref<20000x128xf32, #tpu.memory_space<hbm>>, %arg8: memref<10000xi32, #tpu.memory_space<vmem>>, %arg9: memref<125x80xi32, #tpu.memory_space<vmem>>, %arg10: memref<10000xf32, #tpu.memory_space<vmem>>, %arg11: memref<80x128xf32, #tpu.memory_space<vmem>>, %arg12: memref<80x128xf32, #tpu.memory_space<vmem>>, %arg13: memref<!tpu.dma_semaphore, #tpu.memory_space<semaphore_mem>>, %arg14: memref<!tpu.dma_semaphore, #tpu.memory_space<semaphore_mem>>, %arg15: memref<10000x128xf32, #tpu.memory_space<vmem_shared>>) attributes {dimension_semantics = [#tpu.dimension_semantics<core_parallel>, #tpu.dimension_semantics<subcore_parallel>], iteration_bounds = array<i64: 2, 16>, scalar_prefetch = 0 : i64, scratch_operands = 8 : i64, tpu.core_type = #tpu.core_type<sc_vector_subcore>, window_params = [{transform_indices = #map}, {transform_indices = #map1}, {transform_indices = #map2}, {transform_indices = #map1}, {transform_indices = #map}, {transform_indices = #map}]} {
    %mul3A = arith.constant 2 : i32
    %mul3A_0 = arith.muli %arg1, %mul3A : i32
    %add3A = arith.addi %mul3A_0, %arg0 : i32
    %mul3A_1 = arith.constant 10000 : i32
    %mul3A_2 = arith.muli %add3A, %mul3A_1 : i32
    "tpu.region"() ({
      %run_scoped3A_28 = tpu.sem_alloc : memref<!tpu.dma_semaphore, #tpu.memory_space<semaphore_mem>>
      %dma_start3A_29 = tpu.memref_slice %arg3[%mul3A_2] : memref<320000xi32, #tpu.memory_space<hbm>> -> memref<10000xi32, #tpu.memory_space<hbm>>
      %dma_start3A_30 = tpu.memref_slice %arg3[%mul3A_2] : memref<320000xi32, #tpu.memory_space<hbm>> -> memref<10000xi32, #tpu.memory_space<hbm>>
      tpu.enqueue_dma source(%dma_start3A_30 : memref<10000xi32, #tpu.memory_space<hbm>>) target(%arg8 : memref<10000xi32, #tpu.memory_space<vmem>>) target_semaphore(%run_scoped3A_28 : memref<!tpu.dma_semaphore, #tpu.memory_space<semaphore_mem>>)
      %dma_wait3A_31 = tpu.memref_slice %arg3[%mul3A_2] : memref<320000xi32, #tpu.memory_space<hbm>> -> memref<10000xi32, #tpu.memory_space<hbm>>
      %dma_wait3A_32 = tpu.memref_slice %arg3[%mul3A_2] : memref<320000xi32, #tpu.memory_space<hbm>> -> memref<10000xi32, #tpu.memory_space<hbm>>
      tpu.wait_dma2 semaphore(%run_scoped3A_28 : memref<!tpu.dma_semaphore, #tpu.memory_space<semaphore_mem>>) src(%dma_wait3A_32 : memref<10000xi32, #tpu.memory_space<hbm>>) dst(%arg8 : memref<10000xi32, #tpu.memory_space<vmem>>)
      tpu.yield
    }) : () -> ()
    "tpu.region"() ({
      %run_scoped3A_28 = tpu.sem_alloc : memref<!tpu.dma_semaphore, #tpu.memory_space<semaphore_mem>>
      %dma_start3A_29 = arith.constant 0 : i32
      %dma_start3A_30 = arith.constant 0 : i32
      %dma_start3A_31 = tpu.memref_slice %arg4[%add3A, %dma_start3A_29, %dma_start3A_30] : memref<32x125x80xi32, #tpu.memory_space<hbm>> -> memref<1x125x80xi32, #tpu.memory_space<hbm>>
      %dma_start3A_32 = tpu.memref_squeeze %dma_start3A_31 : memref<1x125x80xi32, #tpu.memory_space<hbm>> -> memref<125x80xi32, #tpu.memory_space<hbm>>
      %dma_start3A_33 = arith.constant 0 : i32
      %dma_start3A_34 = arith.constant 0 : i32
      %dma_start3A_35 = tpu.memref_slice %arg4[%add3A, %dma_start3A_33, %dma_start3A_34] : memref<32x125x80xi32, #tpu.memory_space<hbm>> -> memref<1x125x80xi32, #tpu.memory_space<hbm>>
      %dma_start3A_36 = tpu.memref_squeeze %dma_start3A_35 : memref<1x125x80xi32, #tpu.memory_space<hbm>> -> memref<125x80xi32, #tpu.memory_space<hbm>>
      tpu.enqueue_dma source(%dma_start3A_36 : memref<125x80xi32, #tpu.memory_space<hbm>>) target(%arg9 : memref<125x80xi32, #tpu.memory_space<vmem>>) target_semaphore(%run_scoped3A_28 : memref<!tpu.dma_semaphore, #tpu.memory_space<semaphore_mem>>)
      %dma_wait3A_37 = arith.constant 0 : i32
      %dma_wait3A_38 = arith.constant 0 : i32
      %dma_wait3A_39 = tpu.memref_slice %arg4[%add3A, %dma_wait3A_37, %dma_wait3A_38] : memref<32x125x80xi32, #tpu.memory_space<hbm>> -> memref<1x125x80xi32, #tpu.memory_space<hbm>>
      %dma_wait3A_40 = tpu.memref_squeeze %dma_wait3A_39 : memref<1x125x80xi32, #tpu.memory_space<hbm>> -> memref<125x80xi32, #tpu.memory_space<hbm>>
      %dma_wait3A_41 = arith.constant 0 : i32
      %dma_wait3A_42 = arith.constant 0 : i32
      %dma_wait3A_43 = tpu.memref_slice %arg4[%add3A, %dma_wait3A_41, %dma_wait3A_42] : memref<32x125x80xi32, #tpu.memory_space<hbm>> -> memref<1x125x80xi32, #tpu.memory_space<hbm>>
      %dma_wait3A_44 = tpu.memref_squeeze %dma_wait3A_43 : memref<1x125x80xi32, #tpu.memory_space<hbm>> -> memref<125x80xi32, #tpu.memory_space<hbm>>
      tpu.wait_dma2 semaphore(%run_scoped3A_28 : memref<!tpu.dma_semaphore, #tpu.memory_space<semaphore_mem>>) src(%dma_wait3A_44 : memref<125x80xi32, #tpu.memory_space<hbm>>) dst(%arg9 : memref<125x80xi32, #tpu.memory_space<vmem>>)
      tpu.yield
    }) : () -> ()
    %mul3A_3 = arith.constant 10000 : i32
    %mul3A_4 = arith.muli %add3A, %mul3A_3 : i32
    "tpu.region"() ({
      %run_scoped3A_28 = tpu.sem_alloc : memref<!tpu.dma_semaphore, #tpu.memory_space<semaphore_mem>>
      %dma_start3A_29 = tpu.memref_slice %arg5[%mul3A_4] : memref<320000xf32, #tpu.memory_space<hbm>> -> memref<10000xf32, #tpu.memory_space<hbm>>
      %dma_start3A_30 = tpu.memref_slice %arg5[%mul3A_4] : memref<320000xf32, #tpu.memory_space<hbm>> -> memref<10000xf32, #tpu.memory_space<hbm>>
      tpu.enqueue_dma source(%dma_start3A_30 : memref<10000xf32, #tpu.memory_space<hbm>>) target(%arg10 : memref<10000xf32, #tpu.memory_space<vmem>>) target_semaphore(%run_scoped3A_28 : memref<!tpu.dma_semaphore, #tpu.memory_space<semaphore_mem>>)
      %dma_wait3A_31 = tpu.memref_slice %arg5[%mul3A_4] : memref<320000xf32, #tpu.memory_space<hbm>> -> memref<10000xf32, #tpu.memory_space<hbm>>
      %dma_wait3A_32 = tpu.memref_slice %arg5[%mul3A_4] : memref<320000xf32, #tpu.memory_space<hbm>> -> memref<10000xf32, #tpu.memory_space<hbm>>
      tpu.wait_dma2 semaphore(%run_scoped3A_28 : memref<!tpu.dma_semaphore, #tpu.memory_space<semaphore_mem>>) src(%dma_wait3A_32 : memref<10000xf32, #tpu.memory_space<hbm>>) dst(%arg10 : memref<10000xf32, #tpu.memory_space<vmem>>)
      tpu.yield
    }) : () -> ()
    %lt3A = arith.constant 10 : i32
    %lt3A_5 = arith.cmpi slt, %arg1, %lt3A : i32
    %convert_element_type3A = arith.extui %lt3A_5 : i1 to i32
    %cond3A = arith.constant 0 : i32
    %cond3A_6 = arith.cmpi ne, %convert_element_type3A, %cond3A : i32
    scf.if %cond3A_6 {
      %mul3A_28 = arith.constant 1000 : i32
      %mul3A_29 = arith.muli %arg1, %mul3A_28 : i32
      %mul3A_30 = arith.constant 1000 : i32
      %mul3A_31 = arith.muli %arg1, %mul3A_30 : i32
      "tpu.region"() ({
        %run_scoped3A_32 = tpu.sem_alloc : memref<!tpu.dma_semaphore, #tpu.memory_space<semaphore_mem>>
        %dma_start3A_33 = arith.constant 0 : i32
        %dma_start3A_34 = tpu.memref_slice %arg15[%mul3A_31, %dma_start3A_33] : memref<10000x128xf32, #tpu.memory_space<vmem_shared>> -> memref<1000x128xf32, #tpu.memory_space<vmem_shared>>
        %dma_start3A_35 = arith.constant 0 : i32
        %dma_start3A_36 = tpu.memref_slice %arg6[%mul3A_29, %dma_start3A_35] : memref<10000x128xf32, #tpu.memory_space<hbm>> -> memref<1000x128xf32, #tpu.memory_space<hbm>>
        tpu.enqueue_dma source(%dma_start3A_36 : memref<1000x128xf32, #tpu.memory_space<hbm>>) target(%dma_start3A_34 : memref<1000x128xf32, #tpu.memory_space<vmem_shared>>) target_semaphore(%run_scoped3A_32 : memref<!tpu.dma_semaphore, #tpu.memory_space<semaphore_mem>>)
        %dma_wait3A_37 = arith.constant 0 : i32
        %dma_wait3A_38 = tpu.memref_slice %arg15[%mul3A_31, %dma_wait3A_37] : memref<10000x128xf32, #tpu.memory_space<vmem_shared>> -> memref<1000x128xf32, #tpu.memory_space<vmem_shared>>
        %dma_wait3A_39 = arith.constant 0 : i32
        %dma_wait3A_40 = tpu.memref_slice %arg6[%mul3A_29, %dma_wait3A_39] : memref<10000x128xf32, #tpu.memory_space<hbm>> -> memref<1000x128xf32, #tpu.memory_space<hbm>>
        tpu.wait_dma2 semaphore(%run_scoped3A_32 : memref<!tpu.dma_semaphore, #tpu.memory_space<semaphore_mem>>) src(%dma_wait3A_40 : memref<1000x128xf32, #tpu.memory_space<hbm>>) dst(%dma_wait3A_38 : memref<1000x128xf32, #tpu.memory_space<vmem_shared>>)
        tpu.yield
      }) : () -> ()
    } else {
    }
    %barrier3A = arith.constant 0 : index
    tpu.barrier barrier_id(%barrier3A)
    %dma_start3A = arith.constant 0 : i32
    %dma_start3A_7 = tpu.memref_slice %arg8[%dma_start3A] : memref<10000xi32, #tpu.memory_space<vmem>> -> memref<80xi32, #tpu.memory_space<vmem>>
    %dma_start3A_8 = arith.constant 0 : i32
    %dma_start3A_9 = arith.constant 0 : i32
    %dma_start3A_10 = tpu.memref_slice %arg2[%dma_start3A_8, %dma_start3A_9] : memref<10000x128xf32, #tpu.memory_space<hbm>> -> memref<10000x128xf32, #tpu.memory_space<hbm>>
    tpu.enqueue_indirect_dma source(%dma_start3A_10 : memref<10000x128xf32, #tpu.memory_space<hbm>>) target(%arg11 : memref<80x128xf32, #tpu.memory_space<vmem>>) offsets(%dma_start3A_7 : memref<80xi32, #tpu.memory_space<vmem>>) semaphore(%arg13 : memref<!tpu.dma_semaphore, #tpu.memory_space<semaphore_mem>>)
    %scan3A = arith.constant 0 : i32
    %scan3A_11 = arith.constant 0 : i32
    %scan3A_12 = arith.constant 62 : i32
    %scan3A_13 = arith.addi %scan3A_11, %scan3A_12 : i32
    %scan3A_14 = arith.constant 1 : i32
    scf.for %scan3A_28 = %scan3A_11 to %scan3A_13 step %scan3A_14  : i32 {
      %mul3A_29 = arith.constant 2 : i32
      %mul3A_30 = arith.muli %mul3A_29, %scan3A_28 : i32
      %add3A_31 = arith.constant 1 : i32
      %add3A_32 = arith.addi %mul3A_30, %add3A_31 : i32
      %mul3A_33 = arith.constant 80 : i32
      %mul3A_34 = arith.muli %add3A_32, %mul3A_33 : i32
      %dma_start3A_35 = tpu.memref_slice %arg8[%mul3A_34] : memref<10000xi32, #tpu.memory_space<vmem>> -> memref<80xi32, #tpu.memory_space<vmem>>
      %dma_start3A_36 = arith.constant 0 : i32
      %dma_start3A_37 = arith.constant 0 : i32
      %dma_start3A_38 = tpu.memref_slice %arg2[%dma_start3A_36, %dma_start3A_37] : memref<10000x128xf32, #tpu.memory_space<hbm>> -> memref<10000x128xf32, #tpu.memory_space<hbm>>
      tpu.enqueue_indirect_dma source(%dma_start3A_38 : memref<10000x128xf32, #tpu.memory_space<hbm>>) target(%arg12 : memref<80x128xf32, #tpu.memory_space<vmem>>) offsets(%dma_start3A_35 : memref<80xi32, #tpu.memory_space<vmem>>) semaphore(%arg14 : memref<!tpu.dma_semaphore, #tpu.memory_space<semaphore_mem>>)
      %mul3A_39 = arith.constant 80 : i32
      %mul3A_40 = arith.muli %mul3A_30, %mul3A_39 : i32
      %dma_wait3A_41 = tpu.memref_slice %arg8[%mul3A_40] : memref<10000xi32, #tpu.memory_space<vmem>> -> memref<80xi32, #tpu.memory_space<vmem>>
      %dma_wait3A_42 = arith.constant 0 : i32
      %dma_wait3A_43 = arith.constant 0 : i32
      %dma_wait3A_44 = tpu.memref_slice %arg2[%dma_wait3A_42, %dma_wait3A_43] : memref<10000x128xf32, #tpu.memory_space<hbm>> -> memref<10000x128xf32, #tpu.memory_space<hbm>>
      tpu.wait_indirect_dma semaphore(%arg13 : memref<!tpu.dma_semaphore, #tpu.memory_space<semaphore_mem>>) src(%dma_wait3A_44 : memref<10000x128xf32, #tpu.memory_space<hbm>>) dst(%arg11 : memref<80x128xf32, #tpu.memory_space<vmem>>)
      %parallel_loop3A_45 = arith.constant 0 : i32
      %parallel_loop3A_46 = arith.constant 80 : i32
      %parallel_loop3A_47 = arith.constant 1 : i32
      scf.for %parallel_loop3A_67 = %parallel_loop3A_45 to %parallel_loop3A_46 step %parallel_loop3A_47  : i32 {
        %parallel_loop3A_68 = arith.constant 80 : i32
        %parallel_loop3A_69 = arith.muli %mul3A_30, %parallel_loop3A_68 : i32
        %parallel_loop3A_70 = arith.addi %parallel_loop3A_69, %parallel_loop3A_67 : i32
        %parallel_loop3A_71 = vector.broadcast %parallel_loop3A_70 : i32 to vector<16xi32>
        %parallel_loop3A_72 = tpu.vector_load_idx %arg10[%parallel_loop3A_71] : memref<10000xf32, #tpu.memory_space<vmem>>[vector<16xi32>], vector<16xf32>,
        %parallel_loop3A_73 = arith.index_cast %parallel_loop3A_67 : i32 to index
        %parallel_loop3A_74 = arith.constant 0 : index
        %parallel_loop3A_75 = tpu.vector_load %arg11[%parallel_loop3A_73, %parallel_loop3A_74] {strides = array<i32>} : memref<80x128xf32, #tpu.memory_space<vmem>>, vector<16xf32>,
        %parallel_loop3A_76 = arith.mulf %parallel_loop3A_75, %parallel_loop3A_72 : vector<16xf32>
        %parallel_loop3A_77 = arith.index_cast %parallel_loop3A_67 : i32 to index
        %parallel_loop3A_78 = arith.constant 0 : index
        %parallel_loop3A_79 = tpu.vector_load %arg11[%parallel_loop3A_77, %parallel_loop3A_78] {strides = array<i32>} : memref<80x128xf32, #tpu.memory_space<vmem>>, vector<16xf32>,
        tpu.vector_store %arg11[%parallel_loop3A_77, %parallel_loop3A_78], %parallel_loop3A_76 {strides = array<i32>} : memref<80x128xf32, #tpu.memory_space<vmem>>, vector<16xf32>,
        %parallel_loop3A_80 = arith.index_cast %parallel_loop3A_67 : i32 to index
        %parallel_loop3A_81 = arith.constant 16 : index
        %parallel_loop3A_82 = tpu.vector_load %arg11[%parallel_loop3A_80, %parallel_loop3A_81] {strides = array<i32>} : memref<80x128xf32, #tpu.memory_space<vmem>>, vector<16xf32>,
        %parallel_loop3A_83 = arith.mulf %parallel_loop3A_82, %parallel_loop3A_72 : vector<16xf32>
        %parallel_loop3A_84 = arith.index_cast %parallel_loop3A_67 : i32 to index
        %parallel_loop3A_85 = arith.constant 16 : index
        %parallel_loop3A_86 = tpu.vector_load %arg11[%parallel_loop3A_84, %parallel_loop3A_85] {strides = array<i32>} : memref<80x128xf32, #tpu.memory_space<vmem>>, vector<16xf32>,
        tpu.vector_store %arg11[%parallel_loop3A_84, %parallel_loop3A_85], %parallel_loop3A_83 {strides = array<i32>} : memref<80x128xf32, #tpu.memory_space<vmem>>, vector<16xf32>,
        %parallel_loop3A_87 = arith.index_cast %parallel_loop3A_67 : i32 to index
        %parallel_loop3A_88 = arith.constant 32 : index
        %parallel_loop3A_89 = tpu.vector_load %arg11[%parallel_loop3A_87, %parallel_loop3A_88] {strides = array<i32>} : memref<80x128xf32, #tpu.memory_space<vmem>>, vector<16xf32>,
        %parallel_loop3A_90 = arith.mulf %parallel_loop3A_89, %parallel_loop3A_72 : vector<16xf32>
        %parallel_loop3A_91 = arith.index_cast %parallel_loop3A_67 : i32 to index
        %parallel_loop3A_92 = arith.constant 32 : index
        %parallel_loop3A_93 = tpu.vector_load %arg11[%parallel_loop3A_91, %parallel_loop3A_92] {strides = array<i32>} : memref<80x128xf32, #tpu.memory_space<vmem>>, vector<16xf32>,
        tpu.vector_store %arg11[%parallel_loop3A_91, %parallel_loop3A_92], %parallel_loop3A_90 {strides = array<i32>} : memref<80x128xf32, #tpu.memory_space<vmem>>, vector<16xf32>,
        %parallel_loop3A_94 = arith.index_cast %parallel_loop3A_67 : i32 to index
        %parallel_loop3A_95 = arith.constant 48 : index
        %parallel_loop3A_96 = tpu.vector_load %arg11[%parallel_loop3A_94, %parallel_loop3A_95] {strides = array<i32>} : memref<80x128xf32, #tpu.memory_space<vmem>>, vector<16xf32>,
        %parallel_loop3A_97 = arith.mulf %parallel_loop3A_96, %parallel_loop3A_72 : vector<16xf32>
        %parallel_loop3A_98 = arith.index_cast %parallel_loop3A_67 : i32 to index
        %parallel_loop3A_99 = arith.constant 48 : index
        %parallel_loop3A_100 = tpu.vector_load %arg11[%parallel_loop3A_98, %parallel_loop3A_99] {strides = array<i32>} : memref<80x128xf32, #tpu.memory_space<vmem>>, vector<16xf32>,
        tpu.vector_store %arg11[%parallel_loop3A_98, %parallel_loop3A_99], %parallel_loop3A_97 {strides = array<i32>} : memref<80x128xf32, #tpu.memory_space<vmem>>, vector<16xf32>,
        %parallel_loop3A_101 = arith.index_cast %parallel_loop3A_67 : i32 to index
        %parallel_loop3A_102 = arith.constant 64 : index
        %parallel_loop3A_103 = tpu.vector_load %arg11[%parallel_loop3A_101, %parallel_loop3A_102] {strides = array<i32>} : memref<80x128xf32, #tpu.memory_space<vmem>>, vector<16xf32>,
        %parallel_loop3A_104 = arith.mulf %parallel_loop3A_103, %parallel_loop3A_72 : vector<16xf32>
        %parallel_loop3A_105 = arith.index_cast %parallel_loop3A_67 : i32 to index
        %parallel_loop3A_106 = arith.constant 64 : index
        %parallel_loop3A_107 = tpu.vector_load %arg11[%parallel_loop3A_105, %parallel_loop3A_106] {strides = array<i32>} : memref<80x128xf32, #tpu.memory_space<vmem>>, vector<16xf32>,
        tpu.vector_store %arg11[%parallel_loop3A_105, %parallel_loop3A_106], %parallel_loop3A_104 {strides = array<i32>} : memref<80x128xf32, #tpu.memory_space<vmem>>, vector<16xf32>,
        %parallel_loop3A_108 = arith.index_cast %parallel_loop3A_67 : i32 to index
        %parallel_loop3A_109 = arith.constant 80 : index
        %parallel_loop3A_110 = tpu.vector_load %arg11[%parallel_loop3A_108, %parallel_loop3A_109] {strides = array<i32>} : memref<80x128xf32, #tpu.memory_space<vmem>>, vector<16xf32>,
        %parallel_loop3A_111 = arith.mulf %parallel_loop3A_110, %parallel_loop3A_72 : vector<16xf32>
        %parallel_loop3A_112 = arith.index_cast %parallel_loop3A_67 : i32 to index
        %parallel_loop3A_113 = arith.constant 80 : index
        %parallel_loop3A_114 = tpu.vector_load %arg11[%parallel_loop3A_112, %parallel_loop3A_113] {strides = array<i32>} : memref<80x128xf32, #tpu.memory_space<vmem>>, vector<16xf32>,
        tpu.vector_store %arg11[%parallel_loop3A_112, %parallel_loop3A_113], %parallel_loop3A_111 {strides = array<i32>} : memref<80x128xf32, #tpu.memory_space<vmem>>, vector<16xf32>,
        %parallel_loop3A_115 = arith.index_cast %parallel_loop3A_67 : i32 to index
        %parallel_loop3A_116 = arith.constant 96 : index
        %parallel_loop3A_117 = tpu.vector_load %arg11[%parallel_loop3A_115, %parallel_loop3A_116] {strides = array<i32>} : memref<80x128xf32, #tpu.memory_space<vmem>>, vector<16xf32>,
        %parallel_loop3A_118 = arith.mulf %parallel_loop3A_117, %parallel_loop3A_72 : vector<16xf32>
        %parallel_loop3A_119 = arith.index_cast %parallel_loop3A_67 : i32 to index
        %parallel_loop3A_120 = arith.constant 96 : index
        %parallel_loop3A_121 = tpu.vector_load %arg11[%parallel_loop3A_119, %parallel_loop3A_120] {strides = array<i32>} : memref<80x128xf32, #tpu.memory_space<vmem>>, vector<16xf32>,
        tpu.vector_store %arg11[%parallel_loop3A_119, %parallel_loop3A_120], %parallel_loop3A_118 {strides = array<i32>} : memref<80x128xf32, #tpu.memory_space<vmem>>, vector<16xf32>,
        %parallel_loop3A_122 = arith.index_cast %parallel_loop3A_67 : i32 to index
        %parallel_loop3A_123 = arith.constant 112 : index
        %parallel_loop3A_124 = tpu.vector_load %arg11[%parallel_loop3A_122, %parallel_loop3A_123] {strides = array<i32>} : memref<80x128xf32, #tpu.memory_space<vmem>>, vector<16xf32>,
        %parallel_loop3A_125 = arith.mulf %parallel_loop3A_124, %parallel_loop3A_72 : vector<16xf32>
        %parallel_loop3A_126 = arith.index_cast %parallel_loop3A_67 : i32 to index
        %parallel_loop3A_127 = arith.constant 112 : index
        %parallel_loop3A_128 = tpu.vector_load %arg11[%parallel_loop3A_126, %parallel_loop3A_127] {strides = array<i32>} : memref<80x128xf32, #tpu.memory_space<vmem>>, vector<16xf32>,
        tpu.vector_store %arg11[%parallel_loop3A_126, %parallel_loop3A_127], %parallel_loop3A_125 {strides = array<i32>} : memref<80x128xf32, #tpu.memory_space<vmem>>, vector<16xf32>,
      } {sc.loop_unroll_factor = 8 : i64, sc.parallel_access}
      "tpu.region"() ({
        %run_scoped3A_67 = tpu.sem_alloc : memref<!tpu.dma_semaphore, #tpu.memory_space<semaphore_mem>>
        %dma_start3A_68 = arith.constant 0 : i32
        %dma_start3A_69 = tpu.memref_slice %arg9[%mul3A_30, %dma_start3A_68] : memref<125x80xi32, #tpu.memory_space<vmem>> -> memref<1x80xi32, #tpu.memory_space<vmem>>
        %dma_start3A_70 = tpu.memref_squeeze %dma_start3A_69 : memref<1x80xi32, #tpu.memory_space<vmem>> -> memref<80xi32, #tpu.memory_space<vmem>>
        %dma_start3A_71 = arith.constant 0 : i32
        %dma_start3A_72 = arith.constant 0 : i32
        %dma_start3A_73 = tpu.memref_slice %arg15[%dma_start3A_71, %dma_start3A_72] : memref<10000x128xf32, #tpu.memory_space<vmem_shared>> -> memref<10000x128xf32, #tpu.memory_space<vmem_shared>>
        tpu.enqueue_indirect_dma source(%arg11 : memref<80x128xf32, #tpu.memory_space<vmem>>) target(%dma_start3A_73 : memref<10000x128xf32, #tpu.memory_space<vmem_shared>>) offsets(%dma_start3A_70 : memref<80xi32, #tpu.memory_space<vmem>>) semaphore(%run_scoped3A_67 : memref<!tpu.dma_semaphore, #tpu.memory_space<semaphore_mem>>) {add = true}
        %dma_wait3A_74 = arith.constant 0 : i32
        %dma_wait3A_75 = tpu.memref_slice %arg9[%mul3A_30, %dma_wait3A_74] : memref<125x80xi32, #tpu.memory_space<vmem>> -> memref<1x80xi32, #tpu.memory_space<vmem>>
        %dma_wait3A_76 = tpu.memref_squeeze %dma_wait3A_75 : memref<1x80xi32, #tpu.memory_space<vmem>> -> memref<80xi32, #tpu.memory_space<vmem>>
        %dma_wait3A_77 = arith.constant 0 : i32
        %dma_wait3A_78 = arith.constant 0 : i32
        %dma_wait3A_79 = tpu.memref_slice %arg15[%dma_wait3A_77, %dma_wait3A_78] : memref<10000x128xf32, #tpu.memory_space<vmem_shared>> -> memref<10000x128xf32, #tpu.memory_space<vmem_shared>>
        tpu.wait_indirect_dma semaphore(%run_scoped3A_67 : memref<!tpu.dma_semaphore, #tpu.memory_space<semaphore_mem>>) src(%arg11 : memref<80x128xf32, #tpu.memory_space<vmem>>) dst(%dma_wait3A_79 : memref<10000x128xf32, #tpu.memory_space<vmem_shared>>)
        tpu.yield
      }) : () -> ()
      %add3A_48 = arith.constant 2 : i32
      %add3A_49 = arith.addi %mul3A_30, %add3A_48 : i32
      %mul3A_50 = arith.constant 80 : i32
      %mul3A_51 = arith.muli %add3A_49, %mul3A_50 : i32
      %dma_start3A_52 = tpu.memref_slice %arg8[%mul3A_51] : memref<10000xi32, #tpu.memory_space<vmem>> -> memref<80xi32, #tpu.memory_space<vmem>>
      %dma_start3A_53 = arith.constant 0 : i32
      %dma_start3A_54 = arith.constant 0 : i32
      %dma_start3A_55 = tpu.memref_slice %arg2[%dma_start3A_53, %dma_start3A_54] : memref<10000x128xf32, #tpu.memory_space<hbm>> -> memref<10000x128xf32, #tpu.memory_space<hbm>>
      tpu.enqueue_indirect_dma source(%dma_start3A_55 : memref<10000x128xf32, #tpu.memory_space<hbm>>) target(%arg11 : memref<80x128xf32, #tpu.memory_space<vmem>>) offsets(%dma_start3A_52 : memref<80xi32, #tpu.memory_space<vmem>>) semaphore(%arg13 : memref<!tpu.dma_semaphore, #tpu.memory_space<semaphore_mem>>)
      %add3A_56 = arith.constant 1 : i32
      %add3A_57 = arith.addi %mul3A_30, %add3A_56 : i32
      %mul3A_58 = arith.constant 80 : i32
      %mul3A_59 = arith.muli %add3A_57, %mul3A_58 : i32
      %dma_wait3A_60 = tpu.memref_slice %arg8[%mul3A_59] : memref<10000xi32, #tpu.memory_space<vmem>> -> memref<80xi32, #tpu.memory_space<vmem>>
      %dma_wait3A_61 = arith.constant 0 : i32
      %dma_wait3A_62 = arith.constant 0 : i32
      %dma_wait3A_63 = tpu.memref_slice %arg2[%dma_wait3A_61, %dma_wait3A_62] : memref<10000x128xf32, #tpu.memory_space<hbm>> -> memref<10000x128xf32, #tpu.memory_space<hbm>>
      tpu.wait_indirect_dma semaphore(%arg14 : memref<!tpu.dma_semaphore, #tpu.memory_space<semaphore_mem>>) src(%dma_wait3A_63 : memref<10000x128xf32, #tpu.memory_space<hbm>>) dst(%arg12 : memref<80x128xf32, #tpu.memory_space<vmem>>)
      %parallel_loop3A_64 = arith.constant 0 : i32
      %parallel_loop3A_65 = arith.constant 80 : i32
      %parallel_loop3A_66 = arith.constant 1 : i32
      scf.for %parallel_loop3A_67 = %parallel_loop3A_64 to %parallel_loop3A_65 step %parallel_loop3A_66  : i32 {
        %parallel_loop3A_68 = arith.constant 80 : i32
        %parallel_loop3A_69 = arith.muli %add3A_57, %parallel_loop3A_68 : i32
        %parallel_loop3A_70 = arith.addi %parallel_loop3A_69, %parallel_loop3A_67 : i32
        %parallel_loop3A_71 = vector.broadcast %parallel_loop3A_70 : i32 to vector<16xi32>
        %parallel_loop3A_72 = tpu.vector_load_idx %arg10[%parallel_loop3A_71] : memref<10000xf32, #tpu.memory_space<vmem>>[vector<16xi32>], vector<16xf32>,
        %parallel_loop3A_73 = arith.index_cast %parallel_loop3A_67 : i32 to index
        %parallel_loop3A_74 = arith.constant 0 : index
        %parallel_loop3A_75 = tpu.vector_load %arg12[%parallel_loop3A_73, %parallel_loop3A_74] {strides = array<i32>} : memref<80x128xf32, #tpu.memory_space<vmem>>, vector<16xf32>,
        %parallel_loop3A_76 = arith.mulf %parallel_loop3A_75, %parallel_loop3A_72 : vector<16xf32>
        %parallel_loop3A_77 = arith.index_cast %parallel_loop3A_67 : i32 to index
        %parallel_loop3A_78 = arith.constant 0 : index
        %parallel_loop3A_79 = tpu.vector_load %arg12[%parallel_loop3A_77, %parallel_loop3A_78] {strides = array<i32>} : memref<80x128xf32, #tpu.memory_space<vmem>>, vector<16xf32>,
        tpu.vector_store %arg12[%parallel_loop3A_77, %parallel_loop3A_78], %parallel_loop3A_76 {strides = array<i32>} : memref<80x128xf32, #tpu.memory_space<vmem>>, vector<16xf32>,
        %parallel_loop3A_80 = arith.index_cast %parallel_loop3A_67 : i32 to index
        %parallel_loop3A_81 = arith.constant 16 : index
        %parallel_loop3A_82 = tpu.vector_load %arg12[%parallel_loop3A_80, %parallel_loop3A_81] {strides = array<i32>} : memref<80x128xf32, #tpu.memory_space<vmem>>, vector<16xf32>,
        %parallel_loop3A_83 = arith.mulf %parallel_loop3A_82, %parallel_loop3A_72 : vector<16xf32>
        %parallel_loop3A_84 = arith.index_cast %parallel_loop3A_67 : i32 to index
        %parallel_loop3A_85 = arith.constant 16 : index
        %parallel_loop3A_86 = tpu.vector_load %arg12[%parallel_loop3A_84, %parallel_loop3A_85] {strides = array<i32>} : memref<80x128xf32, #tpu.memory_space<vmem>>, vector<16xf32>,
        tpu.vector_store %arg12[%parallel_loop3A_84, %parallel_loop3A_85], %parallel_loop3A_83 {strides = array<i32>} : memref<80x128xf32, #tpu.memory_space<vmem>>, vector<16xf32>,
        %parallel_loop3A_87 = arith.index_cast %parallel_loop3A_67 : i32 to index
        %parallel_loop3A_88 = arith.constant 32 : index
        %parallel_loop3A_89 = tpu.vector_load %arg12[%parallel_loop3A_87, %parallel_loop3A_88] {strides = array<i32>} : memref<80x128xf32, #tpu.memory_space<vmem>>, vector<16xf32>,
        %parallel_loop3A_90 = arith.mulf %parallel_loop3A_89, %parallel_loop3A_72 : vector<16xf32>
        %parallel_loop3A_91 = arith.index_cast %parallel_loop3A_67 : i32 to index
        %parallel_loop3A_92 = arith.constant 32 : index
        %parallel_loop3A_93 = tpu.vector_load %arg12[%parallel_loop3A_91, %parallel_loop3A_92] {strides = array<i32>} : memref<80x128xf32, #tpu.memory_space<vmem>>, vector<16xf32>,
        tpu.vector_store %arg12[%parallel_loop3A_91, %parallel_loop3A_92], %parallel_loop3A_90 {strides = array<i32>} : memref<80x128xf32, #tpu.memory_space<vmem>>, vector<16xf32>,
        %parallel_loop3A_94 = arith.index_cast %parallel_loop3A_67 : i32 to index
        %parallel_loop3A_95 = arith.constant 48 : index
        %parallel_loop3A_96 = tpu.vector_load %arg12[%parallel_loop3A_94, %parallel_loop3A_95] {strides = array<i32>} : memref<80x128xf32, #tpu.memory_space<vmem>>, vector<16xf32>,
        %parallel_loop3A_97 = arith.mulf %parallel_loop3A_96, %parallel_loop3A_72 : vector<16xf32>
        %parallel_loop3A_98 = arith.index_cast %parallel_loop3A_67 : i32 to index
        %parallel_loop3A_99 = arith.constant 48 : index
        %parallel_loop3A_100 = tpu.vector_load %arg12[%parallel_loop3A_98, %parallel_loop3A_99] {strides = array<i32>} : memref<80x128xf32, #tpu.memory_space<vmem>>, vector<16xf32>,
        tpu.vector_store %arg12[%parallel_loop3A_98, %parallel_loop3A_99], %parallel_loop3A_97 {strides = array<i32>} : memref<80x128xf32, #tpu.memory_space<vmem>>, vector<16xf32>,
        %parallel_loop3A_101 = arith.index_cast %parallel_loop3A_67 : i32 to index
        %parallel_loop3A_102 = arith.constant 64 : index
        %parallel_loop3A_103 = tpu.vector_load %arg12[%parallel_loop3A_101, %parallel_loop3A_102] {strides = array<i32>} : memref<80x128xf32, #tpu.memory_space<vmem>>, vector<16xf32>,
        %parallel_loop3A_104 = arith.mulf %parallel_loop3A_103, %parallel_loop3A_72 : vector<16xf32>
        %parallel_loop3A_105 = arith.index_cast %parallel_loop3A_67 : i32 to index
        %parallel_loop3A_106 = arith.constant 64 : index
        %parallel_loop3A_107 = tpu.vector_load %arg12[%parallel_loop3A_105, %parallel_loop3A_106] {strides = array<i32>} : memref<80x128xf32, #tpu.memory_space<vmem>>, vector<16xf32>,
        tpu.vector_store %arg12[%parallel_loop3A_105, %parallel_loop3A_106], %parallel_loop3A_104 {strides = array<i32>} : memref<80x128xf32, #tpu.memory_space<vmem>>, vector<16xf32>,
        %parallel_loop3A_108 = arith.index_cast %parallel_loop3A_67 : i32 to index
        %parallel_loop3A_109 = arith.constant 80 : index
        %parallel_loop3A_110 = tpu.vector_load %arg12[%parallel_loop3A_108, %parallel_loop3A_109] {strides = array<i32>} : memref<80x128xf32, #tpu.memory_space<vmem>>, vector<16xf32>,
        %parallel_loop3A_111 = arith.mulf %parallel_loop3A_110, %parallel_loop3A_72 : vector<16xf32>
        %parallel_loop3A_112 = arith.index_cast %parallel_loop3A_67 : i32 to index
        %parallel_loop3A_113 = arith.constant 80 : index
        %parallel_loop3A_114 = tpu.vector_load %arg12[%parallel_loop3A_112, %parallel_loop3A_113] {strides = array<i32>} : memref<80x128xf32, #tpu.memory_space<vmem>>, vector<16xf32>,
        tpu.vector_store %arg12[%parallel_loop3A_112, %parallel_loop3A_113], %parallel_loop3A_111 {strides = array<i32>} : memref<80x128xf32, #tpu.memory_space<vmem>>, vector<16xf32>,
        %parallel_loop3A_115 = arith.index_cast %parallel_loop3A_67 : i32 to index
        %parallel_loop3A_116 = arith.constant 96 : index
        %parallel_loop3A_117 = tpu.vector_load %arg12[%parallel_loop3A_115, %parallel_loop3A_116] {strides = array<i32>} : memref<80x128xf32, #tpu.memory_space<vmem>>, vector<16xf32>,
        %parallel_loop3A_118 = arith.mulf %parallel_loop3A_117, %parallel_loop3A_72 : vector<16xf32>
        %parallel_loop3A_119 = arith.index_cast %parallel_loop3A_67 : i32 to index
        %parallel_loop3A_120 = arith.constant 96 : index
        %parallel_loop3A_121 = tpu.vector_load %arg12[%parallel_loop3A_119, %parallel_loop3A_120] {strides = array<i32>} : memref<80x128xf32, #tpu.memory_space<vmem>>, vector<16xf32>,
        tpu.vector_store %arg12[%parallel_loop3A_119, %parallel_loop3A_120], %parallel_loop3A_118 {strides = array<i32>} : memref<80x128xf32, #tpu.memory_space<vmem>>, vector<16xf32>,
        %parallel_loop3A_122 = arith.index_cast %parallel_loop3A_67 : i32 to index
        %parallel_loop3A_123 = arith.constant 112 : index
        %parallel_loop3A_124 = tpu.vector_load %arg12[%parallel_loop3A_122, %parallel_loop3A_123] {strides = array<i32>} : memref<80x128xf32, #tpu.memory_space<vmem>>, vector<16xf32>,
        %parallel_loop3A_125 = arith.mulf %parallel_loop3A_124, %parallel_loop3A_72 : vector<16xf32>
        %parallel_loop3A_126 = arith.index_cast %parallel_loop3A_67 : i32 to index
        %parallel_loop3A_127 = arith.constant 112 : index
        %parallel_loop3A_128 = tpu.vector_load %arg12[%parallel_loop3A_126, %parallel_loop3A_127] {strides = array<i32>} : memref<80x128xf32, #tpu.memory_space<vmem>>, vector<16xf32>,
        tpu.vector_store %arg12[%parallel_loop3A_126, %parallel_loop3A_127], %parallel_loop3A_125 {strides = array<i32>} : memref<80x128xf32, #tpu.memory_space<vmem>>, vector<16xf32>,
      } {sc.loop_unroll_factor = 8 : i64, sc.parallel_access}
      "tpu.region"() ({
        %run_scoped3A_67 = tpu.sem_alloc : memref<!tpu.dma_semaphore, #tpu.memory_space<semaphore_mem>>
        %dma_start3A_68 = arith.constant 0 : i32
        %dma_start3A_69 = tpu.memref_slice %arg9[%add3A_57, %dma_start3A_68] : memref<125x80xi32, #tpu.memory_space<vmem>> -> memref<1x80xi32, #tpu.memory_space<vmem>>
        %dma_start3A_70 = tpu.memref_squeeze %dma_start3A_69 : memref<1x80xi32, #tpu.memory_space<vmem>> -> memref<80xi32, #tpu.memory_space<vmem>>
        %dma_start3A_71 = arith.constant 0 : i32
        %dma_start3A_72 = arith.constant 0 : i32
        %dma_start3A_73 = tpu.memref_slice %arg15[%dma_start3A_71, %dma_start3A_72] : memref<10000x128xf32, #tpu.memory_space<vmem_shared>> -> memref<10000x128xf32, #tpu.memory_space<vmem_shared>>
        tpu.enqueue_indirect_dma source(%arg12 : memref<80x128xf32, #tpu.memory_space<vmem>>) target(%dma_start3A_73 : memref<10000x128xf32, #tpu.memory_space<vmem_shared>>) offsets(%dma_start3A_70 : memref<80xi32, #tpu.memory_space<vmem>>) semaphore(%run_scoped3A_67 : memref<!tpu.dma_semaphore, #tpu.memory_space<semaphore_mem>>) {add = true}
        %dma_wait3A_74 = arith.constant 0 : i32
        %dma_wait3A_75 = tpu.memref_slice %arg9[%add3A_57, %dma_wait3A_74] : memref<125x80xi32, #tpu.memory_space<vmem>> -> memref<1x80xi32, #tpu.memory_space<vmem>>
        %dma_wait3A_76 = tpu.memref_squeeze %dma_wait3A_75 : memref<1x80xi32, #tpu.memory_space<vmem>> -> memref<80xi32, #tpu.memory_space<vmem>>
        %dma_wait3A_77 = arith.constant 0 : i32
        %dma_wait3A_78 = arith.constant 0 : i32
        %dma_wait3A_79 = tpu.memref_slice %arg15[%dma_wait3A_77, %dma_wait3A_78] : memref<10000x128xf32, #tpu.memory_space<vmem_shared>> -> memref<10000x128xf32, #tpu.memory_space<vmem_shared>>
        tpu.wait_indirect_dma semaphore(%run_scoped3A_67 : memref<!tpu.dma_semaphore, #tpu.memory_space<semaphore_mem>>) src(%arg12 : memref<80x128xf32, #tpu.memory_space<vmem>>) dst(%dma_wait3A_79 : memref<10000x128xf32, #tpu.memory_space<vmem_shared>>)
        tpu.yield
      }) : () -> ()
    }
    %scan3A_15 = arith.constant 62 : i32
    %dma_wait3A = arith.constant 9920 : i32
    %dma_wait3A_16 = tpu.memref_slice %arg8[%dma_wait3A] : memref<10000xi32, #tpu.memory_space<vmem>> -> memref<80xi32, #tpu.memory_space<vmem>>
    %dma_wait3A_17 = arith.constant 0 : i32
    %dma_wait3A_18 = arith.constant 0 : i32
    %dma_wait3A_19 = tpu.memref_slice %arg2[%dma_wait3A_17, %dma_wait3A_18] : memref<10000x128xf32, #tpu.memory_space<hbm>> -> memref<10000x128xf32, #tpu.memory_space<hbm>>
    tpu.wait_indirect_dma semaphore(%arg13 : memref<!tpu.dma_semaphore, #tpu.memory_space<semaphore_mem>>) src(%dma_wait3A_19 : memref<10000x128xf32, #tpu.memory_space<hbm>>) dst(%arg11 : memref<80x128xf32, #tpu.memory_space<vmem>>)
    %parallel_loop3A = arith.constant 0 : i32
    %parallel_loop3A_20 = arith.constant 80 : i32
    %parallel_loop3A_21 = arith.constant 1 : i32
    scf.for %parallel_loop3A_28 = %parallel_loop3A to %parallel_loop3A_20 step %parallel_loop3A_21  : i32 {
      %parallel_loop3A_29 = arith.constant 9920 : i32
      %parallel_loop3A_30 = arith.addi %parallel_loop3A_29, %parallel_loop3A_28 : i32
      %parallel_loop3A_31 = vector.broadcast %parallel_loop3A_30 : i32 to vector<16xi32>
      %parallel_loop3A_32 = tpu.vector_load_idx %arg10[%parallel_loop3A_31] : memref<10000xf32, #tpu.memory_space<vmem>>[vector<16xi32>], vector<16xf32>,
      %parallel_loop3A_33 = arith.index_cast %parallel_loop3A_28 : i32 to index
      %parallel_loop3A_34 = arith.constant 0 : index
      %parallel_loop3A_35 = tpu.vector_load %arg11[%parallel_loop3A_33, %parallel_loop3A_34] {strides = array<i32>} : memref<80x128xf32, #tpu.memory_space<vmem>>, vector<16xf32>,
      %parallel_loop3A_36 = arith.mulf %parallel_loop3A_35, %parallel_loop3A_32 : vector<16xf32>
      %parallel_loop3A_37 = arith.index_cast %parallel_loop3A_28 : i32 to index
      %parallel_loop3A_38 = arith.constant 0 : index
      %parallel_loop3A_39 = tpu.vector_load %arg11[%parallel_loop3A_37, %parallel_loop3A_38] {strides = array<i32>} : memref<80x128xf32, #tpu.memory_space<vmem>>, vector<16xf32>,
      tpu.vector_store %arg11[%parallel_loop3A_37, %parallel_loop3A_38], %parallel_loop3A_36 {strides = array<i32>} : memref<80x128xf32, #tpu.memory_space<vmem>>, vector<16xf32>,
      %parallel_loop3A_40 = arith.index_cast %parallel_loop3A_28 : i32 to index
      %parallel_loop3A_41 = arith.constant 16 : index
      %parallel_loop3A_42 = tpu.vector_load %arg11[%parallel_loop3A_40, %parallel_loop3A_41] {strides = array<i32>} : memref<80x128xf32, #tpu.memory_space<vmem>>, vector<16xf32>,
      %parallel_loop3A_43 = arith.mulf %parallel_loop3A_42, %parallel_loop3A_32 : vector<16xf32>
      %parallel_loop3A_44 = arith.index_cast %parallel_loop3A_28 : i32 to index
      %parallel_loop3A_45 = arith.constant 16 : index
      %parallel_loop3A_46 = tpu.vector_load %arg11[%parallel_loop3A_44, %parallel_loop3A_45] {strides = array<i32>} : memref<80x128xf32, #tpu.memory_space<vmem>>, vector<16xf32>,
      tpu.vector_store %arg11[%parallel_loop3A_44, %parallel_loop3A_45], %parallel_loop3A_43 {strides = array<i32>} : memref<80x128xf32, #tpu.memory_space<vmem>>, vector<16xf32>,
      %parallel_loop3A_47 = arith.index_cast %parallel_loop3A_28 : i32 to index
      %parallel_loop3A_48 = arith.constant 32 : index
      %parallel_loop3A_49 = tpu.vector_load %arg11[%parallel_loop3A_47, %parallel_loop3A_48] {strides = array<i32>} : memref<80x128xf32, #tpu.memory_space<vmem>>, vector<16xf32>,
      %parallel_loop3A_50 = arith.mulf %parallel_loop3A_49, %parallel_loop3A_32 : vector<16xf32>
      %parallel_loop3A_51 = arith.index_cast %parallel_loop3A_28 : i32 to index
      %parallel_loop3A_52 = arith.constant 32 : index
      %parallel_loop3A_53 = tpu.vector_load %arg11[%parallel_loop3A_51, %parallel_loop3A_52] {strides = array<i32>} : memref<80x128xf32, #tpu.memory_space<vmem>>, vector<16xf32>,
      tpu.vector_store %arg11[%parallel_loop3A_51, %parallel_loop3A_52], %parallel_loop3A_50 {strides = array<i32>} : memref<80x128xf32, #tpu.memory_space<vmem>>, vector<16xf32>,
      %parallel_loop3A_54 = arith.index_cast %parallel_loop3A_28 : i32 to index
      %parallel_loop3A_55 = arith.constant 48 : index
      %parallel_loop3A_56 = tpu.vector_load %arg11[%parallel_loop3A_54, %parallel_loop3A_55] {strides = array<i32>} : memref<80x128xf32, #tpu.memory_space<vmem>>, vector<16xf32>,
      %parallel_loop3A_57 = arith.mulf %parallel_loop3A_56, %parallel_loop3A_32 : vector<16xf32>
      %parallel_loop3A_58 = arith.index_cast %parallel_loop3A_28 : i32 to index
      %parallel_loop3A_59 = arith.constant 48 : index
      %parallel_loop3A_60 = tpu.vector_load %arg11[%parallel_loop3A_58, %parallel_loop3A_59] {strides = array<i32>} : memref<80x128xf32, #tpu.memory_space<vmem>>, vector<16xf32>,
      tpu.vector_store %arg11[%parallel_loop3A_58, %parallel_loop3A_59], %parallel_loop3A_57 {strides = array<i32>} : memref<80x128xf32, #tpu.memory_space<vmem>>, vector<16xf32>,
      %parallel_loop3A_61 = arith.index_cast %parallel_loop3A_28 : i32 to index
      %parallel_loop3A_62 = arith.constant 64 : index
      %parallel_loop3A_63 = tpu.vector_load %arg11[%parallel_loop3A_61, %parallel_loop3A_62] {strides = array<i32>} : memref<80x128xf32, #tpu.memory_space<vmem>>, vector<16xf32>,
      %parallel_loop3A_64 = arith.mulf %parallel_loop3A_63, %parallel_loop3A_32 : vector<16xf32>
      %parallel_loop3A_65 = arith.index_cast %parallel_loop3A_28 : i32 to index
      %parallel_loop3A_66 = arith.constant 64 : index
      %parallel_loop3A_67 = tpu.vector_load %arg11[%parallel_loop3A_65, %parallel_loop3A_66] {strides = array<i32>} : memref<80x128xf32, #tpu.memory_space<vmem>>, vector<16xf32>,
      tpu.vector_store %arg11[%parallel_loop3A_65, %parallel_loop3A_66], %parallel_loop3A_64 {strides = array<i32>} : memref<80x128xf32, #tpu.memory_space<vmem>>, vector<16xf32>,
      %parallel_loop3A_68 = arith.index_cast %parallel_loop3A_28 : i32 to index
      %parallel_loop3A_69 = arith.constant 80 : index
      %parallel_loop3A_70 = tpu.vector_load %arg11[%parallel_loop3A_68, %parallel_loop3A_69] {strides = array<i32>} : memref<80x128xf32, #tpu.memory_space<vmem>>, vector<16xf32>,
      %parallel_loop3A_71 = arith.mulf %parallel_loop3A_70, %parallel_loop3A_32 : vector<16xf32>
      %parallel_loop3A_72 = arith.index_cast %parallel_loop3A_28 : i32 to index
      %parallel_loop3A_73 = arith.constant 80 : index
      %parallel_loop3A_74 = tpu.vector_load %arg11[%parallel_loop3A_72, %parallel_loop3A_73] {strides = array<i32>} : memref<80x128xf32, #tpu.memory_space<vmem>>, vector<16xf32>,
      tpu.vector_store %arg11[%parallel_loop3A_72, %parallel_loop3A_73], %parallel_loop3A_71 {strides = array<i32>} : memref<80x128xf32, #tpu.memory_space<vmem>>, vector<16xf32>,
      %parallel_loop3A_75 = arith.index_cast %parallel_loop3A_28 : i32 to index
      %parallel_loop3A_76 = arith.constant 96 : index
      %parallel_loop3A_77 = tpu.vector_load %arg11[%parallel_loop3A_75, %parallel_loop3A_76] {strides = array<i32>} : memref<80x128xf32, #tpu.memory_space<vmem>>, vector<16xf32>,
      %parallel_loop3A_78 = arith.mulf %parallel_loop3A_77, %parallel_loop3A_32 : vector<16xf32>
      %parallel_loop3A_79 = arith.index_cast %parallel_loop3A_28 : i32 to index
      %parallel_loop3A_80 = arith.constant 96 : index
      %parallel_loop3A_81 = tpu.vector_load %arg11[%parallel_loop3A_79, %parallel_loop3A_80] {strides = array<i32>} : memref<80x128xf32, #tpu.memory_space<vmem>>, vector<16xf32>,
      tpu.vector_store %arg11[%parallel_loop3A_79, %parallel_loop3A_80], %parallel_loop3A_78 {strides = array<i32>} : memref<80x128xf32, #tpu.memory_space<vmem>>, vector<16xf32>,
      %parallel_loop3A_82 = arith.index_cast %parallel_loop3A_28 : i32 to index
      %parallel_loop3A_83 = arith.constant 112 : index
      %parallel_loop3A_84 = tpu.vector_load %arg11[%parallel_loop3A_82, %parallel_loop3A_83] {strides = array<i32>} : memref<80x128xf32, #tpu.memory_space<vmem>>, vector<16xf32>,
      %parallel_loop3A_85 = arith.mulf %parallel_loop3A_84, %parallel_loop3A_32 : vector<16xf32>
      %parallel_loop3A_86 = arith.index_cast %parallel_loop3A_28 : i32 to index
      %parallel_loop3A_87 = arith.constant 112 : index
      %parallel_loop3A_88 = tpu.vector_load %arg11[%parallel_loop3A_86, %parallel_loop3A_87] {strides = array<i32>} : memref<80x128xf32, #tpu.memory_space<vmem>>, vector<16xf32>,
      tpu.vector_store %arg11[%parallel_loop3A_86, %parallel_loop3A_87], %parallel_loop3A_85 {strides = array<i32>} : memref<80x128xf32, #tpu.memory_space<vmem>>, vector<16xf32>,
    } {sc.loop_unroll_factor = 8 : i64, sc.parallel_access}
    %run_scoped3A = arith.constant 124 : i32
    "tpu.region"() ({
      %run_scoped3A_28 = tpu.sem_alloc : memref<!tpu.dma_semaphore, #tpu.memory_space<semaphore_mem>>
      %dma_start3A_29 = arith.constant 0 : i32
      %dma_start3A_30 = tpu.memref_slice %arg9[%run_scoped3A, %dma_start3A_29] : memref<125x80xi32, #tpu.memory_space<vmem>> -> memref<1x80xi32, #tpu.memory_space<vmem>>
      %dma_start3A_31 = tpu.memref_squeeze %dma_start3A_30 : memref<1x80xi32, #tpu.memory_space<vmem>> -> memref<80xi32, #tpu.memory_space<vmem>>
      %dma_start3A_32 = arith.constant 0 : i32
      %dma_start3A_33 = arith.constant 0 : i32
      %dma_start3A_34 = tpu.memref_slice %arg15[%dma_start3A_32, %dma_start3A_33] : memref<10000x128xf32, #tpu.memory_space<vmem_shared>> -> memref<10000x128xf32, #tpu.memory_space<vmem_shared>>
      tpu.enqueue_indirect_dma source(%arg11 : memref<80x128xf32, #tpu.memory_space<vmem>>) target(%dma_start3A_34 : memref<10000x128xf32, #tpu.memory_space<vmem_shared>>) offsets(%dma_start3A_31 : memref<80xi32, #tpu.memory_space<vmem>>) semaphore(%run_scoped3A_28 : memref<!tpu.dma_semaphore, #tpu.memory_space<semaphore_mem>>) {add = true}
      %dma_wait3A_35 = arith.constant 0 : i32
      %dma_wait3A_36 = tpu.memref_slice %arg9[%run_scoped3A, %dma_wait3A_35] : memref<125x80xi32, #tpu.memory_space<vmem>> -> memref<1x80xi32, #tpu.memory_space<vmem>>
      %dma_wait3A_37 = tpu.memref_squeeze %dma_wait3A_36 : memref<1x80xi32, #tpu.memory_space<vmem>> -> memref<80xi32, #tpu.memory_space<vmem>>
      %dma_wait3A_38 = arith.constant 0 : i32
      %dma_wait3A_39 = arith.constant 0 : i32
      %dma_wait3A_40 = tpu.memref_slice %arg15[%dma_wait3A_38, %dma_wait3A_39] : memref<10000x128xf32, #tpu.memory_space<vmem_shared>> -> memref<10000x128xf32, #tpu.memory_space<vmem_shared>>
      tpu.wait_indirect_dma semaphore(%run_scoped3A_28 : memref<!tpu.dma_semaphore, #tpu.memory_space<semaphore_mem>>) src(%arg11 : memref<80x128xf32, #tpu.memory_space<vmem>>) dst(%dma_wait3A_40 : memref<10000x128xf32, #tpu.memory_space<vmem_shared>>)
      tpu.yield
    }) : () -> ()
    %barrier3A_22 = arith.constant 0 : index
    tpu.barrier barrier_id(%barrier3A_22)
    %lt3A_23 = arith.constant 10 : i32
    %lt3A_24 = arith.cmpi slt, %arg1, %lt3A_23 : i32
    %convert_element_type3A_25 = arith.extui %lt3A_24 : i1 to i32
    %cond3A_26 = arith.constant 0 : i32
    %cond3A_27 = arith.cmpi ne, %convert_element_type3A_25, %cond3A_26 : i32
    scf.if %cond3A_27 {
      %mul3A_28 = arith.constant 1000 : i32
      %mul3A_29 = arith.muli %arg1, %mul3A_28 : i32
      %mul3A_30 = arith.constant 10000 : i32
      %mul3A_31 = arith.muli %arg0, %mul3A_30 : i32
      %mul3A_32 = arith.constant 1000 : i32
      %mul3A_33 = arith.muli %arg1, %mul3A_32 : i32
      %add3A_34 = arith.addi %mul3A_31, %mul3A_33 : i32
      "tpu.region"() ({
        %run_scoped3A_35 = tpu.sem_alloc : memref<!tpu.dma_semaphore, #tpu.memory_space<semaphore_mem>>
        %dma_start3A_36 = arith.constant 0 : i32
        %dma_start3A_37 = tpu.memref_slice %arg7[%add3A_34, %dma_start3A_36] : memref<20000x128xf32, #tpu.memory_space<hbm>> -> memref<1000x128xf32, #tpu.memory_space<hbm>>
        %dma_start3A_38 = arith.constant 0 : i32
        %dma_start3A_39 = tpu.memref_slice %arg15[%mul3A_29, %dma_start3A_38] : memref<10000x128xf32, #tpu.memory_space<vmem_shared>> -> memref<1000x128xf32, #tpu.memory_space<vmem_shared>>
        tpu.enqueue_dma source(%dma_start3A_39 : memref<1000x128xf32, #tpu.memory_space<vmem_shared>>) target(%dma_start3A_37 : memref<1000x128xf32, #tpu.memory_space<hbm>>) target_semaphore(%run_scoped3A_35 : memref<!tpu.dma_semaphore, #tpu.memory_space<semaphore_mem>>)
        %dma_wait3A_40 = arith.constant 0 : i32
        %dma_wait3A_41 = tpu.memref_slice %arg7[%add3A_34, %dma_wait3A_40] : memref<20000x128xf32, #tpu.memory_space<hbm>> -> memref<1000x128xf32, #tpu.memory_space<hbm>>
        %dma_wait3A_42 = arith.constant 0 : i32
        %dma_wait3A_43 = tpu.memref_slice %arg15[%mul3A_29, %dma_wait3A_42] : memref<10000x128xf32, #tpu.memory_space<vmem_shared>> -> memref<1000x128xf32, #tpu.memory_space<vmem_shared>>
        tpu.wait_dma2 semaphore(%run_scoped3A_35 : memref<!tpu.dma_semaphore, #tpu.memory_space<semaphore_mem>>) src(%dma_wait3A_43 : memref<1000x128xf32, #tpu.memory_space<vmem_shared>>) dst(%dma_wait3A_41 : memref<1000x128xf32, #tpu.memory_space<hbm>>)
        tpu.yield
      }) : () -> ()
    } else {
    }
    return
  }
}

#map = affine_map<(d0, d1) -> (0, 0)>
#map1 = affine_map<(d0, d1) -> (0)>
#map2 = affine_map<(d0, d1) -> (0, 0, 0)>
module attributes {stable_mosaic.version = 14 : i64} {
  func.func @k(%arg0: i32, %arg1: i32, %arg2: memref<10000x128xf32, #tpu.memory_space<hbm>>, %arg3: memref<320000xi32, #tpu.memory_space<hbm>>, %arg4: memref<32x125x80xi32, #tpu.memory_space<hbm>>, %arg5: memref<320000xf32, #tpu.memory_space<hbm>>, %arg6: memref<10000x128xf32, #tpu.memory_space<hbm>>, %arg7: memref<20000x128xf32, #tpu.memory_space<hbm>>, %arg8: memref<10000xi32, #tpu.memory_space<vmem>>, %arg9: memref<125x80xi32, #tpu.memory_space<vmem>>, %arg10: memref<10000xf32, #tpu.memory_space<vmem>>, %arg11: memref<80x128xf32, #tpu.memory_space<vmem>>, %arg12: memref<80x128xf32, #tpu.memory_space<vmem>>, %arg13: memref<!tpu.dma_semaphore, #tpu.memory_space<semaphore_mem>>, %arg14: memref<!tpu.dma_semaphore, #tpu.memory_space<semaphore_mem>>, %arg15: memref<10000x128xf32, #tpu.memory_space<vmem_shared>>) attributes {dimension_semantics = [#tpu.dimension_semantics<core_parallel>, #tpu.dimension_semantics<subcore_parallel>], iteration_bounds = array<i64: 2, 16>, scalar_prefetch = 0 : i64, scratch_operands = 8 : i64, tpu.core_type = #tpu.core_type<sc_vector_subcore>, window_params = [{transform_indices = #map}, {transform_indices = #map1}, {transform_indices = #map2}, {transform_indices = #map1}, {transform_indices = #map}, {transform_indices = #map}]} {
    %mul3A = arith.constant 2 : i32
    %mul3A_0 = arith.muli %arg1, %mul3A : i32
    %add3A = arith.addi %mul3A_0, %arg0 : i32
    %mul3A_1 = arith.constant 10000 : i32
    %mul3A_2 = arith.muli %add3A, %mul3A_1 : i32
    "tpu.region"() ({
      %run_scoped3A_28 = tpu.sem_alloc : memref<!tpu.dma_semaphore, #tpu.memory_space<semaphore_mem>>
      %dma_start3A_29 = tpu.memref_slice %arg3[%mul3A_2] : memref<320000xi32, #tpu.memory_space<hbm>> -> memref<10000xi32, #tpu.memory_space<hbm>>
      %dma_start3A_30 = tpu.memref_slice %arg3[%mul3A_2] : memref<320000xi32, #tpu.memory_space<hbm>> -> memref<10000xi32, #tpu.memory_space<hbm>>
      tpu.enqueue_dma source(%dma_start3A_30 : memref<10000xi32, #tpu.memory_space<hbm>>) target(%arg8 : memref<10000xi32, #tpu.memory_space<vmem>>) target_semaphore(%run_scoped3A_28 : memref<!tpu.dma_semaphore, #tpu.memory_space<semaphore_mem>>)
      %dma_wait3A_31 = tpu.memref_slice %arg3[%mul3A_2] : memref<320000xi32, #tpu.memory_space<hbm>> -> memref<10000xi32, #tpu.memory_space<hbm>>
      %dma_wait3A_32 = tpu.memref_slice %arg3[%mul3A_2] : memref<320000xi32, #tpu.memory_space<hbm>> -> memref<10000xi32, #tpu.memory_space<hbm>>
      tpu.wait_dma2 semaphore(%run_scoped3A_28 : memref<!tpu.dma_semaphore, #tpu.memory_space<semaphore_mem>>) src(%dma_wait3A_32 : memref<10000xi32, #tpu.memory_space<hbm>>) dst(%arg8 : memref<10000xi32, #tpu.memory_space<vmem>>)
      tpu.yield
    }) : () -> ()
    "tpu.region"() ({
      %run_scoped3A_28 = tpu.sem_alloc : memref<!tpu.dma_semaphore, #tpu.memory_space<semaphore_mem>>
      %dma_start3A_29 = arith.constant 0 : i32
      %dma_start3A_30 = arith.constant 0 : i32
      %dma_start3A_31 = tpu.memref_slice %arg4[%add3A, %dma_start3A_29, %dma_start3A_30] : memref<32x125x80xi32, #tpu.memory_space<hbm>> -> memref<1x125x80xi32, #tpu.memory_space<hbm>>
      %dma_start3A_32 = tpu.memref_squeeze %dma_start3A_31 : memref<1x125x80xi32, #tpu.memory_space<hbm>> -> memref<125x80xi32, #tpu.memory_space<hbm>>
      %dma_start3A_33 = arith.constant 0 : i32
      %dma_start3A_34 = arith.constant 0 : i32
      %dma_start3A_35 = tpu.memref_slice %arg4[%add3A, %dma_start3A_33, %dma_start3A_34] : memref<32x125x80xi32, #tpu.memory_space<hbm>> -> memref<1x125x80xi32, #tpu.memory_space<hbm>>
      %dma_start3A_36 = tpu.memref_squeeze %dma_start3A_35 : memref<1x125x80xi32, #tpu.memory_space<hbm>> -> memref<125x80xi32, #tpu.memory_space<hbm>>
      tpu.enqueue_dma source(%dma_start3A_36 : memref<125x80xi32, #tpu.memory_space<hbm>>) target(%arg9 : memref<125x80xi32, #tpu.memory_space<vmem>>) target_semaphore(%run_scoped3A_28 : memref<!tpu.dma_semaphore, #tpu.memory_space<semaphore_mem>>)
      %dma_wait3A_37 = arith.constant 0 : i32
      %dma_wait3A_38 = arith.constant 0 : i32
      %dma_wait3A_39 = tpu.memref_slice %arg4[%add3A, %dma_wait3A_37, %dma_wait3A_38] : memref<32x125x80xi32, #tpu.memory_space<hbm>> -> memref<1x125x80xi32, #tpu.memory_space<hbm>>
      %dma_wait3A_40 = tpu.memref_squeeze %dma_wait3A_39 : memref<1x125x80xi32, #tpu.memory_space<hbm>> -> memref<125x80xi32, #tpu.memory_space<hbm>>
      %dma_wait3A_41 = arith.constant 0 : i32
      %dma_wait3A_42 = arith.constant 0 : i32
      %dma_wait3A_43 = tpu.memref_slice %arg4[%add3A, %dma_wait3A_41, %dma_wait3A_42] : memref<32x125x80xi32, #tpu.memory_space<hbm>> -> memref<1x125x80xi32, #tpu.memory_space<hbm>>
      %dma_wait3A_44 = tpu.memref_squeeze %dma_wait3A_43 : memref<1x125x80xi32, #tpu.memory_space<hbm>> -> memref<125x80xi32, #tpu.memory_space<hbm>>
      tpu.wait_dma2 semaphore(%run_scoped3A_28 : memref<!tpu.dma_semaphore, #tpu.memory_space<semaphore_mem>>) src(%dma_wait3A_44 : memref<125x80xi32, #tpu.memory_space<hbm>>) dst(%arg9 : memref<125x80xi32, #tpu.memory_space<vmem>>)
      tpu.yield
    }) : () -> ()
    %mul3A_3 = arith.constant 10000 : i32
    %mul3A_4 = arith.muli %add3A, %mul3A_3 : i32
    "tpu.region"() ({
      %run_scoped3A_28 = tpu.sem_alloc : memref<!tpu.dma_semaphore, #tpu.memory_space<semaphore_mem>>
      %dma_start3A_29 = tpu.memref_slice %arg5[%mul3A_4] : memref<320000xf32, #tpu.memory_space<hbm>> -> memref<10000xf32, #tpu.memory_space<hbm>>
      %dma_start3A_30 = tpu.memref_slice %arg5[%mul3A_4] : memref<320000xf32, #tpu.memory_space<hbm>> -> memref<10000xf32, #tpu.memory_space<hbm>>
      tpu.enqueue_dma source(%dma_start3A_30 : memref<10000xf32, #tpu.memory_space<hbm>>) target(%arg10 : memref<10000xf32, #tpu.memory_space<vmem>>) target_semaphore(%run_scoped3A_28 : memref<!tpu.dma_semaphore, #tpu.memory_space<semaphore_mem>>)
      %dma_wait3A_31 = tpu.memref_slice %arg5[%mul3A_4] : memref<320000xf32, #tpu.memory_space<hbm>> -> memref<10000xf32, #tpu.memory_space<hbm>>
      %dma_wait3A_32 = tpu.memref_slice %arg5[%mul3A_4] : memref<320000xf32, #tpu.memory_space<hbm>> -> memref<10000xf32, #tpu.memory_space<hbm>>
      tpu.wait_dma2 semaphore(%run_scoped3A_28 : memref<!tpu.dma_semaphore, #tpu.memory_space<semaphore_mem>>) src(%dma_wait3A_32 : memref<10000xf32, #tpu.memory_space<hbm>>) dst(%arg10 : memref<10000xf32, #tpu.memory_space<vmem>>)
      tpu.yield
    }) : () -> ()
    %lt3A = arith.constant 10 : i32
    %lt3A_5 = arith.cmpi slt, %arg1, %lt3A : i32
    %convert_element_type3A = arith.extui %lt3A_5 : i1 to i32
    %cond3A = arith.constant 0 : i32
    %cond3A_6 = arith.cmpi ne, %convert_element_type3A, %cond3A : i32
    scf.if %cond3A_6 {
      %mul3A_28 = arith.constant 1000 : i32
      %mul3A_29 = arith.muli %arg1, %mul3A_28 : i32
      %mul3A_30 = arith.constant 1000 : i32
      %mul3A_31 = arith.muli %arg1, %mul3A_30 : i32
      "tpu.region"() ({
        %run_scoped3A_32 = tpu.sem_alloc : memref<!tpu.dma_semaphore, #tpu.memory_space<semaphore_mem>>
        %dma_start3A_33 = arith.constant 0 : i32
        %dma_start3A_34 = tpu.memref_slice %arg15[%mul3A_31, %dma_start3A_33] : memref<10000x128xf32, #tpu.memory_space<vmem_shared>> -> memref<1000x128xf32, #tpu.memory_space<vmem_shared>>
        %dma_start3A_35 = arith.constant 0 : i32
        %dma_start3A_36 = tpu.memref_slice %arg6[%mul3A_29, %dma_start3A_35] : memref<10000x128xf32, #tpu.memory_space<hbm>> -> memref<1000x128xf32, #tpu.memory_space<hbm>>
        tpu.enqueue_dma source(%dma_start3A_36 : memref<1000x128xf32, #tpu.memory_space<hbm>>) target(%dma_start3A_34 : memref<1000x128xf32, #tpu.memory_space<vmem_shared>>) target_semaphore(%run_scoped3A_32 : memref<!tpu.dma_semaphore, #tpu.memory_space<semaphore_mem>>)
        %dma_wait3A_37 = arith.constant 0 : i32
        %dma_wait3A_38 = tpu.memref_slice %arg15[%mul3A_31, %dma_wait3A_37] : memref<10000x128xf32, #tpu.memory_space<vmem_shared>> -> memref<1000x128xf32, #tpu.memory_space<vmem_shared>>
        %dma_wait3A_39 = arith.constant 0 : i32
        %dma_wait3A_40 = tpu.memref_slice %arg6[%mul3A_29, %dma_wait3A_39] : memref<10000x128xf32, #tpu.memory_space<hbm>> -> memref<1000x128xf32, #tpu.memory_space<hbm>>
        tpu.wait_dma2 semaphore(%run_scoped3A_32 : memref<!tpu.dma_semaphore, #tpu.memory_space<semaphore_mem>>) src(%dma_wait3A_40 : memref<1000x128xf32, #tpu.memory_space<hbm>>) dst(%dma_wait3A_38 : memref<1000x128xf32, #tpu.memory_space<vmem_shared>>)
        tpu.yield
      }) : () -> ()
    } else {
    }
    %barrier3A = arith.constant 0 : index
    tpu.barrier barrier_id(%barrier3A)
    %dma_start3A = arith.constant 0 : i32
    %dma_start3A_7 = tpu.memref_slice %arg8[%dma_start3A] : memref<10000xi32, #tpu.memory_space<vmem>> -> memref<80xi32, #tpu.memory_space<vmem>>
    %dma_start3A_8 = arith.constant 0 : i32
    %dma_start3A_9 = arith.constant 0 : i32
    %dma_start3A_10 = tpu.memref_slice %arg2[%dma_start3A_8, %dma_start3A_9] : memref<10000x128xf32, #tpu.memory_space<hbm>> -> memref<10000x128xf32, #tpu.memory_space<hbm>>
    tpu.enqueue_indirect_dma source(%dma_start3A_10 : memref<10000x128xf32, #tpu.memory_space<hbm>>) target(%arg11 : memref<80x128xf32, #tpu.memory_space<vmem>>) offsets(%dma_start3A_7 : memref<80xi32, #tpu.memory_space<vmem>>) semaphore(%arg13 : memref<!tpu.dma_semaphore, #tpu.memory_space<semaphore_mem>>)
    %scan3A = arith.constant 0 : i32
    %scan3A_11 = arith.constant 0 : i32
    %scan3A_12 = arith.constant 62 : i32
    %scan3A_13 = arith.addi %scan3A_11, %scan3A_12 : i32
    %scan3A_14 = arith.constant 1 : i32
    scf.for %scan3A_28 = %scan3A_11 to %scan3A_13 step %scan3A_14  : i32 {
      %mul3A_29 = arith.constant 2 : i32
      %mul3A_30 = arith.muli %mul3A_29, %scan3A_28 : i32
      %add3A_31 = arith.constant 1 : i32
      %add3A_32 = arith.addi %mul3A_30, %add3A_31 : i32
      %mul3A_33 = arith.constant 80 : i32
      %mul3A_34 = arith.muli %add3A_32, %mul3A_33 : i32
      %dma_start3A_35 = tpu.memref_slice %arg8[%mul3A_34] : memref<10000xi32, #tpu.memory_space<vmem>> -> memref<80xi32, #tpu.memory_space<vmem>>
      %dma_start3A_36 = arith.constant 0 : i32
      %dma_start3A_37 = arith.constant 0 : i32
      %dma_start3A_38 = tpu.memref_slice %arg2[%dma_start3A_36, %dma_start3A_37] : memref<10000x128xf32, #tpu.memory_space<hbm>> -> memref<10000x128xf32, #tpu.memory_space<hbm>>
      tpu.enqueue_indirect_dma source(%dma_start3A_38 : memref<10000x128xf32, #tpu.memory_space<hbm>>) target(%arg12 : memref<80x128xf32, #tpu.memory_space<vmem>>) offsets(%dma_start3A_35 : memref<80xi32, #tpu.memory_space<vmem>>) semaphore(%arg14 : memref<!tpu.dma_semaphore, #tpu.memory_space<semaphore_mem>>)
      %mul3A_39 = arith.constant 80 : i32
      %mul3A_40 = arith.muli %mul3A_30, %mul3A_39 : i32
      %dma_wait3A_41 = tpu.memref_slice %arg8[%mul3A_40] : memref<10000xi32, #tpu.memory_space<vmem>> -> memref<80xi32, #tpu.memory_space<vmem>>
      %dma_wait3A_42 = arith.constant 0 : i32
      %dma_wait3A_43 = arith.constant 0 : i32
      %dma_wait3A_44 = tpu.memref_slice %arg2[%dma_wait3A_42, %dma_wait3A_43] : memref<10000x128xf32, #tpu.memory_space<hbm>> -> memref<10000x128xf32, #tpu.memory_space<hbm>>
      tpu.wait_indirect_dma semaphore(%arg13 : memref<!tpu.dma_semaphore, #tpu.memory_space<semaphore_mem>>) src(%dma_wait3A_44 : memref<10000x128xf32, #tpu.memory_space<hbm>>) dst(%arg11 : memref<80x128xf32, #tpu.memory_space<vmem>>)
      %parallel_loop3A_45 = arith.constant 0 : i32
      %parallel_loop3A_46 = arith.constant 80 : i32
      %parallel_loop3A_47 = arith.constant 1 : i32
      scf.for %parallel_loop3A_67 = %parallel_loop3A_45 to %parallel_loop3A_46 step %parallel_loop3A_47  : i32 {
        %parallel_loop3A_68 = arith.constant 80 : i32
        %parallel_loop3A_69 = arith.muli %mul3A_30, %parallel_loop3A_68 : i32
        %parallel_loop3A_70 = arith.addi %parallel_loop3A_69, %parallel_loop3A_67 : i32
        %parallel_loop3A_71 = vector.broadcast %parallel_loop3A_70 : i32 to vector<16xi32>
        %parallel_loop3A_72 = tpu.vector_load_idx %arg10[%parallel_loop3A_71] : memref<10000xf32, #tpu.memory_space<vmem>>[vector<16xi32>], vector<16xf32>,
        %parallel_loop3A_73 = arith.index_cast %parallel_loop3A_67 : i32 to index
        %parallel_loop3A_74 = arith.constant 0 : index
        %parallel_loop3A_75 = tpu.vector_load %arg11[%parallel_loop3A_73, %parallel_loop3A_74] {strides = array<i32>} : memref<80x128xf32, #tpu.memory_space<vmem>>, vector<16xf32>,
        %parallel_loop3A_76 = arith.mulf %parallel_loop3A_75, %parallel_loop3A_72 : vector<16xf32>
        %parallel_loop3A_77 = arith.index_cast %parallel_loop3A_67 : i32 to index
        %parallel_loop3A_78 = arith.constant 0 : index
        %parallel_loop3A_79 = tpu.vector_load %arg11[%parallel_loop3A_77, %parallel_loop3A_78] {strides = array<i32>} : memref<80x128xf32, #tpu.memory_space<vmem>>, vector<16xf32>,
        tpu.vector_store %arg11[%parallel_loop3A_77, %parallel_loop3A_78], %parallel_loop3A_76 {strides = array<i32>} : memref<80x128xf32, #tpu.memory_space<vmem>>, vector<16xf32>,
        %parallel_loop3A_80 = arith.index_cast %parallel_loop3A_67 : i32 to index
        %parallel_loop3A_81 = arith.constant 16 : index
        %parallel_loop3A_82 = tpu.vector_load %arg11[%parallel_loop3A_80, %parallel_loop3A_81] {strides = array<i32>} : memref<80x128xf32, #tpu.memory_space<vmem>>, vector<16xf32>,
        %parallel_loop3A_83 = arith.mulf %parallel_loop3A_82, %parallel_loop3A_72 : vector<16xf32>
        %parallel_loop3A_84 = arith.index_cast %parallel_loop3A_67 : i32 to index
        %parallel_loop3A_85 = arith.constant 16 : index
        %parallel_loop3A_86 = tpu.vector_load %arg11[%parallel_loop3A_84, %parallel_loop3A_85] {strides = array<i32>} : memref<80x128xf32, #tpu.memory_space<vmem>>, vector<16xf32>,
        tpu.vector_store %arg11[%parallel_loop3A_84, %parallel_loop3A_85], %parallel_loop3A_83 {strides = array<i32>} : memref<80x128xf32, #tpu.memory_space<vmem>>, vector<16xf32>,
        %parallel_loop3A_87 = arith.index_cast %parallel_loop3A_67 : i32 to index
        %parallel_loop3A_88 = arith.constant 32 : index
        %parallel_loop3A_89 = tpu.vector_load %arg11[%parallel_loop3A_87, %parallel_loop3A_88] {strides = array<i32>} : memref<80x128xf32, #tpu.memory_space<vmem>>, vector<16xf32>,
        %parallel_loop3A_90 = arith.mulf %parallel_loop3A_89, %parallel_loop3A_72 : vector<16xf32>
        %parallel_loop3A_91 = arith.index_cast %parallel_loop3A_67 : i32 to index
        %parallel_loop3A_92 = arith.constant 32 : index
        %parallel_loop3A_93 = tpu.vector_load %arg11[%parallel_loop3A_91, %parallel_loop3A_92] {strides = array<i32>} : memref<80x128xf32, #tpu.memory_space<vmem>>, vector<16xf32>,
        tpu.vector_store %arg11[%parallel_loop3A_91, %parallel_loop3A_92], %parallel_loop3A_90 {strides = array<i32>} : memref<80x128xf32, #tpu.memory_space<vmem>>, vector<16xf32>,
        %parallel_loop3A_94 = arith.index_cast %parallel_loop3A_67 : i32 to index
        %parallel_loop3A_95 = arith.constant 48 : index
        %parallel_loop3A_96 = tpu.vector_load %arg11[%parallel_loop3A_94, %parallel_loop3A_95] {strides = array<i32>} : memref<80x128xf32, #tpu.memory_space<vmem>>, vector<16xf32>,
        %parallel_loop3A_97 = arith.mulf %parallel_loop3A_96, %parallel_loop3A_72 : vector<16xf32>
        %parallel_loop3A_98 = arith.index_cast %parallel_loop3A_67 : i32 to index
        %parallel_loop3A_99 = arith.constant 48 : index
        %parallel_loop3A_100 = tpu.vector_load %arg11[%parallel_loop3A_98, %parallel_loop3A_99] {strides = array<i32>} : memref<80x128xf32, #tpu.memory_space<vmem>>, vector<16xf32>,
        tpu.vector_store %arg11[%parallel_loop3A_98, %parallel_loop3A_99], %parallel_loop3A_97 {strides = array<i32>} : memref<80x128xf32, #tpu.memory_space<vmem>>, vector<16xf32>,
        %parallel_loop3A_101 = arith.index_cast %parallel_loop3A_67 : i32 to index
        %parallel_loop3A_102 = arith.constant 64 : index
        %parallel_loop3A_103 = tpu.vector_load %arg11[%parallel_loop3A_101, %parallel_loop3A_102] {strides = array<i32>} : memref<80x128xf32, #tpu.memory_space<vmem>>, vector<16xf32>,
        %parallel_loop3A_104 = arith.mulf %parallel_loop3A_103, %parallel_loop3A_72 : vector<16xf32>
        %parallel_loop3A_105 = arith.index_cast %parallel_loop3A_67 : i32 to index
        %parallel_loop3A_106 = arith.constant 64 : index
        %parallel_loop3A_107 = tpu.vector_load %arg11[%parallel_loop3A_105, %parallel_loop3A_106] {strides = array<i32>} : memref<80x128xf32, #tpu.memory_space<vmem>>, vector<16xf32>,
        tpu.vector_store %arg11[%parallel_loop3A_105, %parallel_loop3A_106], %parallel_loop3A_104 {strides = array<i32>} : memref<80x128xf32, #tpu.memory_space<vmem>>, vector<16xf32>,
        %parallel_loop3A_108 = arith.index_cast %parallel_loop3A_67 : i32 to index
        %parallel_loop3A_109 = arith.constant 80 : index
        %parallel_loop3A_110 = tpu.vector_load %arg11[%parallel_loop3A_108, %parallel_loop3A_109] {strides = array<i32>} : memref<80x128xf32, #tpu.memory_space<vmem>>, vector<16xf32>,
        %parallel_loop3A_111 = arith.mulf %parallel_loop3A_110, %parallel_loop3A_72 : vector<16xf32>
        %parallel_loop3A_112 = arith.index_cast %parallel_loop3A_67 : i32 to index
        %parallel_loop3A_113 = arith.constant 80 : index
        %parallel_loop3A_114 = tpu.vector_load %arg11[%parallel_loop3A_112, %parallel_loop3A_113] {strides = array<i32>} : memref<80x128xf32, #tpu.memory_space<vmem>>, vector<16xf32>,
        tpu.vector_store %arg11[%parallel_loop3A_112, %parallel_loop3A_113], %parallel_loop3A_111 {strides = array<i32>} : memref<80x128xf32, #tpu.memory_space<vmem>>, vector<16xf32>,
        %parallel_loop3A_115 = arith.index_cast %parallel_loop3A_67 : i32 to index
        %parallel_loop3A_116 = arith.constant 96 : index
        %parallel_loop3A_117 = tpu.vector_load %arg11[%parallel_loop3A_115, %parallel_loop3A_116] {strides = array<i32>} : memref<80x128xf32, #tpu.memory_space<vmem>>, vector<16xf32>,
        %parallel_loop3A_118 = arith.mulf %parallel_loop3A_117, %parallel_loop3A_72 : vector<16xf32>
        %parallel_loop3A_119 = arith.index_cast %parallel_loop3A_67 : i32 to index
        %parallel_loop3A_120 = arith.constant 96 : index
        %parallel_loop3A_121 = tpu.vector_load %arg11[%parallel_loop3A_119, %parallel_loop3A_120] {strides = array<i32>} : memref<80x128xf32, #tpu.memory_space<vmem>>, vector<16xf32>,
        tpu.vector_store %arg11[%parallel_loop3A_119, %parallel_loop3A_120], %parallel_loop3A_118 {strides = array<i32>} : memref<80x128xf32, #tpu.memory_space<vmem>>, vector<16xf32>,
        %parallel_loop3A_122 = arith.index_cast %parallel_loop3A_67 : i32 to index
        %parallel_loop3A_123 = arith.constant 112 : index
        %parallel_loop3A_124 = tpu.vector_load %arg11[%parallel_loop3A_122, %parallel_loop3A_123] {strides = array<i32>} : memref<80x128xf32, #tpu.memory_space<vmem>>, vector<16xf32>,
        %parallel_loop3A_125 = arith.mulf %parallel_loop3A_124, %parallel_loop3A_72 : vector<16xf32>
        %parallel_loop3A_126 = arith.index_cast %parallel_loop3A_67 : i32 to index
        %parallel_loop3A_127 = arith.constant 112 : index
        %parallel_loop3A_128 = tpu.vector_load %arg11[%parallel_loop3A_126, %parallel_loop3A_127] {strides = array<i32>} : memref<80x128xf32, #tpu.memory_space<vmem>>, vector<16xf32>,
        tpu.vector_store %arg11[%parallel_loop3A_126, %parallel_loop3A_127], %parallel_loop3A_125 {strides = array<i32>} : memref<80x128xf32, #tpu.memory_space<vmem>>, vector<16xf32>,
      } {sc.loop_unroll_factor = 8 : i64, sc.parallel_access}
      "tpu.region"() ({
        %run_scoped3A_67 = tpu.sem_alloc : memref<!tpu.dma_semaphore, #tpu.memory_space<semaphore_mem>>
        %dma_start3A_68 = arith.constant 0 : i32
        %dma_start3A_69 = tpu.memref_slice %arg9[%mul3A_30, %dma_start3A_68] : memref<125x80xi32, #tpu.memory_space<vmem>> -> memref<1x80xi32, #tpu.memory_space<vmem>>
        %dma_start3A_70 = tpu.memref_squeeze %dma_start3A_69 : memref<1x80xi32, #tpu.memory_space<vmem>> -> memref<80xi32, #tpu.memory_space<vmem>>
        %dma_start3A_71 = arith.constant 0 : i32
        %dma_start3A_72 = arith.constant 0 : i32
        %dma_start3A_73 = tpu.memref_slice %arg15[%dma_start3A_71, %dma_start3A_72] : memref<10000x128xf32, #tpu.memory_space<vmem_shared>> -> memref<10000x128xf32, #tpu.memory_space<vmem_shared>>
        tpu.enqueue_indirect_dma source(%arg11 : memref<80x128xf32, #tpu.memory_space<vmem>>) target(%dma_start3A_73 : memref<10000x128xf32, #tpu.memory_space<vmem_shared>>) offsets(%dma_start3A_70 : memref<80xi32, #tpu.memory_space<vmem>>) semaphore(%run_scoped3A_67 : memref<!tpu.dma_semaphore, #tpu.memory_space<semaphore_mem>>) {add = true}
        %dma_wait3A_74 = arith.constant 0 : i32
        %dma_wait3A_75 = tpu.memref_slice %arg9[%mul3A_30, %dma_wait3A_74] : memref<125x80xi32, #tpu.memory_space<vmem>> -> memref<1x80xi32, #tpu.memory_space<vmem>>
        %dma_wait3A_76 = tpu.memref_squeeze %dma_wait3A_75 : memref<1x80xi32, #tpu.memory_space<vmem>> -> memref<80xi32, #tpu.memory_space<vmem>>
        %dma_wait3A_77 = arith.constant 0 : i32
        %dma_wait3A_78 = arith.constant 0 : i32
        %dma_wait3A_79 = tpu.memref_slice %arg15[%dma_wait3A_77, %dma_wait3A_78] : memref<10000x128xf32, #tpu.memory_space<vmem_shared>> -> memref<10000x128xf32, #tpu.memory_space<vmem_shared>>
        tpu.wait_indirect_dma semaphore(%run_scoped3A_67 : memref<!tpu.dma_semaphore, #tpu.memory_space<semaphore_mem>>) src(%arg11 : memref<80x128xf32, #tpu.memory_space<vmem>>) dst(%dma_wait3A_79 : memref<10000x128xf32, #tpu.memory_space<vmem_shared>>)
        tpu.yield
      }) : () -> ()
      %add3A_48 = arith.constant 2 : i32
      %add3A_49 = arith.addi %mul3A_30, %add3A_48 : i32
      %mul3A_50 = arith.constant 80 : i32
      %mul3A_51 = arith.muli %add3A_49, %mul3A_50 : i32
      %dma_start3A_52 = tpu.memref_slice %arg8[%mul3A_51] : memref<10000xi32, #tpu.memory_space<vmem>> -> memref<80xi32, #tpu.memory_space<vmem>>
      %dma_start3A_53 = arith.constant 0 : i32
      %dma_start3A_54 = arith.constant 0 : i32
      %dma_start3A_55 = tpu.memref_slice %arg2[%dma_start3A_53, %dma_start3A_54] : memref<10000x128xf32, #tpu.memory_space<hbm>> -> memref<10000x128xf32, #tpu.memory_space<hbm>>
      tpu.enqueue_indirect_dma source(%dma_start3A_55 : memref<10000x128xf32, #tpu.memory_space<hbm>>) target(%arg11 : memref<80x128xf32, #tpu.memory_space<vmem>>) offsets(%dma_start3A_52 : memref<80xi32, #tpu.memory_space<vmem>>) semaphore(%arg13 : memref<!tpu.dma_semaphore, #tpu.memory_space<semaphore_mem>>)
      %add3A_56 = arith.constant 1 : i32
      %add3A_57 = arith.addi %mul3A_30, %add3A_56 : i32
      %mul3A_58 = arith.constant 80 : i32
      %mul3A_59 = arith.muli %add3A_57, %mul3A_58 : i32
      %dma_wait3A_60 = tpu.memref_slice %arg8[%mul3A_59] : memref<10000xi32, #tpu.memory_space<vmem>> -> memref<80xi32, #tpu.memory_space<vmem>>
      %dma_wait3A_61 = arith.constant 0 : i32
      %dma_wait3A_62 = arith.constant 0 : i32
      %dma_wait3A_63 = tpu.memref_slice %arg2[%dma_wait3A_61, %dma_wait3A_62] : memref<10000x128xf32, #tpu.memory_space<hbm>> -> memref<10000x128xf32, #tpu.memory_space<hbm>>
      tpu.wait_indirect_dma semaphore(%arg14 : memref<!tpu.dma_semaphore, #tpu.memory_space<semaphore_mem>>) src(%dma_wait3A_63 : memref<10000x128xf32, #tpu.memory_space<hbm>>) dst(%arg12 : memref<80x128xf32, #tpu.memory_space<vmem>>)
      %parallel_loop3A_64 = arith.constant 0 : i32
      %parallel_loop3A_65 = arith.constant 80 : i32
      %parallel_loop3A_66 = arith.constant 1 : i32
      scf.for %parallel_loop3A_67 = %parallel_loop3A_64 to %parallel_loop3A_65 step %parallel_loop3A_66  : i32 {
        %parallel_loop3A_68 = arith.constant 80 : i32
        %parallel_loop3A_69 = arith.muli %add3A_57, %parallel_loop3A_68 : i32
        %parallel_loop3A_70 = arith.addi %parallel_loop3A_69, %parallel_loop3A_67 : i32
        %parallel_loop3A_71 = vector.broadcast %parallel_loop3A_70 : i32 to vector<16xi32>
        %parallel_loop3A_72 = tpu.vector_load_idx %arg10[%parallel_loop3A_71] : memref<10000xf32, #tpu.memory_space<vmem>>[vector<16xi32>], vector<16xf32>,
        %parallel_loop3A_73 = arith.index_cast %parallel_loop3A_67 : i32 to index
        %parallel_loop3A_74 = arith.constant 0 : index
        %parallel_loop3A_75 = tpu.vector_load %arg12[%parallel_loop3A_73, %parallel_loop3A_74] {strides = array<i32>} : memref<80x128xf32, #tpu.memory_space<vmem>>, vector<16xf32>,
        %parallel_loop3A_76 = arith.mulf %parallel_loop3A_75, %parallel_loop3A_72 : vector<16xf32>
        %parallel_loop3A_77 = arith.index_cast %parallel_loop3A_67 : i32 to index
        %parallel_loop3A_78 = arith.constant 0 : index
        %parallel_loop3A_79 = tpu.vector_load %arg12[%parallel_loop3A_77, %parallel_loop3A_78] {strides = array<i32>} : memref<80x128xf32, #tpu.memory_space<vmem>>, vector<16xf32>,
        tpu.vector_store %arg12[%parallel_loop3A_77, %parallel_loop3A_78], %parallel_loop3A_76 {strides = array<i32>} : memref<80x128xf32, #tpu.memory_space<vmem>>, vector<16xf32>,
        %parallel_loop3A_80 = arith.index_cast %parallel_loop3A_67 : i32 to index
        %parallel_loop3A_81 = arith.constant 16 : index
        %parallel_loop3A_82 = tpu.vector_load %arg12[%parallel_loop3A_80, %parallel_loop3A_81] {strides = array<i32>} : memref<80x128xf32, #tpu.memory_space<vmem>>, vector<16xf32>,
        %parallel_loop3A_83 = arith.mulf %parallel_loop3A_82, %parallel_loop3A_72 : vector<16xf32>
        %parallel_loop3A_84 = arith.index_cast %parallel_loop3A_67 : i32 to index
        %parallel_loop3A_85 = arith.constant 16 : index
        %parallel_loop3A_86 = tpu.vector_load %arg12[%parallel_loop3A_84, %parallel_loop3A_85] {strides = array<i32>} : memref<80x128xf32, #tpu.memory_space<vmem>>, vector<16xf32>,
        tpu.vector_store %arg12[%parallel_loop3A_84, %parallel_loop3A_85], %parallel_loop3A_83 {strides = array<i32>} : memref<80x128xf32, #tpu.memory_space<vmem>>, vector<16xf32>,
        %parallel_loop3A_87 = arith.index_cast %parallel_loop3A_67 : i32 to index
        %parallel_loop3A_88 = arith.constant 32 : index
        %parallel_loop3A_89 = tpu.vector_load %arg12[%parallel_loop3A_87, %parallel_loop3A_88] {strides = array<i32>} : memref<80x128xf32, #tpu.memory_space<vmem>>, vector<16xf32>,
        %parallel_loop3A_90 = arith.mulf %parallel_loop3A_89, %parallel_loop3A_72 : vector<16xf32>
        %parallel_loop3A_91 = arith.index_cast %parallel_loop3A_67 : i32 to index
        %parallel_loop3A_92 = arith.constant 32 : index
        %parallel_loop3A_93 = tpu.vector_load %arg12[%parallel_loop3A_91, %parallel_loop3A_92] {strides = array<i32>} : memref<80x128xf32, #tpu.memory_space<vmem>>, vector<16xf32>,
        tpu.vector_store %arg12[%parallel_loop3A_91, %parallel_loop3A_92], %parallel_loop3A_90 {strides = array<i32>} : memref<80x128xf32, #tpu.memory_space<vmem>>, vector<16xf32>,
        %parallel_loop3A_94 = arith.index_cast %parallel_loop3A_67 : i32 to index
        %parallel_loop3A_95 = arith.constant 48 : index
        %parallel_loop3A_96 = tpu.vector_load %arg12[%parallel_loop3A_94, %parallel_loop3A_95] {strides = array<i32>} : memref<80x128xf32, #tpu.memory_space<vmem>>, vector<16xf32>,
        %parallel_loop3A_97 = arith.mulf %parallel_loop3A_96, %parallel_loop3A_72 : vector<16xf32>
        %parallel_loop3A_98 = arith.index_cast %parallel_loop3A_67 : i32 to index
        %parallel_loop3A_99 = arith.constant 48 : index
        %parallel_loop3A_100 = tpu.vector_load %arg12[%parallel_loop3A_98, %parallel_loop3A_99] {strides = array<i32>} : memref<80x128xf32, #tpu.memory_space<vmem>>, vector<16xf32>,
        tpu.vector_store %arg12[%parallel_loop3A_98, %parallel_loop3A_99], %parallel_loop3A_97 {strides = array<i32>} : memref<80x128xf32, #tpu.memory_space<vmem>>, vector<16xf32>,
        %parallel_loop3A_101 = arith.index_cast %parallel_loop3A_67 : i32 to index
        %parallel_loop3A_102 = arith.constant 64 : index
        %parallel_loop3A_103 = tpu.vector_load %arg12[%parallel_loop3A_101, %parallel_loop3A_102] {strides = array<i32>} : memref<80x128xf32, #tpu.memory_space<vmem>>, vector<16xf32>,
        %parallel_loop3A_104 = arith.mulf %parallel_loop3A_103, %parallel_loop3A_72 : vector<16xf32>
        %parallel_loop3A_105 = arith.index_cast %parallel_loop3A_67 : i32 to index
        %parallel_loop3A_106 = arith.constant 64 : index
        %parallel_loop3A_107 = tpu.vector_load %arg12[%parallel_loop3A_105, %parallel_loop3A_106] {strides = array<i32>} : memref<80x128xf32, #tpu.memory_space<vmem>>, vector<16xf32>,
        tpu.vector_store %arg12[%parallel_loop3A_105, %parallel_loop3A_106], %parallel_loop3A_104 {strides = array<i32>} : memref<80x128xf32, #tpu.memory_space<vmem>>, vector<16xf32>,
        %parallel_loop3A_108 = arith.index_cast %parallel_loop3A_67 : i32 to index
        %parallel_loop3A_109 = arith.constant 80 : index
        %parallel_loop3A_110 = tpu.vector_load %arg12[%parallel_loop3A_108, %parallel_loop3A_109] {strides = array<i32>} : memref<80x128xf32, #tpu.memory_space<vmem>>, vector<16xf32>,
        %parallel_loop3A_111 = arith.mulf %parallel_loop3A_110, %parallel_loop3A_72 : vector<16xf32>
        %parallel_loop3A_112 = arith.index_cast %parallel_loop3A_67 : i32 to index
        %parallel_loop3A_113 = arith.constant 80 : index
        %parallel_loop3A_114 = tpu.vector_load %arg12[%parallel_loop3A_112, %parallel_loop3A_113] {strides = array<i32>} : memref<80x128xf32, #tpu.memory_space<vmem>>, vector<16xf32>,
        tpu.vector_store %arg12[%parallel_loop3A_112, %parallel_loop3A_113], %parallel_loop3A_111 {strides = array<i32>} : memref<80x128xf32, #tpu.memory_space<vmem>>, vector<16xf32>,
        %parallel_loop3A_115 = arith.index_cast %parallel_loop3A_67 : i32 to index
        %parallel_loop3A_116 = arith.constant 96 : index
        %parallel_loop3A_117 = tpu.vector_load %arg12[%parallel_loop3A_115, %parallel_loop3A_116] {strides = array<i32>} : memref<80x128xf32, #tpu.memory_space<vmem>>, vector<16xf32>,
        %parallel_loop3A_118 = arith.mulf %parallel_loop3A_117, %parallel_loop3A_72 : vector<16xf32>
        %parallel_loop3A_119 = arith.index_cast %parallel_loop3A_67 : i32 to index
        %parallel_loop3A_120 = arith.constant 96 : index
        %parallel_loop3A_121 = tpu.vector_load %arg12[%parallel_loop3A_119, %parallel_loop3A_120] {strides = array<i32>} : memref<80x128xf32, #tpu.memory_space<vmem>>, vector<16xf32>,
        tpu.vector_store %arg12[%parallel_loop3A_119, %parallel_loop3A_120], %parallel_loop3A_118 {strides = array<i32>} : memref<80x128xf32, #tpu.memory_space<vmem>>, vector<16xf32>,
        %parallel_loop3A_122 = arith.index_cast %parallel_loop3A_67 : i32 to index
        %parallel_loop3A_123 = arith.constant 112 : index
        %parallel_loop3A_124 = tpu.vector_load %arg12[%parallel_loop3A_122, %parallel_loop3A_123] {strides = array<i32>} : memref<80x128xf32, #tpu.memory_space<vmem>>, vector<16xf32>,
        %parallel_loop3A_125 = arith.mulf %parallel_loop3A_124, %parallel_loop3A_72 : vector<16xf32>
        %parallel_loop3A_126 = arith.index_cast %parallel_loop3A_67 : i32 to index
        %parallel_loop3A_127 = arith.constant 112 : index
        %parallel_loop3A_128 = tpu.vector_load %arg12[%parallel_loop3A_126, %parallel_loop3A_127] {strides = array<i32>} : memref<80x128xf32, #tpu.memory_space<vmem>>, vector<16xf32>,
        tpu.vector_store %arg12[%parallel_loop3A_126, %parallel_loop3A_127], %parallel_loop3A_125 {strides = array<i32>} : memref<80x128xf32, #tpu.memory_space<vmem>>, vector<16xf32>,
      } {sc.loop_unroll_factor = 8 : i64, sc.parallel_access}
      "tpu.region"() ({
        %run_scoped3A_67 = tpu.sem_alloc : memref<!tpu.dma_semaphore, #tpu.memory_space<semaphore_mem>>
        %dma_start3A_68 = arith.constant 0 : i32
        %dma_start3A_69 = tpu.memref_slice %arg9[%add3A_57, %dma_start3A_68] : memref<125x80xi32, #tpu.memory_space<vmem>> -> memref<1x80xi32, #tpu.memory_space<vmem>>
        %dma_start3A_70 = tpu.memref_squeeze %dma_start3A_69 : memref<1x80xi32, #tpu.memory_space<vmem>> -> memref<80xi32, #tpu.memory_space<vmem>>
        %dma_start3A_71 = arith.constant 0 : i32
        %dma_start3A_72 = arith.constant 0 : i32
        %dma_start3A_73 = tpu.memref_slice %arg15[%dma_start3A_71, %dma_start3A_72] : memref<10000x128xf32, #tpu.memory_space<vmem_shared>> -> memref<10000x128xf32, #tpu.memory_space<vmem_shared>>
        tpu.enqueue_indirect_dma source(%arg12 : memref<80x128xf32, #tpu.memory_space<vmem>>) target(%dma_start3A_73 : memref<10000x128xf32, #tpu.memory_space<vmem_shared>>) offsets(%dma_start3A_70 : memref<80xi32, #tpu.memory_space<vmem>>) semaphore(%run_scoped3A_67 : memref<!tpu.dma_semaphore, #tpu.memory_space<semaphore_mem>>) {add = true}
        %dma_wait3A_74 = arith.constant 0 : i32
        %dma_wait3A_75 = tpu.memref_slice %arg9[%add3A_57, %dma_wait3A_74] : memref<125x80xi32, #tpu.memory_space<vmem>> -> memref<1x80xi32, #tpu.memory_space<vmem>>
        %dma_wait3A_76 = tpu.memref_squeeze %dma_wait3A_75 : memref<1x80xi32, #tpu.memory_space<vmem>> -> memref<80xi32, #tpu.memory_space<vmem>>
        %dma_wait3A_77 = arith.constant 0 : i32
        %dma_wait3A_78 = arith.constant 0 : i32
        %dma_wait3A_79 = tpu.memref_slice %arg15[%dma_wait3A_77, %dma_wait3A_78] : memref<10000x128xf32, #tpu.memory_space<vmem_shared>> -> memref<10000x128xf32, #tpu.memory_space<vmem_shared>>
        tpu.wait_indirect_dma semaphore(%run_scoped3A_67 : memref<!tpu.dma_semaphore, #tpu.memory_space<semaphore_mem>>) src(%arg12 : memref<80x128xf32, #tpu.memory_space<vmem>>) dst(%dma_wait3A_79 : memref<10000x128xf32, #tpu.memory_space<vmem_shared>>)
        tpu.yield
      }) : () -> ()
    }
    %scan3A_15 = arith.constant 62 : i32
    %dma_wait3A = arith.constant 9920 : i32
    %dma_wait3A_16 = tpu.memref_slice %arg8[%dma_wait3A] : memref<10000xi32, #tpu.memory_space<vmem>> -> memref<80xi32, #tpu.memory_space<vmem>>
    %dma_wait3A_17 = arith.constant 0 : i32
    %dma_wait3A_18 = arith.constant 0 : i32
    %dma_wait3A_19 = tpu.memref_slice %arg2[%dma_wait3A_17, %dma_wait3A_18] : memref<10000x128xf32, #tpu.memory_space<hbm>> -> memref<10000x128xf32, #tpu.memory_space<hbm>>
    tpu.wait_indirect_dma semaphore(%arg13 : memref<!tpu.dma_semaphore, #tpu.memory_space<semaphore_mem>>) src(%dma_wait3A_19 : memref<10000x128xf32, #tpu.memory_space<hbm>>) dst(%arg11 : memref<80x128xf32, #tpu.memory_space<vmem>>)
    %parallel_loop3A = arith.constant 0 : i32
    %parallel_loop3A_20 = arith.constant 80 : i32
    %parallel_loop3A_21 = arith.constant 1 : i32
    scf.for %parallel_loop3A_28 = %parallel_loop3A to %parallel_loop3A_20 step %parallel_loop3A_21  : i32 {
      %parallel_loop3A_29 = arith.constant 9920 : i32
      %parallel_loop3A_30 = arith.addi %parallel_loop3A_29, %parallel_loop3A_28 : i32
      %parallel_loop3A_31 = vector.broadcast %parallel_loop3A_30 : i32 to vector<16xi32>
      %parallel_loop3A_32 = tpu.vector_load_idx %arg10[%parallel_loop3A_31] : memref<10000xf32, #tpu.memory_space<vmem>>[vector<16xi32>], vector<16xf32>,
      %parallel_loop3A_33 = arith.index_cast %parallel_loop3A_28 : i32 to index
      %parallel_loop3A_34 = arith.constant 0 : index
      %parallel_loop3A_35 = tpu.vector_load %arg11[%parallel_loop3A_33, %parallel_loop3A_34] {strides = array<i32>} : memref<80x128xf32, #tpu.memory_space<vmem>>, vector<16xf32>,
      %parallel_loop3A_36 = arith.mulf %parallel_loop3A_35, %parallel_loop3A_32 : vector<16xf32>
      %parallel_loop3A_37 = arith.index_cast %parallel_loop3A_28 : i32 to index
      %parallel_loop3A_38 = arith.constant 0 : index
      %parallel_loop3A_39 = tpu.vector_load %arg11[%parallel_loop3A_37, %parallel_loop3A_38] {strides = array<i32>} : memref<80x128xf32, #tpu.memory_space<vmem>>, vector<16xf32>,
      tpu.vector_store %arg11[%parallel_loop3A_37, %parallel_loop3A_38], %parallel_loop3A_36 {strides = array<i32>} : memref<80x128xf32, #tpu.memory_space<vmem>>, vector<16xf32>,
      %parallel_loop3A_40 = arith.index_cast %parallel_loop3A_28 : i32 to index
      %parallel_loop3A_41 = arith.constant 16 : index
      %parallel_loop3A_42 = tpu.vector_load %arg11[%parallel_loop3A_40, %parallel_loop3A_41] {strides = array<i32>} : memref<80x128xf32, #tpu.memory_space<vmem>>, vector<16xf32>,
      %parallel_loop3A_43 = arith.mulf %parallel_loop3A_42, %parallel_loop3A_32 : vector<16xf32>
      %parallel_loop3A_44 = arith.index_cast %parallel_loop3A_28 : i32 to index
      %parallel_loop3A_45 = arith.constant 16 : index
      %parallel_loop3A_46 = tpu.vector_load %arg11[%parallel_loop3A_44, %parallel_loop3A_45] {strides = array<i32>} : memref<80x128xf32, #tpu.memory_space<vmem>>, vector<16xf32>,
      tpu.vector_store %arg11[%parallel_loop3A_44, %parallel_loop3A_45], %parallel_loop3A_43 {strides = array<i32>} : memref<80x128xf32, #tpu.memory_space<vmem>>, vector<16xf32>,
      %parallel_loop3A_47 = arith.index_cast %parallel_loop3A_28 : i32 to index
      %parallel_loop3A_48 = arith.constant 32 : index
      %parallel_loop3A_49 = tpu.vector_load %arg11[%parallel_loop3A_47, %parallel_loop3A_48] {strides = array<i32>} : memref<80x128xf32, #tpu.memory_space<vmem>>, vector<16xf32>,
      %parallel_loop3A_50 = arith.mulf %parallel_loop3A_49, %parallel_loop3A_32 : vector<16xf32>
      %parallel_loop3A_51 = arith.index_cast %parallel_loop3A_28 : i32 to index
      %parallel_loop3A_52 = arith.constant 32 : index
      %parallel_loop3A_53 = tpu.vector_load %arg11[%parallel_loop3A_51, %parallel_loop3A_52] {strides = array<i32>} : memref<80x128xf32, #tpu.memory_space<vmem>>, vector<16xf32>,
      tpu.vector_store %arg11[%parallel_loop3A_51, %parallel_loop3A_52], %parallel_loop3A_50 {strides = array<i32>} : memref<80x128xf32, #tpu.memory_space<vmem>>, vector<16xf32>,
      %parallel_loop3A_54 = arith.index_cast %parallel_loop3A_28 : i32 to index
      %parallel_loop3A_55 = arith.constant 48 : index
      %parallel_loop3A_56 = tpu.vector_load %arg11[%parallel_loop3A_54, %parallel_loop3A_55] {strides = array<i32>} : memref<80x128xf32, #tpu.memory_space<vmem>>, vector<16xf32>,
      %parallel_loop3A_57 = arith.mulf %parallel_loop3A_56, %parallel_loop3A_32 : vector<16xf32>
      %parallel_loop3A_58 = arith.index_cast %parallel_loop3A_28 : i32 to index
      %parallel_loop3A_59 = arith.constant 48 : index
      %parallel_loop3A_60 = tpu.vector_load %arg11[%parallel_loop3A_58, %parallel_loop3A_59] {strides = array<i32>} : memref<80x128xf32, #tpu.memory_space<vmem>>, vector<16xf32>,
      tpu.vector_store %arg11[%parallel_loop3A_58, %parallel_loop3A_59], %parallel_loop3A_57 {strides = array<i32>} : memref<80x128xf32, #tpu.memory_space<vmem>>, vector<16xf32>,
      %parallel_loop3A_61 = arith.index_cast %parallel_loop3A_28 : i32 to index
      %parallel_loop3A_62 = arith.constant 64 : index
      %parallel_loop3A_63 = tpu.vector_load %arg11[%parallel_loop3A_61, %parallel_loop3A_62] {strides = array<i32>} : memref<80x128xf32, #tpu.memory_space<vmem>>, vector<16xf32>,
      %parallel_loop3A_64 = arith.mulf %parallel_loop3A_63, %parallel_loop3A_32 : vector<16xf32>
      %parallel_loop3A_65 = arith.index_cast %parallel_loop3A_28 : i32 to index
      %parallel_loop3A_66 = arith.constant 64 : index
      %parallel_loop3A_67 = tpu.vector_load %arg11[%parallel_loop3A_65, %parallel_loop3A_66] {strides = array<i32>} : memref<80x128xf32, #tpu.memory_space<vmem>>, vector<16xf32>,
      tpu.vector_store %arg11[%parallel_loop3A_65, %parallel_loop3A_66], %parallel_loop3A_64 {strides = array<i32>} : memref<80x128xf32, #tpu.memory_space<vmem>>, vector<16xf32>,
      %parallel_loop3A_68 = arith.index_cast %parallel_loop3A_28 : i32 to index
      %parallel_loop3A_69 = arith.constant 80 : index
      %parallel_loop3A_70 = tpu.vector_load %arg11[%parallel_loop3A_68, %parallel_loop3A_69] {strides = array<i32>} : memref<80x128xf32, #tpu.memory_space<vmem>>, vector<16xf32>,
      %parallel_loop3A_71 = arith.mulf %parallel_loop3A_70, %parallel_loop3A_32 : vector<16xf32>
      %parallel_loop3A_72 = arith.index_cast %parallel_loop3A_28 : i32 to index
      %parallel_loop3A_73 = arith.constant 80 : index
      %parallel_loop3A_74 = tpu.vector_load %arg11[%parallel_loop3A_72, %parallel_loop3A_73] {strides = array<i32>} : memref<80x128xf32, #tpu.memory_space<vmem>>, vector<16xf32>,
      tpu.vector_store %arg11[%parallel_loop3A_72, %parallel_loop3A_73], %parallel_loop3A_71 {strides = array<i32>} : memref<80x128xf32, #tpu.memory_space<vmem>>, vector<16xf32>,
      %parallel_loop3A_75 = arith.index_cast %parallel_loop3A_28 : i32 to index
      %parallel_loop3A_76 = arith.constant 96 : index
      %parallel_loop3A_77 = tpu.vector_load %arg11[%parallel_loop3A_75, %parallel_loop3A_76] {strides = array<i32>} : memref<80x128xf32, #tpu.memory_space<vmem>>, vector<16xf32>,
      %parallel_loop3A_78 = arith.mulf %parallel_loop3A_77, %parallel_loop3A_32 : vector<16xf32>
      %parallel_loop3A_79 = arith.index_cast %parallel_loop3A_28 : i32 to index
      %parallel_loop3A_80 = arith.constant 96 : index
      %parallel_loop3A_81 = tpu.vector_load %arg11[%parallel_loop3A_79, %parallel_loop3A_80] {strides = array<i32>} : memref<80x128xf32, #tpu.memory_space<vmem>>, vector<16xf32>,
      tpu.vector_store %arg11[%parallel_loop3A_79, %parallel_loop3A_80], %parallel_loop3A_78 {strides = array<i32>} : memref<80x128xf32, #tpu.memory_space<vmem>>, vector<16xf32>,
      %parallel_loop3A_82 = arith.index_cast %parallel_loop3A_28 : i32 to index
      %parallel_loop3A_83 = arith.constant 112 : index
      %parallel_loop3A_84 = tpu.vector_load %arg11[%parallel_loop3A_82, %parallel_loop3A_83] {strides = array<i32>} : memref<80x128xf32, #tpu.memory_space<vmem>>, vector<16xf32>,
      %parallel_loop3A_85 = arith.mulf %parallel_loop3A_84, %parallel_loop3A_32 : vector<16xf32>
      %parallel_loop3A_86 = arith.index_cast %parallel_loop3A_28 : i32 to index
      %parallel_loop3A_87 = arith.constant 112 : index
      %parallel_loop3A_88 = tpu.vector_load %arg11[%parallel_loop3A_86, %parallel_loop3A_87] {strides = array<i32>} : memref<80x128xf32, #tpu.memory_space<vmem>>, vector<16xf32>,
      tpu.vector_store %arg11[%parallel_loop3A_86, %parallel_loop3A_87], %parallel_loop3A_85 {strides = array<i32>} : memref<80x128xf32, #tpu.memory_space<vmem>>, vector<16xf32>,
    } {sc.loop_unroll_factor = 8 : i64, sc.parallel_access}
    %run_scoped3A = arith.constant 124 : i32
    "tpu.region"() ({
      %run_scoped3A_28 = tpu.sem_alloc : memref<!tpu.dma_semaphore, #tpu.memory_space<semaphore_mem>>
      %dma_start3A_29 = arith.constant 0 : i32
      %dma_start3A_30 = tpu.memref_slice %arg9[%run_scoped3A, %dma_start3A_29] : memref<125x80xi32, #tpu.memory_space<vmem>> -> memref<1x80xi32, #tpu.memory_space<vmem>>
      %dma_start3A_31 = tpu.memref_squeeze %dma_start3A_30 : memref<1x80xi32, #tpu.memory_space<vmem>> -> memref<80xi32, #tpu.memory_space<vmem>>
      %dma_start3A_32 = arith.constant 0 : i32
      %dma_start3A_33 = arith.constant 0 : i32
      %dma_start3A_34 = tpu.memref_slice %arg15[%dma_start3A_32, %dma_start3A_33] : memref<10000x128xf32, #tpu.memory_space<vmem_shared>> -> memref<10000x128xf32, #tpu.memory_space<vmem_shared>>
      tpu.enqueue_indirect_dma source(%arg11 : memref<80x128xf32, #tpu.memory_space<vmem>>) target(%dma_start3A_34 : memref<10000x128xf32, #tpu.memory_space<vmem_shared>>) offsets(%dma_start3A_31 : memref<80xi32, #tpu.memory_space<vmem>>) semaphore(%run_scoped3A_28 : memref<!tpu.dma_semaphore, #tpu.memory_space<semaphore_mem>>) {add = true}
      %dma_wait3A_35 = arith.constant 0 : i32
      %dma_wait3A_36 = tpu.memref_slice %arg9[%run_scoped3A, %dma_wait3A_35] : memref<125x80xi32, #tpu.memory_space<vmem>> -> memref<1x80xi32, #tpu.memory_space<vmem>>
      %dma_wait3A_37 = tpu.memref_squeeze %dma_wait3A_36 : memref<1x80xi32, #tpu.memory_space<vmem>> -> memref<80xi32, #tpu.memory_space<vmem>>
      %dma_wait3A_38 = arith.constant 0 : i32
      %dma_wait3A_39 = arith.constant 0 : i32
      %dma_wait3A_40 = tpu.memref_slice %arg15[%dma_wait3A_38, %dma_wait3A_39] : memref<10000x128xf32, #tpu.memory_space<vmem_shared>> -> memref<10000x128xf32, #tpu.memory_space<vmem_shared>>
      tpu.wait_indirect_dma semaphore(%run_scoped3A_28 : memref<!tpu.dma_semaphore, #tpu.memory_space<semaphore_mem>>) src(%arg11 : memref<80x128xf32, #tpu.memory_space<vmem>>) dst(%dma_wait3A_40 : memref<10000x128xf32, #tpu.memory_space<vmem_shared>>)
      tpu.yield
    }) : () -> ()
    %barrier3A_22 = arith.constant 0 : index
    tpu.barrier barrier_id(%barrier3A_22)
    %lt3A_23 = arith.constant 10 : i32
    %lt3A_24 = arith.cmpi slt, %arg1, %lt3A_23 : i32
    %convert_element_type3A_25 = arith.extui %lt3A_24 : i1 to i32
    %cond3A_26 = arith.constant 0 : i32
    %cond3A_27 = arith.cmpi ne, %convert_element_type3A_25, %cond3A_26 : i32
    scf.if %cond3A_27 {
      %mul3A_28 = arith.constant 1000 : i32
      %mul3A_29 = arith.muli %arg1, %mul3A_28 : i32
      %mul3A_30 = arith.constant 10000 : i32
      %mul3A_31 = arith.muli %arg0, %mul3A_30 : i32
      %mul3A_32 = arith.constant 1000 : i32
      %mul3A_33 = arith.muli %arg1, %mul3A_32 : i32
      %add3A_34 = arith.addi %mul3A_31, %mul3A_33 : i32
      "tpu.region"() ({
        %run_scoped3A_35 = tpu.sem_alloc : memref<!tpu.dma_semaphore, #tpu.memory_space<semaphore_mem>>
        %dma_start3A_36 = arith.constant 0 : i32
        %dma_start3A_37 = tpu.memref_slice %arg7[%add3A_34, %dma_start3A_36] : memref<20000x128xf32, #tpu.memory_space<hbm>> -> memref<1000x128xf32, #tpu.memory_space<hbm>>
        %dma_start3A_38 = arith.constant 0 : i32
        %dma_start3A_39 = tpu.memref_slice %arg15[%mul3A_29, %dma_start3A_38] : memref<10000x128xf32, #tpu.memory_space<vmem_shared>> -> memref<1000x128xf32, #tpu.memory_space<vmem_shared>>
        tpu.enqueue_dma source(%dma_start3A_39 : memref<1000x128xf32, #tpu.memory_space<vmem_shared>>) target(%dma_start3A_37 : memref<1000x128xf32, #tpu.memory_space<hbm>>) target_semaphore(%run_scoped3A_35 : memref<!tpu.dma_semaphore, #tpu.memory_space<semaphore_mem>>)
        %dma_wait3A_40 = arith.constant 0 : i32
        %dma_wait3A_41 = tpu.memref_slice %arg7[%add3A_34, %dma_wait3A_40] : memref<20000x128xf32, #tpu.memory_space<hbm>> -> memref<1000x128xf32, #tpu.memory_space<hbm>>
        %dma_wait3A_42 = arith.constant 0 : i32
        %dma_wait3A_43 = tpu.memref_slice %arg15[%mul3A_29, %dma_wait3A_42] : memref<10000x128xf32, #tpu.memory_space<vmem_shared>> -> memref<1000x128xf32, #tpu.memory_space<vmem_shared>>
        tpu.wait_dma2 semaphore(%run_scoped3A_35 : memref<!tpu.dma_semaphore, #tpu.memory_space<semaphore_mem>>) src(%dma_wait3A_43 : memref<1000x128xf32, #tpu.memory_space<vmem_shared>>) dst(%dma_wait3A_41 : memref<1000x128xf32, #tpu.memory_space<hbm>>)
        tpu.yield
      }) : () -> ()
    } else {
    }
    return
  }
}

#map = affine_map<(d0, d1) -> (0, 0)>
#map1 = affine_map<(d0, d1) -> (0)>
#map2 = affine_map<(d0, d1) -> (0, 0, 0)>
module attributes {stable_mosaic.version = 14 : i64} {
  func.func @k(%arg0: i32, %arg1: i32, %arg2: memref<10000x128xf32, #tpu.memory_space<hbm>>, %arg3: memref<320000xi32, #tpu.memory_space<hbm>>, %arg4: memref<32x125x80xi32, #tpu.memory_space<hbm>>, %arg5: memref<320000xf32, #tpu.memory_space<hbm>>, %arg6: memref<10000x128xf32, #tpu.memory_space<hbm>>, %arg7: memref<20000x128xf32, #tpu.memory_space<hbm>>, %arg8: memref<10000xi32, #tpu.memory_space<vmem>>, %arg9: memref<125x80xi32, #tpu.memory_space<vmem>>, %arg10: memref<10000xf32, #tpu.memory_space<vmem>>, %arg11: memref<80x128xf32, #tpu.memory_space<vmem>>, %arg12: memref<80x128xf32, #tpu.memory_space<vmem>>, %arg13: memref<!tpu.dma_semaphore, #tpu.memory_space<semaphore_mem>>, %arg14: memref<!tpu.dma_semaphore, #tpu.memory_space<semaphore_mem>>, %arg15: memref<10000x128xf32, #tpu.memory_space<vmem_shared>>) attributes {dimension_semantics = [#tpu.dimension_semantics<core_parallel>, #tpu.dimension_semantics<subcore_parallel>], iteration_bounds = array<i64: 2, 16>, scalar_prefetch = 0 : i64, scratch_operands = 8 : i64, tpu.core_type = #tpu.core_type<sc_vector_subcore>, window_params = [{transform_indices = #map}, {transform_indices = #map1}, {transform_indices = #map2}, {transform_indices = #map1}, {transform_indices = #map}, {transform_indices = #map}]} {
    %mul3A = arith.constant 2 : i32
    %mul3A_0 = arith.muli %arg1, %mul3A : i32
    %add3A = arith.addi %mul3A_0, %arg0 : i32
    %mul3A_1 = arith.constant 10000 : i32
    %mul3A_2 = arith.muli %add3A, %mul3A_1 : i32
    "tpu.region"() ({
      %run_scoped3A_28 = tpu.sem_alloc : memref<!tpu.dma_semaphore, #tpu.memory_space<semaphore_mem>>
      %dma_start3A_29 = tpu.memref_slice %arg3[%mul3A_2] : memref<320000xi32, #tpu.memory_space<hbm>> -> memref<10000xi32, #tpu.memory_space<hbm>>
      %dma_start3A_30 = tpu.memref_slice %arg3[%mul3A_2] : memref<320000xi32, #tpu.memory_space<hbm>> -> memref<10000xi32, #tpu.memory_space<hbm>>
      tpu.enqueue_dma source(%dma_start3A_30 : memref<10000xi32, #tpu.memory_space<hbm>>) target(%arg8 : memref<10000xi32, #tpu.memory_space<vmem>>) target_semaphore(%run_scoped3A_28 : memref<!tpu.dma_semaphore, #tpu.memory_space<semaphore_mem>>)
      %dma_wait3A_31 = tpu.memref_slice %arg3[%mul3A_2] : memref<320000xi32, #tpu.memory_space<hbm>> -> memref<10000xi32, #tpu.memory_space<hbm>>
      %dma_wait3A_32 = tpu.memref_slice %arg3[%mul3A_2] : memref<320000xi32, #tpu.memory_space<hbm>> -> memref<10000xi32, #tpu.memory_space<hbm>>
      tpu.wait_dma2 semaphore(%run_scoped3A_28 : memref<!tpu.dma_semaphore, #tpu.memory_space<semaphore_mem>>) src(%dma_wait3A_32 : memref<10000xi32, #tpu.memory_space<hbm>>) dst(%arg8 : memref<10000xi32, #tpu.memory_space<vmem>>)
      tpu.yield
    }) : () -> ()
    "tpu.region"() ({
      %run_scoped3A_28 = tpu.sem_alloc : memref<!tpu.dma_semaphore, #tpu.memory_space<semaphore_mem>>
      %dma_start3A_29 = arith.constant 0 : i32
      %dma_start3A_30 = arith.constant 0 : i32
      %dma_start3A_31 = tpu.memref_slice %arg4[%add3A, %dma_start3A_29, %dma_start3A_30] : memref<32x125x80xi32, #tpu.memory_space<hbm>> -> memref<1x125x80xi32, #tpu.memory_space<hbm>>
      %dma_start3A_32 = tpu.memref_squeeze %dma_start3A_31 : memref<1x125x80xi32, #tpu.memory_space<hbm>> -> memref<125x80xi32, #tpu.memory_space<hbm>>
      %dma_start3A_33 = arith.constant 0 : i32
      %dma_start3A_34 = arith.constant 0 : i32
      %dma_start3A_35 = tpu.memref_slice %arg4[%add3A, %dma_start3A_33, %dma_start3A_34] : memref<32x125x80xi32, #tpu.memory_space<hbm>> -> memref<1x125x80xi32, #tpu.memory_space<hbm>>
      %dma_start3A_36 = tpu.memref_squeeze %dma_start3A_35 : memref<1x125x80xi32, #tpu.memory_space<hbm>> -> memref<125x80xi32, #tpu.memory_space<hbm>>
      tpu.enqueue_dma source(%dma_start3A_36 : memref<125x80xi32, #tpu.memory_space<hbm>>) target(%arg9 : memref<125x80xi32, #tpu.memory_space<vmem>>) target_semaphore(%run_scoped3A_28 : memref<!tpu.dma_semaphore, #tpu.memory_space<semaphore_mem>>)
      %dma_wait3A_37 = arith.constant 0 : i32
      %dma_wait3A_38 = arith.constant 0 : i32
      %dma_wait3A_39 = tpu.memref_slice %arg4[%add3A, %dma_wait3A_37, %dma_wait3A_38] : memref<32x125x80xi32, #tpu.memory_space<hbm>> -> memref<1x125x80xi32, #tpu.memory_space<hbm>>
      %dma_wait3A_40 = tpu.memref_squeeze %dma_wait3A_39 : memref<1x125x80xi32, #tpu.memory_space<hbm>> -> memref<125x80xi32, #tpu.memory_space<hbm>>
      %dma_wait3A_41 = arith.constant 0 : i32
      %dma_wait3A_42 = arith.constant 0 : i32
      %dma_wait3A_43 = tpu.memref_slice %arg4[%add3A, %dma_wait3A_41, %dma_wait3A_42] : memref<32x125x80xi32, #tpu.memory_space<hbm>> -> memref<1x125x80xi32, #tpu.memory_space<hbm>>
      %dma_wait3A_44 = tpu.memref_squeeze %dma_wait3A_43 : memref<1x125x80xi32, #tpu.memory_space<hbm>> -> memref<125x80xi32, #tpu.memory_space<hbm>>
      tpu.wait_dma2 semaphore(%run_scoped3A_28 : memref<!tpu.dma_semaphore, #tpu.memory_space<semaphore_mem>>) src(%dma_wait3A_44 : memref<125x80xi32, #tpu.memory_space<hbm>>) dst(%arg9 : memref<125x80xi32, #tpu.memory_space<vmem>>)
      tpu.yield
    }) : () -> ()
    %mul3A_3 = arith.constant 10000 : i32
    %mul3A_4 = arith.muli %add3A, %mul3A_3 : i32
    "tpu.region"() ({
      %run_scoped3A_28 = tpu.sem_alloc : memref<!tpu.dma_semaphore, #tpu.memory_space<semaphore_mem>>
      %dma_start3A_29 = tpu.memref_slice %arg5[%mul3A_4] : memref<320000xf32, #tpu.memory_space<hbm>> -> memref<10000xf32, #tpu.memory_space<hbm>>
      %dma_start3A_30 = tpu.memref_slice %arg5[%mul3A_4] : memref<320000xf32, #tpu.memory_space<hbm>> -> memref<10000xf32, #tpu.memory_space<hbm>>
      tpu.enqueue_dma source(%dma_start3A_30 : memref<10000xf32, #tpu.memory_space<hbm>>) target(%arg10 : memref<10000xf32, #tpu.memory_space<vmem>>) target_semaphore(%run_scoped3A_28 : memref<!tpu.dma_semaphore, #tpu.memory_space<semaphore_mem>>)
      %dma_wait3A_31 = tpu.memref_slice %arg5[%mul3A_4] : memref<320000xf32, #tpu.memory_space<hbm>> -> memref<10000xf32, #tpu.memory_space<hbm>>
      %dma_wait3A_32 = tpu.memref_slice %arg5[%mul3A_4] : memref<320000xf32, #tpu.memory_space<hbm>> -> memref<10000xf32, #tpu.memory_space<hbm>>
      tpu.wait_dma2 semaphore(%run_scoped3A_28 : memref<!tpu.dma_semaphore, #tpu.memory_space<semaphore_mem>>) src(%dma_wait3A_32 : memref<10000xf32, #tpu.memory_space<hbm>>) dst(%arg10 : memref<10000xf32, #tpu.memory_space<vmem>>)
      tpu.yield
    }) : () -> ()
    %lt3A = arith.constant 10 : i32
    %lt3A_5 = arith.cmpi slt, %arg1, %lt3A : i32
    %convert_element_type3A = arith.extui %lt3A_5 : i1 to i32
    %cond3A = arith.constant 0 : i32
    %cond3A_6 = arith.cmpi ne, %convert_element_type3A, %cond3A : i32
    scf.if %cond3A_6 {
      %mul3A_28 = arith.constant 1000 : i32
      %mul3A_29 = arith.muli %arg1, %mul3A_28 : i32
      %mul3A_30 = arith.constant 1000 : i32
      %mul3A_31 = arith.muli %arg1, %mul3A_30 : i32
      "tpu.region"() ({
        %run_scoped3A_32 = tpu.sem_alloc : memref<!tpu.dma_semaphore, #tpu.memory_space<semaphore_mem>>
        %dma_start3A_33 = arith.constant 0 : i32
        %dma_start3A_34 = tpu.memref_slice %arg15[%mul3A_31, %dma_start3A_33] : memref<10000x128xf32, #tpu.memory_space<vmem_shared>> -> memref<1000x128xf32, #tpu.memory_space<vmem_shared>>
        %dma_start3A_35 = arith.constant 0 : i32
        %dma_start3A_36 = tpu.memref_slice %arg6[%mul3A_29, %dma_start3A_35] : memref<10000x128xf32, #tpu.memory_space<hbm>> -> memref<1000x128xf32, #tpu.memory_space<hbm>>
        tpu.enqueue_dma source(%dma_start3A_36 : memref<1000x128xf32, #tpu.memory_space<hbm>>) target(%dma_start3A_34 : memref<1000x128xf32, #tpu.memory_space<vmem_shared>>) target_semaphore(%run_scoped3A_32 : memref<!tpu.dma_semaphore, #tpu.memory_space<semaphore_mem>>)
        %dma_wait3A_37 = arith.constant 0 : i32
        %dma_wait3A_38 = tpu.memref_slice %arg15[%mul3A_31, %dma_wait3A_37] : memref<10000x128xf32, #tpu.memory_space<vmem_shared>> -> memref<1000x128xf32, #tpu.memory_space<vmem_shared>>
        %dma_wait3A_39 = arith.constant 0 : i32
        %dma_wait3A_40 = tpu.memref_slice %arg6[%mul3A_29, %dma_wait3A_39] : memref<10000x128xf32, #tpu.memory_space<hbm>> -> memref<1000x128xf32, #tpu.memory_space<hbm>>
        tpu.wait_dma2 semaphore(%run_scoped3A_32 : memref<!tpu.dma_semaphore, #tpu.memory_space<semaphore_mem>>) src(%dma_wait3A_40 : memref<1000x128xf32, #tpu.memory_space<hbm>>) dst(%dma_wait3A_38 : memref<1000x128xf32, #tpu.memory_space<vmem_shared>>)
        tpu.yield
      }) : () -> ()
    } else {
    }
    %barrier3A = arith.constant 0 : index
    tpu.barrier barrier_id(%barrier3A)
    %dma_start3A = arith.constant 0 : i32
    %dma_start3A_7 = tpu.memref_slice %arg8[%dma_start3A] : memref<10000xi32, #tpu.memory_space<vmem>> -> memref<80xi32, #tpu.memory_space<vmem>>
    %dma_start3A_8 = arith.constant 0 : i32
    %dma_start3A_9 = arith.constant 0 : i32
    %dma_start3A_10 = tpu.memref_slice %arg2[%dma_start3A_8, %dma_start3A_9] : memref<10000x128xf32, #tpu.memory_space<hbm>> -> memref<10000x128xf32, #tpu.memory_space<hbm>>
    tpu.enqueue_indirect_dma source(%dma_start3A_10 : memref<10000x128xf32, #tpu.memory_space<hbm>>) target(%arg11 : memref<80x128xf32, #tpu.memory_space<vmem>>) offsets(%dma_start3A_7 : memref<80xi32, #tpu.memory_space<vmem>>) semaphore(%arg13 : memref<!tpu.dma_semaphore, #tpu.memory_space<semaphore_mem>>)
    %scan3A = arith.constant 0 : i32
    %scan3A_11 = arith.constant 0 : i32
    %scan3A_12 = arith.constant 62 : i32
    %scan3A_13 = arith.addi %scan3A_11, %scan3A_12 : i32
    %scan3A_14 = arith.constant 1 : i32
    scf.for %scan3A_28 = %scan3A_11 to %scan3A_13 step %scan3A_14  : i32 {
      %mul3A_29 = arith.constant 2 : i32
      %mul3A_30 = arith.muli %mul3A_29, %scan3A_28 : i32
      %add3A_31 = arith.constant 1 : i32
      %add3A_32 = arith.addi %mul3A_30, %add3A_31 : i32
      %mul3A_33 = arith.constant 80 : i32
      %mul3A_34 = arith.muli %add3A_32, %mul3A_33 : i32
      %dma_start3A_35 = tpu.memref_slice %arg8[%mul3A_34] : memref<10000xi32, #tpu.memory_space<vmem>> -> memref<80xi32, #tpu.memory_space<vmem>>
      %dma_start3A_36 = arith.constant 0 : i32
      %dma_start3A_37 = arith.constant 0 : i32
      %dma_start3A_38 = tpu.memref_slice %arg2[%dma_start3A_36, %dma_start3A_37] : memref<10000x128xf32, #tpu.memory_space<hbm>> -> memref<10000x128xf32, #tpu.memory_space<hbm>>
      tpu.enqueue_indirect_dma source(%dma_start3A_38 : memref<10000x128xf32, #tpu.memory_space<hbm>>) target(%arg12 : memref<80x128xf32, #tpu.memory_space<vmem>>) offsets(%dma_start3A_35 : memref<80xi32, #tpu.memory_space<vmem>>) semaphore(%arg14 : memref<!tpu.dma_semaphore, #tpu.memory_space<semaphore_mem>>)
      %mul3A_39 = arith.constant 80 : i32
      %mul3A_40 = arith.muli %mul3A_30, %mul3A_39 : i32
      %dma_wait3A_41 = tpu.memref_slice %arg8[%mul3A_40] : memref<10000xi32, #tpu.memory_space<vmem>> -> memref<80xi32, #tpu.memory_space<vmem>>
      %dma_wait3A_42 = arith.constant 0 : i32
      %dma_wait3A_43 = arith.constant 0 : i32
      %dma_wait3A_44 = tpu.memref_slice %arg2[%dma_wait3A_42, %dma_wait3A_43] : memref<10000x128xf32, #tpu.memory_space<hbm>> -> memref<10000x128xf32, #tpu.memory_space<hbm>>
      tpu.wait_indirect_dma semaphore(%arg13 : memref<!tpu.dma_semaphore, #tpu.memory_space<semaphore_mem>>) src(%dma_wait3A_44 : memref<10000x128xf32, #tpu.memory_space<hbm>>) dst(%arg11 : memref<80x128xf32, #tpu.memory_space<vmem>>)
      %parallel_loop3A_45 = arith.constant 0 : i32
      %parallel_loop3A_46 = arith.constant 80 : i32
      %parallel_loop3A_47 = arith.constant 1 : i32
      scf.for %parallel_loop3A_67 = %parallel_loop3A_45 to %parallel_loop3A_46 step %parallel_loop3A_47  : i32 {
        %parallel_loop3A_68 = arith.constant 80 : i32
        %parallel_loop3A_69 = arith.muli %mul3A_30, %parallel_loop3A_68 : i32
        %parallel_loop3A_70 = arith.addi %parallel_loop3A_69, %parallel_loop3A_67 : i32
        %parallel_loop3A_71 = vector.broadcast %parallel_loop3A_70 : i32 to vector<16xi32>
        %parallel_loop3A_72 = tpu.vector_load_idx %arg10[%parallel_loop3A_71] : memref<10000xf32, #tpu.memory_space<vmem>>[vector<16xi32>], vector<16xf32>,
        %parallel_loop3A_73 = arith.index_cast %parallel_loop3A_67 : i32 to index
        %parallel_loop3A_74 = arith.constant 0 : index
        %parallel_loop3A_75 = tpu.vector_load %arg11[%parallel_loop3A_73, %parallel_loop3A_74] {strides = array<i32>} : memref<80x128xf32, #tpu.memory_space<vmem>>, vector<16xf32>,
        %parallel_loop3A_76 = arith.mulf %parallel_loop3A_75, %parallel_loop3A_72 : vector<16xf32>
        %parallel_loop3A_77 = arith.index_cast %parallel_loop3A_67 : i32 to index
        %parallel_loop3A_78 = arith.constant 0 : index
        %parallel_loop3A_79 = tpu.vector_load %arg11[%parallel_loop3A_77, %parallel_loop3A_78] {strides = array<i32>} : memref<80x128xf32, #tpu.memory_space<vmem>>, vector<16xf32>,
        tpu.vector_store %arg11[%parallel_loop3A_77, %parallel_loop3A_78], %parallel_loop3A_76 {strides = array<i32>} : memref<80x128xf32, #tpu.memory_space<vmem>>, vector<16xf32>,
        %parallel_loop3A_80 = arith.index_cast %parallel_loop3A_67 : i32 to index
        %parallel_loop3A_81 = arith.constant 16 : index
        %parallel_loop3A_82 = tpu.vector_load %arg11[%parallel_loop3A_80, %parallel_loop3A_81] {strides = array<i32>} : memref<80x128xf32, #tpu.memory_space<vmem>>, vector<16xf32>,
        %parallel_loop3A_83 = arith.mulf %parallel_loop3A_82, %parallel_loop3A_72 : vector<16xf32>
        %parallel_loop3A_84 = arith.index_cast %parallel_loop3A_67 : i32 to index
        %parallel_loop3A_85 = arith.constant 16 : index
        %parallel_loop3A_86 = tpu.vector_load %arg11[%parallel_loop3A_84, %parallel_loop3A_85] {strides = array<i32>} : memref<80x128xf32, #tpu.memory_space<vmem>>, vector<16xf32>,
        tpu.vector_store %arg11[%parallel_loop3A_84, %parallel_loop3A_85], %parallel_loop3A_83 {strides = array<i32>} : memref<80x128xf32, #tpu.memory_space<vmem>>, vector<16xf32>,
        %parallel_loop3A_87 = arith.index_cast %parallel_loop3A_67 : i32 to index
        %parallel_loop3A_88 = arith.constant 32 : index
        %parallel_loop3A_89 = tpu.vector_load %arg11[%parallel_loop3A_87, %parallel_loop3A_88] {strides = array<i32>} : memref<80x128xf32, #tpu.memory_space<vmem>>, vector<16xf32>,
        %parallel_loop3A_90 = arith.mulf %parallel_loop3A_89, %parallel_loop3A_72 : vector<16xf32>
        %parallel_loop3A_91 = arith.index_cast %parallel_loop3A_67 : i32 to index
        %parallel_loop3A_92 = arith.constant 32 : index
        %parallel_loop3A_93 = tpu.vector_load %arg11[%parallel_loop3A_91, %parallel_loop3A_92] {strides = array<i32>} : memref<80x128xf32, #tpu.memory_space<vmem>>, vector<16xf32>,
        tpu.vector_store %arg11[%parallel_loop3A_91, %parallel_loop3A_92], %parallel_loop3A_90 {strides = array<i32>} : memref<80x128xf32, #tpu.memory_space<vmem>>, vector<16xf32>,
        %parallel_loop3A_94 = arith.index_cast %parallel_loop3A_67 : i32 to index
        %parallel_loop3A_95 = arith.constant 48 : index
        %parallel_loop3A_96 = tpu.vector_load %arg11[%parallel_loop3A_94, %parallel_loop3A_95] {strides = array<i32>} : memref<80x128xf32, #tpu.memory_space<vmem>>, vector<16xf32>,
        %parallel_loop3A_97 = arith.mulf %parallel_loop3A_96, %parallel_loop3A_72 : vector<16xf32>
        %parallel_loop3A_98 = arith.index_cast %parallel_loop3A_67 : i32 to index
        %parallel_loop3A_99 = arith.constant 48 : index
        %parallel_loop3A_100 = tpu.vector_load %arg11[%parallel_loop3A_98, %parallel_loop3A_99] {strides = array<i32>} : memref<80x128xf32, #tpu.memory_space<vmem>>, vector<16xf32>,
        tpu.vector_store %arg11[%parallel_loop3A_98, %parallel_loop3A_99], %parallel_loop3A_97 {strides = array<i32>} : memref<80x128xf32, #tpu.memory_space<vmem>>, vector<16xf32>,
        %parallel_loop3A_101 = arith.index_cast %parallel_loop3A_67 : i32 to index
        %parallel_loop3A_102 = arith.constant 64 : index
        %parallel_loop3A_103 = tpu.vector_load %arg11[%parallel_loop3A_101, %parallel_loop3A_102] {strides = array<i32>} : memref<80x128xf32, #tpu.memory_space<vmem>>, vector<16xf32>,
        %parallel_loop3A_104 = arith.mulf %parallel_loop3A_103, %parallel_loop3A_72 : vector<16xf32>
        %parallel_loop3A_105 = arith.index_cast %parallel_loop3A_67 : i32 to index
        %parallel_loop3A_106 = arith.constant 64 : index
        %parallel_loop3A_107 = tpu.vector_load %arg11[%parallel_loop3A_105, %parallel_loop3A_106] {strides = array<i32>} : memref<80x128xf32, #tpu.memory_space<vmem>>, vector<16xf32>,
        tpu.vector_store %arg11[%parallel_loop3A_105, %parallel_loop3A_106], %parallel_loop3A_104 {strides = array<i32>} : memref<80x128xf32, #tpu.memory_space<vmem>>, vector<16xf32>,
        %parallel_loop3A_108 = arith.index_cast %parallel_loop3A_67 : i32 to index
        %parallel_loop3A_109 = arith.constant 80 : index
        %parallel_loop3A_110 = tpu.vector_load %arg11[%parallel_loop3A_108, %parallel_loop3A_109] {strides = array<i32>} : memref<80x128xf32, #tpu.memory_space<vmem>>, vector<16xf32>,
        %parallel_loop3A_111 = arith.mulf %parallel_loop3A_110, %parallel_loop3A_72 : vector<16xf32>
        %parallel_loop3A_112 = arith.index_cast %parallel_loop3A_67 : i32 to index
        %parallel_loop3A_113 = arith.constant 80 : index
        %parallel_loop3A_114 = tpu.vector_load %arg11[%parallel_loop3A_112, %parallel_loop3A_113] {strides = array<i32>} : memref<80x128xf32, #tpu.memory_space<vmem>>, vector<16xf32>,
        tpu.vector_store %arg11[%parallel_loop3A_112, %parallel_loop3A_113], %parallel_loop3A_111 {strides = array<i32>} : memref<80x128xf32, #tpu.memory_space<vmem>>, vector<16xf32>,
        %parallel_loop3A_115 = arith.index_cast %parallel_loop3A_67 : i32 to index
        %parallel_loop3A_116 = arith.constant 96 : index
        %parallel_loop3A_117 = tpu.vector_load %arg11[%parallel_loop3A_115, %parallel_loop3A_116] {strides = array<i32>} : memref<80x128xf32, #tpu.memory_space<vmem>>, vector<16xf32>,
        %parallel_loop3A_118 = arith.mulf %parallel_loop3A_117, %parallel_loop3A_72 : vector<16xf32>
        %parallel_loop3A_119 = arith.index_cast %parallel_loop3A_67 : i32 to index
        %parallel_loop3A_120 = arith.constant 96 : index
        %parallel_loop3A_121 = tpu.vector_load %arg11[%parallel_loop3A_119, %parallel_loop3A_120] {strides = array<i32>} : memref<80x128xf32, #tpu.memory_space<vmem>>, vector<16xf32>,
        tpu.vector_store %arg11[%parallel_loop3A_119, %parallel_loop3A_120], %parallel_loop3A_118 {strides = array<i32>} : memref<80x128xf32, #tpu.memory_space<vmem>>, vector<16xf32>,
        %parallel_loop3A_122 = arith.index_cast %parallel_loop3A_67 : i32 to index
        %parallel_loop3A_123 = arith.constant 112 : index
        %parallel_loop3A_124 = tpu.vector_load %arg11[%parallel_loop3A_122, %parallel_loop3A_123] {strides = array<i32>} : memref<80x128xf32, #tpu.memory_space<vmem>>, vector<16xf32>,
        %parallel_loop3A_125 = arith.mulf %parallel_loop3A_124, %parallel_loop3A_72 : vector<16xf32>
        %parallel_loop3A_126 = arith.index_cast %parallel_loop3A_67 : i32 to index
        %parallel_loop3A_127 = arith.constant 112 : index
        %parallel_loop3A_128 = tpu.vector_load %arg11[%parallel_loop3A_126, %parallel_loop3A_127] {strides = array<i32>} : memref<80x128xf32, #tpu.memory_space<vmem>>, vector<16xf32>,
        tpu.vector_store %arg11[%parallel_loop3A_126, %parallel_loop3A_127], %parallel_loop3A_125 {strides = array<i32>} : memref<80x128xf32, #tpu.memory_space<vmem>>, vector<16xf32>,
      } {sc.loop_unroll_factor = 8 : i64, sc.parallel_access}
      "tpu.region"() ({
        %run_scoped3A_67 = tpu.sem_alloc : memref<!tpu.dma_semaphore, #tpu.memory_space<semaphore_mem>>
        %dma_start3A_68 = arith.constant 0 : i32
        %dma_start3A_69 = tpu.memref_slice %arg9[%mul3A_30, %dma_start3A_68] : memref<125x80xi32, #tpu.memory_space<vmem>> -> memref<1x80xi32, #tpu.memory_space<vmem>>
        %dma_start3A_70 = tpu.memref_squeeze %dma_start3A_69 : memref<1x80xi32, #tpu.memory_space<vmem>> -> memref<80xi32, #tpu.memory_space<vmem>>
        %dma_start3A_71 = arith.constant 0 : i32
        %dma_start3A_72 = arith.constant 0 : i32
        %dma_start3A_73 = tpu.memref_slice %arg15[%dma_start3A_71, %dma_start3A_72] : memref<10000x128xf32, #tpu.memory_space<vmem_shared>> -> memref<10000x128xf32, #tpu.memory_space<vmem_shared>>
        tpu.enqueue_indirect_dma source(%arg11 : memref<80x128xf32, #tpu.memory_space<vmem>>) target(%dma_start3A_73 : memref<10000x128xf32, #tpu.memory_space<vmem_shared>>) offsets(%dma_start3A_70 : memref<80xi32, #tpu.memory_space<vmem>>) semaphore(%run_scoped3A_67 : memref<!tpu.dma_semaphore, #tpu.memory_space<semaphore_mem>>) {add = true}
        %dma_wait3A_74 = arith.constant 0 : i32
        %dma_wait3A_75 = tpu.memref_slice %arg9[%mul3A_30, %dma_wait3A_74] : memref<125x80xi32, #tpu.memory_space<vmem>> -> memref<1x80xi32, #tpu.memory_space<vmem>>
        %dma_wait3A_76 = tpu.memref_squeeze %dma_wait3A_75 : memref<1x80xi32, #tpu.memory_space<vmem>> -> memref<80xi32, #tpu.memory_space<vmem>>
        %dma_wait3A_77 = arith.constant 0 : i32
        %dma_wait3A_78 = arith.constant 0 : i32
        %dma_wait3A_79 = tpu.memref_slice %arg15[%dma_wait3A_77, %dma_wait3A_78] : memref<10000x128xf32, #tpu.memory_space<vmem_shared>> -> memref<10000x128xf32, #tpu.memory_space<vmem_shared>>
        tpu.wait_indirect_dma semaphore(%run_scoped3A_67 : memref<!tpu.dma_semaphore, #tpu.memory_space<semaphore_mem>>) src(%arg11 : memref<80x128xf32, #tpu.memory_space<vmem>>) dst(%dma_wait3A_79 : memref<10000x128xf32, #tpu.memory_space<vmem_shared>>)
        tpu.yield
      }) : () -> ()
      %add3A_48 = arith.constant 2 : i32
      %add3A_49 = arith.addi %mul3A_30, %add3A_48 : i32
      %mul3A_50 = arith.constant 80 : i32
      %mul3A_51 = arith.muli %add3A_49, %mul3A_50 : i32
      %dma_start3A_52 = tpu.memref_slice %arg8[%mul3A_51] : memref<10000xi32, #tpu.memory_space<vmem>> -> memref<80xi32, #tpu.memory_space<vmem>>
      %dma_start3A_53 = arith.constant 0 : i32
      %dma_start3A_54 = arith.constant 0 : i32
      %dma_start3A_55 = tpu.memref_slice %arg2[%dma_start3A_53, %dma_start3A_54] : memref<10000x128xf32, #tpu.memory_space<hbm>> -> memref<10000x128xf32, #tpu.memory_space<hbm>>
      tpu.enqueue_indirect_dma source(%dma_start3A_55 : memref<10000x128xf32, #tpu.memory_space<hbm>>) target(%arg11 : memref<80x128xf32, #tpu.memory_space<vmem>>) offsets(%dma_start3A_52 : memref<80xi32, #tpu.memory_space<vmem>>) semaphore(%arg13 : memref<!tpu.dma_semaphore, #tpu.memory_space<semaphore_mem>>)
      %add3A_56 = arith.constant 1 : i32
      %add3A_57 = arith.addi %mul3A_30, %add3A_56 : i32
      %mul3A_58 = arith.constant 80 : i32
      %mul3A_59 = arith.muli %add3A_57, %mul3A_58 : i32
      %dma_wait3A_60 = tpu.memref_slice %arg8[%mul3A_59] : memref<10000xi32, #tpu.memory_space<vmem>> -> memref<80xi32, #tpu.memory_space<vmem>>
      %dma_wait3A_61 = arith.constant 0 : i32
      %dma_wait3A_62 = arith.constant 0 : i32
      %dma_wait3A_63 = tpu.memref_slice %arg2[%dma_wait3A_61, %dma_wait3A_62] : memref<10000x128xf32, #tpu.memory_space<hbm>> -> memref<10000x128xf32, #tpu.memory_space<hbm>>
      tpu.wait_indirect_dma semaphore(%arg14 : memref<!tpu.dma_semaphore, #tpu.memory_space<semaphore_mem>>) src(%dma_wait3A_63 : memref<10000x128xf32, #tpu.memory_space<hbm>>) dst(%arg12 : memref<80x128xf32, #tpu.memory_space<vmem>>)
      %parallel_loop3A_64 = arith.constant 0 : i32
      %parallel_loop3A_65 = arith.constant 80 : i32
      %parallel_loop3A_66 = arith.constant 1 : i32
      scf.for %parallel_loop3A_67 = %parallel_loop3A_64 to %parallel_loop3A_65 step %parallel_loop3A_66  : i32 {
        %parallel_loop3A_68 = arith.constant 80 : i32
        %parallel_loop3A_69 = arith.muli %add3A_57, %parallel_loop3A_68 : i32
        %parallel_loop3A_70 = arith.addi %parallel_loop3A_69, %parallel_loop3A_67 : i32
        %parallel_loop3A_71 = vector.broadcast %parallel_loop3A_70 : i32 to vector<16xi32>
        %parallel_loop3A_72 = tpu.vector_load_idx %arg10[%parallel_loop3A_71] : memref<10000xf32, #tpu.memory_space<vmem>>[vector<16xi32>], vector<16xf32>,
        %parallel_loop3A_73 = arith.index_cast %parallel_loop3A_67 : i32 to index
        %parallel_loop3A_74 = arith.constant 0 : index
        %parallel_loop3A_75 = tpu.vector_load %arg12[%parallel_loop3A_73, %parallel_loop3A_74] {strides = array<i32>} : memref<80x128xf32, #tpu.memory_space<vmem>>, vector<16xf32>,
        %parallel_loop3A_76 = arith.mulf %parallel_loop3A_75, %parallel_loop3A_72 : vector<16xf32>
        %parallel_loop3A_77 = arith.index_cast %parallel_loop3A_67 : i32 to index
        %parallel_loop3A_78 = arith.constant 0 : index
        %parallel_loop3A_79 = tpu.vector_load %arg12[%parallel_loop3A_77, %parallel_loop3A_78] {strides = array<i32>} : memref<80x128xf32, #tpu.memory_space<vmem>>, vector<16xf32>,
        tpu.vector_store %arg12[%parallel_loop3A_77, %parallel_loop3A_78], %parallel_loop3A_76 {strides = array<i32>} : memref<80x128xf32, #tpu.memory_space<vmem>>, vector<16xf32>,
        %parallel_loop3A_80 = arith.index_cast %parallel_loop3A_67 : i32 to index
        %parallel_loop3A_81 = arith.constant 16 : index
        %parallel_loop3A_82 = tpu.vector_load %arg12[%parallel_loop3A_80, %parallel_loop3A_81] {strides = array<i32>} : memref<80x128xf32, #tpu.memory_space<vmem>>, vector<16xf32>,
        %parallel_loop3A_83 = arith.mulf %parallel_loop3A_82, %parallel_loop3A_72 : vector<16xf32>
        %parallel_loop3A_84 = arith.index_cast %parallel_loop3A_67 : i32 to index
        %parallel_loop3A_85 = arith.constant 16 : index
        %parallel_loop3A_86 = tpu.vector_load %arg12[%parallel_loop3A_84, %parallel_loop3A_85] {strides = array<i32>} : memref<80x128xf32, #tpu.memory_space<vmem>>, vector<16xf32>,
        tpu.vector_store %arg12[%parallel_loop3A_84, %parallel_loop3A_85], %parallel_loop3A_83 {strides = array<i32>} : memref<80x128xf32, #tpu.memory_space<vmem>>, vector<16xf32>,
        %parallel_loop3A_87 = arith.index_cast %parallel_loop3A_67 : i32 to index
        %parallel_loop3A_88 = arith.constant 32 : index
        %parallel_loop3A_89 = tpu.vector_load %arg12[%parallel_loop3A_87, %parallel_loop3A_88] {strides = array<i32>} : memref<80x128xf32, #tpu.memory_space<vmem>>, vector<16xf32>,
        %parallel_loop3A_90 = arith.mulf %parallel_loop3A_89, %parallel_loop3A_72 : vector<16xf32>
        %parallel_loop3A_91 = arith.index_cast %parallel_loop3A_67 : i32 to index
        %parallel_loop3A_92 = arith.constant 32 : index
        %parallel_loop3A_93 = tpu.vector_load %arg12[%parallel_loop3A_91, %parallel_loop3A_92] {strides = array<i32>} : memref<80x128xf32, #tpu.memory_space<vmem>>, vector<16xf32>,
        tpu.vector_store %arg12[%parallel_loop3A_91, %parallel_loop3A_92], %parallel_loop3A_90 {strides = array<i32>} : memref<80x128xf32, #tpu.memory_space<vmem>>, vector<16xf32>,
        %parallel_loop3A_94 = arith.index_cast %parallel_loop3A_67 : i32 to index
        %parallel_loop3A_95 = arith.constant 48 : index
        %parallel_loop3A_96 = tpu.vector_load %arg12[%parallel_loop3A_94, %parallel_loop3A_95] {strides = array<i32>} : memref<80x128xf32, #tpu.memory_space<vmem>>, vector<16xf32>,
        %parallel_loop3A_97 = arith.mulf %parallel_loop3A_96, %parallel_loop3A_72 : vector<16xf32>
        %parallel_loop3A_98 = arith.index_cast %parallel_loop3A_67 : i32 to index
        %parallel_loop3A_99 = arith.constant 48 : index
        %parallel_loop3A_100 = tpu.vector_load %arg12[%parallel_loop3A_98, %parallel_loop3A_99] {strides = array<i32>} : memref<80x128xf32, #tpu.memory_space<vmem>>, vector<16xf32>,
        tpu.vector_store %arg12[%parallel_loop3A_98, %parallel_loop3A_99], %parallel_loop3A_97 {strides = array<i32>} : memref<80x128xf32, #tpu.memory_space<vmem>>, vector<16xf32>,
        %parallel_loop3A_101 = arith.index_cast %parallel_loop3A_67 : i32 to index
        %parallel_loop3A_102 = arith.constant 64 : index
        %parallel_loop3A_103 = tpu.vector_load %arg12[%parallel_loop3A_101, %parallel_loop3A_102] {strides = array<i32>} : memref<80x128xf32, #tpu.memory_space<vmem>>, vector<16xf32>,
        %parallel_loop3A_104 = arith.mulf %parallel_loop3A_103, %parallel_loop3A_72 : vector<16xf32>
        %parallel_loop3A_105 = arith.index_cast %parallel_loop3A_67 : i32 to index
        %parallel_loop3A_106 = arith.constant 64 : index
        %parallel_loop3A_107 = tpu.vector_load %arg12[%parallel_loop3A_105, %parallel_loop3A_106] {strides = array<i32>} : memref<80x128xf32, #tpu.memory_space<vmem>>, vector<16xf32>,
        tpu.vector_store %arg12[%parallel_loop3A_105, %parallel_loop3A_106], %parallel_loop3A_104 {strides = array<i32>} : memref<80x128xf32, #tpu.memory_space<vmem>>, vector<16xf32>,
        %parallel_loop3A_108 = arith.index_cast %parallel_loop3A_67 : i32 to index
        %parallel_loop3A_109 = arith.constant 80 : index
        %parallel_loop3A_110 = tpu.vector_load %arg12[%parallel_loop3A_108, %parallel_loop3A_109] {strides = array<i32>} : memref<80x128xf32, #tpu.memory_space<vmem>>, vector<16xf32>,
        %parallel_loop3A_111 = arith.mulf %parallel_loop3A_110, %parallel_loop3A_72 : vector<16xf32>
        %parallel_loop3A_112 = arith.index_cast %parallel_loop3A_67 : i32 to index
        %parallel_loop3A_113 = arith.constant 80 : index
        %parallel_loop3A_114 = tpu.vector_load %arg12[%parallel_loop3A_112, %parallel_loop3A_113] {strides = array<i32>} : memref<80x128xf32, #tpu.memory_space<vmem>>, vector<16xf32>,
        tpu.vector_store %arg12[%parallel_loop3A_112, %parallel_loop3A_113], %parallel_loop3A_111 {strides = array<i32>} : memref<80x128xf32, #tpu.memory_space<vmem>>, vector<16xf32>,
        %parallel_loop3A_115 = arith.index_cast %parallel_loop3A_67 : i32 to index
        %parallel_loop3A_116 = arith.constant 96 : index
        %parallel_loop3A_117 = tpu.vector_load %arg12[%parallel_loop3A_115, %parallel_loop3A_116] {strides = array<i32>} : memref<80x128xf32, #tpu.memory_space<vmem>>, vector<16xf32>,
        %parallel_loop3A_118 = arith.mulf %parallel_loop3A_117, %parallel_loop3A_72 : vector<16xf32>
        %parallel_loop3A_119 = arith.index_cast %parallel_loop3A_67 : i32 to index
        %parallel_loop3A_120 = arith.constant 96 : index
        %parallel_loop3A_121 = tpu.vector_load %arg12[%parallel_loop3A_119, %parallel_loop3A_120] {strides = array<i32>} : memref<80x128xf32, #tpu.memory_space<vmem>>, vector<16xf32>,
        tpu.vector_store %arg12[%parallel_loop3A_119, %parallel_loop3A_120], %parallel_loop3A_118 {strides = array<i32>} : memref<80x128xf32, #tpu.memory_space<vmem>>, vector<16xf32>,
        %parallel_loop3A_122 = arith.index_cast %parallel_loop3A_67 : i32 to index
        %parallel_loop3A_123 = arith.constant 112 : index
        %parallel_loop3A_124 = tpu.vector_load %arg12[%parallel_loop3A_122, %parallel_loop3A_123] {strides = array<i32>} : memref<80x128xf32, #tpu.memory_space<vmem>>, vector<16xf32>,
        %parallel_loop3A_125 = arith.mulf %parallel_loop3A_124, %parallel_loop3A_72 : vector<16xf32>
        %parallel_loop3A_126 = arith.index_cast %parallel_loop3A_67 : i32 to index
        %parallel_loop3A_127 = arith.constant 112 : index
        %parallel_loop3A_128 = tpu.vector_load %arg12[%parallel_loop3A_126, %parallel_loop3A_127] {strides = array<i32>} : memref<80x128xf32, #tpu.memory_space<vmem>>, vector<16xf32>,
        tpu.vector_store %arg12[%parallel_loop3A_126, %parallel_loop3A_127], %parallel_loop3A_125 {strides = array<i32>} : memref<80x128xf32, #tpu.memory_space<vmem>>, vector<16xf32>,
      } {sc.loop_unroll_factor = 8 : i64, sc.parallel_access}
      "tpu.region"() ({
        %run_scoped3A_67 = tpu.sem_alloc : memref<!tpu.dma_semaphore, #tpu.memory_space<semaphore_mem>>
        %dma_start3A_68 = arith.constant 0 : i32
        %dma_start3A_69 = tpu.memref_slice %arg9[%add3A_57, %dma_start3A_68] : memref<125x80xi32, #tpu.memory_space<vmem>> -> memref<1x80xi32, #tpu.memory_space<vmem>>
        %dma_start3A_70 = tpu.memref_squeeze %dma_start3A_69 : memref<1x80xi32, #tpu.memory_space<vmem>> -> memref<80xi32, #tpu.memory_space<vmem>>
        %dma_start3A_71 = arith.constant 0 : i32
        %dma_start3A_72 = arith.constant 0 : i32
        %dma_start3A_73 = tpu.memref_slice %arg15[%dma_start3A_71, %dma_start3A_72] : memref<10000x128xf32, #tpu.memory_space<vmem_shared>> -> memref<10000x128xf32, #tpu.memory_space<vmem_shared>>
        tpu.enqueue_indirect_dma source(%arg12 : memref<80x128xf32, #tpu.memory_space<vmem>>) target(%dma_start3A_73 : memref<10000x128xf32, #tpu.memory_space<vmem_shared>>) offsets(%dma_start3A_70 : memref<80xi32, #tpu.memory_space<vmem>>) semaphore(%run_scoped3A_67 : memref<!tpu.dma_semaphore, #tpu.memory_space<semaphore_mem>>) {add = true}
        %dma_wait3A_74 = arith.constant 0 : i32
        %dma_wait3A_75 = tpu.memref_slice %arg9[%add3A_57, %dma_wait3A_74] : memref<125x80xi32, #tpu.memory_space<vmem>> -> memref<1x80xi32, #tpu.memory_space<vmem>>
        %dma_wait3A_76 = tpu.memref_squeeze %dma_wait3A_75 : memref<1x80xi32, #tpu.memory_space<vmem>> -> memref<80xi32, #tpu.memory_space<vmem>>
        %dma_wait3A_77 = arith.constant 0 : i32
        %dma_wait3A_78 = arith.constant 0 : i32
        %dma_wait3A_79 = tpu.memref_slice %arg15[%dma_wait3A_77, %dma_wait3A_78] : memref<10000x128xf32, #tpu.memory_space<vmem_shared>> -> memref<10000x128xf32, #tpu.memory_space<vmem_shared>>
        tpu.wait_indirect_dma semaphore(%run_scoped3A_67 : memref<!tpu.dma_semaphore, #tpu.memory_space<semaphore_mem>>) src(%arg12 : memref<80x128xf32, #tpu.memory_space<vmem>>) dst(%dma_wait3A_79 : memref<10000x128xf32, #tpu.memory_space<vmem_shared>>)
        tpu.yield
      }) : () -> ()
    }
    %scan3A_15 = arith.constant 62 : i32
    %dma_wait3A = arith.constant 9920 : i32
    %dma_wait3A_16 = tpu.memref_slice %arg8[%dma_wait3A] : memref<10000xi32, #tpu.memory_space<vmem>> -> memref<80xi32, #tpu.memory_space<vmem>>
    %dma_wait3A_17 = arith.constant 0 : i32
    %dma_wait3A_18 = arith.constant 0 : i32
    %dma_wait3A_19 = tpu.memref_slice %arg2[%dma_wait3A_17, %dma_wait3A_18] : memref<10000x128xf32, #tpu.memory_space<hbm>> -> memref<10000x128xf32, #tpu.memory_space<hbm>>
    tpu.wait_indirect_dma semaphore(%arg13 : memref<!tpu.dma_semaphore, #tpu.memory_space<semaphore_mem>>) src(%dma_wait3A_19 : memref<10000x128xf32, #tpu.memory_space<hbm>>) dst(%arg11 : memref<80x128xf32, #tpu.memory_space<vmem>>)
    %parallel_loop3A = arith.constant 0 : i32
    %parallel_loop3A_20 = arith.constant 80 : i32
    %parallel_loop3A_21 = arith.constant 1 : i32
    scf.for %parallel_loop3A_28 = %parallel_loop3A to %parallel_loop3A_20 step %parallel_loop3A_21  : i32 {
      %parallel_loop3A_29 = arith.constant 9920 : i32
      %parallel_loop3A_30 = arith.addi %parallel_loop3A_29, %parallel_loop3A_28 : i32
      %parallel_loop3A_31 = vector.broadcast %parallel_loop3A_30 : i32 to vector<16xi32>
      %parallel_loop3A_32 = tpu.vector_load_idx %arg10[%parallel_loop3A_31] : memref<10000xf32, #tpu.memory_space<vmem>>[vector<16xi32>], vector<16xf32>,
      %parallel_loop3A_33 = arith.index_cast %parallel_loop3A_28 : i32 to index
      %parallel_loop3A_34 = arith.constant 0 : index
      %parallel_loop3A_35 = tpu.vector_load %arg11[%parallel_loop3A_33, %parallel_loop3A_34] {strides = array<i32>} : memref<80x128xf32, #tpu.memory_space<vmem>>, vector<16xf32>,
      %parallel_loop3A_36 = arith.mulf %parallel_loop3A_35, %parallel_loop3A_32 : vector<16xf32>
      %parallel_loop3A_37 = arith.index_cast %parallel_loop3A_28 : i32 to index
      %parallel_loop3A_38 = arith.constant 0 : index
      %parallel_loop3A_39 = tpu.vector_load %arg11[%parallel_loop3A_37, %parallel_loop3A_38] {strides = array<i32>} : memref<80x128xf32, #tpu.memory_space<vmem>>, vector<16xf32>,
      tpu.vector_store %arg11[%parallel_loop3A_37, %parallel_loop3A_38], %parallel_loop3A_36 {strides = array<i32>} : memref<80x128xf32, #tpu.memory_space<vmem>>, vector<16xf32>,
      %parallel_loop3A_40 = arith.index_cast %parallel_loop3A_28 : i32 to index
      %parallel_loop3A_41 = arith.constant 16 : index
      %parallel_loop3A_42 = tpu.vector_load %arg11[%parallel_loop3A_40, %parallel_loop3A_41] {strides = array<i32>} : memref<80x128xf32, #tpu.memory_space<vmem>>, vector<16xf32>,
      %parallel_loop3A_43 = arith.mulf %parallel_loop3A_42, %parallel_loop3A_32 : vector<16xf32>
      %parallel_loop3A_44 = arith.index_cast %parallel_loop3A_28 : i32 to index
      %parallel_loop3A_45 = arith.constant 16 : index
      %parallel_loop3A_46 = tpu.vector_load %arg11[%parallel_loop3A_44, %parallel_loop3A_45] {strides = array<i32>} : memref<80x128xf32, #tpu.memory_space<vmem>>, vector<16xf32>,
      tpu.vector_store %arg11[%parallel_loop3A_44, %parallel_loop3A_45], %parallel_loop3A_43 {strides = array<i32>} : memref<80x128xf32, #tpu.memory_space<vmem>>, vector<16xf32>,
      %parallel_loop3A_47 = arith.index_cast %parallel_loop3A_28 : i32 to index
      %parallel_loop3A_48 = arith.constant 32 : index
      %parallel_loop3A_49 = tpu.vector_load %arg11[%parallel_loop3A_47, %parallel_loop3A_48] {strides = array<i32>} : memref<80x128xf32, #tpu.memory_space<vmem>>, vector<16xf32>,
      %parallel_loop3A_50 = arith.mulf %parallel_loop3A_49, %parallel_loop3A_32 : vector<16xf32>
      %parallel_loop3A_51 = arith.index_cast %parallel_loop3A_28 : i32 to index
      %parallel_loop3A_52 = arith.constant 32 : index
      %parallel_loop3A_53 = tpu.vector_load %arg11[%parallel_loop3A_51, %parallel_loop3A_52] {strides = array<i32>} : memref<80x128xf32, #tpu.memory_space<vmem>>, vector<16xf32>,
      tpu.vector_store %arg11[%parallel_loop3A_51, %parallel_loop3A_52], %parallel_loop3A_50 {strides = array<i32>} : memref<80x128xf32, #tpu.memory_space<vmem>>, vector<16xf32>,
      %parallel_loop3A_54 = arith.index_cast %parallel_loop3A_28 : i32 to index
      %parallel_loop3A_55 = arith.constant 48 : index
      %parallel_loop3A_56 = tpu.vector_load %arg11[%parallel_loop3A_54, %parallel_loop3A_55] {strides = array<i32>} : memref<80x128xf32, #tpu.memory_space<vmem>>, vector<16xf32>,
      %parallel_loop3A_57 = arith.mulf %parallel_loop3A_56, %parallel_loop3A_32 : vector<16xf32>
      %parallel_loop3A_58 = arith.index_cast %parallel_loop3A_28 : i32 to index
      %parallel_loop3A_59 = arith.constant 48 : index
      %parallel_loop3A_60 = tpu.vector_load %arg11[%parallel_loop3A_58, %parallel_loop3A_59] {strides = array<i32>} : memref<80x128xf32, #tpu.memory_space<vmem>>, vector<16xf32>,
      tpu.vector_store %arg11[%parallel_loop3A_58, %parallel_loop3A_59], %parallel_loop3A_57 {strides = array<i32>} : memref<80x128xf32, #tpu.memory_space<vmem>>, vector<16xf32>,
      %parallel_loop3A_61 = arith.index_cast %parallel_loop3A_28 : i32 to index
      %parallel_loop3A_62 = arith.constant 64 : index
      %parallel_loop3A_63 = tpu.vector_load %arg11[%parallel_loop3A_61, %parallel_loop3A_62] {strides = array<i32>} : memref<80x128xf32, #tpu.memory_space<vmem>>, vector<16xf32>,
      %parallel_loop3A_64 = arith.mulf %parallel_loop3A_63, %parallel_loop3A_32 : vector<16xf32>
      %parallel_loop3A_65 = arith.index_cast %parallel_loop3A_28 : i32 to index
      %parallel_loop3A_66 = arith.constant 64 : index
      %parallel_loop3A_67 = tpu.vector_load %arg11[%parallel_loop3A_65, %parallel_loop3A_66] {strides = array<i32>} : memref<80x128xf32, #tpu.memory_space<vmem>>, vector<16xf32>,
      tpu.vector_store %arg11[%parallel_loop3A_65, %parallel_loop3A_66], %parallel_loop3A_64 {strides = array<i32>} : memref<80x128xf32, #tpu.memory_space<vmem>>, vector<16xf32>,
      %parallel_loop3A_68 = arith.index_cast %parallel_loop3A_28 : i32 to index
      %parallel_loop3A_69 = arith.constant 80 : index
      %parallel_loop3A_70 = tpu.vector_load %arg11[%parallel_loop3A_68, %parallel_loop3A_69] {strides = array<i32>} : memref<80x128xf32, #tpu.memory_space<vmem>>, vector<16xf32>,
      %parallel_loop3A_71 = arith.mulf %parallel_loop3A_70, %parallel_loop3A_32 : vector<16xf32>
      %parallel_loop3A_72 = arith.index_cast %parallel_loop3A_28 : i32 to index
      %parallel_loop3A_73 = arith.constant 80 : index
      %parallel_loop3A_74 = tpu.vector_load %arg11[%parallel_loop3A_72, %parallel_loop3A_73] {strides = array<i32>} : memref<80x128xf32, #tpu.memory_space<vmem>>, vector<16xf32>,
      tpu.vector_store %arg11[%parallel_loop3A_72, %parallel_loop3A_73], %parallel_loop3A_71 {strides = array<i32>} : memref<80x128xf32, #tpu.memory_space<vmem>>, vector<16xf32>,
      %parallel_loop3A_75 = arith.index_cast %parallel_loop3A_28 : i32 to index
      %parallel_loop3A_76 = arith.constant 96 : index
      %parallel_loop3A_77 = tpu.vector_load %arg11[%parallel_loop3A_75, %parallel_loop3A_76] {strides = array<i32>} : memref<80x128xf32, #tpu.memory_space<vmem>>, vector<16xf32>,
      %parallel_loop3A_78 = arith.mulf %parallel_loop3A_77, %parallel_loop3A_32 : vector<16xf32>
      %parallel_loop3A_79 = arith.index_cast %parallel_loop3A_28 : i32 to index
      %parallel_loop3A_80 = arith.constant 96 : index
      %parallel_loop3A_81 = tpu.vector_load %arg11[%parallel_loop3A_79, %parallel_loop3A_80] {strides = array<i32>} : memref<80x128xf32, #tpu.memory_space<vmem>>, vector<16xf32>,
      tpu.vector_store %arg11[%parallel_loop3A_79, %parallel_loop3A_80], %parallel_loop3A_78 {strides = array<i32>} : memref<80x128xf32, #tpu.memory_space<vmem>>, vector<16xf32>,
      %parallel_loop3A_82 = arith.index_cast %parallel_loop3A_28 : i32 to index
      %parallel_loop3A_83 = arith.constant 112 : index
      %parallel_loop3A_84 = tpu.vector_load %arg11[%parallel_loop3A_82, %parallel_loop3A_83] {strides = array<i32>} : memref<80x128xf32, #tpu.memory_space<vmem>>, vector<16xf32>,
      %parallel_loop3A_85 = arith.mulf %parallel_loop3A_84, %parallel_loop3A_32 : vector<16xf32>
      %parallel_loop3A_86 = arith.index_cast %parallel_loop3A_28 : i32 to index
      %parallel_loop3A_87 = arith.constant 112 : index
      %parallel_loop3A_88 = tpu.vector_load %arg11[%parallel_loop3A_86, %parallel_loop3A_87] {strides = array<i32>} : memref<80x128xf32, #tpu.memory_space<vmem>>, vector<16xf32>,
      tpu.vector_store %arg11[%parallel_loop3A_86, %parallel_loop3A_87], %parallel_loop3A_85 {strides = array<i32>} : memref<80x128xf32, #tpu.memory_space<vmem>>, vector<16xf32>,
    } {sc.loop_unroll_factor = 8 : i64, sc.parallel_access}
    %run_scoped3A = arith.constant 124 : i32
    "tpu.region"() ({
      %run_scoped3A_28 = tpu.sem_alloc : memref<!tpu.dma_semaphore, #tpu.memory_space<semaphore_mem>>
      %dma_start3A_29 = arith.constant 0 : i32
      %dma_start3A_30 = tpu.memref_slice %arg9[%run_scoped3A, %dma_start3A_29] : memref<125x80xi32, #tpu.memory_space<vmem>> -> memref<1x80xi32, #tpu.memory_space<vmem>>
      %dma_start3A_31 = tpu.memref_squeeze %dma_start3A_30 : memref<1x80xi32, #tpu.memory_space<vmem>> -> memref<80xi32, #tpu.memory_space<vmem>>
      %dma_start3A_32 = arith.constant 0 : i32
      %dma_start3A_33 = arith.constant 0 : i32
      %dma_start3A_34 = tpu.memref_slice %arg15[%dma_start3A_32, %dma_start3A_33] : memref<10000x128xf32, #tpu.memory_space<vmem_shared>> -> memref<10000x128xf32, #tpu.memory_space<vmem_shared>>
      tpu.enqueue_indirect_dma source(%arg11 : memref<80x128xf32, #tpu.memory_space<vmem>>) target(%dma_start3A_34 : memref<10000x128xf32, #tpu.memory_space<vmem_shared>>) offsets(%dma_start3A_31 : memref<80xi32, #tpu.memory_space<vmem>>) semaphore(%run_scoped3A_28 : memref<!tpu.dma_semaphore, #tpu.memory_space<semaphore_mem>>) {add = true}
      %dma_wait3A_35 = arith.constant 0 : i32
      %dma_wait3A_36 = tpu.memref_slice %arg9[%run_scoped3A, %dma_wait3A_35] : memref<125x80xi32, #tpu.memory_space<vmem>> -> memref<1x80xi32, #tpu.memory_space<vmem>>
      %dma_wait3A_37 = tpu.memref_squeeze %dma_wait3A_36 : memref<1x80xi32, #tpu.memory_space<vmem>> -> memref<80xi32, #tpu.memory_space<vmem>>
      %dma_wait3A_38 = arith.constant 0 : i32
      %dma_wait3A_39 = arith.constant 0 : i32
      %dma_wait3A_40 = tpu.memref_slice %arg15[%dma_wait3A_38, %dma_wait3A_39] : memref<10000x128xf32, #tpu.memory_space<vmem_shared>> -> memref<10000x128xf32, #tpu.memory_space<vmem_shared>>
      tpu.wait_indirect_dma semaphore(%run_scoped3A_28 : memref<!tpu.dma_semaphore, #tpu.memory_space<semaphore_mem>>) src(%arg11 : memref<80x128xf32, #tpu.memory_space<vmem>>) dst(%dma_wait3A_40 : memref<10000x128xf32, #tpu.memory_space<vmem_shared>>)
      tpu.yield
    }) : () -> ()
    %barrier3A_22 = arith.constant 0 : index
    tpu.barrier barrier_id(%barrier3A_22)
    %lt3A_23 = arith.constant 10 : i32
    %lt3A_24 = arith.cmpi slt, %arg1, %lt3A_23 : i32
    %convert_element_type3A_25 = arith.extui %lt3A_24 : i1 to i32
    %cond3A_26 = arith.constant 0 : i32
    %cond3A_27 = arith.cmpi ne, %convert_element_type3A_25, %cond3A_26 : i32
    scf.if %cond3A_27 {
      %mul3A_28 = arith.constant 1000 : i32
      %mul3A_29 = arith.muli %arg1, %mul3A_28 : i32
      %mul3A_30 = arith.constant 10000 : i32
      %mul3A_31 = arith.muli %arg0, %mul3A_30 : i32
      %mul3A_32 = arith.constant 1000 : i32
      %mul3A_33 = arith.muli %arg1, %mul3A_32 : i32
      %add3A_34 = arith.addi %mul3A_31, %mul3A_33 : i32
      "tpu.region"() ({
        %run_scoped3A_35 = tpu.sem_alloc : memref<!tpu.dma_semaphore, #tpu.memory_space<semaphore_mem>>
        %dma_start3A_36 = arith.constant 0 : i32
        %dma_start3A_37 = tpu.memref_slice %arg7[%add3A_34, %dma_start3A_36] : memref<20000x128xf32, #tpu.memory_space<hbm>> -> memref<1000x128xf32, #tpu.memory_space<hbm>>
        %dma_start3A_38 = arith.constant 0 : i32
        %dma_start3A_39 = tpu.memref_slice %arg15[%mul3A_29, %dma_start3A_38] : memref<10000x128xf32, #tpu.memory_space<vmem_shared>> -> memref<1000x128xf32, #tpu.memory_space<vmem_shared>>
        tpu.enqueue_dma source(%dma_start3A_39 : memref<1000x128xf32, #tpu.memory_space<vmem_shared>>) target(%dma_start3A_37 : memref<1000x128xf32, #tpu.memory_space<hbm>>) target_semaphore(%run_scoped3A_35 : memref<!tpu.dma_semaphore, #tpu.memory_space<semaphore_mem>>)
        %dma_wait3A_40 = arith.constant 0 : i32
        %dma_wait3A_41 = tpu.memref_slice %arg7[%add3A_34, %dma_wait3A_40] : memref<20000x128xf32, #tpu.memory_space<hbm>> -> memref<1000x128xf32, #tpu.memory_space<hbm>>
        %dma_wait3A_42 = arith.constant 0 : i32
        %dma_wait3A_43 = tpu.memref_slice %arg15[%mul3A_29, %dma_wait3A_42] : memref<10000x128xf32, #tpu.memory_space<vmem_shared>> -> memref<1000x128xf32, #tpu.memory_space<vmem_shared>>
        tpu.wait_dma2 semaphore(%run_scoped3A_35 : memref<!tpu.dma_semaphore, #tpu.memory_space<semaphore_mem>>) src(%dma_wait3A_43 : memref<1000x128xf32, #tpu.memory_space<vmem_shared>>) dst(%dma_wait3A_41 : memref<1000x128xf32, #tpu.memory_space<hbm>>)
        tpu.yield
      }) : () -> ()
    } else {
    }
    return
  }
}

module attributes {stable_mosaic.version = 14 : i64} {
  func.func @body(%arg0: memref<4x20000xf32, #tpu.memory_space<vmem>>, %arg1: memref<10000x128xf32, #tpu.memory_space<vmem>>, %arg2: memref<128x128xf32, #tpu.memory_space<vmem>>, %arg3: memref<10000x1xf32, #tpu.memory_space<vmem>>, %arg4: memref<10000x1xf32, #tpu.memory_space<vmem>>, %arg5: memref<10000x128xf32, #tpu.memory_space<vmem>>) attributes {dimension_semantics = [], scalar_prefetch = 0 : i64, scratch_operands = 0 : i64, tpu.core_type = #tpu.core_type<tc>} {
    %get3A = arith.constant 0 : index
    %get3A_0 = arith.constant 0 : index
    %get3A_1 = vector.load %arg0[%get3A, %get3A_0] : memref<4x20000xf32, #tpu.memory_space<vmem>>, vector<1x20000xf32>
    %get3A_2 = vector.shape_cast %get3A_1 : vector<1x20000xf32> to vector<20000xf32>
    %get3A_3 = arith.constant 2 : index
    %get3A_4 = arith.constant 0 : index
    %get3A_5 = vector.load %arg0[%get3A_3, %get3A_4] : memref<4x20000xf32, #tpu.memory_space<vmem>>, vector<1x20000xf32>
    %get3A_6 = vector.shape_cast %get3A_5 : vector<1x20000xf32> to vector<20000xf32>
    %add3A = arith.addf %get3A_2, %get3A_6 : vector<20000xf32>
    %get3A_7 = arith.constant 1 : index
    %get3A_8 = arith.constant 0 : index
    %get3A_9 = vector.load %arg0[%get3A_7, %get3A_8] : memref<4x20000xf32, #tpu.memory_space<vmem>>, vector<1x20000xf32>
    %get3A_10 = vector.shape_cast %get3A_9 : vector<1x20000xf32> to vector<20000xf32>
    %get3A_11 = arith.constant 3 : index
    %get3A_12 = arith.constant 0 : index
    %get3A_13 = vector.load %arg0[%get3A_11, %get3A_12] : memref<4x20000xf32, #tpu.memory_space<vmem>>, vector<1x20000xf32>
    %get3A_14 = vector.shape_cast %get3A_13 : vector<1x20000xf32> to vector<20000xf32>
    %add3A_15 = arith.addf %get3A_10, %get3A_14 : vector<20000xf32>
    %le3A = arith.constant 0.000000e+00 : f32
    %le3A_16 = vector.broadcast %le3A : f32 to vector<20000xf32>
    %le3A_17 = arith.cmpf ole, %add3A, %le3A_16 : vector<20000xf32>
    %jit3A = arith.constant 1.000000e+00 : f32
    %broadcast_in_dim3A = vector.broadcast %jit3A : f32 to vector<20000xf32>
    %select_n3A = arith.select %le3A_17, %broadcast_in_dim3A, %add3A : vector<20000xi1>, vector<20000xf32>
    %max3A = arith.constant 1.000000e+00 : f32
    %max3A_18 = vector.broadcast %max3A : f32 to vector<20000xf32>
    %max3A_19 = arith.maximumf %add3A_15, %max3A_18 : vector<20000xf32>
    %rsqrt3A = math.rsqrt %select_n3A : vector<20000xf32>
    %rsqrt3A_20 = math.rsqrt %max3A_19 : vector<20000xf32>
    %mul3A = arith.mulf %rsqrt3A, %rsqrt3A_20 : vector<20000xf32>
    %slice3A = vector.extract_strided_slice %mul3A {offsets = [0], sizes = [10000], strides = [1]} : vector<20000xf32> to vector<10000xf32>
    %reshape3A = vector.shape_cast %slice3A : vector<10000xf32> to vector<10000x1xf32>
    %slice3A_21 = vector.extract_strided_slice %mul3A {offsets = [10000], sizes = [10000], strides = [1]} : vector<20000xf32> to vector<10000xf32>
    %reshape3A_22 = vector.shape_cast %slice3A_21 : vector<10000xf32> to vector<10000x1xf32>
    %swap3A = arith.constant 0 : index
    %swap3A_23 = arith.constant 0 : index
    %swap3A_24 = vector.load %arg3[%swap3A, %swap3A_23] : memref<10000x1xf32, #tpu.memory_space<vmem>>, vector<10000x1xf32>
    tpu.vector_store %arg3[%swap3A, %swap3A_23], %reshape3A {strides = array<i32>} : memref<10000x1xf32, #tpu.memory_space<vmem>>, vector<10000x1xf32>,
    %swap3A_25 = arith.constant 0 : index
    %swap3A_26 = arith.constant 0 : index
    %swap3A_27 = vector.load %arg4[%swap3A_25, %swap3A_26] : memref<10000x1xf32, #tpu.memory_space<vmem>>, vector<10000x1xf32>
    tpu.vector_store %arg4[%swap3A_25, %swap3A_26], %reshape3A_22 {strides = array<i32>} : memref<10000x1xf32, #tpu.memory_space<vmem>>, vector<10000x1xf32>,
    %get3A_28 = arith.constant 0 : index
    %get3A_29 = arith.constant 0 : index
    %get3A_30 = vector.load %arg1[%get3A_28, %get3A_29] : memref<10000x128xf32, #tpu.memory_space<vmem>>, vector<10000x128xf32>
    %mul3A_31 = vector.broadcast %reshape3A : vector<10000x1xf32> to vector<10000x128xf32>
    %mul3A_32 = arith.mulf %get3A_30, %mul3A_31 : vector<10000x128xf32>
    %get3A_33 = arith.constant 0 : index
    %get3A_34 = arith.constant 0 : index
    %get3A_35 = vector.load %arg2[%get3A_33, %get3A_34] : memref<128x128xf32, #tpu.memory_space<vmem>>, vector<128x128xf32>
    %dot_general3A = arith.constant dense<0.000000e+00> : vector<10000x128xf32>
    %dot_general3A_36 = tpu.matmul %mul3A_32, %get3A_35, %dot_general3A {dimension_numbers = #tpu.dot_dimension_numbers<[1], [0], [0], [1], [0, 0, 1, 1], [], []>, transpose_lhs_hint = false} : vector<10000x128xf32>, vector<128x128xf32>, vector<10000x128xf32> -> vector<10000x128xf32>
    %swap3A_37 = arith.constant 0 : index
    %swap3A_38 = arith.constant 0 : index
    %swap3A_39 = vector.load %arg5[%swap3A_37, %swap3A_38] : memref<10000x128xf32, #tpu.memory_space<vmem>>, vector<10000x128xf32>
    tpu.vector_store %arg5[%swap3A_37, %swap3A_38], %dot_general3A_36 {strides = array<i32>} : memref<10000x128xf32, #tpu.memory_space<vmem>>, vector<10000x128xf32>,
    return
  }
}

module attributes {stable_mosaic.version = 14 : i64} {
  func.func @body(%arg0: memref<20000x128xf32, #tpu.memory_space<vmem>>, %arg1: memref<1x128xf32, #tpu.memory_space<vmem>>, %arg2: memref<128x128xf32, #tpu.memory_space<vmem>>, %arg3: memref<10000x1xf32, #tpu.memory_space<vmem>>, %arg4: memref<10000x1xf32, #tpu.memory_space<vmem>>, %arg5: memref<10000x128xf32, #tpu.memory_space<vmem>>) attributes {dimension_semantics = [], scalar_prefetch = 0 : i64, scratch_operands = 0 : i64, tpu.core_type = #tpu.core_type<tc>} {
    %get3A = arith.constant 0 : index
    %get3A_0 = arith.constant 0 : index
    %get3A_1 = vector.load %arg0[%get3A, %get3A_0] : memref<20000x128xf32, #tpu.memory_space<vmem>>, vector<10000x128xf32>
    %get3A_2 = arith.constant 10000 : index
    %get3A_3 = arith.constant 0 : index
    %get3A_4 = vector.load %arg0[%get3A_2, %get3A_3] : memref<20000x128xf32, #tpu.memory_space<vmem>>, vector<10000x128xf32>
    %add3A = arith.addf %get3A_1, %get3A_4 : vector<10000x128xf32>
    %get3A_5 = arith.constant 0 : index
    %get3A_6 = arith.constant 0 : index
    %get3A_7 = vector.load %arg4[%get3A_5, %get3A_6] : memref<10000x1xf32, #tpu.memory_space<vmem>>, vector<10000x1xf32>
    %mul3A = vector.broadcast %get3A_7 : vector<10000x1xf32> to vector<10000x128xf32>
    %mul3A_8 = arith.mulf %add3A, %mul3A : vector<10000x128xf32>
    %get3A_9 = arith.constant 0 : index
    %get3A_10 = arith.constant 0 : index
    %get3A_11 = vector.load %arg1[%get3A_9, %get3A_10] : memref<1x128xf32, #tpu.memory_space<vmem>>, vector<1x128xf32>
    %add3A_12 = vector.broadcast %get3A_11 : vector<1x128xf32> to vector<10000x128xf32>
    %add3A_13 = arith.addf %mul3A_8, %add3A_12 : vector<10000x128xf32>
    %max3A = arith.constant 0.000000e+00 : f32
    %max3A_14 = vector.broadcast %max3A : f32 to vector<10000x128xf32>
    %max3A_15 = arith.maximumf %add3A_13, %max3A_14 : vector<10000x128xf32>
    %get3A_16 = arith.constant 0 : index
    %get3A_17 = arith.constant 0 : index
    %get3A_18 = vector.load %arg3[%get3A_16, %get3A_17] : memref<10000x1xf32, #tpu.memory_space<vmem>>, vector<10000x1xf32>
    %mul3A_19 = vector.broadcast %get3A_18 : vector<10000x1xf32> to vector<10000x128xf32>
    %mul3A_20 = arith.mulf %max3A_15, %mul3A_19 : vector<10000x128xf32>
    %get3A_21 = arith.constant 0 : index
    %get3A_22 = arith.constant 0 : index
    %get3A_23 = vector.load %arg2[%get3A_21, %get3A_22] : memref<128x128xf32, #tpu.memory_space<vmem>>, vector<128x128xf32>
    %dot_general3A = arith.constant dense<0.000000e+00> : vector<10000x128xf32>
    %dot_general3A_24 = tpu.matmul %mul3A_20, %get3A_23, %dot_general3A {dimension_numbers = #tpu.dot_dimension_numbers<[1], [0], [0], [1], [0, 0, 1, 1], [], []>, transpose_lhs_hint = false} : vector<10000x128xf32>, vector<128x128xf32>, vector<10000x128xf32> -> vector<10000x128xf32>
    %swap3A = arith.constant 0 : index
    %swap3A_25 = arith.constant 0 : index
    %swap3A_26 = vector.load %arg5[%swap3A, %swap3A_25] : memref<10000x128xf32, #tpu.memory_space<vmem>>, vector<10000x128xf32>
    tpu.vector_store %arg5[%swap3A, %swap3A_25], %dot_general3A_24 {strides = array<i32>} : memref<10000x128xf32, #tpu.memory_space<vmem>>, vector<10000x128xf32>,
    return
  }
}

module attributes {stable_mosaic.version = 14 : i64} {
  func.func @body(%arg0: memref<20000x128xf32, #tpu.memory_space<vmem>>, %arg1: memref<1x64xf32, #tpu.memory_space<vmem>>, %arg2: memref<10000x1xf32, #tpu.memory_space<vmem>>, %arg3: memref<10000x64xf32, #tpu.memory_space<vmem>>) attributes {dimension_semantics = [], scalar_prefetch = 0 : i64, scratch_operands = 0 : i64, tpu.core_type = #tpu.core_type<tc>} {
    %get3A = arith.constant 0 : index
    %get3A_0 = arith.constant 0 : index
    %get3A_1 = vector.load %arg0[%get3A, %get3A_0] : memref<20000x128xf32, #tpu.memory_space<vmem>>, vector<10000x64xf32>
    %get3A_2 = arith.constant 10000 : index
    %get3A_3 = arith.constant 0 : index
    %get3A_4 = vector.load %arg0[%get3A_2, %get3A_3] : memref<20000x128xf32, #tpu.memory_space<vmem>>, vector<10000x64xf32>
    %add3A = arith.addf %get3A_1, %get3A_4 : vector<10000x64xf32>
    %get3A_5 = arith.constant 0 : index
    %get3A_6 = arith.constant 0 : index
    %get3A_7 = vector.load %arg2[%get3A_5, %get3A_6] : memref<10000x1xf32, #tpu.memory_space<vmem>>, vector<10000x1xf32>
    %mul3A = vector.broadcast %get3A_7 : vector<10000x1xf32> to vector<10000x64xf32>
    %mul3A_8 = arith.mulf %add3A, %mul3A : vector<10000x64xf32>
    %get3A_9 = arith.constant 0 : index
    %get3A_10 = arith.constant 0 : index
    %get3A_11 = vector.load %arg1[%get3A_9, %get3A_10] : memref<1x64xf32, #tpu.memory_space<vmem>>, vector<1x64xf32>
    %add3A_12 = vector.broadcast %get3A_11 : vector<1x64xf32> to vector<10000x64xf32>
    %add3A_13 = arith.addf %mul3A_8, %add3A_12 : vector<10000x64xf32>
    %swap3A = arith.constant 0 : index
    %swap3A_14 = arith.constant 0 : index
    %swap3A_15 = vector.load %arg3[%swap3A, %swap3A_14] : memref<10000x64xf32, #tpu.memory_space<vmem>>, vector<10000x64xf32>
    tpu.vector_store %arg3[%swap3A, %swap3A_14], %add3A_13 {strides = array<i32>} : memref<10000x64xf32, #tpu.memory_space<vmem>>, vector<10000x64xf32>,
    return
  }
}

</mosaic_0001>

<sc_bundles>
// kernel: kernel.10.cloned.1.call-start
scs
__scs_entry_jumppad:
0x0: {  	(pc) =	sbr.rel $0x88, $3  }
0x1: {  	(tag) =	ssettag $0x0;
	lr =	simm.s32 $0x1  }
0x2: {  	[smem:$0x3F98] =	sst lr;
	_ =	strace $0xD0000000  }
0x3: {  	_ = 	snop  }
0x4: {  	_ = 	snop  }
0x5: {  	_ = 	snop  }
0x6: {  	_ = 	snop  }
0x7: {  	_ = 	snop  }
__scs_overlays_trampoline_lowered:
0x8: {  	[smem:$0x3FA7] =	sst s0  }
0x9: {  	[smem:$0x3FA8] =	sst s1  }
0xa: {  	[smem:$0x3FA9] =	sst s2  }
0xb: {  	[smem:$0x3FAA] =	sst s3  }
0xc: {  	[smem:$0x3FAB] =	sst s4  }
0xd: {  	[smem:$0x3FAC] =	sst s5  }
0xe: {  	[smem:$0x3FAD] =	sst s6  }
0xf: {  	[smem:$0x3FAE] =	sst s7  }
0x10: {  	[smem:$0x3FAF] =	sst s8  }
0x11: {  	[smem:$0x3FB0] =	sst s9;
	s0 =	simm.s32 @!p0 $0x0  }
0x12: {  	s1 =	sld [smem:$0x3F96];
	s0 =	simm.s32 @p0 $0x1  }
0x13: {  	[smem:$0x3FB1] =	sst s0;
	s0 =	simm.s32 @!p1 $0x0  }
0x14: {  	s2 =	sld [smem:$0x3F95];
	s0 =	simm.s32 @p1 $0x1  }
0x15: {  	[smem:$0x3FB2] =	sst s0;
	s0 =	simm.s32 @!p2 $0x0  }
0x16: {  	s3 =	sld [smem:$0x3FDB];
	s0 =	simm.s32 @p2 $0x1  }
0x17: {  	s4 =	simm.s32 $0x1BF5;
	[smem:$0x3FB4] =	sst s0  }
0x18: {  	s0 =	sld [smem:$0x3F97];
	_ =	swait.ge [sflag:s4], $0x0  }
0x19: {  	s7 =	sld [smem:$0x3F98]  }
0x1a: {  	s8 =	sadd.s32 $0xFFFFE003, lr  }
0x1b: {  	s9 =	sadd.s32 $0xFFFFFEF7, lr;
	s5 =	simm.s32 $0xFFFFFFFF;
	p2 =	slt.u32 s8, $0xFFFFF086  }
0x1c: {  	p1 =	slt.u32 s9, $0xF7A;
	s5 =	simm.s32 @!p2 $0x0  }
0x1d: {  	s5 =	simm.s32 @p1 $0x1;
	p0 =	seq.s32 s7, s2  }
0x1e: {  	s7 =	smul.u32 @!p0 $0xF7A, s2;
	p2 =	seq.s32 @!p0 s5, $0x0  }
0x1f: {  	s9 =	smul.u32 $0xF7A, s1;
	s8 =	simm.s32 @!p0 $0x1BF5;
	p2 =	por !p2, p0  }
0x20: {  	[sflag:s8] =	ssyncset.s32 @!p0 $0xFFFFF086;
	s6 =	sadd.s32 @!p0 s3, s7;
	s7 =	simm.s32 @!p0 $0x108  }
0x21: {  	s3 =	sadd.s32 s3, s9;
	s6 =	sadd.s32 @!p0 $0x88, s6;
	s7 =	simm.s32 @p2 $0x1082  }
0x22: {  	[simem:s7], [sflag:s8] =	dma.local @!p0 [hbm:s6], $0xF7A  }
0x23: {  	s9 =	sor.u32 $0xD0000000, s2;
	s6 =	simm.s32 $0x108;
	_ =	swait.ge @!p0 [sflag:s8], $0x0  }
0x24: {  	s3 =	sadd.s32 $0x88, s3;
	s6 =	simm.s32 @!p1 $0x1082;
	[sflag:s4] =	ssyncset.s32 $0xFFFFF086  }
0x25: {  	[simem:s6], [sflag:s4] =	dma.local [hbm:s3], $0xF7A  }
0x26: {  	[smem:$0x3F98] =	sst s1;
	(tag) =	ssettag s2;
	_ =	strace s9  }
0x27: {  	s1 =	sld [smem:$0x3FA8]  }
0x28: {  	s2 =	sld [smem:$0x3FA9]  }
0x29: {  	s4 =	sld [smem:$0x3FAB]  }
0x2a: {  	p0 =	seq.s32 s5, $0x0;
	s5 =	sld [smem:$0x3FAC]  }
0x2b: {  	s6 =	sld [smem:$0x3FAD]  }
0x2c: {  	s7 =	sld [smem:$0x3FAE]  }
0x2d: {  	s3 =	simm.s32 $0x108;
	s8 =	sld [smem:$0x3FAF]  }
0x2e: {  	s3 =	simm.s32 @!p0 $0x1082;
	s9 =	sld [smem:$0x3FB0]  }
0x2f: {  	lr =	sadd.s32 s0, s3;
	s0 =	sld [smem:$0x3FA7]  }
0x30: {  	s3 =	sld [smem:$0x3FAA]  }
0x31: {  	[smem:$0x3FB3] =	sst s10  }
0x32: {  	s10 =	sld [smem:$0x3FB1];
	_ =	sdelay $0x3  }
0x33: {  	p0 =	seq.s32 s10, $0x1;
	s10 =	sld [smem:$0x3FB3];
	_ =	sdelay $0x3  }
0x34: {  	[smem:$0x3FB3] =	sst s10  }
0x35: {  	s10 =	sld [smem:$0x3FB2];
	_ =	sdelay $0x3  }
0x36: {  	p1 =	seq.s32 s10, $0x1;
	s10 =	sld [smem:$0x3FB3];
	_ =	sdelay $0x3  }
0x37: {  	[smem:$0x3FB3] =	sst s10  }
0x38: {  	s10 =	sld [smem:$0x3FB4]  }
0x39: {  	_ = 	snop;
	(pc) =	sbr.ind lr, $3  }
0x3a: {  	_ = 	snop  }
0x3b: {  	_ = 	snop  }
0x3c: {  	p2 =	seq.s32 s10, $0x1;
	s10 =	sld [smem:$0x3FB3]  }
0x3d: {  	_ =	shalt  }
0x3e: {  	_ =	shalt  }
0x3f: {  	_ =	shalt  }
0x40: {  	_ =	shalt  }
0x41: {  	_ =	shalt  }
0x42: {  	_ =	shalt  }
0x43: {  	_ =	shalt  }
0x44: {  	_ =	shalt  }
0x45: {  	_ =	shalt  }
0x46: {  	_ =	shalt  }
0x47: {  	_ =	shalt  }
0x48: {  	_ =	shalt  }
0x49: {  	_ =	shalt  }
0x4a: {  	_ =	shalt  }
0x4b: {  	_ =	shalt  }
0x4c: {  	_ =	shalt  }
0x4d: {  	_ =	shalt  }
0x4e: {  	_ =	shalt  }
0x4f: {  	_ =	shalt  }
0x50: {  	_ =	shalt  }
0x51: {  	_ =	shalt  }
0x52: {  	_ =	shalt  }
0x53: {  	_ =	shalt  }
0x54: {  	_ =	shalt  }
0x55: {  	_ =	shalt  }
0x56: {  	_ =	shalt  }
0x57: {  	_ =	shalt  }
0x58: {  	_ =	shalt  }
0x59: {  	_ =	shalt  }
0x5a: {  	_ =	shalt  }
0x5b: {  	_ =	shalt  }
0x5c: {  	_ =	shalt  }
0x5d: {  	_ =	shalt  }
0x5e: {  	_ =	shalt  }
0x5f: {  	_ =	shalt  }
0x60: {  	_ =	shalt  }
0x61: {  	_ =	shalt  }
0x62: {  	_ =	shalt  }
0x63: {  	_ =	shalt  }
0x64: {  	_ =	shalt  }
0x65: {  	_ =	shalt  }
0x66: {  	_ =	shalt  }
0x67: {  	_ =	shalt  }
0x68: {  	_ =	shalt  }
0x69: {  	_ =	shalt  }
0x6a: {  	_ =	shalt  }
0x6b: {  	_ =	shalt  }
0x6c: {  	_ =	shalt  }
0x6d: {  	_ =	shalt  }
0x6e: {  	_ =	shalt  }
0x6f: {  	_ =	shalt  }
0x70: {  	_ =	shalt  }
0x71: {  	_ =	shalt  }
0x72: {  	_ =	shalt  }
0x73: {  	_ =	shalt  }
0x74: {  	_ =	shalt  }
0x75: {  	_ =	shalt  }
0x76: {  	_ =	shalt  }
0x77: {  	_ =	shalt  }
0x78: {  	_ =	shalt  }
0x79: {  	_ =	shalt  }
0x7a: {  	_ =	shalt  }
0x7b: {  	_ =	shalt  }
0x7c: {  	_ =	shalt  }
0x7d: {  	_ =	shalt  }
0x7e: {  	_ =	shalt  }
0x7f: {  	_ =	shalt  }
0x80: {  	_ =	shalt  }
0x81: {  	_ =	shalt  }
0x82: {  	_ =	shalt  }
0x83: {  	_ =	shalt  }
0x84: {  	_ =	shalt  }
0x85: {  	_ =	shalt  }
0x86: {  	_ =	shalt  }
0x87: {  	_ =	shalt  }
.Lfunc_end0:
.L_simem_size_0:
called_computation_lowered:
.L_overlay_start_0:
0x88: {  	s2 =	sld [smem:$0x3FD9]  }
0x89: {  	s3 =	sld [smem:$0x3FFE];
	_ =	sdelay $0x1  }
0x8a: {  	s1 =	srdreg.scid  }
0x8b: {  	s0 =	sand.u32 $0x1, s1  }
0x8c: {  	s17 =	sshll.u32 s0, $0xA;
	s2 =	sadd.s32 s3, s2  }
0x8d: {  	s2 =	sadd.s32 s2, s17  }
0x8e: {  	[smem:$0x3FBF] =	sst s2  }
0x8f: {  	_ = 	snop  }
0x90: {  	s2 =	sld [smem:$0x3FC7]  }
0x91: {  	s18 =	sld [smem:$0x3FD0];
	(tm) =	ssettm $0x1  }
0x92: {  	s4 =	sld [smem:$0x3FFB];
	_ =	sdelay $0x3  }
0x93: {  	_ =	strace s4  }
0x94: {  	s4 =	sld [smem:$0x3FFC];
	_ =	sdelay $0x3  }
0x95: {  	_ =	strace s4  }
0x96: {  	s4 =	sld [smem:$0x3FFD];
	_ =	sdelay $0x3  }
0x97: {  	_ =	strace s4  }
0x98: {  	_ =	strace $0x8FFFFFFF  }
0x99: {  	s19 =	sld [smem:$0x3FDB];
	_ =	sdelay $0x1  }
0x9a: {  	s5 =	simm.s32 $_scs_section_size  }
0x9b: {  	s6 =	simm.s32 $_size__tile_overlayer_lowered;
	s7 =	simm.s32 $_tile_overlayer_lowered  }
0x9c: {  	s22 =	simm.s32 $0x1BFF;
	s21 =	sshll.u32 s7, $0x1;
	s4 =	sadd.s32 s5, s19  }
0x9d: {  	s8 =	simm.s32 $0x0;
	s20 =	sshll.u32 s6, $0x1;
	s6 =	sadd.s32 s21, s4  }
0x9e: {  	[timem:s8], [sflag:s22] =	dma.local [hbm:s6], s20  }
0x9f: {  	_ =	swait.ge [sflag:s22], s20  }
0xa0: {  	s5 =	ssub.s32 $0x0, s20;
	[sflag:s22] =	ssyncset.done $0x0  }
0xa1: {  	[sflag:s22] =	ssyncadd.s32 s5;
	_ =	sdelay $0x1  }
0xa2: {  	s23 =	simm.s32 $0x1B8B  }
0xa3: {  	_ =	swait.ge [sflag:s23], $0x1  }
0xa4: {  	[sflag:s23] =	ssyncset.done $0x0  }
0xa5: {  	s25 =	simm.s32 $0x1B8E;
	s24 =	sld [smem:$0x3FFE];
	[sflag:s23] =	ssyncadd.s32 $0xFFFFFFFF  }
0xa6: {  	s26 =	simm.s32 $execute0_lowered;
	[smem:$0x3FD2] =	sst s25  }
0xa7: {  	s6 =	sshll.u32 s26, $0x1;
	_ =	strace $0x80000046;
	[dreg:$0x1] =	wrdreg $0xFFFFFFFF  }
0xa8: {  	s28 =	simm.s32 $_size_execute0_lowered;
	s4 =	sadd.s32 s4, s6;
	[dreg:$0x0] =	wrdreg $0x0  }
0xa9: {  	s6 =	sshll.u32 s28, $0x1;
	[dreg:$0x2] =	wrdreg s4  }
0xaa: {  	[dreg:$0x3] =	wrdreg s6  }
0xab: {  	[dreg:$0x4] =	wrdreg $0xC0  }
0xac: {  	_ =	task [dreg:s8], $0x5FFFF  }
0xad: {  	[dreg:$0x1] =	wrdreg $0xFFFFFFFF  }
0xae: {  	[dreg:$0x0] =	wrdreg $0x60  }
0xaf: {  	[dreg:$0x2] =	wrdreg s18  }
0xb0: {  	[dreg:$0x3] =	wrdreg s24  }
0xb1: {  	[dreg:$0x4] =	wrdreg s2  }
0xb2: {  	[dreg:$0x5] =	wrdreg $0x7D500  }
0xb3: {  	[dreg:$0x6] =	wrdreg $0x82380  }
0xb4: {  	[dreg:$0x7] =	wrdreg $0x9  }
0xb5: {  	_ =	task.clear_ibuf [dreg:s8], $0x8FFFF;
	_ =	strace $0x90000046  }
0xb6: {  	s29 =	simm.s32 $0x9;
	_ =	strace $0x80000048  }
0xb7: {  	_ =	swait.ge [sflag:s29], $0x1  }
0xb8: {  	[sflag:s29] =	ssyncadd.s32 $0xFFFFFFFF  }
0xb9: {  	_ =	strace $0x90000048  }
0xba: {  	_ =	sfence  }
0xbb: {  	s30 =	sld [smem:$0x0];
	_ =	sdelay $0x2  }
0xbc: {  	s31 =	sshll.u32 s1, $0xD;
	s1 =	sshrl.u32 s1, $0x2  }
0xbd: {  	s3 =	sand.u32 $0x4000, s31;
	s1 =	sadd.s32 s1, s30  }
0xbe: {  	s0 =	sor.u32 s3, s0;
	s1 =	sshll.u32 s1, $0x11  }
0xbf: {  	s0 =	sor.u32 s1, s0  }
0xc0: {  	s0 =	sadd.s32 $0x8F2B, s0  }
0xc1: {  	[sflag:s0] =	ssyncadd.remote.s32 $0x1  }
0xc2: {  	_ =	sfence.sel $0xFFFF  }
0xc3: {  	[dreg:$0x0] =	wrdreg $0xFFFFFFFF;
	(pc) =	sbr.abs _section_cstart, $3  }
0xc4: {  	[dreg:$0x1] =	wrdreg $0xFFFFFFFF  }
0xc5: {  	_ =	task.clear_ibuf [dreg:s8], $0x2FFFF;
	_ =	strace $0x9FFFFFFF  }
0xc6: {  	(tm) =	ssettm $0x7FFFFFFF  }
0xc7: {  	_ =	shalt  }
tec
execute0_lowered:
.L_overlay_start_1:
0x0: {  	(tag) =	ssettag $0x1  }
0x1: {  	s6 =	rddreg [dreg:$0x0]  }
0x2: {  	s7 =	rddreg [dreg:$0x1]  }
0x3: {  	s8 =	rddreg [dreg:$0x2]  }
0x4: {  	s1 =	srdreg.scid;
	s2 =	rddreg [dreg:$0x3]  }
0x5: {  	s0 =	stileid.u32;
	s3 =	rddreg [dreg:$0x4];
	s4 =	simm.s32 $0x0  }
0x6: {  	s17 =	simm.s32 $0x4E20;
	s18 =	simm.s32 $0x7530;
	s19 =	simm.s32 $0x50  }
0x7: {  	s20 =	simm.s32 $0x1;
	s21 =	simm.s32 $0x0;
	s9 =	sand.u32 $0x1, s1  }
0x8: {  	s30 =	sshll.u32 s0, $0x1;
	s11 =	smul.u32 $0x7D0, s0;
	[smem:$0x7FF] =	sst s4  }
0x9: {  	s5 =	sadd.s32 $0x16E00, s7;
	s1 =	sor.u32 s9, s30;
	s12 =	smul.u32 $0x9C40, s9  }
0xa: {  	p0 =	sgt.u32 s0, $0x9;
	s9 =	ssub.s32 $0x2, s9;
	s10 =	smul.u32 $0x4E2, s1  }
0xb: {  	s1 =	rddreg [dreg:$0x5];
	_ =	strace $0x80000047;
	s14 =	sshrl.u32 s11, $0x3  }
0xc: {  	s31 =	sshrl.u32 s9, $0x1;
	s12 =	sadd.s32 s11, s12;
	s14 =	sadd.s32 s14, s7  }
0xd: {  	s16 =	ssub.s32 s9, s31;
	s13 =	sadd.s32 s10, s7;
	s12 =	sshrl.u32 s12, $0x3  }
0xe: {  	s6 =	sadd.s32 s6, s10;
	s8 =	sadd.s32 s8, s10;
	s9 =	sadd.s32 $0x16400, s14  }
0xf: {  	s10 =	sadd.s32 s11, s2;
	s11 =	sadd.s32 s11, s3;
	s14 =	smax.u32 s16, $0x1  }
0x10: {  	s16 =	simm.s32 $0x2710;
	s15 =	sadd.s32 s12, s7;
	s7 =	sadd.s32 $0xC600, s13  }
0x11: {  	s12 =	sadd.s32 $0x17000, s15;
	s13 =	sadd.s32 $0x179C4, s15;
	s15 =	simm.s32 $0x2  }
.LBB2_1:
0x12: {  	[tilespmem:s4], [sflag:$0x2] =	stream.linear.gather [hbm4b:s6+s4], $0x2710, $0x38;
	[tilespmem:$0x8720] =	vst v63  }
0x13: {  	_ =	swait.ge [sflag:s15], $0x2710  }
0x14: {  	[sflag:s15] =	ssyncset.done $0x0  }
0x15: {  	[sflag:s15] =	ssyncadd.s32 $0xFFFFD8F0  }
0x16: {  	[tilespmem:s16], [sflag:$0x2] =	stream.linear.gather [hbm4b:s7+s4], $0x2710, $0x38;
	[tilespmem:$0x8720] =	vst v63  }
0x17: {  	_ =	swait.ge [sflag:s15], $0x2710  }
0x18: {  	[sflag:s15] =	ssyncset.done $0x0  }
0x19: {  	[sflag:s15] =	ssyncadd.s32 $0xFFFFD8F0  }
0x1a: {  	[tilespmem:s17], [sflag:$0x2] =	stream.linear.gather [hbm4b:s8+s4], $0x2710, $0x38;
	[tilespmem:$0x8720] =	vst v63  }
0x1b: {  	_ =	swait.ge [sflag:s15], $0x2710  }
0x1c: {  	[sflag:s15] =	ssyncset.done $0x0  }
0x1d: {  	[sflag:s15] =	ssyncadd.s32 $0xFFFFD8F0  }
0x1e: {  	[tilespmem:s18], [sflag:$0x2] =	stream.linear.gather [hbm4b:s5+s4], $0x50, $0x38;
	[tilespmem:$0x8720] =	vst v63  }
0x1f: {  	_ =	swait.ge [sflag:s15], $0x50  }
0x20: {  	[sflag:s15] =	ssyncset.done $0x0  }
0x21: {  	s22 =	simm.s32 @!p0 $0x0;
	s23 =	simm.s32 @!p0 $0x7580;
	[sflag:s15] =	ssyncadd.s32 $0xFFFFFFB0  }
0x22: {  	[tilespmem:s23], [sflag:$0x2] =	stream.linear.gather @!p0 [hbm4b:s9+s22], $0x7D0, $0x38;
	[tilespmem:$0x8720] =	vst v63  }
0x23: {  	s22 =	simm.s32 @!p0 $0x2  }
0x24: {  	_ =	swait.ge @!p0 [sflag:s22], $0x7D0  }
0x25: {  	[sflag:s22] =	ssyncset.done @!p0 $0x0  }
0x26: {  	[sflag:s22] =	ssyncadd.s32 @!p0 $0xFFFFF830  }
0x27: {  	[spmem:s10] =	stream.linear.scatter @!p0 [tilespmem:s23], [sflag:$0x2], $0x7D0, $0x38;
	[tilespmem:$0x8720] =	vst v63  }
0x28: {  	_ =	swait.ge @!p0 [sflag:s22], $0x7D0  }
0x29: {  	[sflag:s22] =	ssyncset.done @!p0 $0x0  }
0x2a: {  	[sflag:s22] =	ssyncadd.s32 @!p0 $0xFFFFF830  }
0x2b: {  	[spmem:s11] =	stream.linear.scatter @!p0 [tilespmem:s23], [sflag:$0x2], $0x7D0, $0x38;
	[tilespmem:$0x8720] =	vst v63  }
0x2c: {  	_ =	swait.ge @!p0 [sflag:s22], $0x7D0  }
0x2d: {  	[sflag:s22] =	ssyncset.done @!p0 $0x0  }
0x2e: {  	[sflag:s22] =	ssyncadd.s32 @!p0 $0xFFFFF830  }
0x2f: {  	s31 =	simm.s32 $0x0;
	s24 =	simm.s32 $0x4E20;
	[bflag:$0x0] =	sbarrier.arrive $0xFFFF  }
0x30: {  	[spmem:s2] =	stream.indirect.scatter.add.f32 [tilespmem:s24], [sflag:$0x1], $0x1, s31, s19, $0xb8;
	[tilespmem:$0x8720] =	vst v63  }
0x31: {  	s23 =	simm.s32 $0x2710  }
0x32: {  	[spmem:s2] =	stream.indirect.scatter.add.f32 [tilespmem:s24], [sflag:$0x1], $0x1, s23, s19, $0xb8;
	[tilespmem:$0x8720] =	vst v63  }
0x33: {  	s22 =	simm.s32 $0x50;
	s24 =	simm.s32 $0x280  }
0x34: {  	[spmem:s3] =	stream.indirect.scatter.add.f32 [tilespmem:s18], [sflag:$0x1], $0x1, s31, s19, $0xb8;
	[tilespmem:$0x8720] =	vst v63  }
.LBB2_2:
0x35: {  	[spmem:s3] =	stream.indirect.scatter.add.f32 [tilespmem:s18], [sflag:$0x1], $0x1, s23, s19, $0xb8;
	[tilespmem:$0x8720] =	vst v63  }
0x36: {  	s23 =	smov.u32 s24;
	s26 =	sadd.s32 $0x140, s24  }
0x37: {  	s28 =	sadd.s32 $0x4E20, s22;
	p1 =	sne.s32 s24, $0x9B00;
	s25 =	sshra.s32 s23, $0x2  }
0x38: {  	[spmem:s2] =	stream.indirect.scatter.add.f32 [tilespmem:s28], [sflag:$0x1], $0x1, s22, s19, $0xb8;
	[tilespmem:$0x8720] =	vst v63  }
.Ltmp0:
0x39: {  	s23 =	sadd.s32 $0x2710, s22;
	(pc) =	sbr.rel @p1 .LBB2_2-.Ltmp0, $4  }
0x3a: {  	[spmem:s2] =	stream.indirect.scatter.add.f32 [tilespmem:s28], [sflag:$0x1], $0x1, s23, s19, $0xb8;
	[tilespmem:$0x8720] =	vst v63  }
0x3b: {  	_ = 	snop  }
0x3c: {  	[spmem:s3] =	stream.indirect.scatter.add.f32 [tilespmem:s18], [sflag:$0x1], $0x1, s22, s19, $0xb8;
	[tilespmem:$0x8720] =	vst v63  }
0x3d: {  	s24 =	smov.u32 s26;
	s22 =	smov.u32 s25  }
0x3e: {  	[spmem:s3] =	stream.indirect.scatter.add.f32 [tilespmem:s18], [sflag:$0x1], $0x1, s23, s19, $0xb8;
	[tilespmem:$0x8720] =	vst v63  }
0x3f: {  	s31 =	sadd.s32 $0x4E20, s22  }
0x40: {  	[spmem:s2] =	stream.indirect.scatter.add.f32 [tilespmem:s31], [sflag:$0x1], $0x1, s22, s19, $0xb8;
	[tilespmem:$0x8720] =	vst v63  }
0x41: {  	s24 =	sadd.s32 $0x2710, s22  }
0x42: {  	[spmem:s2] =	stream.indirect.scatter.add.f32 [tilespmem:s31], [sflag:$0x1], $0x1, s24, s19, $0xb8;
	[tilespmem:$0x8720] =	vst v63  }
0x43: {  	_ = 	snop  }
0x44: {  	[spmem:s3] =	stream.indirect.scatter.add.f32 [tilespmem:s18], [sflag:$0x1], $0x1, s22, s19, $0xb8;
	[tilespmem:$0x8720] =	vst v63  }
0x45: {  	_ = 	snop  }
0x46: {  	[spmem:s3] =	stream.indirect.scatter.add.f32 [tilespmem:s18], [sflag:$0x1], $0x1, s24, s19, $0xb8;
	[tilespmem:$0x8720] =	vst v63  }
0x47: {  	_ =	swait.ge [sflag:s20], $0x50  }
0x48: {  	s22 =	simm.s32 $0x1F3;
	[sflag:s20] =	ssyncset.done $0x0  }
.LBB2_4:
0x49: {  	p1 =	sne.s32 s22, $0x1;
	s22 =	sadd.s32 $0xFFFFFFFF, s22;
	[sflag:s20] =	ssyncadd.s32 $0xFFFFFFB0  }
.Ltmp1:
0x4a: {  	(pc) =	sbr.rel @p1 .LBB2_4-.Ltmp1, $3  }
0x4b: {  	_ =	sdelay $0x1  }
0x4c: {  	_ =	swait.ge [sflag:s20], $0x50  }
0x4d: {  	[sflag:s20] =	ssyncset.done $0x0  }
0x4e: {  	[sflag:s20] =	ssyncadd.s32 $0xFFFFFFB0  }
0x4f: {  	s22 =	simm.s32 @!p0 $0x7580;
	s23 =	simm.s32 @!p0 $0x2;
	[bflag:$0x0] =	sbarrier.arrive $0xFFFF  }
0x50: {  	[tilespmem:s22], [sflag:$0x2] =	stream.linear.gather @!p0 [spmem:s10], $0x7D0, $0x38;
	[tilespmem:$0x8720] =	vst v63  }
0x51: {  	_ =	swait.ge @!p0 [sflag:s23], $0x7D0  }
0x52: {  	[sflag:s23] =	ssyncset.done @!p0 $0x0  }
0x53: {  	s24 =	simm.s32 @!p0 $0x0;
	[sflag:s23] =	ssyncadd.s32 @!p0 $0xFFFFF830  }
0x54: {  	[hbm4b:s12+s24] =	stream.linear.scatter @!p0 [tilespmem:s22], [sflag:$0x2], $0x7D0, $0x38;
	[tilespmem:$0x8720] =	vst v63  }
0x55: {  	_ =	swait.ge @!p0 [sflag:s23], $0x7D0  }
0x56: {  	[sflag:s23] =	ssyncset.done @!p0 $0x0  }
0x57: {  	[sflag:s23] =	ssyncadd.s32 @!p0 $0xFFFFF830  }
0x58: {  	[tilespmem:s22], [sflag:$0x2] =	stream.linear.gather @!p0 [spmem:s11], $0x7D0, $0x38;
	[tilespmem:$0x8720] =	vst v63  }
0x59: {  	s21 =	sadd.s32 $0x1, s21;
	_ =	swait.ge @!p0 [sflag:s23], $0x7D0  }
0x5a: {  	p1 =	sne.s32 s21, s14;
	[sflag:s23] =	ssyncset.done @!p0 $0x0  }
.Ltmp2:
0x5b: {  	[sflag:s23] =	ssyncadd.s32 @!p0 $0xFFFFF830;
	(pc) =	sbr.rel @p1 .LBB2_1-.Ltmp2, $4  }
0x5c: {  	[hbm4b:s13+s24] =	stream.linear.scatter @!p0 [tilespmem:s22], [sflag:$0x2], $0x7D0, $0x38;
	[tilespmem:$0x8720] =	vst v63  }
0x5d: {  	_ =	swait.ge @!p0 [sflag:s23], $0x7D0  }
0x5e: {  	[sflag:s23] =	ssyncset.done @!p0 $0x0  }
0x5f: {  	[sflag:s23] =	ssyncadd.s32 @!p0 $0xFFFFF830  }
0x60: {  	_ =	sfence.sel $0x180000  }
0x61: {  	[bflag:$0x0] =	sbarrier.arrive $0xFFFF  }
0x62: {  	p0 =	sne.s32 s0, $0x0;
	_ =	strace $0x90000047  }
0x63: {  	s0 =	sadd.s32 @!p0 $0x100000, s1;
	[bflag:$0x2] =	sbarrier.arrive $0xFFFF  }
0x64: {  	[sflag:s0] =	ssyncadd.tile.s32 @!p0 $0x1;
	_ =	shalt  }
.Lfunc_end2:
_tile_overlayer_lowered:
.L_overlay_start_2:
0x65: {  	(tag) =	ssettag $0x2  }
0x66: {  	s0 =	rddreg [dreg:$0x0];
	s2 =	stileid.u32  }
0x67: {  	s1 =	rddreg [dreg:$0x1];
	p0 =	sne.s32 s2, $0x0  }
0x68: {  	s3 =	rddreg [dreg:$0x2];
	[bflag:$0x3] =	sbarrier.arrive $0xFFFF;
	s2 =	simm.s32 @!p0 $0x1C02  }
0x69: {  	[timem:s3], [sflag:s2] =	dma.local @!p0 [hbm:s0], s1  }
0x6a: {  	s0 =	simm.s32 @!p0 $0x2  }
0x6b: {  	_ =	swait.ge @!p0 [sflag:s0], s1  }
0x6c: {  	s1 =	ssub.s32 @!p0 $0x0, s1;
	[sflag:s0] =	ssyncset.done @!p0 $0x0  }
0x6d: {  	[sflag:s0] =	ssyncadd.s32 @!p0 s1  }
0x6e: {  	[bflag:$0x3] =	sbarrier.arrive $0xFFFF  }
0x6f: {  	_ =	shalt  }

// kernel: kernel.13.cloned.1.call-start
scs
__scs_entry_jumppad:
0x0: {  	(pc) =	sbr.rel $0x88, $3  }
0x1: {  	(tag) =	ssettag $0x0;
	lr =	simm.s32 $0x1  }
0x2: {  	[smem:$0x3F98] =	sst lr;
	_ =	strace $0xD0000000  }
0x3: {  	_ = 	snop  }
0x4: {  	_ = 	snop  }
0x5: {  	_ = 	snop  }
0x6: {  	_ = 	snop  }
0x7: {  	_ = 	snop  }
__scs_overlays_trampoline_lowered:
0x8: {  	[smem:$0x3FA7] =	sst s0  }
0x9: {  	[smem:$0x3FA8] =	sst s1  }
0xa: {  	[smem:$0x3FA9] =	sst s2  }
0xb: {  	[smem:$0x3FAA] =	sst s3  }
0xc: {  	[smem:$0x3FAB] =	sst s4  }
0xd: {  	[smem:$0x3FAC] =	sst s5  }
0xe: {  	[smem:$0x3FAD] =	sst s6  }
0xf: {  	[smem:$0x3FAE] =	sst s7  }
0x10: {  	[smem:$0x3FAF] =	sst s8  }
0x11: {  	[smem:$0x3FB0] =	sst s9;
	s0 =	simm.s32 @!p0 $0x0  }
0x12: {  	s1 =	sld [smem:$0x3F96];
	s0 =	simm.s32 @p0 $0x1  }
0x13: {  	[smem:$0x3FB1] =	sst s0;
	s0 =	simm.s32 @!p1 $0x0  }
0x14: {  	s2 =	sld [smem:$0x3F95];
	s0 =	simm.s32 @p1 $0x1  }
0x15: {  	[smem:$0x3FB2] =	sst s0;
	s0 =	simm.s32 @!p2 $0x0  }
0x16: {  	s3 =	sld [smem:$0x3FDB];
	s0 =	simm.s32 @p2 $0x1  }
0x17: {  	s4 =	simm.s32 $0x1BF5;
	[smem:$0x3FB4] =	sst s0  }
0x18: {  	s0 =	sld [smem:$0x3F97];
	_ =	swait.ge [sflag:s4], $0x0  }
0x19: {  	s7 =	sld [smem:$0x3F98]  }
0x1a: {  	s8 =	sadd.s32 $0xFFFFE003, lr  }
0x1b: {  	s9 =	sadd.s32 $0xFFFFFEF7, lr;
	s5 =	simm.s32 $0xFFFFFFFF;
	p2 =	slt.u32 s8, $0xFFFFF086  }
0x1c: {  	p1 =	slt.u32 s9, $0xF7A;
	s5 =	simm.s32 @!p2 $0x0  }
0x1d: {  	s5 =	simm.s32 @p1 $0x1;
	p0 =	seq.s32 s7, s2  }
0x1e: {  	s7 =	smul.u32 @!p0 $0xF7A, s2;
	p2 =	seq.s32 @!p0 s5, $0x0  }
0x1f: {  	s9 =	smul.u32 $0xF7A, s1;
	s8 =	simm.s32 @!p0 $0x1BF5;
	p2 =	por !p2, p0  }
0x20: {  	[sflag:s8] =	ssyncset.s32 @!p0 $0xFFFFF086;
	s6 =	sadd.s32 @!p0 s3, s7;
	s7 =	simm.s32 @!p0 $0x108  }
0x21: {  	s3 =	sadd.s32 s3, s9;
	s6 =	sadd.s32 @!p0 $0x88, s6;
	s7 =	simm.s32 @p2 $0x1082  }
0x22: {  	[simem:s7], [sflag:s8] =	dma.local @!p0 [hbm:s6], $0xF7A  }
0x23: {  	s9 =	sor.u32 $0xD0000000, s2;
	s6 =	simm.s32 $0x108;
	_ =	swait.ge @!p0 [sflag:s8], $0x0  }
0x24: {  	s3 =	sadd.s32 $0x88, s3;
	s6 =	simm.s32 @!p1 $0x1082;
	[sflag:s4] =	ssyncset.s32 $0xFFFFF086  }
0x25: {  	[simem:s6], [sflag:s4] =	dma.local [hbm:s3], $0xF7A  }
0x26: {  	[smem:$0x3F98] =	sst s1;
	(tag) =	ssettag s2;
	_ =	strace s9  }
0x27: {  	s1 =	sld [smem:$0x3FA8]  }
0x28: {  	s2 =	sld [smem:$0x3FA9]  }
0x29: {  	s4 =	sld [smem:$0x3FAB]  }
0x2a: {  	p0 =	seq.s32 s5, $0x0;
	s5 =	sld [smem:$0x3FAC]  }
0x2b: {  	s6 =	sld [smem:$0x3FAD]  }
0x2c: {  	s7 =	sld [smem:$0x3FAE]  }
0x2d: {  	s3 =	simm.s32 $0x108;
	s8 =	sld [smem:$0x3FAF]  }
0x2e: {  	s3 =	simm.s32 @!p0 $0x1082;
	s9 =	sld [smem:$0x3FB0]  }
0x2f: {  	lr =	sadd.s32 s0, s3;
	s0 =	sld [smem:$0x3FA7]  }
0x30: {  	s3 =	sld [smem:$0x3FAA]  }
0x31: {  	[smem:$0x3FB3] =	sst s10  }
0x32: {  	s10 =	sld [smem:$0x3FB1];
	_ =	sdelay $0x3  }
0x33: {  	p0 =	seq.s32 s10, $0x1;
	s10 =	sld [smem:$0x3FB3];
	_ =	sdelay $0x3  }
0x34: {  	[smem:$0x3FB3] =	sst s10  }
0x35: {  	s10 =	sld [smem:$0x3FB2];
	_ =	sdelay $0x3  }
0x36: {  	p1 =	seq.s32 s10, $0x1;
	s10 =	sld [smem:$0x3FB3];
	_ =	sdelay $0x3  }
0x37: {  	[smem:$0x3FB3] =	sst s10  }
0x38: {  	s10 =	sld [smem:$0x3FB4]  }
0x39: {  	_ = 	snop;
	(pc) =	sbr.ind lr, $3  }
0x3a: {  	_ = 	snop  }
0x3b: {  	_ = 	snop  }
0x3c: {  	p2 =	seq.s32 s10, $0x1;
	s10 =	sld [smem:$0x3FB3]  }
0x3d: {  	_ =	shalt  }
0x3e: {  	_ =	shalt  }
0x3f: {  	_ =	shalt  }
0x40: {  	_ =	shalt  }
0x41: {  	_ =	shalt  }
0x42: {  	_ =	shalt  }
0x43: {  	_ =	shalt  }
0x44: {  	_ =	shalt  }
0x45: {  	_ =	shalt  }
0x46: {  	_ =	shalt  }
0x47: {  	_ =	shalt  }
0x48: {  	_ =	shalt  }
0x49: {  	_ =	shalt  }
0x4a: {  	_ =	shalt  }
0x4b: {  	_ =	shalt  }
0x4c: {  	_ =	shalt  }
0x4d: {  	_ =	shalt  }
0x4e: {  	_ =	shalt  }
0x4f: {  	_ =	shalt  }
0x50: {  	_ =	shalt  }
0x51: {  	_ =	shalt  }
0x52: {  	_ =	shalt  }
0x53: {  	_ =	shalt  }
0x54: {  	_ =	shalt  }
0x55: {  	_ =	shalt  }
0x56: {  	_ =	shalt  }
0x57: {  	_ =	shalt  }
0x58: {  	_ =	shalt  }
0x59: {  	_ =	shalt  }
0x5a: {  	_ =	shalt  }
0x5b: {  	_ =	shalt  }
0x5c: {  	_ =	shalt  }
0x5d: {  	_ =	shalt  }
0x5e: {  	_ =	shalt  }
0x5f: {  	_ =	shalt  }
0x60: {  	_ =	shalt  }
0x61: {  	_ =	shalt  }
0x62: {  	_ =	shalt  }
0x63: {  	_ =	shalt  }
0x64: {  	_ =	shalt  }
0x65: {  	_ =	shalt  }
0x66: {  	_ =	shalt  }
0x67: {  	_ =	shalt  }
0x68: {  	_ =	shalt  }
0x69: {  	_ =	shalt  }
0x6a: {  	_ =	shalt  }
0x6b: {  	_ =	shalt  }
0x6c: {  	_ =	shalt  }
0x6d: {  	_ =	shalt  }
0x6e: {  	_ =	shalt  }
0x6f: {  	_ =	shalt  }
0x70: {  	_ =	shalt  }
0x71: {  	_ =	shalt  }
0x72: {  	_ =	shalt  }
0x73: {  	_ =	shalt  }
0x74: {  	_ =	shalt  }
0x75: {  	_ =	shalt  }
0x76: {  	_ =	shalt  }
0x77: {  	_ =	shalt  }
0x78: {  	_ =	shalt  }
0x79: {  	_ =	shalt  }
0x7a: {  	_ =	shalt  }
0x7b: {  	_ =	shalt  }
0x7c: {  	_ =	shalt  }
0x7d: {  	_ =	shalt  }
0x7e: {  	_ =	shalt  }
0x7f: {  	_ =	shalt  }
0x80: {  	_ =	shalt  }
0x81: {  	_ =	shalt  }
0x82: {  	_ =	shalt  }
0x83: {  	_ =	shalt  }
0x84: {  	_ =	shalt  }
0x85: {  	_ =	shalt  }
0x86: {  	_ =	shalt  }
0x87: {  	_ =	shalt  }
.Lfunc_end0:
.L_simem_size_0:
called_computation.1_lowered:
.L_overlay_start_0:
0x88: {  	s2 =	sld [smem:$0x3FD9]  }
0x89: {  	s3 =	sld [smem:$0x3FFE];
	_ =	sdelay $0x1  }
0x8a: {  	s1 =	srdreg.scid  }
0x8b: {  	s0 =	sand.u32 $0x1, s1  }
0x8c: {  	s17 =	sshll.u32 s0, $0xA;
	s2 =	sadd.s32 s3, s2  }
0x8d: {  	s2 =	sadd.s32 s2, s17  }
0x8e: {  	[smem:$0x3FBF] =	sst s2  }
0x8f: {  	_ = 	snop  }
0x90: {  	s2 =	sld [smem:$0x3FC7]  }
0x91: {  	s18 =	sld [smem:$0x3FD0];
	(tm) =	ssettm $0x1  }
0x92: {  	s4 =	sld [smem:$0x3FFB];
	_ =	sdelay $0x3  }
0x93: {  	_ =	strace s4  }
0x94: {  	s4 =	sld [smem:$0x3FFC];
	_ =	sdelay $0x3  }
0x95: {  	_ =	strace s4  }
0x96: {  	s4 =	sld [smem:$0x3FFD];
	_ =	sdelay $0x3  }
0x97: {  	_ =	strace s4  }
0x98: {  	_ =	strace $0x8FFFFFFF  }
0x99: {  	s19 =	sld [smem:$0x3FDB];
	_ =	sdelay $0x1  }
0x9a: {  	s5 =	simm.s32 $_scs_section_size  }
0x9b: {  	s6 =	simm.s32 $_size__tile_overlayer_lowered;
	s7 =	simm.s32 $_tile_overlayer_lowered  }
0x9c: {  	s22 =	simm.s32 $0x1BFF;
	s21 =	sshll.u32 s7, $0x1;
	s4 =	sadd.s32 s5, s19  }
0x9d: {  	s8 =	simm.s32 $0x0;
	s20 =	sshll.u32 s6, $0x1;
	s6 =	sadd.s32 s21, s4  }
0x9e: {  	[timem:s8], [sflag:s22] =	dma.local [hbm:s6], s20  }
0x9f: {  	_ =	swait.ge [sflag:s22], s20  }
0xa0: {  	s5 =	ssub.s32 $0x0, s20;
	[sflag:s22] =	ssyncset.done $0x0  }
0xa1: {  	[sflag:s22] =	ssyncadd.s32 s5;
	_ =	sdelay $0x1  }
0xa2: {  	s23 =	simm.s32 $0x1B8B  }
0xa3: {  	_ =	swait.ge [sflag:s23], $0x1  }
0xa4: {  	[sflag:s23] =	ssyncset.done $0x0  }
0xa5: {  	s25 =	simm.s32 $0x1B8E;
	s24 =	sld [smem:$0x3FFE];
	[sflag:s23] =	ssyncadd.s32 $0xFFFFFFFF  }
0xa6: {  	s26 =	simm.s32 $execute0_lowered;
	[smem:$0x3FD2] =	sst s25  }
0xa7: {  	s6 =	sshll.u32 s26, $0x1;
	_ =	strace $0x80000049;
	[dreg:$0x1] =	wrdreg $0xFFFFFFFF  }
0xa8: {  	s28 =	simm.s32 $_size_execute0_lowered;
	s4 =	sadd.s32 s4, s6;
	[dreg:$0x0] =	wrdreg $0x0  }
0xa9: {  	s6 =	sshll.u32 s28, $0x1;
	[dreg:$0x2] =	wrdreg s4  }
0xaa: {  	[dreg:$0x3] =	wrdreg s6  }
0xab: {  	[dreg:$0x4] =	wrdreg $0xC0  }
0xac: {  	_ =	task [dreg:s8], $0x5FFFF  }
0xad: {  	[dreg:$0x1] =	wrdreg $0xFFFFFFFF  }
0xae: {  	[dreg:$0x0] =	wrdreg $0x60  }
0xaf: {  	[dreg:$0x2] =	wrdreg s24  }
0xb0: {  	[dreg:$0x3] =	wrdreg s18  }
0xb1: {  	[dreg:$0x4] =	wrdreg s2  }
0xb2: {  	[dreg:$0x5] =	wrdreg $0xC5300  }
0xb3: {  	[dreg:$0x6] =	wrdreg $0x9  }
0xb4: {  	_ =	task.clear_ibuf [dreg:s8], $0x7FFFF;
	_ =	strace $0x90000049  }
0xb5: {  	s29 =	simm.s32 $0x9;
	_ =	strace $0x8000004B  }
0xb6: {  	_ =	swait.ge [sflag:s29], $0x1  }
0xb7: {  	[sflag:s29] =	ssyncadd.s32 $0xFFFFFFFF  }
0xb8: {  	_ =	strace $0x9000004B  }
0xb9: {  	_ =	sfence  }
0xba: {  	s30 =	sld [smem:$0x0];
	_ =	sdelay $0x2  }
0xbb: {  	s31 =	sshll.u32 s1, $0xD;
	s1 =	sshrl.u32 s1, $0x2  }
0xbc: {  	s3 =	sand.u32 $0x4000, s31;
	s1 =	sadd.s32 s1, s30  }
0xbd: {  	s0 =	sor.u32 s3, s0;
	s1 =	sshll.u32 s1, $0x11  }
0xbe: {  	s0 =	sor.u32 s1, s0  }
0xbf: {  	s0 =	sadd.s32 $0x8F2B, s0  }
0xc0: {  	[sflag:s0] =	ssyncadd.remote.s32 $0x1  }
0xc1: {  	_ =	sfence.sel $0xFFFF  }
0xc2: {  	[dreg:$0x0] =	wrdreg $0xFFFFFFFF;
	(pc) =	sbr.abs _section_cstart, $3  }
0xc3: {  	[dreg:$0x1] =	wrdreg $0xFFFFFFFF  }
0xc4: {  	_ =	task.clear_ibuf [dreg:s8], $0x2FFFF;
	_ =	strace $0x9FFFFFFF  }
0xc5: {  	(tm) =	ssettm $0x7FFFFFFF  }
tec
execute0_lowered:
.L_overlay_start_1:
0x0: {  	(tag) =	ssettag $0x1  }
0x1: {  	s5 =	rddreg [dreg:$0x0]  }
0x2: {  	s6 =	rddreg [dreg:$0x1]  }
0x3: {  	s1 =	srdreg.scid;
	s8 =	rddreg [dreg:$0x2]  }
0x4: {  	s0 =	stileid.u32;
	s2 =	rddreg [dreg:$0x3]  }
0x5: {  	s3 =	simm.s32 $0x0;
	s17 =	simm.s32 $0x7530;
	s18 =	simm.s32 $0x9D30  }
0x6: {  	s19 =	simm.s32 $0x1;
	s20 =	simm.s32 $0x2;
	s23 =	simm.s32 $0x0  }
0x7: {  	s7 =	sand.u32 $0x1, s1;
	s29 =	sshll.u32 s0, $0x1;
	s10 =	smul.u32 $0x1F400, s0  }
0x8: {  	[smem:$0x7FF] =	sst s3;
	s4 =	sadd.s32 $0xC600, s5;
	s12 =	smul.u32 $0x3E80, s0  }
0x9: {  	s15 =	smul.u32 $0x7D000, s0;
	p0 =	sgt.u32 s0, $0x9;
	s1 =	sor.u32 s7, s29  }
0xa: {  	s11 =	smul.u32 $0x27100, s7;
	_ =	strace $0x8000004A;
	s7 =	ssub.s32 $0x2, s7  }
0xb: {  	s9 =	smul.u32 $0x4E2, s1;
	s14 =	sshrl.u32 s10, $0x3;
	s30 =	sshrl.u32 s7, $0x1  }
0xc: {  	s16 =	sadd.s32 s10, s2;
	s31 =	sshrl.u32 s15, $0x2;
	s14 =	sadd.s32 s14, s5  }
0xd: {  	s11 =	sadd.s32 s12, s11;
	s12 =	ssub.s32 s7, s30;
	s22 =	sadd.s32 s31, s2  }
0xe: {  	s15 =	sshrl.u32 @!p0 s16, $0x3;
	s16 =	simm.s32 $0x50;
	s13 =	sadd.s32 s9, s5  }
0xf: {  	s11 =	sadd.s32 s11, s5;
	s5 =	sadd.s32 s6, s9;
	s7 =	sadd.s32 s8, s9  }
0x10: {  	s8 =	sadd.s32 $0x33800, s14;
	s10 =	smax.u32 s12, $0x1;
	s14 =	sshll.u32 @!p0 s0, $0x6  }
0x11: {  	v0 =	vimm.s32 $0x0;
	vm0 =	vcmask $0x300;
	s22 =	sshrl.u32 @!p0 s22, $0x3;
	s6 =	sadd.s32 $0x2800, s13;
	s9 =	sadd.s32 $0x5AA00, s11  }
0x12: {  	v0 =	vsel vm0, $0x3, v0;
	s11 =	simm.s32 $0x3;
	s13 =	simm.s32 $0x4E20;
	s14 =	sor.u32 @!p0 $0x1C03, s14  }
.LBB2_1:
0x13: {  	[tilespmem:s3], [sflag:$0x3] =	stream.linear.gather [hbm4b:s5+s3], $0x2710, $0x38;
	[tilespmem:$0x1FDB0] =	vst v63  }
0x14: {  	_ =	swait.ge [sflag:s11], $0x2710  }
0x15: {  	[sflag:s11] =	ssyncset.done $0x0  }
0x16: {  	s0 =	simm.s32 $0x2710;
	[sflag:s11] =	ssyncadd.s32 $0xFFFFD8F0  }
0x17: {  	[tilespmem:s0], [sflag:$0x3] =	stream.linear.gather [hbm4b:s6+s3], $0x2710, $0x38;
	[tilespmem:$0x1FDB0] =	vst v63  }
0x18: {  	_ =	swait.ge [sflag:s11], $0x2710  }
0x19: {  	[sflag:s11] =	ssyncset.done $0x0  }
0x1a: {  	[sflag:s11] =	ssyncadd.s32 $0xFFFFD8F0  }
0x1b: {  	[tilespmem:s13], [sflag:$0x3] =	stream.linear.gather [hbm4b:s7+s3], $0x2710, $0x38;
	[tilespmem:$0x1FDB0] =	vst v63  }
0x1c: {  	_ =	swait.ge [sflag:s11], $0x2710  }
0x1d: {  	[sflag:s11] =	ssyncset.done $0x0  }
0x1e: {  	s24 =	simm.s32 @!p0 $0x3;
	[sflag:s11] =	ssyncadd.s32 $0xFFFFD8F0  }
0x1f: {  	[spmem:s15], [sflag:s14] =	dma.local @!p0 [hbm:s8], $0x3E80  }
0x20: {  	_ =	swait.ge @!p0 [sflag:s24], $0x3E80  }
0x21: {  	[sflag:s24] =	ssyncset.done @!p0 $0x0  }
0x22: {  	[sflag:s24] =	ssyncadd.s32 @!p0 $0xFFFFC180  }
0x23: {  	s25 =	simm.s32 $0x0;
	s24 =	simm.s32 $0x0;
	[bflag:$0x0] =	sbarrier.arrive $0xFFFF  }
0x24: {  	[tilespmem:s17], [sflag:$0x1] =	stream.indirect.gather [hbm4b:s4+s16], $0x80, s3, s16, $0xb8;
	[tilespmem:$0x1FDB0] =	vst v63  }
.LBB2_2:
0x25: {  	s29 =	sadd.s32 $0xFFFFFFF8, s24;
	s31 =	smul.u32 $0xA0, s25  }
0x26: {  	s26 =	sadd.s32 $0xF, s29  }
0x27: {  	v1 =	vmov s26;
	s26 =	sadd.s32 $0x50, s31  }
0x28: {  	[tilespmem:s18], [sflag:$0x2] =	stream.indirect.gather [hbm4b:s4+s16], $0x80, s26, s16, $0xb8;
	[tilespmem:$0x1FDB0] =	vst v63  }
0x29: {  	s28 =	sadd.s32 $0x9, s29;
	_ =	swait.ge [sflag:s19], $0x2800  }
0x2a: {  	v2 =	vmov s28;
	s28 =	sadd.s32 $0xA, s29;
	[sflag:s19] =	ssyncset.done $0x0  }
0x2b: {  	v3 =	vmov s28;
	s28 =	simm.s32 $0x7730;
	[sflag:s19] =	ssyncadd.s32 $0xFFFFD800  }
0x2c: {  	v8 =	vld [tilespmem:s28+$0x1F0]  }
0x2d: {  	v11 =	vld [tilespmem:s28+$0xFFFFFE00]  }
0x2e: {  	s30 =	sadd.s32 $0x8, s29;
	v12 =	vld [tilespmem:s28+$0xFFFFFE10]  }
0x2f: {  	v4 =	vmov s30;
	v13 =	vld [tilespmem:s28+$0xFFFFFE20]  }
0x30: {  	v4 =	vshrl.u32 v4, $0x3;
	v5 =	vld [tilespmem:s28+$0xFFFFFE30]  }
0x31: {  	v2 =	vshrl.u32 v2, $0x3;
	v4 =	vshll.u32 v4, v0;
	v6 =	vld [tilespmem:s28+$0xFFFFFE40]  }
0x32: {  	v1 =	vshrl.u32 v1, $0x3;
	v2 =	vshll.u32 v2, v0;
	v4 =	vbroadcast v4, $0x0;
	v9 =	vld [tilespmem:s28+$0xFFFFFE50]  }
0x33: {  	v1 =	vshll.u32 v1, v0;
	v2 =	vadd.s32 $0x1, v2;
	v7 =	vld [tilespmem:s28+$0xFFFFFE60]  }
0x34: {  	v1 =	vadd.s32 $0x7, v1;
	v2 =	vbroadcast v2, $0x0;
	v10 =	vld [tilespmem:s28+$0xFFFFFE80]  }
0x35: {  	v1 =	vbroadcast v1, $0x0;
	v14 =	vld [tilespmem:s28+$0xFFFFFE90]  }
0x36: {  	v15 =	vld [tilespmem:s28+$0xFFFFFEA0]  }
0x37: {  	v16 =	vld [tilespmem:s28+$0xFFFFFEB0]  }
0x38: {  	v4 =	vld.idx.msk [tilespmem:v4+s13+$0x0], $0xffff  }
0x39: {  	v3 =	vshrl.u32 v3, $0x3;
	v17 =	vld [tilespmem:s28+$0xFFFFFEC0]  }
0x3a: {  	v3 =	vshll.u32 v3, v0;
	v2 =	vld.idx.msk [tilespmem:v2+s13+$0x0], $0xffff  }
0x3b: {  	v3 =	vadd.s32 $0x2, v3;
	v1 =	vld.idx.msk [tilespmem:v1+s13+$0x0], $0xffff  }
0x3c: {  	v3 =	vbroadcast v3, $0x0;
	v19 =	vld [tilespmem:s28+$0xFFFFFED0]  }
0x3d: {  	v20 =	vld [tilespmem:s28+$0xFFFFFEE0];
	v11 =	vmul.f32 v11, v4  }
0x3e: {  	v53 =	vld [tilespmem:s28+$0xFFFFFEF0];
	v13 =	vmul.f32 v13, v4  }
0x3f: {  	v54 =	vld [tilespmem:s28+$0xFFFFFF70];
	v18 =	vmul.f32 v10, v2;
	[tilespmem:s28+$0xFFFFFE00] =	vst v11  }
0x40: {  	s30 =	sadd.s32 $0xB, s29;
	v55 =	vld [tilespmem:s28+$0xFFFFFF80];
	v8 =	vmul.f32 v8, v1;
	[tilespmem:s28+$0xFFFFFE20] =	vst v13  }
0x41: {  	v56 =	vld [tilespmem:s28+$0xFFFFFFD0];
	v10 =	vmov s30;
	v17 =	vmul.f32 v17, v2;
	[tilespmem:s28+$0xFFFFFE80] =	vst v18  }
0x42: {  	v3 =	vld.idx.msk [tilespmem:v3+s13+$0x0], $0xffff;
	v19 =	vmul.f32 v19, v2;
	v21 =	vshrl.u32 v10, $0x3;
	[tilespmem:s28+$0x1F0] =	vst v8  }
0x43: {  	v52 =	vshll.u32 v21, v0;
	v8 =	vmul.f32 v12, v4;
	v12 =	vld [tilespmem:s28+$0xFFFFFF00];
	[tilespmem:s28+$0xFFFFFEC0] =	vst v17  }
0x44: {  	v58 =	vld [tilespmem:s28+$0x40];
	v13 =	vmul.f32 v15, v2;
	[tilespmem:s28+$0xFFFFFED0] =	vst v19;
	v18 =	vadd.s32 $0x3, v52  }
0x45: {  	v11 =	vld [tilespmem:s28+$0xFFFFFF10];
	v18 =	vbroadcast v18, $0x0;
	[tilespmem:s28+$0xFFFFFE10] =	vst v8;
	v8 =	vmul.f32 v14, v2  }
0x46: {  	v17 =	vmul.f32 v20, v2;
	[tilespmem:s28+$0xFFFFFEA0] =	vst v13;
	v14 =	vld [tilespmem:s28+$0xFFFFFF20]  }
0x47: {  	v15 =	vld [tilespmem:s28+$0xFFFFFF30];
	[tilespmem:s28+$0xFFFFFE90] =	vst v8;
	v8 =	vmul.f32 v16, v2  }
0x48: {  	s30 =	sadd.s32 $0xC, s29;
	[tilespmem:s28+$0xFFFFFEE0] =	vst v17;
	v16 =	vld [tilespmem:s28+$0xFFFFFF40];
	v12 =	vmul.f32 v12, v3  }
0x49: {  	v22 =	vmov s30;
	v2 =	vmul.f32 v53, v2;
	[tilespmem:s28+$0xFFFFFEB0] =	vst v8;
	v8 =	vld [tilespmem:s28+$0xFFFFFF60]  }
0x4a: {  	v13 =	vld [tilespmem:s28+$0xFFFFFF50];
	v11 =	vmul.f32 v11, v3;
	[tilespmem:s28+$0xFFFFFF00] =	vst v12;
	v12 =	vshrl.u32 v22, $0x3  }
0x4b: {  	[tilespmem:s28+$0xFFFFFEF0] =	vst v2;
	v2 =	vmul.f32 v14, v3;
	v18 =	vld.idx.msk [tilespmem:v18+s13+$0x0], $0xffff;
	v12 =	vshll.u32 v12, v0  }
0x4c: {  	v17 =	vld [tilespmem:s28+$0xFFFFFF90];
	[tilespmem:s28+$0xFFFFFF10] =	vst v11;
	v11 =	vmul.f32 v15, v3;
	v12 =	vadd.s32 $0x4, v12  }
0x4d: {  	v14 =	vld [tilespmem:s28+$0xFFFFFFA0];
	[tilespmem:s28+$0xFFFFFF20] =	vst v2;
	v2 =	vmul.f32 v16, v3;
	v12 =	vbroadcast v12, $0x0  }
0x4e: {  	v59 =	vld [tilespmem:s28+$0x50];
	[tilespmem:s28+$0xFFFFFF30] =	vst v11;
	v8 =	vmul.f32 v8, v3  }
0x4f: {  	v15 =	vld [tilespmem:s28+$0xFFFFFFB0];
	v13 =	vmul.f32 v13, v3;
	[tilespmem:s28+$0xFFFFFF40] =	vst v2;
	v3 =	vmul.f32 v54, v3  }
0x50: {  	s30 =	sadd.s32 $0xD, s29;
	v2 =	vld [tilespmem:s28+$0xFFFFFFE0];
	v11 =	vmul.f32 v55, v18;
	[tilespmem:s28+$0xFFFFFF60] =	vst v8  }
0x51: {  	v57 =	vmov s30;
	v16 =	vld [tilespmem:s28+$0xFFFFFFC0];
	[tilespmem:s28+$0xFFFFFF70] =	vst v3  }
0x52: {  	v8 =	vmul.f32 v17, v18;
	v3 =	vmul.f32 v14, v18;
	v14 =	vld [tilespmem:s28+$0x10];
	[tilespmem:s28+$0xFFFFFF80] =	vst v11;
	v11 =	vshrl.u32 v57, $0x3  }
0x53: {  	[tilespmem:s28+$0xFFFFFF50] =	vst v13;
	v12 =	vld.idx.msk [tilespmem:v12+s13+$0x0], $0xffff;
	v11 =	vshll.u32 v11, v0  }
0x54: {  	v13 =	vld [tilespmem:s28+$0xFFFFFFF0];
	[tilespmem:s28+$0xFFFFFF90] =	vst v8;
	v8 =	vmul.f32 v15, v18;
	v11 =	vadd.s32 $0x5, v11  }
0x55: {  	v17 =	vld [tilespmem:s28+$0x0];
	[tilespmem:s28+$0xFFFFFFA0] =	vst v3;
	v2 =	vmul.f32 v2, v18;
	v11 =	vbroadcast v11, $0x0  }
0x56: {  	v3 =	vmul.f32 v16, v18;
	v16 =	vld [tilespmem:s28+$0x30];
	[tilespmem:s28+$0xFFFFFFB0] =	vst v8;
	v8 =	vmul.f32 v56, v18  }
0x57: {  	v61 =	vld [tilespmem:s28+$0xB0];
	[tilespmem:s28+$0xFFFFFFE0] =	vst v2  }
0x58: {  	s29 =	sadd.s32 $0xE, s29;
	[tilespmem:s28+$0xFFFFFFD0] =	vst v8;
	v8 =	vld [tilespmem:s28+$0x60];
	v2 =	vmul.f32 v14, v12  }
0x59: {  	v15 =	vld [tilespmem:s28+$0x20];
	[tilespmem:s28+$0xFFFFFFC0] =	vst v3;
	v3 =	vmov s29  }
0x5a: {  	v60 =	vshrl.u32 v3, $0x3;
	v17 =	vmul.f32 v17, v12;
	v14 =	vld [tilespmem:s28+$0x70];
	[tilespmem:s28+$0x10] =	vst v2  }
0x5b: {  	v2 =	vmul.f32 v16, v12;
	v3 =	vld.idx.msk [tilespmem:v11+s13+$0x0], $0xffff;
	v11 =	vmul.f32 v13, v18;
	v13 =	vshll.u32 v60, v0  }
0x5c: {  	v62 =	vld [tilespmem:s28+$0xC0];
	[tilespmem:s28+$0x0] =	vst v17;
	v13 =	vadd.s32 $0x6, v13  }
0x5d: {  	v17 =	vld [tilespmem:s28+$0xA0];
	v8 =	vmul.f32 v8, v12;
	[tilespmem:s28+$0x30] =	vst v2;
	v13 =	vbroadcast v13, $0x0  }
0x5e: {  	v2 =	vmul.f32 v59, v12;
	[tilespmem:s28+$0xFFFFFFF0] =	vst v11;
	v11 =	vmul.f32 v15, v12;
	v15 =	vld [tilespmem:s28+$0x80]  }
0x5f: {  	v16 =	vld [tilespmem:s28+$0x90];
	[tilespmem:s28+$0x60] =	vst v8  }
0x60: {  	v63 =	vld [tilespmem:s28+$0xD0];
	v14 =	vmul.f32 v14, v12;
	[tilespmem:s28+$0x50] =	vst v2  }
0x61: {  	v10 =	vld [tilespmem:s28+$0xFFFFFE70];
	[tilespmem:s28+$0x20] =	vst v11;
	v11 =	vmul.f32 v58, v12  }
0x62: {  	v12 =	vld [tilespmem:s28+$0xE0];
	[tilespmem:s28+$0x70] =	vst v14;
	v14 =	vmul.f32 v17, v3  }
0x63: {  	v5 =	vmul.f32 v5, v4;
	[tilespmem:s28+$0x40] =	vst v11;
	v11 =	vmul.f32 v15, v3;
	v2 =	vld.idx.msk [tilespmem:v13+s13+$0x0], $0xffff  }
0x64: {  	v7 =	vmul.f32 v7, v4;
	v15 =	vmul.f32 v16, v3;
	[tilespmem:s28+$0xA0] =	vst v14;
	v13 =	vld [tilespmem:s28+$0xF0]  }
0x65: {  	v8 =	vmul.f32 v6, v4;
	v16 =	vmul.f32 v61, v3;
	[tilespmem:s28+$0x80] =	vst v11;
	v11 =	vld [tilespmem:s28+$0x100]  }
0x66: {  	v6 =	vmul.f32 v9, v4;
	v9 =	vld [tilespmem:s28+$0x110];
	[tilespmem:s28+$0x90] =	vst v15;
	v15 =	vmul.f32 v62, v3  }
0x67: {  	s30 =	simm.s32 $0x0;
	s29 =	simm.s32 $0x7730;
	v4 =	vmul.f32 v10, v4;
	v10 =	vld [tilespmem:s28+$0x120];
	v14 =	vmul.f32 v63, v3;
	[tilespmem:s28+$0xB0] =	vst v16  }
.LBB2_3:
0x68: {  	s31 =	sadd.s32 s30, s24;
	s30 =	sadd.s32 $0x8, s30;
	[tilespmem:s28+$0xC0] =	vst v15;
	v12 =	vmul.f32 v12, v3;
	v15 =	vld [tilespmem:s28+$0x130]  }
0x69: {  	s1 =	sadd.s32 $0x9, s31;
	s0 =	sadd.s32 $0xF, s31;
	p1 =	slt.u32 s30, $0x48;
	[tilespmem:s28+$0xD0] =	vst v14;
	v3 =	vmul.f32 v13, v3;
	v13 =	vld [tilespmem:s28+$0x140]  }
0x6a: {  	s12 =	sadd.s32 $0xB, s31;
	s21 =	sadd.s32 $0xC, s31;
	v14 =	vmov s1;
	s1 =	sadd.s32 $0xA, s31;
	v16 =	vmov s0;
	[tilespmem:s28+$0xE0] =	vst v12;
	v11 =	vmul.f32 v11, v2;
	v12 =	vld [tilespmem:s28+$0x150]  }
0x6b: {  	s0 =	sadd.s32 $0x8, s31;
	v18 =	vmov s12;
	s12 =	sadd.s32 $0xE, s31;
	v17 =	vmov s1;
	s1 =	sadd.s32 $0xD, s31;
	v16 =	vshrl.u32 v16, $0x3;
	[tilespmem:s28+$0xF0] =	vst v3;
	v3 =	vld [tilespmem:s28+$0x160]  }
0x6c: {  	v19 =	vmov s21;
	v20 =	vmov s1;
	v16 =	vshll.u32 v16, v0;
	[tilespmem:s28+$0x100] =	vst v11;
	v11 =	vld [tilespmem:s28+$0x170]  }
0x6d: {  	v14 =	vshrl.u32 v14, $0x3;
	v21 =	vmov s12;
	v16 =	vadd.s32 $0x7, v16;
	[tilespmem:s28+$0xFFFFFE30] =	vst v5;
	v5 =	vld [tilespmem:s28+$0x180]  }
0x6e: {  	v18 =	vshrl.u32 v18, $0x3;
	v17 =	vshrl.u32 v17, $0x3;
	v16 =	vbroadcast v16, $0x0;
	[tilespmem:s28+$0xFFFFFE40] =	vst v8;
	v8 =	vld [tilespmem:s28+$0x190]  }
0x6f: {  	v19 =	vshrl.u32 v19, $0x3;
	v21 =	vshrl.u32 v21, $0x3;
	v20 =	vshrl.u32 v20, $0x3;
	[tilespmem:s28+$0xFFFFFE50] =	vst v6;
	v6 =	vld [tilespmem:s28+$0x1A0]  }
0x70: {  	v22 =	vmov s0;
	v14 =	vshll.u32 v14, v0;
	v17 =	vshll.u32 v17, v0;
	[tilespmem:s28+$0xFFFFFE60] =	vst v7;
	v7 =	vld [tilespmem:s28+$0x1B0]  }
0x71: {  	v18 =	vshll.u32 v18, v0;
	v19 =	vshll.u32 v19, v0;
	v20 =	vshll.u32 v20, v0;
	[tilespmem:s28+$0xFFFFFE70] =	vst v4;
	v4 =	vld [tilespmem:s28+$0x1C0]  }
0x72: {  	v22 =	vshrl.u32 v22, $0x3;
	v14 =	vadd.s32 $0x1, v14;
	v21 =	vshll.u32 v21, v0;
	v23 =	vld [tilespmem:s28+$0x1D0]  }
0x73: {  	v18 =	vadd.s32 $0x3, v18;
	v19 =	vadd.s32 $0x4, v19;
	v17 =	vadd.s32 $0x2, v17;
	v24 =	vld [tilespmem:s28+$0x1E0]  }
0x74: {  	v22 =	vshll.u32 v22, v0;
	v21 =	vadd.s32 $0x6, v21;
	v20 =	vadd.s32 $0x5, v20;
	s28 =	sadd.s32 $0x400, s28;
	v16 =	vld.idx.msk [tilespmem:v16+s13+$0x0], $0xffff  }
0x75: {  	v14 =	vbroadcast v14, $0x0;
	v17 =	vbroadcast v17, $0x0;
	v25 =	vld [tilespmem:s28+$0x1F0]  }
0x76: {  	v18 =	vbroadcast v18, $0x0;
	v19 =	vbroadcast v19, $0x0;
	v26 =	vld [tilespmem:s28+$0xFFFFFE00]  }
0x77: {  	v21 =	vbroadcast v21, $0x0;
	v20 =	vbroadcast v20, $0x0;
	v27 =	vld [tilespmem:s28+$0xFFFFFE10]  }
0x78: {  	v9 =	vmul.f32 v9, v2;
	v22 =	vbroadcast v22, $0x0;
	v28 =	vld [tilespmem:s28+$0xFFFFFE20]  }
0x79: {  	v10 =	vmul.f32 v10, v2;
	v15 =	vmul.f32 v15, v2;
	v29 =	vld [tilespmem:s28+$0xFFFFFE30]  }
0x7a: {  	v13 =	vmul.f32 v13, v2;
	v30 =	vld [tilespmem:s28+$0xFFFFFE40];
	v25 =	vmul.f32 v25, v16;
	[tilespmem:s29+$0x110] =	vst v9  }
0x7b: {  	v12 =	vmul.f32 v12, v2;
	v31 =	vmul.f32 v3, v2;
	v14 =	vld.idx.msk [tilespmem:v14+s13+$0x0], $0xffff;
	[tilespmem:s29+$0x120] =	vst v10  }
0x7c: {  	v11 =	vmul.f32 v11, v2;
	v5 =	vmul.f32 v5, v1;
	v17 =	vld.idx.msk [tilespmem:v17+s13+$0x0], $0xffff;
	[tilespmem:s28+$0x1F0] =	vst v25  }
0x7d: {  	v8 =	vmul.f32 v8, v1;
	v6 =	vmul.f32 v6, v1;
	v10 =	vld.idx.msk [tilespmem:v18+s13+$0x0], $0xffff;
	[tilespmem:s29+$0x130] =	vst v15  }
0x7e: {  	v7 =	vmul.f32 v7, v1;
	v4 =	vmul.f32 v4, v1;
	v9 =	vld.idx.msk [tilespmem:v19+s13+$0x0], $0xffff;
	[tilespmem:s29+$0x140] =	vst v13  }
0x7f: {  	v13 =	vmul.f32 v24, v1;
	v3 =	vld.idx.msk [tilespmem:v20+s13+$0x0], $0xffff;
	[tilespmem:s29+$0x150] =	vst v12;
	v12 =	vmul.f32 v23, v1;
	v1 =	vmov v16  }
0x80: {  	v2 =	vld.idx.msk [tilespmem:v21+s13+$0x0], $0xffff;
	[tilespmem:s29+$0x160] =	vst v31  }
0x81: {  	v15 =	vld.idx.msk [tilespmem:v22+s13+$0x0], $0xffff;
	[tilespmem:s29+$0x170] =	vst v11  }
0x82: {  	v11 =	vld [tilespmem:s28+$0xFFFFFE50];
	[tilespmem:s29+$0x180] =	vst v5  }
0x83: {  	v16 =	vld [tilespmem:s28+$0xFFFFFE60];
	[tilespmem:s29+$0x190] =	vst v8  }
0x84: {  	v18 =	vld [tilespmem:s28+$0xFFFFFE70];
	[tilespmem:s29+$0x1A0] =	vst v6  }
0x85: {  	v19 =	vld [tilespmem:s28+$0xFFFFFE80];
	[tilespmem:s29+$0x1B0] =	vst v7  }
0x86: {  	v20 =	vld [tilespmem:s28+$0xFFFFFE90];
	[tilespmem:s29+$0x1C0] =	vst v4  }
0x87: {  	v4 =	vmul.f32 v26, v15;
	v7 =	vmul.f32 v27, v15;
	v21 =	vld [tilespmem:s28+$0xFFFFFEA0];
	[tilespmem:s29+$0x1D0] =	vst v12  }
0x88: {  	v5 =	vmul.f32 v29, v15;
	v12 =	vmul.f32 v28, v15;
	v22 =	vld [tilespmem:s28+$0xFFFFFEB0];
	[tilespmem:s29+$0x1E0] =	vst v13;
	s29 =	smov.u32 s28  }
0x89: {  	v8 =	vmul.f32 v30, v15;
	v6 =	vmul.f32 v11, v15;
	[tilespmem:s28+$0xFFFFFE00] =	vst v4;
	v11 =	vld [tilespmem:s28+$0xFFFFFEC0]  }
0x8a: {  	[tilespmem:s28+$0xFFFFFE10] =	vst v7;
	v7 =	vmul.f32 v16, v15;
	v13 =	vmul.f32 v19, v14;
	v16 =	vld [tilespmem:s28+$0xFFFFFED0]  }
0x8b: {  	v4 =	vmul.f32 v18, v15;
	[tilespmem:s28+$0xFFFFFE20] =	vst v12;
	v12 =	vmul.f32 v20, v14;
	v15 =	vld [tilespmem:s28+$0xFFFFFEE0]  }
0x8c: {  	[tilespmem:s28+$0xFFFFFE80] =	vst v13;
	v13 =	vmul.f32 v21, v14;
	v18 =	vld [tilespmem:s28+$0xFFFFFEF0]  }
0x8d: {  	[tilespmem:s28+$0xFFFFFE90] =	vst v12;
	v12 =	vmul.f32 v22, v14;
	v19 =	vld [tilespmem:s28+$0xFFFFFF00]  }
0x8e: {  	[tilespmem:s28+$0xFFFFFEA0] =	vst v13;
	v11 =	vmul.f32 v11, v14;
	v13 =	vld [tilespmem:s28+$0xFFFFFF10]  }
0x8f: {  	[tilespmem:s28+$0xFFFFFEB0] =	vst v12;
	v12 =	vmul.f32 v16, v14;
	v16 =	vld [tilespmem:s28+$0xFFFFFF20]  }
0x90: {  	[tilespmem:s28+$0xFFFFFEC0] =	vst v11;
	v11 =	vmul.f32 v15, v14;
	v15 =	vld [tilespmem:s28+$0xFFFFFF30]  }
0x91: {  	[tilespmem:s28+$0xFFFFFED0] =	vst v12;
	v12 =	vmul.f32 v18, v14;
	v14 =	vld [tilespmem:s28+$0xFFFFFF40]  }
0x92: {  	[tilespmem:s28+$0xFFFFFEE0] =	vst v11;
	v11 =	vmul.f32 v19, v17;
	v18 =	vld [tilespmem:s28+$0xFFFFFF50]  }
0x93: {  	[tilespmem:s28+$0xFFFFFEF0] =	vst v12;
	v12 =	vmul.f32 v13, v17;
	v13 =	vld [tilespmem:s28+$0xFFFFFF60]  }
0x94: {  	[tilespmem:s28+$0xFFFFFF00] =	vst v11;
	v11 =	vmul.f32 v16, v17;
	v16 =	vld [tilespmem:s28+$0xFFFFFF70]  }
0x95: {  	[tilespmem:s28+$0xFFFFFF10] =	vst v12;
	v12 =	vmul.f32 v15, v17;
	v15 =	vld [tilespmem:s28+$0xFFFFFF80]  }
0x96: {  	[tilespmem:s28+$0xFFFFFF20] =	vst v11;
	v11 =	vmul.f32 v14, v17;
	v14 =	vld [tilespmem:s28+$0xFFFFFF90]  }
0x97: {  	[tilespmem:s28+$0xFFFFFF30] =	vst v12;
	v12 =	vmul.f32 v18, v17;
	v18 =	vld [tilespmem:s28+$0xFFFFFFA0]  }
0x98: {  	[tilespmem:s28+$0xFFFFFF40] =	vst v11;
	v11 =	vmul.f32 v13, v17;
	v13 =	vld [tilespmem:s28+$0xFFFFFFB0]  }
0x99: {  	[tilespmem:s28+$0xFFFFFF50] =	vst v12;
	v12 =	vmul.f32 v16, v17;
	v16 =	vld [tilespmem:s28+$0xFFFFFFC0]  }
0x9a: {  	[tilespmem:s28+$0xFFFFFF60] =	vst v11;
	v11 =	vmul.f32 v15, v10;
	v15 =	vld [tilespmem:s28+$0xFFFFFFD0]  }
0x9b: {  	[tilespmem:s28+$0xFFFFFF70] =	vst v12;
	v12 =	vmul.f32 v14, v10;
	v14 =	vld [tilespmem:s28+$0xFFFFFFE0]  }
0x9c: {  	[tilespmem:s28+$0xFFFFFF80] =	vst v11;
	v11 =	vmul.f32 v18, v10;
	v17 =	vld [tilespmem:s28+$0xFFFFFFF0]  }
0x9d: {  	[tilespmem:s28+$0xFFFFFF90] =	vst v12;
	v12 =	vmul.f32 v13, v10;
	v13 =	vld [tilespmem:s28+$0x0]  }
0x9e: {  	[tilespmem:s28+$0xFFFFFFA0] =	vst v11;
	v11 =	vmul.f32 v16, v10;
	v16 =	vld [tilespmem:s28+$0x10]  }
0x9f: {  	[tilespmem:s28+$0xFFFFFFB0] =	vst v12;
	v12 =	vmul.f32 v15, v10;
	v15 =	vld [tilespmem:s28+$0x20]  }
0xa0: {  	[tilespmem:s28+$0xFFFFFFC0] =	vst v11;
	v11 =	vmul.f32 v14, v10;
	v14 =	vld [tilespmem:s28+$0x30]  }
0xa1: {  	[tilespmem:s28+$0xFFFFFFD0] =	vst v12;
	v10 =	vmul.f32 v17, v10;
	v12 =	vld [tilespmem:s28+$0x40]  }
0xa2: {  	[tilespmem:s28+$0xFFFFFFE0] =	vst v11;
	v11 =	vmul.f32 v13, v9;
	v13 =	vld [tilespmem:s28+$0x50]  }
0xa3: {  	[tilespmem:s28+$0xFFFFFFF0] =	vst v10;
	v10 =	vmul.f32 v16, v9;
	v16 =	vld [tilespmem:s28+$0x60]  }
0xa4: {  	[tilespmem:s28+$0x0] =	vst v11;
	v11 =	vmul.f32 v15, v9;
	v15 =	vld [tilespmem:s28+$0x70]  }
0xa5: {  	[tilespmem:s28+$0x10] =	vst v10;
	v10 =	vmul.f32 v14, v9;
	v14 =	vld [tilespmem:s28+$0x80]  }
0xa6: {  	[tilespmem:s28+$0x20] =	vst v11;
	v11 =	vmul.f32 v12, v9;
	v12 =	vld [tilespmem:s28+$0x90]  }
0xa7: {  	[tilespmem:s28+$0x30] =	vst v10;
	v10 =	vmul.f32 v13, v9;
	v13 =	vld [tilespmem:s28+$0xA0]  }
0xa8: {  	[tilespmem:s28+$0x40] =	vst v11;
	v11 =	vmul.f32 v16, v9;
	v16 =	vld [tilespmem:s28+$0xB0]  }
0xa9: {  	[tilespmem:s28+$0x50] =	vst v10;
	v9 =	vmul.f32 v15, v9;
	v10 =	vld [tilespmem:s28+$0xC0]  }
0xaa: {  	[tilespmem:s28+$0x60] =	vst v11;
	v11 =	vmul.f32 v14, v3;
	v14 =	vld [tilespmem:s28+$0xD0]  }
.Ltmp0:
0xab: {  	[tilespmem:s28+$0x70] =	vst v9;
	v9 =	vmul.f32 v12, v3;
	v12 =	vld [tilespmem:s28+$0xE0];
	(pc) =	sbr.rel @p1 .LBB2_3-.Ltmp0, $4  }
0xac: {  	[tilespmem:s28+$0x80] =	vst v11;
	v15 =	vmul.f32 v13, v3;
	v13 =	vld [tilespmem:s28+$0xF0]  }
0xad: {  	[tilespmem:s28+$0x90] =	vst v9;
	v16 =	vmul.f32 v16, v3;
	v11 =	vld [tilespmem:s28+$0x100]  }
0xae: {  	[tilespmem:s28+$0xA0] =	vst v15;
	v15 =	vmul.f32 v10, v3;
	v9 =	vld [tilespmem:s28+$0x110]  }
0xaf: {  	[tilespmem:s28+$0xB0] =	vst v16;
	v14 =	vmul.f32 v14, v3;
	v10 =	vld [tilespmem:s28+$0x120]  }
0xb0: {  	[tilespmem:s28+$0xC0] =	vst v15  }
0xb1: {  	[tilespmem:s28+$0xFFFFFE30] =	vst v5  }
0xb2: {  	[tilespmem:s28+$0xFFFFFE40] =	vst v8  }
0xb3: {  	[tilespmem:s28+$0xFFFFFE50] =	vst v6  }
0xb4: {  	[tilespmem:s28+$0xFFFFFE60] =	vst v7  }
0xb5: {  	v12 =	vmul.f32 v12, v3;
	v15 =	vld [tilespmem:s28+$0x130];
	[tilespmem:s28+$0xFFFFFE70] =	vst v4  }
0xb6: {  	[tilespmem:s28+$0xD0] =	vst v14;
	v3 =	vmul.f32 v13, v3;
	v13 =	vld [tilespmem:s28+$0x140]  }
0xb7: {  	[tilespmem:s28+$0xE0] =	vst v12;
	v11 =	vmul.f32 v11, v2;
	v12 =	vld [tilespmem:s28+$0x150]  }
0xb8: {  	[tilespmem:s28+$0xF0] =	vst v3;
	v3 =	vld [tilespmem:s28+$0x160];
	v5 =	vmul.f32 v9, v2  }
0xb9: {  	v6 =	vld [tilespmem:s28+$0x170];
	[tilespmem:s28+$0x100] =	vst v11;
	v4 =	vmul.f32 v10, v2  }
0xba: {  	v7 =	vld [tilespmem:s28+$0x180];
	v8 =	vmul.f32 v15, v2;
	[tilespmem:s29+$0x110] =	vst v5  }
0xbb: {  	v5 =	vld [tilespmem:s28+$0x190];
	v9 =	vmul.f32 v13, v2;
	[tilespmem:s29+$0x120] =	vst v4  }
0xbc: {  	v4 =	vld [tilespmem:s28+$0x1A0];
	v10 =	vmul.f32 v12, v2;
	[tilespmem:s29+$0x130] =	vst v8  }
0xbd: {  	v8 =	vld [tilespmem:s28+$0x1B0];
	v3 =	vmul.f32 v3, v2;
	[tilespmem:s29+$0x140] =	vst v9  }
0xbe: {  	v9 =	vld [tilespmem:s28+$0x1C0];
	v2 =	vmul.f32 v6, v2;
	[tilespmem:s29+$0x150] =	vst v10  }
0xbf: {  	v7 =	vmul.f32 v7, v1;
	v6 =	vld [tilespmem:s28+$0x1D0];
	[tilespmem:s29+$0x160] =	vst v3  }
0xc0: {  	v3 =	vld [tilespmem:s28+$0x1E0];
	v5 =	vmul.f32 v5, v1;
	[tilespmem:s29+$0x170] =	vst v2  }
0xc1: {  	[tilespmem:s29+$0x180] =	vst v7;
	v2 =	vmul.f32 v4, v1  }
0xc2: {  	v4 =	vmul.f32 v8, v1;
	[tilespmem:s29+$0x190] =	vst v5  }
0xc3: {  	v5 =	vmul.f32 v9, v1;
	[tilespmem:s29+$0x1A0] =	vst v2  }
0xc4: {  	s0 =	smul.u32 $0x280, s25;
	v2 =	vmul.f32 v6, v1;
	[tilespmem:s29+$0x1B0] =	vst v4  }
0xc5: {  	v1 =	vmul.f32 v3, v1;
	[tilespmem:s29+$0x1C0] =	vst v5  }
0xc6: {  	s0 =	sshra.s32 s0, $0x2;
	[tilespmem:s29+$0x1D0] =	vst v2  }
0xc7: {  	s12 =	sadd.s32 $0x2710, s0;
	[tilespmem:s29+$0x1E0] =	vst v1  }
0xc8: {  	[spmem:s2] =	stream.indirect.scatter.add.f32 [tilespmem:s17], [sflag:$0x3], $0x80, s12, s16, $0xb8;
	[tilespmem:$0x1FDB0] =	vst v63  }
0xc9: {  	_ =	swait.ge [sflag:s11], $0x2800  }
0xca: {  	s30 =	sadd.s32 $0xFFFFFFF8, s24;
	[sflag:s11] =	ssyncset.done $0x0  }
0xcb: {  	s21 =	sadd.s32 $0x5A, s30;
	s0 =	sadd.s32 $0xA0, s0;
	[sflag:s11] =	ssyncadd.s32 $0xFFFFD800  }
0xcc: {  	v3 =	vmov s21;
	[tilespmem:s17], [sflag:$0x1] =	stream.indirect.gather [hbm4b:s4+s16], $0x80, s0, s16, $0xb8;
	[tilespmem:$0x1FDB0] =	vst v63  }
0xcd: {  	s31 =	sadd.s32 $0x58, s30;
	v3 =	vshrl.u32 v3, $0x3;
	_ =	swait.ge [sflag:s20], $0x2800  }
0xce: {  	v4 =	vmov s31;
	v3 =	vshll.u32 v3, v0;
	[sflag:s20] =	ssyncset.done $0x0  }
0xcf: {  	s28 =	simm.s32 $0x9F30;
	v4 =	vshrl.u32 v4, $0x3;
	v3 =	vadd.s32 $0x2, v3;
	[sflag:s20] =	ssyncadd.s32 $0xFFFFD800  }
0xd0: {  	v4 =	vshll.u32 v4, v0;
	v3 =	vbroadcast v3, $0x0;
	v8 =	vld [tilespmem:s28+$0x1F0]  }
0xd1: {  	v4 =	vbroadcast v4, $0x0;
	v11 =	vld [tilespmem:s28+$0xFFFFFE00]  }
0xd2: {  	v12 =	vld [tilespmem:s28+$0xFFFFFE10]  }
0xd3: {  	s1 =	sadd.s32 $0x5F, s30;
	v13 =	vld [tilespmem:s28+$0xFFFFFE20]  }
0xd4: {  	v1 =	vmov s1;
	s12 =	sadd.s32 $0x59, s30;
	v5 =	vld [tilespmem:s28+$0xFFFFFE30]  }
0xd5: {  	v1 =	vshrl.u32 v1, $0x3;
	v2 =	vmov s12;
	v6 =	vld [tilespmem:s28+$0xFFFFFE40]  }
0xd6: {  	v1 =	vshll.u32 v1, v0;
	v2 =	vshrl.u32 v2, $0x3;
	v3 =	vld.idx.msk [tilespmem:v3+s13+$0x0], $0xffff  }
0xd7: {  	v1 =	vadd.s32 $0x7, v1;
	v2 =	vshll.u32 v2, v0;
	v4 =	vld.idx.msk [tilespmem:v4+s13+$0x0], $0xffff  }
0xd8: {  	v1 =	vbroadcast v1, $0x0;
	v2 =	vadd.s32 $0x1, v2;
	v9 =	vld [tilespmem:s28+$0xFFFFFE50]  }
0xd9: {  	v2 =	vbroadcast v2, $0x0;
	v7 =	vld [tilespmem:s28+$0xFFFFFE60]  }
0xda: {  	v10 =	vld [tilespmem:s28+$0xFFFFFE80]  }
0xdb: {  	v14 =	vld [tilespmem:s28+$0xFFFFFE90]  }
0xdc: {  	v15 =	vld [tilespmem:s28+$0xFFFFFEA0]  }
0xdd: {  	v16 =	vld [tilespmem:s28+$0xFFFFFEB0]  }
0xde: {  	v1 =	vld.idx.msk [tilespmem:v1+s13+$0x0], $0xffff  }
0xdf: {  	v2 =	vld.idx.msk [tilespmem:v2+s13+$0x0], $0xffff  }
0xe0: {  	v17 =	vld [tilespmem:s28+$0xFFFFFEC0]  }
0xe1: {  	v19 =	vld [tilespmem:s28+$0xFFFFFED0];
	v11 =	vmul.f32 v11, v4  }
0xe2: {  	v20 =	vld [tilespmem:s28+$0xFFFFFEE0];
	v13 =	vmul.f32 v13, v4  }
0xe3: {  	v53 =	vld [tilespmem:s28+$0xFFFFFEF0];
	v8 =	vmul.f32 v8, v1;
	[tilespmem:s28+$0xFFFFFE00] =	vst v11  }
0xe4: {  	s1 =	sadd.s32 $0x5B, s30;
	v54 =	vld [tilespmem:s28+$0xFFFFFF70];
	[tilespmem:s28+$0xFFFFFE20] =	vst v13;
	v18 =	vmul.f32 v10, v2  }
0xe5: {  	v55 =	vld [tilespmem:s28+$0xFFFFFF80];
	v10 =	vmov s1;
	[tilespmem:s28+$0x1F0] =	vst v8;
	v8 =	vmul.f32 v12, v4  }
0xe6: {  	v56 =	vld [tilespmem:s28+$0xFFFFFFD0];
	v13 =	vmul.f32 v15, v2;
	v21 =	vshrl.u32 v10, $0x3;
	[tilespmem:s28+$0xFFFFFE80] =	vst v18  }
0xe7: {  	v12 =	vld [tilespmem:s28+$0xFFFFFF00];
	v17 =	vmul.f32 v17, v2;
	v52 =	vshll.u32 v21, v0;
	[tilespmem:s28+$0xFFFFFE10] =	vst v8  }
0xe8: {  	v58 =	vld [tilespmem:s28+$0x40];
	v19 =	vmul.f32 v19, v2;
	[tilespmem:s28+$0xFFFFFEA0] =	vst v13;
	v18 =	vadd.s32 $0x3, v52  }
0xe9: {  	v11 =	vld [tilespmem:s28+$0xFFFFFF10];
	v8 =	vmul.f32 v14, v2;
	[tilespmem:s28+$0xFFFFFEC0] =	vst v17;
	v18 =	vbroadcast v18, $0x0  }
0xea: {  	v14 =	vld [tilespmem:s28+$0xFFFFFF20];
	v17 =	vmul.f32 v20, v2;
	[tilespmem:s28+$0xFFFFFED0] =	vst v19  }
0xeb: {  	v15 =	vld [tilespmem:s28+$0xFFFFFF30];
	[tilespmem:s28+$0xFFFFFE90] =	vst v8;
	v8 =	vmul.f32 v16, v2  }
0xec: {  	s12 =	sadd.s32 $0x5C, s30;
	v16 =	vld [tilespmem:s28+$0xFFFFFF40];
	[tilespmem:s28+$0xFFFFFEE0] =	vst v17;
	v12 =	vmul.f32 v12, v3  }
0xed: {  	v22 =	vmov s12;
	v2 =	vmul.f32 v53, v2;
	[tilespmem:s28+$0xFFFFFEB0] =	vst v8;
	v8 =	vld [tilespmem:s28+$0xFFFFFF60]  }
0xee: {  	v13 =	vld [tilespmem:s28+$0xFFFFFF50];
	v11 =	vmul.f32 v11, v3;
	[tilespmem:s28+$0xFFFFFF00] =	vst v12;
	v12 =	vshrl.u32 v22, $0x3  }
0xef: {  	[tilespmem:s28+$0xFFFFFEF0] =	vst v2;
	v2 =	vmul.f32 v14, v3;
	v12 =	vshll.u32 v12, v0;
	v18 =	vld.idx.msk [tilespmem:v18+s13+$0x0], $0xffff  }
0xf0: {  	v17 =	vld [tilespmem:s28+$0xFFFFFF90];
	[tilespmem:s28+$0xFFFFFF10] =	vst v11;
	v11 =	vmul.f32 v15, v3;
	v12 =	vadd.s32 $0x4, v12  }
0xf1: {  	v14 =	vld [tilespmem:s28+$0xFFFFFFA0];
	[tilespmem:s28+$0xFFFFFF20] =	vst v2;
	v2 =	vmul.f32 v16, v3;
	v12 =	vbroadcast v12, $0x0  }
0xf2: {  	v59 =	vld [tilespmem:s28+$0x50];
	[tilespmem:s28+$0xFFFFFF30] =	vst v11;
	v8 =	vmul.f32 v8, v3  }
0xf3: {  	v13 =	vmul.f32 v13, v3;
	[tilespmem:s28+$0xFFFFFF40] =	vst v2;
	v2 =	vld [tilespmem:s28+$0xFFFFFFE0];
	v3 =	vmul.f32 v54, v3  }
0xf4: {  	s21 =	sadd.s32 $0x5D, s30;
	v15 =	vld [tilespmem:s28+$0xFFFFFFB0];
	[tilespmem:s28+$0xFFFFFF60] =	vst v8;
	v11 =	vmul.f32 v55, v18  }
0xf5: {  	v57 =	vmov s21;
	v16 =	vld [tilespmem:s28+$0xFFFFFFC0];
	[tilespmem:s28+$0xFFFFFF70] =	vst v3  }
0xf6: {  	v8 =	vmul.f32 v17, v18;
	v3 =	vmul.f32 v14, v18;
	v14 =	vld [tilespmem:s28+$0x10];
	[tilespmem:s28+$0xFFFFFF80] =	vst v11;
	v11 =	vshrl.u32 v57, $0x3  }
0xf7: {  	[tilespmem:s28+$0xFFFFFF50] =	vst v13;
	v12 =	vld.idx.msk [tilespmem:v12+s13+$0x0], $0xffff;
	v11 =	vshll.u32 v11, v0  }
0xf8: {  	v13 =	vld [tilespmem:s28+$0xFFFFFFF0];
	v2 =	vmul.f32 v2, v18;
	[tilespmem:s28+$0xFFFFFF90] =	vst v8;
	v11 =	vadd.s32 $0x5, v11  }
0xf9: {  	v17 =	vld [tilespmem:s28+$0x0];
	v8 =	vmul.f32 v15, v18;
	[tilespmem:s28+$0xFFFFFFA0] =	vst v3;
	v11 =	vbroadcast v11, $0x0  }
0xfa: {  	v3 =	vmul.f32 v16, v18;
	v16 =	vld [tilespmem:s28+$0x30];
	[tilespmem:s28+$0xFFFFFFE0] =	vst v2  }
0xfb: {  	v61 =	vld [tilespmem:s28+$0xB0];
	[tilespmem:s28+$0xFFFFFFB0] =	vst v8;
	v8 =	vmul.f32 v56, v18  }
0xfc: {  	s31 =	sadd.s32 $0x5E, s30;
	v15 =	vld [tilespmem:s28+$0x20];
	[tilespmem:s28+$0xFFFFFFC0] =	vst v3;
	v2 =	vmul.f32 v14, v12  }
0xfd: {  	v3 =	vmov s31;
	[tilespmem:s28+$0xFFFFFFD0] =	vst v8;
	v8 =	vld [tilespmem:s28+$0x60]  }
0xfe: {  	v60 =	vshrl.u32 v3, $0x3;
	v17 =	vmul.f32 v17, v12;
	v14 =	vld [tilespmem:s28+$0x70];
	[tilespmem:s28+$0x10] =	vst v2  }
0xff: {  	v2 =	vmul.f32 v16, v12;
	v3 =	vld.idx.msk [tilespmem:v11+s13+$0x0], $0xffff;
	v11 =	vmul.f32 v13, v18;
	v13 =	vshll.u32 v60, v0  }
0x100: {  	v62 =	vld [tilespmem:s28+$0xC0];
	[tilespmem:s28+$0x0] =	vst v17;
	v13 =	vadd.s32 $0x6, v13  }
0x101: {  	v17 =	vld [tilespmem:s28+$0xA0];
	[tilespmem:s28+$0x30] =	vst v2;
	v2 =	vmul.f32 v59, v12;
	v13 =	vbroadcast v13, $0x0  }
0x102: {  	v8 =	vmul.f32 v8, v12;
	[tilespmem:s28+$0xFFFFFFF0] =	vst v11;
	v11 =	vmul.f32 v15, v12;
	v15 =	vld [tilespmem:s28+$0x80]  }
0x103: {  	v16 =	vld [tilespmem:s28+$0x90];
	[tilespmem:s28+$0x50] =	vst v2  }
0x104: {  	v63 =	vld [tilespmem:s28+$0xD0];
	v14 =	vmul.f32 v14, v12;
	[tilespmem:s28+$0x60] =	vst v8  }
0x105: {  	v10 =	vld [tilespmem:s28+$0xFFFFFE70];
	[tilespmem:s28+$0x20] =	vst v11;
	v11 =	vmul.f32 v58, v12  }
0x106: {  	[tilespmem:s28+$0x70] =	vst v14;
	v12 =	vld [tilespmem:s28+$0xE0];
	v14 =	vmul.f32 v17, v3  }
0x107: {  	v5 =	vmul.f32 v5, v4;
	[tilespmem:s28+$0x40] =	vst v11;
	v11 =	vmul.f32 v15, v3;
	v2 =	vld.idx.msk [tilespmem:v13+s13+$0x0], $0xffff  }
0x108: {  	v7 =	vmul.f32 v7, v4;
	v15 =	vmul.f32 v16, v3;
	[tilespmem:s28+$0xA0] =	vst v14;
	v13 =	vld [tilespmem:s28+$0xF0]  }
0x109: {  	v8 =	vmul.f32 v6, v4;
	v16 =	vmul.f32 v61, v3;
	[tilespmem:s28+$0x80] =	vst v11;
	v11 =	vld [tilespmem:s28+$0x100]  }
0x10a: {  	v6 =	vmul.f32 v9, v4;
	v9 =	vld [tilespmem:s28+$0x110];
	[tilespmem:s28+$0x90] =	vst v15;
	v15 =	vmul.f32 v62, v3  }
0x10b: {  	s29 =	simm.s32 $0x9F30;
	s30 =	simm.s32 $0x0;
	v4 =	vmul.f32 v10, v4;
	v10 =	vld [tilespmem:s28+$0x120];
	v14 =	vmul.f32 v63, v3;
	[tilespmem:s28+$0xB0] =	vst v16  }
.LBB2_5:
0x10c: {  	s0 =	sadd.s32 s30, s24;
	s30 =	sadd.s32 $0x8, s30;
	[tilespmem:s28+$0xC0] =	vst v15;
	v12 =	vmul.f32 v12, v3;
	v15 =	vld [tilespmem:s28+$0x130]  }
0x10d: {  	s1 =	sadd.s32 $0x59, s0;
	s12 =	sadd.s32 $0x5F, s0;
	p1 =	slt.u32 s30, $0x48;
	[tilespmem:s28+$0xD0] =	vst v14;
	v3 =	vmul.f32 v13, v3;
	v13 =	vld [tilespmem:s28+$0x140]  }
0x10e: {  	s21 =	sadd.s32 $0x5B, s0;
	s31 =	sadd.s32 $0x5C, s0;
	v14 =	vmov s1;
	s1 =	sadd.s32 $0x5A, s0;
	v16 =	vmov s12;
	[tilespmem:s28+$0xE0] =	vst v12;
	v11 =	vmul.f32 v11, v2;
	v12 =	vld [tilespmem:s28+$0x150]  }
0x10f: {  	s12 =	sadd.s32 $0x58, s0;
	v18 =	vmov s21;
	v17 =	vmov s1;
	s1 =	sadd.s32 $0x5D, s0;
	s0 =	sadd.s32 $0x5E, s0;
	v16 =	vshrl.u32 v16, $0x3;
	[tilespmem:s28+$0xF0] =	vst v3;
	v3 =	vld [tilespmem:s28+$0x160]  }
0x110: {  	v19 =	vmov s31;
	v20 =	vmov s1;
	v16 =	vshll.u32 v16, v0;
	[tilespmem:s28+$0x100] =	vst v11;
	v11 =	vld [tilespmem:s28+$0x170]  }
0x111: {  	v14 =	vshrl.u32 v14, $0x3;
	v21 =	vmov s0;
	v16 =	vadd.s32 $0x7, v16;
	[tilespmem:s28+$0xFFFFFE30] =	vst v5;
	v5 =	vld [tilespmem:s28+$0x180]  }
0x112: {  	v18 =	vshrl.u32 v18, $0x3;
	v17 =	vshrl.u32 v17, $0x3;
	v16 =	vbroadcast v16, $0x0;
	[tilespmem:s28+$0xFFFFFE40] =	vst v8;
	v8 =	vld [tilespmem:s28+$0x190]  }
0x113: {  	v19 =	vshrl.u32 v19, $0x3;
	v20 =	vshrl.u32 v20, $0x3;
	v21 =	vshrl.u32 v21, $0x3;
	[tilespmem:s28+$0xFFFFFE50] =	vst v6;
	v6 =	vld [tilespmem:s28+$0x1A0]  }
0x114: {  	v22 =	vmov s12;
	v14 =	vshll.u32 v14, v0;
	v17 =	vshll.u32 v17, v0;
	[tilespmem:s28+$0xFFFFFE60] =	vst v7;
	v7 =	vld [tilespmem:s28+$0x1B0]  }
0x115: {  	v18 =	vshll.u32 v18, v0;
	v19 =	vshll.u32 v19, v0;
	v20 =	vshll.u32 v20, v0;
	[tilespmem:s28+$0xFFFFFE70] =	vst v4;
	v4 =	vld [tilespmem:s28+$0x1C0]  }
0x116: {  	v22 =	vshrl.u32 v22, $0x3;
	v14 =	vadd.s32 $0x1, v14;
	v21 =	vshll.u32 v21, v0;
	v23 =	vld [tilespmem:s28+$0x1D0]  }
0x117: {  	v18 =	vadd.s32 $0x3, v18;
	v19 =	vadd.s32 $0x4, v19;
	v17 =	vadd.s32 $0x2, v17;
	v24 =	vld [tilespmem:s28+$0x1E0]  }
0x118: {  	v22 =	vshll.u32 v22, v0;
	v20 =	vadd.s32 $0x5, v20;
	v21 =	vadd.s32 $0x6, v21;
	s28 =	sadd.s32 $0x400, s28;
	v16 =	vld.idx.msk [tilespmem:v16+s13+$0x0], $0xffff  }
0x119: {  	v14 =	vbroadcast v14, $0x0;
	v17 =	vbroadcast v17, $0x0;
	v25 =	vld [tilespmem:s28+$0x1F0]  }
0x11a: {  	v18 =	vbroadcast v18, $0x0;
	v19 =	vbroadcast v19, $0x0;
	v26 =	vld [tilespmem:s28+$0xFFFFFE00]  }
0x11b: {  	v20 =	vbroadcast v20, $0x0;
	v21 =	vbroadcast v21, $0x0;
	v27 =	vld [tilespmem:s28+$0xFFFFFE10]  }
0x11c: {  	v9 =	vmul.f32 v9, v2;
	v22 =	vbroadcast v22, $0x0;
	v28 =	vld [tilespmem:s28+$0xFFFFFE20]  }
0x11d: {  	v10 =	vmul.f32 v10, v2;
	v15 =	vmul.f32 v15, v2;
	v29 =	vld [tilespmem:s28+$0xFFFFFE30]  }
0x11e: {  	v13 =	vmul.f32 v13, v2;
	v30 =	vld [tilespmem:s28+$0xFFFFFE40];
	v25 =	vmul.f32 v25, v16;
	[tilespmem:s29+$0x110] =	vst v9  }
0x11f: {  	v12 =	vmul.f32 v12, v2;
	v31 =	vmul.f32 v3, v2;
	v14 =	vld.idx.msk [tilespmem:v14+s13+$0x0], $0xffff;
	[tilespmem:s29+$0x120] =	vst v10  }
0x120: {  	v11 =	vmul.f32 v11, v2;
	v5 =	vmul.f32 v5, v1;
	v17 =	vld.idx.msk [tilespmem:v17+s13+$0x0], $0xffff;
	[tilespmem:s28+$0x1F0] =	vst v25  }
0x121: {  	v8 =	vmul.f32 v8, v1;
	v6 =	vmul.f32 v6, v1;
	v10 =	vld.idx.msk [tilespmem:v18+s13+$0x0], $0xffff;
	[tilespmem:s29+$0x130] =	vst v15  }
0x122: {  	v7 =	vmul.f32 v7, v1;
	v4 =	vmul.f32 v4, v1;
	v9 =	vld.idx.msk [tilespmem:v19+s13+$0x0], $0xffff;
	[tilespmem:s29+$0x140] =	vst v13  }
0x123: {  	v13 =	vmul.f32 v24, v1;
	v3 =	vld.idx.msk [tilespmem:v20+s13+$0x0], $0xffff;
	[tilespmem:s29+$0x150] =	vst v12;
	v12 =	vmul.f32 v23, v1;
	v1 =	vmov v16  }
0x124: {  	v2 =	vld.idx.msk [tilespmem:v21+s13+$0x0], $0xffff;
	[tilespmem:s29+$0x160] =	vst v31  }
0x125: {  	v15 =	vld.idx.msk [tilespmem:v22+s13+$0x0], $0xffff;
	[tilespmem:s29+$0x170] =	vst v11  }
0x126: {  	v11 =	vld [tilespmem:s28+$0xFFFFFE50];
	[tilespmem:s29+$0x180] =	vst v5  }
0x127: {  	v16 =	vld [tilespmem:s28+$0xFFFFFE60];
	[tilespmem:s29+$0x190] =	vst v8  }
0x128: {  	v18 =	vld [tilespmem:s28+$0xFFFFFE70];
	[tilespmem:s29+$0x1A0] =	vst v6  }
0x129: {  	v19 =	vld [tilespmem:s28+$0xFFFFFE80];
	[tilespmem:s29+$0x1B0] =	vst v7  }
0x12a: {  	v20 =	vld [tilespmem:s28+$0xFFFFFE90];
	[tilespmem:s29+$0x1C0] =	vst v4  }
0x12b: {  	v4 =	vmul.f32 v26, v15;
	v7 =	vmul.f32 v27, v15;
	v21 =	vld [tilespmem:s28+$0xFFFFFEA0];
	[tilespmem:s29+$0x1D0] =	vst v12  }
0x12c: {  	v5 =	vmul.f32 v29, v15;
	v12 =	vmul.f32 v28, v15;
	v22 =	vld [tilespmem:s28+$0xFFFFFEB0];
	[tilespmem:s29+$0x1E0] =	vst v13;
	s29 =	smov.u32 s28  }
0x12d: {  	v8 =	vmul.f32 v30, v15;
	v6 =	vmul.f32 v11, v15;
	[tilespmem:s28+$0xFFFFFE00] =	vst v4;
	v11 =	vld [tilespmem:s28+$0xFFFFFEC0]  }
0x12e: {  	[tilespmem:s28+$0xFFFFFE10] =	vst v7;
	v7 =	vmul.f32 v16, v15;
	v13 =	vmul.f32 v19, v14;
	v16 =	vld [tilespmem:s28+$0xFFFFFED0]  }
0x12f: {  	v4 =	vmul.f32 v18, v15;
	[tilespmem:s28+$0xFFFFFE20] =	vst v12;
	v12 =	vmul.f32 v20, v14;
	v15 =	vld [tilespmem:s28+$0xFFFFFEE0]  }
0x130: {  	[tilespmem:s28+$0xFFFFFE80] =	vst v13;
	v13 =	vmul.f32 v21, v14;
	v18 =	vld [tilespmem:s28+$0xFFFFFEF0]  }
0x131: {  	[tilespmem:s28+$0xFFFFFE90] =	vst v12;
	v12 =	vmul.f32 v22, v14;
	v19 =	vld [tilespmem:s28+$0xFFFFFF00]  }
0x132: {  	[tilespmem:s28+$0xFFFFFEA0] =	vst v13;
	v11 =	vmul.f32 v11, v14;
	v13 =	vld [tilespmem:s28+$0xFFFFFF10]  }
0x133: {  	[tilespmem:s28+$0xFFFFFEB0] =	vst v12;
	v12 =	vmul.f32 v16, v14;
	v16 =	vld [tilespmem:s28+$0xFFFFFF20]  }
0x134: {  	[tilespmem:s28+$0xFFFFFEC0] =	vst v11;
	v11 =	vmul.f32 v15, v14;
	v15 =	vld [tilespmem:s28+$0xFFFFFF30]  }
0x135: {  	[tilespmem:s28+$0xFFFFFED0] =	vst v12;
	v12 =	vmul.f32 v18, v14;
	v14 =	vld [tilespmem:s28+$0xFFFFFF40]  }
0x136: {  	[tilespmem:s28+$0xFFFFFEE0] =	vst v11;
	v11 =	vmul.f32 v19, v17;
	v18 =	vld [tilespmem:s28+$0xFFFFFF50]  }
0x137: {  	[tilespmem:s28+$0xFFFFFEF0] =	vst v12;
	v12 =	vmul.f32 v13, v17;
	v13 =	vld [tilespmem:s28+$0xFFFFFF60]  }
0x138: {  	[tilespmem:s28+$0xFFFFFF00] =	vst v11;
	v11 =	vmul.f32 v16, v17;
	v16 =	vld [tilespmem:s28+$0xFFFFFF70]  }
0x139: {  	[tilespmem:s28+$0xFFFFFF10] =	vst v12;
	v12 =	vmul.f32 v15, v17;
	v15 =	vld [tilespmem:s28+$0xFFFFFF80]  }
0x13a: {  	[tilespmem:s28+$0xFFFFFF20] =	vst v11;
	v11 =	vmul.f32 v14, v17;
	v14 =	vld [tilespmem:s28+$0xFFFFFF90]  }
0x13b: {  	[tilespmem:s28+$0xFFFFFF30] =	vst v12;
	v12 =	vmul.f32 v18, v17;
	v18 =	vld [tilespmem:s28+$0xFFFFFFA0]  }
0x13c: {  	[tilespmem:s28+$0xFFFFFF40] =	vst v11;
	v11 =	vmul.f32 v13, v17;
	v13 =	vld [tilespmem:s28+$0xFFFFFFB0]  }
0x13d: {  	[tilespmem:s28+$0xFFFFFF50] =	vst v12;
	v12 =	vmul.f32 v16, v17;
	v16 =	vld [tilespmem:s28+$0xFFFFFFC0]  }
0x13e: {  	[tilespmem:s28+$0xFFFFFF60] =	vst v11;
	v11 =	vmul.f32 v15, v10;
	v15 =	vld [tilespmem:s28+$0xFFFFFFD0]  }
0x13f: {  	[tilespmem:s28+$0xFFFFFF70] =	vst v12;
	v12 =	vmul.f32 v14, v10;
	v14 =	vld [tilespmem:s28+$0xFFFFFFE0]  }
0x140: {  	[tilespmem:s28+$0xFFFFFF80] =	vst v11;
	v11 =	vmul.f32 v18, v10;
	v17 =	vld [tilespmem:s28+$0xFFFFFFF0]  }
0x141: {  	[tilespmem:s28+$0xFFFFFF90] =	vst v12;
	v12 =	vmul.f32 v13, v10;
	v13 =	vld [tilespmem:s28+$0x0]  }
0x142: {  	[tilespmem:s28+$0xFFFFFFA0] =	vst v11;
	v11 =	vmul.f32 v16, v10;
	v16 =	vld [tilespmem:s28+$0x10]  }
0x143: {  	[tilespmem:s28+$0xFFFFFFB0] =	vst v12;
	v12 =	vmul.f32 v15, v10;
	v15 =	vld [tilespmem:s28+$0x20]  }
0x144: {  	[tilespmem:s28+$0xFFFFFFC0] =	vst v11;
	v11 =	vmul.f32 v14, v10;
	v14 =	vld [tilespmem:s28+$0x30]  }
0x145: {  	[tilespmem:s28+$0xFFFFFFD0] =	vst v12;
	v10 =	vmul.f32 v17, v10;
	v12 =	vld [tilespmem:s28+$0x40]  }
0x146: {  	[tilespmem:s28+$0xFFFFFFE0] =	vst v11;
	v11 =	vmul.f32 v13, v9;
	v13 =	vld [tilespmem:s28+$0x50]  }
0x147: {  	[tilespmem:s28+$0xFFFFFFF0] =	vst v10;
	v10 =	vmul.f32 v16, v9;
	v16 =	vld [tilespmem:s28+$0x60]  }
0x148: {  	[tilespmem:s28+$0x0] =	vst v11;
	v11 =	vmul.f32 v15, v9;
	v15 =	vld [tilespmem:s28+$0x70]  }
0x149: {  	[tilespmem:s28+$0x10] =	vst v10;
	v10 =	vmul.f32 v14, v9;
	v14 =	vld [tilespmem:s28+$0x80]  }
0x14a: {  	[tilespmem:s28+$0x20] =	vst v11;
	v11 =	vmul.f32 v12, v9;
	v12 =	vld [tilespmem:s28+$0x90]  }
0x14b: {  	[tilespmem:s28+$0x30] =	vst v10;
	v10 =	vmul.f32 v13, v9;
	v13 =	vld [tilespmem:s28+$0xA0]  }
0x14c: {  	[tilespmem:s28+$0x40] =	vst v11;
	v11 =	vmul.f32 v16, v9;
	v16 =	vld [tilespmem:s28+$0xB0]  }
0x14d: {  	[tilespmem:s28+$0x50] =	vst v10;
	v9 =	vmul.f32 v15, v9;
	v10 =	vld [tilespmem:s28+$0xC0]  }
0x14e: {  	[tilespmem:s28+$0x60] =	vst v11;
	v11 =	vmul.f32 v14, v3;
	v14 =	vld [tilespmem:s28+$0xD0]  }
.Ltmp1:
0x14f: {  	[tilespmem:s28+$0x70] =	vst v9;
	v9 =	vmul.f32 v12, v3;
	v12 =	vld [tilespmem:s28+$0xE0];
	(pc) =	sbr.rel @p1 .LBB2_5-.Ltmp1, $4  }
0x150: {  	[tilespmem:s28+$0x80] =	vst v11;
	v15 =	vmul.f32 v13, v3;
	v13 =	vld [tilespmem:s28+$0xF0]  }
0x151: {  	[tilespmem:s28+$0x90] =	vst v9;
	v16 =	vmul.f32 v16, v3;
	v11 =	vld [tilespmem:s28+$0x100]  }
0x152: {  	[tilespmem:s28+$0xA0] =	vst v15;
	v15 =	vmul.f32 v10, v3;
	v9 =	vld [tilespmem:s28+$0x110]  }
0x153: {  	[tilespmem:s28+$0xB0] =	vst v16;
	v14 =	vmul.f32 v14, v3;
	v10 =	vld [tilespmem:s28+$0x120]  }
0x154: {  	[tilespmem:s28+$0xC0] =	vst v15  }
0x155: {  	[tilespmem:s28+$0xFFFFFE30] =	vst v5  }
0x156: {  	[tilespmem:s28+$0xFFFFFE40] =	vst v8  }
0x157: {  	[tilespmem:s28+$0xFFFFFE50] =	vst v6  }
0x158: {  	[tilespmem:s28+$0xFFFFFE60] =	vst v7  }
0x159: {  	v12 =	vmul.f32 v12, v3;
	v47 =	vld [tilespmem:s28+$0x130];
	[tilespmem:s28+$0xFFFFFE70] =	vst v4  }
0x15a: {  	v48 =	vld [tilespmem:s28+$0x140];
	[tilespmem:s28+$0xD0] =	vst v14;
	v3 =	vmul.f32 v13, v3  }
0x15b: {  	v49 =	vld [tilespmem:s28+$0x150];
	[tilespmem:s28+$0xE0] =	vst v12;
	v11 =	vmul.f32 v11, v2  }
0x15c: {  	[tilespmem:s28+$0xF0] =	vst v3;
	v3 =	vld [tilespmem:s28+$0x160];
	v50 =	vmul.f32 v9, v2  }
0x15d: {  	v51 =	vld [tilespmem:s28+$0x170];
	[tilespmem:s28+$0x100] =	vst v11;
	v52 =	vmul.f32 v10, v2  }
0x15e: {  	v53 =	vld [tilespmem:s28+$0x180];
	v54 =	vmul.f32 v47, v2;
	[tilespmem:s29+$0x110] =	vst v50  }
0x15f: {  	v55 =	vld [tilespmem:s28+$0x190];
	v56 =	vmul.f32 v48, v2;
	[tilespmem:s29+$0x120] =	vst v52  }
0x160: {  	v59 =	vld [tilespmem:s28+$0x1B0];
	v58 =	vmul.f32 v49, v2;
	[tilespmem:s29+$0x130] =	vst v54  }
0x161: {  	v57 =	vld [tilespmem:s28+$0x1A0];
	[tilespmem:s29+$0x140] =	vst v56;
	v3 =	vmul.f32 v3, v2  }
0x162: {  	v60 =	vld [tilespmem:s28+$0x1C0];
	[tilespmem:s29+$0x150] =	vst v58;
	v2 =	vmul.f32 v51, v2  }
0x163: {  	v61 =	vld [tilespmem:s28+$0x1D0];
	v7 =	vmul.f32 v53, v1;
	[tilespmem:s29+$0x160] =	vst v3  }
0x164: {  	v5 =	vmul.f32 v55, v1;
	v3 =	vld [tilespmem:s28+$0x1E0];
	[tilespmem:s29+$0x170] =	vst v2  }
0x165: {  	v62 =	vmul.f32 v59, v1;
	[tilespmem:s29+$0x180] =	vst v7  }
0x166: {  	v2 =	vmul.f32 v57, v1;
	[tilespmem:s29+$0x190] =	vst v5  }
0x167: {  	v63 =	vmul.f32 v60, v1;
	[tilespmem:s29+$0x1B0] =	vst v62  }
0x168: {  	[tilespmem:s29+$0x1A0] =	vst v2;
	v2 =	vmul.f32 v61, v1  }
0x169: {  	s25 =	sadd.s32 $0x1, s25;
	[tilespmem:s29+$0x1C0] =	vst v63;
	v1 =	vmul.f32 v3, v1  }
0x16a: {  	p1 =	sne.s32 s25, $0x3E;
	[tilespmem:s29+$0x1D0] =	vst v2  }
.Ltmp2:
0x16b: {  	s0 =	sadd.s32 $0x2710, s26;
	[tilespmem:s29+$0x1E0] =	vst v1;
	(pc) =	sbr.rel @p1 .LBB2_2-.Ltmp2, $4  }
0x16c: {  	[spmem:s2] =	stream.indirect.scatter.add.f32 [tilespmem:s18], [sflag:$0x3], $0x80, s0, s16, $0xb8;
	[tilespmem:$0x1FDB0] =	vst v63  }
0x16d: {  	_ =	swait.ge [sflag:s11], $0x2800  }
0x16e: {  	[sflag:s11] =	ssyncset.done $0x0  }
0x16f: {  	s24 =	sadd.s32 $0xA0, s24;
	[sflag:s11] =	ssyncadd.s32 $0xFFFFD800  }
0x170: {  	s0 =	simm.s32 $0x26C0  }
0x171: {  	s25 =	simm.s32 $0x26C7;
	v1 =	vmov s0  }
0x172: {  	v3 =	vmov s25;
	v1 =	vshrl.u32 v1, $0x3  }
0x173: {  	v3 =	vshrl.u32 v3, $0x3;
	v1 =	vshll.u32 v1, v0  }
0x174: {  	_ =	swait.ge [sflag:s19], $0x2800;
	v3 =	vshll.u32 v3, v0;
	v1 =	vbroadcast v1, $0x0  }
0x175: {  	[sflag:s19] =	ssyncset.done $0x0;
	v3 =	vadd.s32 $0x7, v3  }
0x176: {  	s24 =	simm.s32 $0x7730;
	[sflag:s19] =	ssyncadd.s32 $0xFFFFD800;
	v3 =	vbroadcast v3, $0x0  }
0x177: {  	v6 =	vld [tilespmem:s24+$0xFFFFFE00]  }
0x178: {  	s1 =	simm.s32 $0x26C1;
	v7 =	vld [tilespmem:s24+$0xFFFFFE10]  }
0x179: {  	s26 =	simm.s32 $0x26C2;
	v2 =	vmov s1;
	v8 =	vld [tilespmem:s24+$0xFFFFFE20]  }
0x17a: {  	v2 =	vshrl.u32 v2, $0x3;
	v4 =	vld.idx.msk [tilespmem:v1+s13+$0x0], $0xffff;
	v1 =	vmov s26  }
0x17b: {  	v2 =	vshll.u32 v2, v0;
	v9 =	vld [tilespmem:s24+$0xFFFFFE30];
	v5 =	vshrl.u32 v1, $0x3  }
0x17c: {  	v2 =	vadd.s32 $0x1, v2;
	v1 =	vld.idx.msk [tilespmem:v3+s13+$0x0], $0xffff;
	v3 =	vshll.u32 v5, v0  }
0x17d: {  	v10 =	vld [tilespmem:s24+$0xFFFFFE40];
	v2 =	vbroadcast v2, $0x0;
	v3 =	vadd.s32 $0x2, v3  }
0x17e: {  	v11 =	vld [tilespmem:s24+$0xFFFFFE50];
	v3 =	vbroadcast v3, $0x0  }
0x17f: {  	v13 =	vld [tilespmem:s24+$0xFFFFFE60]  }
0x180: {  	v5 =	vld [tilespmem:s24+$0x1F0]  }
0x181: {  	s28 =	simm.s32 $0x26C3;
	v52 =	vld [tilespmem:s24+$0xFFFFFE80]  }
0x182: {  	v12 =	vmov s28;
	v15 =	vld [tilespmem:s24+$0xFFFFFE90]  }
0x183: {  	v12 =	vshrl.u32 v12, $0x3;
	v2 =	vld.idx.msk [tilespmem:v2+s13+$0x0], $0xffff  }
0x184: {  	v6 =	vmul.f32 v6, v4;
	v14 =	vld.idx.msk [tilespmem:v3+s13+$0x0], $0xffff;
	v3 =	vshll.u32 v12, v0  }
0x185: {  	v16 =	vld [tilespmem:s24+$0xFFFFFEA0];
	v5 =	vmul.f32 v5, v1;
	v3 =	vadd.s32 $0x3, v3  }
0x186: {  	v53 =	vld [tilespmem:s24+$0xFFFFFED0];
	v7 =	vmul.f32 v7, v4;
	[tilespmem:s24+$0xFFFFFE00] =	vst v6;
	v3 =	vbroadcast v3, $0x0  }
0x187: {  	v55 =	vld [tilespmem:s24+$0xFFFFFF20];
	[tilespmem:s24+$0x1F0] =	vst v5;
	v5 =	vmul.f32 v8, v4  }
0x188: {  	v56 =	vld [tilespmem:s24+$0xFFFFFF50];
	v10 =	vmul.f32 v10, v4;
	[tilespmem:s24+$0xFFFFFE10] =	vst v7  }
0x189: {  	s29 =	simm.s32 $0x26C4;
	v6 =	vld [tilespmem:s24+$0xFFFFFE70];
	[tilespmem:s24+$0xFFFFFE20] =	vst v5;
	v5 =	vmul.f32 v52, v2  }
0x18a: {  	v17 =	vmov s29;
	v58 =	vld [tilespmem:s24+$0xFFFFFFC0];
	v7 =	vmul.f32 v9, v4;
	[tilespmem:s24+$0xFFFFFE40] =	vst v10  }
0x18b: {  	v10 =	vmul.f32 v13, v4;
	v8 =	vld [tilespmem:s24+$0xFFFFFEB0];
	[tilespmem:s24+$0xFFFFFE80] =	vst v5;
	v5 =	vshrl.u32 v17, $0x3  }
0x18c: {  	[tilespmem:s24+$0xFFFFFE30] =	vst v7;
	v5 =	vshll.u32 v5, v0;
	v54 =	vld.idx.msk [tilespmem:v3+s13+$0x0], $0xffff;
	v3 =	vmul.f32 v11, v4  }
0x18d: {  	v9 =	vld [tilespmem:s24+$0xFFFFFEC0];
	[tilespmem:s24+$0xFFFFFE60] =	vst v10;
	v12 =	vmul.f32 v53, v2;
	v5 =	vadd.s32 $0x4, v5  }
0x18e: {  	v5 =	vbroadcast v5, $0x0;
	[tilespmem:s24+$0xFFFFFE50] =	vst v3;
	v3 =	vmul.f32 v6, v4;
	v4 =	vld [tilespmem:s24+$0xFFFFFF00]  }
0x18f: {  	v7 =	vld [tilespmem:s24+$0xFFFFFEE0];
	[tilespmem:s24+$0xFFFFFED0] =	vst v12;
	v6 =	vmul.f32 v15, v2  }
0x190: {  	v11 =	vld [tilespmem:s24+$0xFFFFFEF0];
	[tilespmem:s24+$0xFFFFFE70] =	vst v3;
	v3 =	vmul.f32 v16, v2  }
0x191: {  	v10 =	vld [tilespmem:s24+$0xFFFFFF10];
	[tilespmem:s24+$0xFFFFFE90] =	vst v6;
	v6 =	vmul.f32 v8, v2  }
0x192: {  	s30 =	simm.s32 $0x26C5;
	v8 =	vld [tilespmem:s24+$0xFFFFFF30];
	[tilespmem:s24+$0xFFFFFEA0] =	vst v3;
	v3 =	vmul.f32 v9, v2  }
0x193: {  	v9 =	vld [tilespmem:s24+$0xFFFFFF40];
	[tilespmem:s24+$0xFFFFFEB0] =	vst v6;
	v6 =	vmul.f32 v4, v14;
	v4 =	vmov s30  }
0x194: {  	[tilespmem:s24+$0xFFFFFEC0] =	vst v3;
	v57 =	vshrl.u32 v4, $0x3;
	v4 =	vld.idx.msk [tilespmem:v5+s13+$0x0], $0xffff;
	v5 =	vmul.f32 v7, v2  }
0x195: {  	v3 =	vld [tilespmem:s24+$0xFFFFFF60];
	v2 =	vmul.f32 v11, v2;
	[tilespmem:s24+$0xFFFFFF00] =	vst v6;
	v6 =	vshll.u32 v57, v0  }
0x196: {  	v61 =	vld [tilespmem:s24+$0x20];
	v6 =	vadd.s32 $0x5, v6;
	[tilespmem:s24+$0xFFFFFEE0] =	vst v5;
	v5 =	vmul.f32 v10, v14  }
0x197: {  	v10 =	vld [tilespmem:s24+$0xFFFFFF80];
	[tilespmem:s24+$0xFFFFFEF0] =	vst v2;
	v2 =	vmul.f32 v55, v14;
	v6 =	vbroadcast v6, $0x0  }
0x198: {  	v7 =	vld [tilespmem:s24+$0xFFFFFF70];
	[tilespmem:s24+$0xFFFFFF10] =	vst v5;
	v5 =	vmul.f32 v8, v14  }
0x199: {  	v11 =	vld [tilespmem:s24+$0xFFFFFF90];
	[tilespmem:s24+$0xFFFFFF20] =	vst v2;
	v2 =	vmul.f32 v9, v14  }
0x19a: {  	v8 =	vld [tilespmem:s24+$0xFFFFFFA0];
	v60 =	vmul.f32 v3, v14;
	[tilespmem:s24+$0xFFFFFF30] =	vst v5  }
0x19b: {  	v9 =	vld [tilespmem:s24+$0xFFFFFFB0];
	v5 =	vmul.f32 v56, v14;
	[tilespmem:s24+$0xFFFFFF40] =	vst v2  }
0x19c: {  	v2 =	vmul.f32 v10, v54;
	v10 =	vld [tilespmem:s24+$0xFFFFFFD0];
	[tilespmem:s24+$0xFFFFFF60] =	vst v60  }
0x19d: {  	s31 =	simm.s32 $0x26C6;
	[tilespmem:s24+$0xFFFFFF50] =	vst v5;
	v3 =	vld.idx.msk [tilespmem:v6+s13+$0x0], $0xffff;
	v6 =	vmul.f32 v7, v14  }
0x19e: {  	v59 =	vmov s31;
	v5 =	vld [tilespmem:s24+$0xFFFFFFE0];
	[tilespmem:s24+$0xFFFFFF80] =	vst v2;
	v7 =	vmul.f32 v11, v54  }
0x19f: {  	v13 =	vshrl.u32 v59, $0x3;
	[tilespmem:s24+$0xFFFFFF70] =	vst v6;
	v6 =	vmul.f32 v8, v54;
	v8 =	vld [tilespmem:s24+$0x0]  }
0x1a0: {  	v2 =	vshll.u32 v13, v0;
	v11 =	vld [tilespmem:s24+$0xFFFFFFF0];
	[tilespmem:s24+$0xFFFFFF90] =	vst v7;
	v7 =	vmul.f32 v9, v54  }
0x1a1: {  	v2 =	vadd.s32 $0x6, v2;
	v9 =	vld [tilespmem:s24+$0x10];
	[tilespmem:s24+$0xFFFFFFA0] =	vst v6;
	v6 =	vmul.f32 v58, v54  }
0x1a2: {  	v62 =	vld [tilespmem:s24+$0x50];
	v2 =	vbroadcast v2, $0x0;
	[tilespmem:s24+$0xFFFFFFB0] =	vst v7;
	v7 =	vmul.f32 v10, v54  }
0x1a3: {  	v10 =	vld [tilespmem:s24+$0x30];
	v5 =	vmul.f32 v5, v54;
	[tilespmem:s24+$0xFFFFFFC0] =	vst v6  }
0x1a4: {  	v6 =	vld [tilespmem:s24+$0x40];
	[tilespmem:s24+$0xFFFFFFD0] =	vst v7;
	v7 =	vmul.f32 v8, v4  }
0x1a5: {  	v63 =	vld [tilespmem:s24+$0x60];
	[tilespmem:s24+$0xFFFFFFE0] =	vst v5;
	v8 =	vmul.f32 v11, v54  }
0x1a6: {  	v5 =	vmul.f32 v9, v4;
	v9 =	vld [tilespmem:s24+$0x80];
	[tilespmem:s24+$0x0] =	vst v7  }
0x1a7: {  	[tilespmem:s24+$0xFFFFFFF0] =	vst v8;
	v7 =	vmul.f32 v61, v4;
	v8 =	vld [tilespmem:s24+$0x70]  }
0x1a8: {  	v2 =	vld.idx.msk [tilespmem:v2+s13+$0x0], $0xffff;
	[tilespmem:s24+$0x10] =	vst v5;
	v5 =	vmul.f32 v10, v4  }
0x1a9: {  	[tilespmem:s24+$0x20] =	vst v7;
	v6 =	vmul.f32 v6, v4;
	v7 =	vld [tilespmem:s24+$0x90]  }
0x1aa: {  	v11 =	vmul.f32 v62, v4;
	[tilespmem:s24+$0x30] =	vst v5;
	v5 =	vld [tilespmem:s24+$0xA0]  }
0x1ab: {  	s25 =	simm.s32 $0x0;
	v10 =	vmul.f32 v63, v4;
	[tilespmem:s24+$0x40] =	vst v6;
	v6 =	vld [tilespmem:s24+$0xB0]  }
.LBB2_8:
0x1ac: {  	s0 =	sadd.s32 $0x26C8, s25;
	s1 =	sadd.s32 $0x26C9, s25;
	[tilespmem:s24+$0x50] =	vst v11;
	v4 =	vmul.f32 v8, v4;
	v8 =	vld [tilespmem:s24+$0xC0]  }
0x1ad: {  	v11 =	vmov s0;
	v12 =	vmov s1;
	s0 =	sadd.s32 $0x26CA, s25;
	s1 =	sadd.s32 $0x26CB, s25;
	[tilespmem:s24+$0x60] =	vst v10;
	v9 =	vmul.f32 v9, v3;
	v10 =	vld [tilespmem:s24+$0xD0]  }
0x1ae: {  	v13 =	vmov s0;
	v14 =	vmov s1;
	s0 =	sadd.s32 $0x26CC, s25;
	s1 =	sadd.s32 $0x26CD, s25;
	[tilespmem:s24+$0x70] =	vst v4;
	v4 =	vmul.f32 v7, v3;
	v7 =	vld [tilespmem:s24+$0xE0]  }
0x1af: {  	v15 =	vmov s0;
	v16 =	vmov s1;
	s0 =	sadd.s32 $0x26CE, s25;
	[tilespmem:s24+$0x80] =	vst v9;
	v5 =	vmul.f32 v5, v3;
	v9 =	vld [tilespmem:s24+$0xF0]  }
0x1b0: {  	v11 =	vshrl.u32 v11, $0x3;
	v17 =	vmov s0;
	[tilespmem:s24+$0x90] =	vst v4;
	v4 =	vmul.f32 v6, v3;
	v6 =	vld [tilespmem:s24+$0x100]  }
0x1b1: {  	v12 =	vshrl.u32 v12, $0x3;
	v13 =	vshrl.u32 v13, $0x3;
	[tilespmem:s24+$0xA0] =	vst v5;
	v5 =	vmul.f32 v8, v3;
	v8 =	vld [tilespmem:s24+$0x110]  }
0x1b2: {  	v14 =	vshrl.u32 v14, $0x3;
	v15 =	vshrl.u32 v15, $0x3;
	[tilespmem:s24+$0xB0] =	vst v4;
	v4 =	vmul.f32 v10, v3;
	v10 =	vld [tilespmem:s24+$0x120]  }
0x1b3: {  	v16 =	vshrl.u32 v16, $0x3;
	v17 =	vshrl.u32 v17, $0x3;
	[tilespmem:s24+$0xC0] =	vst v5;
	v5 =	vmul.f32 v7, v3;
	v7 =	vld [tilespmem:s24+$0x130]  }
0x1b4: {  	v11 =	vshll.u32 v11, v0;
	v12 =	vshll.u32 v12, v0;
	[tilespmem:s24+$0xD0] =	vst v4;
	v3 =	vmul.f32 v9, v3;
	v4 =	vld [tilespmem:s24+$0x140]  }
0x1b5: {  	v9 =	vshll.u32 v13, v0;
	v13 =	vshll.u32 v14, v0;
	[tilespmem:s24+$0xE0] =	vst v5;
	v5 =	vmul.f32 v6, v2;
	v6 =	vld [tilespmem:s24+$0x150]  }
0x1b6: {  	v14 =	vshll.u32 v15, v0;
	v15 =	vshll.u32 v16, v0;
	[tilespmem:s24+$0xF0] =	vst v3;
	v3 =	vmul.f32 v8, v2;
	v8 =	vld [tilespmem:s24+$0x160]  }
0x1b7: {  	v11 =	vbroadcast v11, $0x0;
	v16 =	vshll.u32 v17, v0;
	[tilespmem:s24+$0x100] =	vst v5;
	v5 =	vmul.f32 v10, v2;
	v10 =	vld [tilespmem:s24+$0x170]  }
0x1b8: {  	v12 =	vadd.s32 $0x1, v12;
	v9 =	vadd.s32 $0x2, v9;
	[tilespmem:s24+$0x110] =	vst v3;
	v3 =	vmul.f32 v7, v2;
	v7 =	vld [tilespmem:s24+$0x180]  }
0x1b9: {  	v13 =	vadd.s32 $0x3, v13;
	v14 =	vadd.s32 $0x4, v14;
	[tilespmem:s24+$0x120] =	vst v5;
	v4 =	vmul.f32 v4, v2;
	v5 =	vld [tilespmem:s24+$0x190]  }
0x1ba: {  	v12 =	vbroadcast v12, $0x0;
	v15 =	vadd.s32 $0x5, v15;
	[tilespmem:s24+$0x130] =	vst v3;
	v3 =	vmul.f32 v6, v2;
	v6 =	vld [tilespmem:s24+$0x1A0]  }
0x1bb: {  	s0 =	sadd.s32 $0x26CF, s25;
	s25 =	sadd.s32 $0x8, s25;
	v16 =	vadd.s32 $0x6, v16;
	v9 =	vbroadcast v9, $0x0;
	[tilespmem:s24+$0x140] =	vst v4;
	v4 =	vmul.f32 v8, v2;
	v8 =	vld [tilespmem:s24+$0x1B0]  }
0x1bc: {  	p1 =	slt.u32 s25, $0x48;
	v17 =	vmov s0;
	v13 =	vbroadcast v13, $0x0;
	[tilespmem:s24+$0x150] =	vst v3;
	v2 =	vmul.f32 v10, v2;
	v3 =	vld [tilespmem:s24+$0x1C0]  }
0x1bd: {  	v10 =	vbroadcast v14, $0x0;
	v14 =	vshrl.u32 v17, $0x3;
	[tilespmem:s24+$0x160] =	vst v4;
	v4 =	vmul.f32 v7, v1;
	v7 =	vld [tilespmem:s24+$0x1D0]  }
0x1be: {  	v15 =	vbroadcast v15, $0x0;
	v14 =	vshll.u32 v14, v0;
	[tilespmem:s24+$0x170] =	vst v2;
	v2 =	vmul.f32 v5, v1;
	v17 =	vld [tilespmem:s24+$0x1E0]  }
0x1bf: {  	v16 =	vbroadcast v16, $0x0;
	v5 =	vadd.s32 $0x7, v14;
	v11 =	vld.idx.msk [tilespmem:v11+s13+$0x0], $0xffff;
	[tilespmem:s24+$0x180] =	vst v4;
	v4 =	vmul.f32 v6, v1  }
0x1c0: {  	v6 =	vld.idx.msk [tilespmem:v12+s13+$0x0], $0xffff;
	v12 =	vbroadcast v5, $0x0;
	[tilespmem:s24+$0x190] =	vst v2;
	v2 =	vmul.f32 v8, v1  }
0x1c1: {  	v8 =	vld.idx.msk [tilespmem:v9+s13+$0x0], $0xffff;
	[tilespmem:s24+$0x1A0] =	vst v4;
	v3 =	vmul.f32 v3, v1  }
0x1c2: {  	v5 =	vld.idx.msk [tilespmem:v13+s13+$0x0], $0xffff;
	[tilespmem:s24+$0x1B0] =	vst v2;
	v2 =	vmul.f32 v7, v1  }
0x1c3: {  	v4 =	vld.idx.msk [tilespmem:v10+s13+$0x0], $0xffff;
	[tilespmem:s24+$0x1C0] =	vst v3;
	v1 =	vmul.f32 v17, v1  }
0x1c4: {  	v3 =	vld.idx.msk [tilespmem:v15+s13+$0x0], $0xffff;
	[tilespmem:s24+$0x1D0] =	vst v2  }
0x1c5: {  	v2 =	vld.idx.msk [tilespmem:v16+s13+$0x0], $0xffff;
	[tilespmem:s24+$0x1E0] =	vst v1  }
0x1c6: {  	s24 =	sadd.s32 $0x400, s24;
	v1 =	vld.idx.msk [tilespmem:v12+s13+$0x0], $0xffff  }
0x1c7: {  	v7 =	vld [tilespmem:s24+$0x1F0]  }
0x1c8: {  	v9 =	vld [tilespmem:s24+$0xFFFFFE00]  }
0x1c9: {  	v10 =	vld [tilespmem:s24+$0xFFFFFE10]  }
0x1ca: {  	v12 =	vld [tilespmem:s24+$0xFFFFFE20]  }
0x1cb: {  	v13 =	vld [tilespmem:s24+$0xFFFFFE30]  }
0x1cc: {  	v14 =	vld [tilespmem:s24+$0xFFFFFE40];
	v7 =	vmul.f32 v7, v1  }
0x1cd: {  	v9 =	vmul.f32 v9, v11;
	v15 =	vld [tilespmem:s24+$0xFFFFFE50]  }
0x1ce: {  	v10 =	vmul.f32 v10, v11;
	v16 =	vld [tilespmem:s24+$0xFFFFFE60];
	[tilespmem:s24+$0x1F0] =	vst v7  }
0x1cf: {  	[tilespmem:s24+$0xFFFFFE00] =	vst v9;
	v7 =	vmul.f32 v12, v11;
	v9 =	vld [tilespmem:s24+$0xFFFFFE70]  }
0x1d0: {  	[tilespmem:s24+$0xFFFFFE10] =	vst v10;
	v10 =	vmul.f32 v13, v11;
	v12 =	vld [tilespmem:s24+$0xFFFFFE80]  }
0x1d1: {  	[tilespmem:s24+$0xFFFFFE20] =	vst v7;
	v7 =	vmul.f32 v14, v11;
	v13 =	vld [tilespmem:s24+$0xFFFFFE90]  }
0x1d2: {  	[tilespmem:s24+$0xFFFFFE30] =	vst v10;
	v10 =	vmul.f32 v15, v11;
	v14 =	vld [tilespmem:s24+$0xFFFFFEA0]  }
0x1d3: {  	[tilespmem:s24+$0xFFFFFE40] =	vst v7;
	v7 =	vmul.f32 v16, v11;
	v15 =	vld [tilespmem:s24+$0xFFFFFEB0]  }
0x1d4: {  	[tilespmem:s24+$0xFFFFFE50] =	vst v10;
	v9 =	vmul.f32 v9, v11;
	v10 =	vld [tilespmem:s24+$0xFFFFFEC0]  }
0x1d5: {  	[tilespmem:s24+$0xFFFFFE60] =	vst v7;
	v7 =	vmul.f32 v12, v6;
	v11 =	vld [tilespmem:s24+$0xFFFFFED0]  }
0x1d6: {  	[tilespmem:s24+$0xFFFFFE70] =	vst v9;
	v9 =	vmul.f32 v13, v6;
	v12 =	vld [tilespmem:s24+$0xFFFFFEE0]  }
0x1d7: {  	[tilespmem:s24+$0xFFFFFE80] =	vst v7;
	v7 =	vmul.f32 v14, v6;
	v13 =	vld [tilespmem:s24+$0xFFFFFEF0]  }
0x1d8: {  	[tilespmem:s24+$0xFFFFFE90] =	vst v9;
	v9 =	vmul.f32 v15, v6;
	v14 =	vld [tilespmem:s24+$0xFFFFFF00]  }
0x1d9: {  	[tilespmem:s24+$0xFFFFFEA0] =	vst v7;
	v7 =	vmul.f32 v10, v6;
	v10 =	vld [tilespmem:s24+$0xFFFFFF10]  }
0x1da: {  	[tilespmem:s24+$0xFFFFFEB0] =	vst v9;
	v9 =	vmul.f32 v11, v6;
	v11 =	vld [tilespmem:s24+$0xFFFFFF20]  }
0x1db: {  	[tilespmem:s24+$0xFFFFFEC0] =	vst v7;
	v7 =	vmul.f32 v12, v6;
	v12 =	vld [tilespmem:s24+$0xFFFFFF30]  }
0x1dc: {  	[tilespmem:s24+$0xFFFFFED0] =	vst v9;
	v6 =	vmul.f32 v13, v6;
	v9 =	vld [tilespmem:s24+$0xFFFFFF40]  }
0x1dd: {  	[tilespmem:s24+$0xFFFFFEE0] =	vst v7;
	v7 =	vmul.f32 v14, v8;
	v13 =	vld [tilespmem:s24+$0xFFFFFF50]  }
0x1de: {  	[tilespmem:s24+$0xFFFFFEF0] =	vst v6;
	v6 =	vmul.f32 v10, v8;
	v10 =	vld [tilespmem:s24+$0xFFFFFF60]  }
0x1df: {  	[tilespmem:s24+$0xFFFFFF00] =	vst v7;
	v7 =	vmul.f32 v11, v8;
	v11 =	vld [tilespmem:s24+$0xFFFFFF70]  }
0x1e0: {  	[tilespmem:s24+$0xFFFFFF10] =	vst v6;
	v6 =	vmul.f32 v12, v8;
	v12 =	vld [tilespmem:s24+$0xFFFFFF80]  }
0x1e1: {  	[tilespmem:s24+$0xFFFFFF20] =	vst v7;
	v7 =	vmul.f32 v9, v8;
	v9 =	vld [tilespmem:s24+$0xFFFFFF90]  }
0x1e2: {  	[tilespmem:s24+$0xFFFFFF30] =	vst v6;
	v6 =	vmul.f32 v13, v8;
	v13 =	vld [tilespmem:s24+$0xFFFFFFA0]  }
0x1e3: {  	[tilespmem:s24+$0xFFFFFF40] =	vst v7;
	v7 =	vmul.f32 v10, v8;
	v10 =	vld [tilespmem:s24+$0xFFFFFFB0]  }
0x1e4: {  	[tilespmem:s24+$0xFFFFFF50] =	vst v6;
	v6 =	vmul.f32 v11, v8;
	v8 =	vld [tilespmem:s24+$0xFFFFFFC0]  }
0x1e5: {  	[tilespmem:s24+$0xFFFFFF60] =	vst v7;
	v7 =	vmul.f32 v12, v5;
	v11 =	vld [tilespmem:s24+$0xFFFFFFD0]  }
0x1e6: {  	[tilespmem:s24+$0xFFFFFF70] =	vst v6;
	v6 =	vmul.f32 v9, v5;
	v9 =	vld [tilespmem:s24+$0xFFFFFFE0]  }
0x1e7: {  	[tilespmem:s24+$0xFFFFFF80] =	vst v7;
	v7 =	vmul.f32 v13, v5;
	v12 =	vld [tilespmem:s24+$0xFFFFFFF0]  }
0x1e8: {  	[tilespmem:s24+$0xFFFFFF90] =	vst v6;
	v6 =	vmul.f32 v10, v5;
	v10 =	vld [tilespmem:s24+$0x0]  }
0x1e9: {  	[tilespmem:s24+$0xFFFFFFA0] =	vst v7;
	v7 =	vmul.f32 v8, v5;
	v8 =	vld [tilespmem:s24+$0x10]  }
0x1ea: {  	[tilespmem:s24+$0xFFFFFFB0] =	vst v6;
	v6 =	vmul.f32 v11, v5;
	v11 =	vld [tilespmem:s24+$0x20]  }
0x1eb: {  	[tilespmem:s24+$0xFFFFFFC0] =	vst v7;
	v7 =	vmul.f32 v9, v5;
	v9 =	vld [tilespmem:s24+$0x30]  }
0x1ec: {  	[tilespmem:s24+$0xFFFFFFD0] =	vst v6;
	v5 =	vmul.f32 v12, v5;
	v6 =	vld [tilespmem:s24+$0x40]  }
0x1ed: {  	[tilespmem:s24+$0xFFFFFFE0] =	vst v7;
	v7 =	vmul.f32 v10, v4;
	v10 =	vld [tilespmem:s24+$0x50]  }
0x1ee: {  	[tilespmem:s24+$0xFFFFFFF0] =	vst v5;
	v5 =	vmul.f32 v8, v4;
	v12 =	vld [tilespmem:s24+$0x60]  }
.Ltmp3:
0x1ef: {  	[tilespmem:s24+$0x0] =	vst v7;
	v7 =	vmul.f32 v11, v4;
	v8 =	vld [tilespmem:s24+$0x70];
	(pc) =	sbr.rel @p1 .LBB2_8-.Ltmp3, $4  }
0x1f0: {  	[tilespmem:s24+$0x10] =	vst v5;
	v5 =	vmul.f32 v9, v4;
	v9 =	vld [tilespmem:s24+$0x80]  }
0x1f1: {  	[tilespmem:s24+$0x20] =	vst v7;
	v6 =	vmul.f32 v6, v4;
	v7 =	vld [tilespmem:s24+$0x90]  }
0x1f2: {  	[tilespmem:s24+$0x30] =	vst v5;
	v11 =	vmul.f32 v10, v4;
	v5 =	vld [tilespmem:s24+$0xA0]  }
0x1f3: {  	[tilespmem:s24+$0x40] =	vst v6;
	v10 =	vmul.f32 v12, v4;
	v6 =	vld [tilespmem:s24+$0xB0]  }
0x1f4: {  	v12 =	vld [tilespmem:s24+$0xC0];
	[tilespmem:s24+$0x50] =	vst v11;
	v4 =	vmul.f32 v8, v4  }
0x1f5: {  	v13 =	vld [tilespmem:s24+$0xD0];
	v9 =	vmul.f32 v9, v3;
	[tilespmem:s24+$0x60] =	vst v10  }
0x1f6: {  	v42 =	vld [tilespmem:s24+$0xE0];
	v7 =	vmul.f32 v7, v3;
	[tilespmem:s24+$0x70] =	vst v4  }
0x1f7: {  	v45 =	vld [tilespmem:s24+$0x100];
	[tilespmem:s24+$0x80] =	vst v9;
	v44 =	vmul.f32 v5, v3  }
0x1f8: {  	v43 =	vld [tilespmem:s24+$0xF0];
	[tilespmem:s24+$0x90] =	vst v7;
	v6 =	vmul.f32 v6, v3  }
0x1f9: {  	v46 =	vld [tilespmem:s24+$0x110];
	[tilespmem:s24+$0xA0] =	vst v44;
	v47 =	vmul.f32 v12, v3  }
0x1fa: {  	v48 =	vld [tilespmem:s24+$0x120];
	v49 =	vmul.f32 v13, v3;
	[tilespmem:s24+$0xB0] =	vst v6  }
0x1fb: {  	v50 =	vld [tilespmem:s24+$0x130];
	v51 =	vmul.f32 v42, v3;
	[tilespmem:s24+$0xC0] =	vst v47  }
0x1fc: {  	v52 =	vld [tilespmem:s24+$0x140];
	v5 =	vmul.f32 v45, v2;
	[tilespmem:s24+$0xD0] =	vst v49  }
0x1fd: {  	v53 =	vld [tilespmem:s24+$0x150];
	v3 =	vmul.f32 v43, v3;
	[tilespmem:s24+$0xE0] =	vst v51  }
0x1fe: {  	v54 =	vld [tilespmem:s24+$0x160];
	v7 =	vmul.f32 v46, v2;
	[tilespmem:s24+$0x100] =	vst v5  }
0x1ff: {  	v55 =	vld [tilespmem:s24+$0x170];
	[tilespmem:s24+$0xF0] =	vst v3;
	v3 =	vmul.f32 v48, v2  }
0x200: {  	v57 =	vld [tilespmem:s24+$0x180];
	v56 =	vmul.f32 v50, v2;
	[tilespmem:s24+$0x110] =	vst v7  }
0x201: {  	v58 =	vld [tilespmem:s24+$0x190];
	[tilespmem:s24+$0x120] =	vst v3;
	v3 =	vmul.f32 v52, v2  }
0x202: {  	v59 =	vld [tilespmem:s24+$0x1A0];
	v6 =	vmul.f32 v53, v2;
	[tilespmem:s24+$0x130] =	vst v56  }
0x203: {  	v60 =	vld [tilespmem:s24+$0x1B0];
	[tilespmem:s24+$0x140] =	vst v3;
	v3 =	vmul.f32 v54, v2  }
0x204: {  	v61 =	vld [tilespmem:s24+$0x1C0];
	[tilespmem:s24+$0x150] =	vst v6;
	v2 =	vmul.f32 v55, v2  }
0x205: {  	v62 =	vld [tilespmem:s24+$0x1D0];
	[tilespmem:s24+$0x160] =	vst v3;
	v3 =	vmul.f32 v57, v1  }
0x206: {  	v63 =	vld [tilespmem:s24+$0x1E0];
	[tilespmem:s24+$0x170] =	vst v2;
	v2 =	vmul.f32 v58, v1  }
0x207: {  	[tilespmem:s24+$0x180] =	vst v3;
	v3 =	vmul.f32 v59, v1  }
0x208: {  	[tilespmem:s24+$0x190] =	vst v2;
	v2 =	vmul.f32 v60, v1  }
0x209: {  	[tilespmem:s24+$0x1A0] =	vst v3;
	v3 =	vmul.f32 v61, v1  }
0x20a: {  	[tilespmem:s24+$0x1B0] =	vst v2;
	v2 =	vmul.f32 v62, v1  }
0x20b: {  	v1 =	vmul.f32 v63, v1;
	[tilespmem:s24+$0x1C0] =	vst v3  }
0x20c: {  	[tilespmem:s24+$0x1D0] =	vst v2  }
0x20d: {  	s0 =	simm.s32 $0x4DD0;
	[tilespmem:s24+$0x1E0] =	vst v1  }
0x20e: {  	[spmem:s2] =	stream.indirect.scatter.add.f32 [tilespmem:s17], [sflag:$0x3], $0x80, s0, s16, $0xb8;
	[tilespmem:$0x1FDB0] =	vst v63  }
0x20f: {  	_ =	swait.ge [sflag:s11], $0x2800  }
0x210: {  	s23 =	sadd.s32 $0x1, s23;
	[sflag:s11] =	ssyncset.done $0x0  }
0x211: {  	p1 =	sne.s32 s23, s10;
	[sflag:s11] =	ssyncadd.s32 $0xFFFFD800  }
.Ltmp4:
0x212: {  	s0 =	simm.s32 @!p0 $0x3;
	[bflag:$0x0] =	sbarrier.arrive $0xFFFF;
	(pc) =	sbr.rel @p1 .LBB2_1-.Ltmp4, $4  }
0x213: {  	[hbm:s9], [sflag:s14] =	dma.local @!p0 [spmem:s22], $0x3E80  }
0x214: {  	_ =	swait.ge @!p0 [sflag:s0], $0x3E80  }
0x215: {  	[sflag:s0] =	ssyncset.done @!p0 $0x0  }
0x216: {  	[sflag:s0] =	ssyncadd.s32 @!p0 $0xFFFFC180  }
0x217: {  	_ =	sfence.sel $0x180000  }
0x218: {  	[bflag:$0x0] =	sbarrier.arrive $0xFFFF  }
0x219: {  	_ =	strace $0x9000004A  }
0x21a: {  	s0 =	stileid.u32;
	[bflag:$0x2] =	sbarrier.arrive $0xFFFF  }
0x21b: {  	p0 =	sne.s32 s0, $0x0;
	s0 =	rddreg [dreg:$0x4]  }
0x21c: {  	s0 =	sadd.s32 @!p0 $0x100000, s0  }
0x21d: {  	[sflag:s0] =	ssyncadd.tile.s32 @!p0 $0x1;
	_ =	shalt  }
.Lfunc_end2:
_tile_overlayer_lowered:
.L_overlay_start_2:
0x21e: {  	(tag) =	ssettag $0x2  }
0x21f: {  	s0 =	rddreg [dreg:$0x0];
	s2 =	stileid.u32  }
0x220: {  	s1 =	rddreg [dreg:$0x1];
	p0 =	sne.s32 s2, $0x0  }
0x221: {  	s3 =	rddreg [dreg:$0x2];
	[bflag:$0x3] =	sbarrier.arrive $0xFFFF;
	s2 =	simm.s32 @!p0 $0x1C03  }
0x222: {  	[timem:s3], [sflag:s2] =	dma.local @!p0 [hbm:s0], s1  }
0x223: {  	s0 =	simm.s32 @!p0 $0x3  }
0x224: {  	_ =	swait.ge @!p0 [sflag:s0], s1  }
0x225: {  	s1 =	ssub.s32 @!p0 $0x0, s1;
	[sflag:s0] =	ssyncset.done @!p0 $0x0  }
0x226: {  	[sflag:s0] =	ssyncadd.s32 @!p0 s1  }
0x227: {  	[bflag:$0x3] =	sbarrier.arrive $0xFFFF  }
0x228: {  	_ =	shalt  }

// kernel: kernel.16.cloned.1.call-start
scs
__scs_entry_jumppad:
0x0: {  	(pc) =	sbr.rel $0x88, $3  }
0x1: {  	(tag) =	ssettag $0x0;
	lr =	simm.s32 $0x1  }
0x2: {  	[smem:$0x3F98] =	sst lr;
	_ =	strace $0xD0000000  }
0x3: {  	_ = 	snop  }
0x4: {  	_ = 	snop  }
0x5: {  	_ = 	snop  }
0x6: {  	_ = 	snop  }
0x7: {  	_ = 	snop  }
__scs_overlays_trampoline_lowered:
0x8: {  	[smem:$0x3FA7] =	sst s0  }
0x9: {  	[smem:$0x3FA8] =	sst s1  }
0xa: {  	[smem:$0x3FA9] =	sst s2  }
0xb: {  	[smem:$0x3FAA] =	sst s3  }
0xc: {  	[smem:$0x3FAB] =	sst s4  }
0xd: {  	[smem:$0x3FAC] =	sst s5  }
0xe: {  	[smem:$0x3FAD] =	sst s6  }
0xf: {  	[smem:$0x3FAE] =	sst s7  }
0x10: {  	[smem:$0x3FAF] =	sst s8  }
0x11: {  	[smem:$0x3FB0] =	sst s9;
	s0 =	simm.s32 @!p0 $0x0  }
0x12: {  	s1 =	sld [smem:$0x3F96];
	s0 =	simm.s32 @p0 $0x1  }
0x13: {  	[smem:$0x3FB1] =	sst s0;
	s0 =	simm.s32 @!p1 $0x0  }
0x14: {  	s2 =	sld [smem:$0x3F95];
	s0 =	simm.s32 @p1 $0x1  }
0x15: {  	[smem:$0x3FB2] =	sst s0;
	s0 =	simm.s32 @!p2 $0x0  }
0x16: {  	s3 =	sld [smem:$0x3FDB];
	s0 =	simm.s32 @p2 $0x1  }
0x17: {  	s4 =	simm.s32 $0x1BF5;
	[smem:$0x3FB4] =	sst s0  }
0x18: {  	s0 =	sld [smem:$0x3F97];
	_ =	swait.ge [sflag:s4], $0x0  }
0x19: {  	s7 =	sld [smem:$0x3F98]  }
0x1a: {  	s8 =	sadd.s32 $0xFFFFE003, lr  }
0x1b: {  	s9 =	sadd.s32 $0xFFFFFEF7, lr;
	s5 =	simm.s32 $0xFFFFFFFF;
	p2 =	slt.u32 s8, $0xFFFFF086  }
0x1c: {  	p1 =	slt.u32 s9, $0xF7A;
	s5 =	simm.s32 @!p2 $0x0  }
0x1d: {  	s5 =	simm.s32 @p1 $0x1;
	p0 =	seq.s32 s7, s2  }
0x1e: {  	s7 =	smul.u32 @!p0 $0xF7A, s2;
	p2 =	seq.s32 @!p0 s5, $0x0  }
0x1f: {  	s9 =	smul.u32 $0xF7A, s1;
	s8 =	simm.s32 @!p0 $0x1BF5;
	p2 =	por !p2, p0  }
0x20: {  	[sflag:s8] =	ssyncset.s32 @!p0 $0xFFFFF086;
	s6 =	sadd.s32 @!p0 s3, s7;
	s7 =	simm.s32 @!p0 $0x108  }
0x21: {  	s3 =	sadd.s32 s3, s9;
	s6 =	sadd.s32 @!p0 $0x88, s6;
	s7 =	simm.s32 @p2 $0x1082  }
0x22: {  	[simem:s7], [sflag:s8] =	dma.local @!p0 [hbm:s6], $0xF7A  }
0x23: {  	s9 =	sor.u32 $0xD0000000, s2;
	s6 =	simm.s32 $0x108;
	_ =	swait.ge @!p0 [sflag:s8], $0x0  }
0x24: {  	s3 =	sadd.s32 $0x88, s3;
	s6 =	simm.s32 @!p1 $0x1082;
	[sflag:s4] =	ssyncset.s32 $0xFFFFF086  }
0x25: {  	[simem:s6], [sflag:s4] =	dma.local [hbm:s3], $0xF7A  }
0x26: {  	[smem:$0x3F98] =	sst s1;
	(tag) =	ssettag s2;
	_ =	strace s9  }
0x27: {  	s1 =	sld [smem:$0x3FA8]  }
0x28: {  	s2 =	sld [smem:$0x3FA9]  }
0x29: {  	s4 =	sld [smem:$0x3FAB]  }
0x2a: {  	p0 =	seq.s32 s5, $0x0;
	s5 =	sld [smem:$0x3FAC]  }
0x2b: {  	s6 =	sld [smem:$0x3FAD]  }
0x2c: {  	s7 =	sld [smem:$0x3FAE]  }
0x2d: {  	s3 =	simm.s32 $0x108;
	s8 =	sld [smem:$0x3FAF]  }
0x2e: {  	s3 =	simm.s32 @!p0 $0x1082;
	s9 =	sld [smem:$0x3FB0]  }
0x2f: {  	lr =	sadd.s32 s0, s3;
	s0 =	sld [smem:$0x3FA7]  }
0x30: {  	s3 =	sld [smem:$0x3FAA]  }
0x31: {  	[smem:$0x3FB3] =	sst s10  }
0x32: {  	s10 =	sld [smem:$0x3FB1];
	_ =	sdelay $0x3  }
0x33: {  	p0 =	seq.s32 s10, $0x1;
	s10 =	sld [smem:$0x3FB3];
	_ =	sdelay $0x3  }
0x34: {  	[smem:$0x3FB3] =	sst s10  }
0x35: {  	s10 =	sld [smem:$0x3FB2];
	_ =	sdelay $0x3  }
0x36: {  	p1 =	seq.s32 s10, $0x1;
	s10 =	sld [smem:$0x3FB3];
	_ =	sdelay $0x3  }
0x37: {  	[smem:$0x3FB3] =	sst s10  }
0x38: {  	s10 =	sld [smem:$0x3FB4]  }
0x39: {  	_ = 	snop;
	(pc) =	sbr.ind lr, $3  }
0x3a: {  	_ = 	snop  }
0x3b: {  	_ = 	snop  }
0x3c: {  	p2 =	seq.s32 s10, $0x1;
	s10 =	sld [smem:$0x3FB3]  }
0x3d: {  	_ =	shalt  }
0x3e: {  	_ =	shalt  }
0x3f: {  	_ =	shalt  }
0x40: {  	_ =	shalt  }
0x41: {  	_ =	shalt  }
0x42: {  	_ =	shalt  }
0x43: {  	_ =	shalt  }
0x44: {  	_ =	shalt  }
0x45: {  	_ =	shalt  }
0x46: {  	_ =	shalt  }
0x47: {  	_ =	shalt  }
0x48: {  	_ =	shalt  }
0x49: {  	_ =	shalt  }
0x4a: {  	_ =	shalt  }
0x4b: {  	_ =	shalt  }
0x4c: {  	_ =	shalt  }
0x4d: {  	_ =	shalt  }
0x4e: {  	_ =	shalt  }
0x4f: {  	_ =	shalt  }
0x50: {  	_ =	shalt  }
0x51: {  	_ =	shalt  }
0x52: {  	_ =	shalt  }
0x53: {  	_ =	shalt  }
0x54: {  	_ =	shalt  }
0x55: {  	_ =	shalt  }
0x56: {  	_ =	shalt  }
0x57: {  	_ =	shalt  }
0x58: {  	_ =	shalt  }
0x59: {  	_ =	shalt  }
0x5a: {  	_ =	shalt  }
0x5b: {  	_ =	shalt  }
0x5c: {  	_ =	shalt  }
0x5d: {  	_ =	shalt  }
0x5e: {  	_ =	shalt  }
0x5f: {  	_ =	shalt  }
0x60: {  	_ =	shalt  }
0x61: {  	_ =	shalt  }
0x62: {  	_ =	shalt  }
0x63: {  	_ =	shalt  }
0x64: {  	_ =	shalt  }
0x65: {  	_ =	shalt  }
0x66: {  	_ =	shalt  }
0x67: {  	_ =	shalt  }
0x68: {  	_ =	shalt  }
0x69: {  	_ =	shalt  }
0x6a: {  	_ =	shalt  }
0x6b: {  	_ =	shalt  }
0x6c: {  	_ =	shalt  }
0x6d: {  	_ =	shalt  }
0x6e: {  	_ =	shalt  }
0x6f: {  	_ =	shalt  }
0x70: {  	_ =	shalt  }
0x71: {  	_ =	shalt  }
0x72: {  	_ =	shalt  }
0x73: {  	_ =	shalt  }
0x74: {  	_ =	shalt  }
0x75: {  	_ =	shalt  }
0x76: {  	_ =	shalt  }
0x77: {  	_ =	shalt  }
0x78: {  	_ =	shalt  }
0x79: {  	_ =	shalt  }
0x7a: {  	_ =	shalt  }
0x7b: {  	_ =	shalt  }
0x7c: {  	_ =	shalt  }
0x7d: {  	_ =	shalt  }
0x7e: {  	_ =	shalt  }
0x7f: {  	_ =	shalt  }
0x80: {  	_ =	shalt  }
0x81: {  	_ =	shalt  }
0x82: {  	_ =	shalt  }
0x83: {  	_ =	shalt  }
0x84: {  	_ =	shalt  }
0x85: {  	_ =	shalt  }
0x86: {  	_ =	shalt  }
0x87: {  	_ =	shalt  }
.Lfunc_end0:
.L_simem_size_0:
called_computation.2_lowered:
.L_overlay_start_0:
0x88: {  	s2 =	sld [smem:$0x3FD9]  }
0x89: {  	s3 =	sld [smem:$0x3FFE];
	_ =	sdelay $0x1  }
0x8a: {  	s1 =	srdreg.scid  }
0x8b: {  	s0 =	sand.u32 $0x1, s1  }
0x8c: {  	s17 =	sshll.u32 s0, $0xA;
	s2 =	sadd.s32 s3, s2  }
0x8d: {  	s2 =	sadd.s32 s2, s17  }
0x8e: {  	[smem:$0x3FBF] =	sst s2  }
0x8f: {  	_ = 	snop  }
0x90: {  	s2 =	sld [smem:$0x3FC7]  }
0x91: {  	s18 =	sld [smem:$0x3FD0];
	(tm) =	ssettm $0x1  }
0x92: {  	s4 =	sld [smem:$0x3FFB];
	_ =	sdelay $0x3  }
0x93: {  	_ =	strace s4  }
0x94: {  	s4 =	sld [smem:$0x3FFC];
	_ =	sdelay $0x3  }
0x95: {  	_ =	strace s4  }
0x96: {  	s4 =	sld [smem:$0x3FFD];
	_ =	sdelay $0x3  }
0x97: {  	_ =	strace s4  }
0x98: {  	_ =	strace $0x8FFFFFFF  }
0x99: {  	s19 =	sld [smem:$0x3FDB];
	_ =	sdelay $0x1  }
0x9a: {  	s5 =	simm.s32 $_scs_section_size  }
0x9b: {  	s6 =	simm.s32 $_size__tile_overlayer_lowered;
	s7 =	simm.s32 $_tile_overlayer_lowered  }
0x9c: {  	s22 =	simm.s32 $0x1BFF;
	s21 =	sshll.u32 s7, $0x1;
	s4 =	sadd.s32 s5, s19  }
0x9d: {  	s8 =	simm.s32 $0x0;
	s20 =	sshll.u32 s6, $0x1;
	s6 =	sadd.s32 s21, s4  }
0x9e: {  	[timem:s8], [sflag:s22] =	dma.local [hbm:s6], s20  }
0x9f: {  	_ =	swait.ge [sflag:s22], s20  }
0xa0: {  	s5 =	ssub.s32 $0x0, s20;
	[sflag:s22] =	ssyncset.done $0x0  }
0xa1: {  	[sflag:s22] =	ssyncadd.s32 s5;
	_ =	sdelay $0x1  }
0xa2: {  	s23 =	simm.s32 $0x1B8B  }
0xa3: {  	_ =	swait.ge [sflag:s23], $0x1  }
0xa4: {  	[sflag:s23] =	ssyncset.done $0x0  }
0xa5: {  	s25 =	simm.s32 $0x1B8E;
	s24 =	sld [smem:$0x3FFE];
	[sflag:s23] =	ssyncadd.s32 $0xFFFFFFFF  }
0xa6: {  	s26 =	simm.s32 $execute0_lowered;
	[smem:$0x3FD2] =	sst s25  }
0xa7: {  	s6 =	sshll.u32 s26, $0x1;
	_ =	strace $0x8000004C;
	[dreg:$0x1] =	wrdreg $0xFFFFFFFF  }
0xa8: {  	s28 =	simm.s32 $_size_execute0_lowered;
	s4 =	sadd.s32 s4, s6;
	[dreg:$0x0] =	wrdreg $0x0  }
0xa9: {  	s6 =	sshll.u32 s28, $0x1;
	[dreg:$0x2] =	wrdreg s4  }
0xaa: {  	[dreg:$0x3] =	wrdreg s6  }
0xab: {  	[dreg:$0x4] =	wrdreg $0xC0  }
0xac: {  	_ =	task [dreg:s8], $0x5FFFF  }
0xad: {  	[dreg:$0x1] =	wrdreg $0xFFFFFFFF  }
0xae: {  	[dreg:$0x0] =	wrdreg $0x60  }
0xaf: {  	[dreg:$0x2] =	wrdreg s24  }
0xb0: {  	[dreg:$0x3] =	wrdreg s18  }
0xb1: {  	[dreg:$0x4] =	wrdreg s2  }
0xb2: {  	[dreg:$0x5] =	wrdreg $0xC5300  }
0xb3: {  	[dreg:$0x6] =	wrdreg $0x9  }
0xb4: {  	_ =	task.clear_ibuf [dreg:s8], $0x7FFFF;
	_ =	strace $0x9000004C  }
0xb5: {  	s29 =	simm.s32 $0x9;
	_ =	strace $0x8000004E  }
0xb6: {  	_ =	swait.ge [sflag:s29], $0x1  }
0xb7: {  	[sflag:s29] =	ssyncadd.s32 $0xFFFFFFFF  }
0xb8: {  	_ =	strace $0x9000004E  }
0xb9: {  	_ =	sfence  }
0xba: {  	s30 =	sld [smem:$0x0];
	_ =	sdelay $0x2  }
0xbb: {  	s31 =	sshll.u32 s1, $0xD;
	s1 =	sshrl.u32 s1, $0x2  }
0xbc: {  	s3 =	sand.u32 $0x4000, s31;
	s1 =	sadd.s32 s1, s30  }
0xbd: {  	s0 =	sor.u32 s3, s0;
	s1 =	sshll.u32 s1, $0x11  }
0xbe: {  	s0 =	sor.u32 s1, s0  }
0xbf: {  	s0 =	sadd.s32 $0x8F2B, s0  }
0xc0: {  	[sflag:s0] =	ssyncadd.remote.s32 $0x1  }
0xc1: {  	_ =	sfence.sel $0xFFFF  }
0xc2: {  	[dreg:$0x0] =	wrdreg $0xFFFFFFFF;
	(pc) =	sbr.abs _section_cstart, $3  }
0xc3: {  	[dreg:$0x1] =	wrdreg $0xFFFFFFFF  }
0xc4: {  	_ =	task.clear_ibuf [dreg:s8], $0x2FFFF;
	_ =	strace $0x9FFFFFFF  }
0xc5: {  	(tm) =	ssettm $0x7FFFFFFF  }
tec
execute0_lowered:
.L_overlay_start_1:
0x0: {  	(tag) =	ssettag $0x1  }
0x1: {  	s5 =	rddreg [dreg:$0x0]  }
0x2: {  	s6 =	rddreg [dreg:$0x1]  }
0x3: {  	s1 =	srdreg.scid;
	s8 =	rddreg [dreg:$0x2]  }
0x4: {  	s0 =	stileid.u32;
	s2 =	rddreg [dreg:$0x3]  }
0x5: {  	s3 =	simm.s32 $0x0;
	s17 =	simm.s32 $0x7530;
	s18 =	simm.s32 $0x9D30  }
0x6: {  	s19 =	simm.s32 $0x1;
	s20 =	simm.s32 $0x2;
	s23 =	simm.s32 $0x0  }
0x7: {  	s7 =	sand.u32 $0x1, s1;
	s29 =	sshll.u32 s0, $0x1;
	s10 =	smul.u32 $0x1F400, s0  }
0x8: {  	[smem:$0x7FF] =	sst s3;
	s4 =	sadd.s32 $0xC600, s5;
	s12 =	smul.u32 $0x3E80, s0  }
0x9: {  	s15 =	smul.u32 $0x7D000, s0;
	p0 =	sgt.u32 s0, $0x9;
	s1 =	sor.u32 s7, s29  }
0xa: {  	s11 =	smul.u32 $0x27100, s7;
	_ =	strace $0x8000004D;
	s7 =	ssub.s32 $0x2, s7  }
0xb: {  	s9 =	smul.u32 $0x4E2, s1;
	s14 =	sshrl.u32 s10, $0x3;
	s30 =	sshrl.u32 s7, $0x1  }
0xc: {  	s16 =	sadd.s32 s10, s2;
	s31 =	sshrl.u32 s15, $0x2;
	s14 =	sadd.s32 s14, s5  }
0xd: {  	s11 =	sadd.s32 s12, s11;
	s12 =	ssub.s32 s7, s30;
	s22 =	sadd.s32 s31, s2  }
0xe: {  	s15 =	sshrl.u32 @!p0 s16, $0x3;
	s16 =	simm.s32 $0x50;
	s13 =	sadd.s32 s9, s5  }
0xf: {  	s11 =	sadd.s32 s11, s5;
	s5 =	sadd.s32 s6, s9;
	s7 =	sadd.s32 s8, s9  }
0x10: {  	s8 =	sadd.s32 $0x33800, s14;
	s10 =	smax.u32 s12, $0x1;
	s14 =	sshll.u32 @!p0 s0, $0x6  }
0x11: {  	v0 =	vimm.s32 $0x0;
	vm0 =	vcmask $0x300;
	s22 =	sshrl.u32 @!p0 s22, $0x3;
	s6 =	sadd.s32 $0x2800, s13;
	s9 =	sadd.s32 $0x5AA00, s11  }
0x12: {  	v0 =	vsel vm0, $0x3, v0;
	s11 =	simm.s32 $0x3;
	s13 =	simm.s32 $0x4E20;
	s14 =	sor.u32 @!p0 $0x1C03, s14  }
.LBB2_1:
0x13: {  	[tilespmem:s3], [sflag:$0x3] =	stream.linear.gather [hbm4b:s5+s3], $0x2710, $0x38;
	[tilespmem:$0x1FDB0] =	vst v63  }
0x14: {  	_ =	swait.ge [sflag:s11], $0x2710  }
0x15: {  	[sflag:s11] =	ssyncset.done $0x0  }
0x16: {  	s0 =	simm.s32 $0x2710;
	[sflag:s11] =	ssyncadd.s32 $0xFFFFD8F0  }
0x17: {  	[tilespmem:s0], [sflag:$0x3] =	stream.linear.gather [hbm4b:s6+s3], $0x2710, $0x38;
	[tilespmem:$0x1FDB0] =	vst v63  }
0x18: {  	_ =	swait.ge [sflag:s11], $0x2710  }
0x19: {  	[sflag:s11] =	ssyncset.done $0x0  }
0x1a: {  	[sflag:s11] =	ssyncadd.s32 $0xFFFFD8F0  }
0x1b: {  	[tilespmem:s13], [sflag:$0x3] =	stream.linear.gather [hbm4b:s7+s3], $0x2710, $0x38;
	[tilespmem:$0x1FDB0] =	vst v63  }
0x1c: {  	_ =	swait.ge [sflag:s11], $0x2710  }
0x1d: {  	[sflag:s11] =	ssyncset.done $0x0  }
0x1e: {  	s24 =	simm.s32 @!p0 $0x3;
	[sflag:s11] =	ssyncadd.s32 $0xFFFFD8F0  }
0x1f: {  	[spmem:s15], [sflag:s14] =	dma.local @!p0 [hbm:s8], $0x3E80  }
0x20: {  	_ =	swait.ge @!p0 [sflag:s24], $0x3E80  }
0x21: {  	[sflag:s24] =	ssyncset.done @!p0 $0x0  }
0x22: {  	[sflag:s24] =	ssyncadd.s32 @!p0 $0xFFFFC180  }
0x23: {  	s25 =	simm.s32 $0x0;
	s24 =	simm.s32 $0x0;
	[bflag:$0x0] =	sbarrier.arrive $0xFFFF  }
0x24: {  	[tilespmem:s17], [sflag:$0x1] =	stream.indirect.gather [hbm4b:s4+s16], $0x80, s3, s16, $0xb8;
	[tilespmem:$0x1FDB0] =	vst v63  }
.LBB2_2:
0x25: {  	s29 =	sadd.s32 $0xFFFFFFF8, s24;
	s31 =	smul.u32 $0xA0, s25  }
0x26: {  	s26 =	sadd.s32 $0xF, s29  }
0x27: {  	v1 =	vmov s26;
	s26 =	sadd.s32 $0x50, s31  }
0x28: {  	[tilespmem:s18], [sflag:$0x2] =	stream.indirect.gather [hbm4b:s4+s16], $0x80, s26, s16, $0xb8;
	[tilespmem:$0x1FDB0] =	vst v63  }
0x29: {  	s28 =	sadd.s32 $0x9, s29;
	_ =	swait.ge [sflag:s19], $0x2800  }
0x2a: {  	v2 =	vmov s28;
	s28 =	sadd.s32 $0xA, s29;
	[sflag:s19] =	ssyncset.done $0x0  }
0x2b: {  	v3 =	vmov s28;
	s28 =	simm.s32 $0x7730;
	[sflag:s19] =	ssyncadd.s32 $0xFFFFD800  }
0x2c: {  	v8 =	vld [tilespmem:s28+$0x1F0]  }
0x2d: {  	v11 =	vld [tilespmem:s28+$0xFFFFFE00]  }
0x2e: {  	s30 =	sadd.s32 $0x8, s29;
	v12 =	vld [tilespmem:s28+$0xFFFFFE10]  }
0x2f: {  	v4 =	vmov s30;
	v13 =	vld [tilespmem:s28+$0xFFFFFE20]  }
0x30: {  	v4 =	vshrl.u32 v4, $0x3;
	v5 =	vld [tilespmem:s28+$0xFFFFFE30]  }
0x31: {  	v2 =	vshrl.u32 v2, $0x3;
	v4 =	vshll.u32 v4, v0;
	v6 =	vld [tilespmem:s28+$0xFFFFFE40]  }
0x32: {  	v1 =	vshrl.u32 v1, $0x3;
	v2 =	vshll.u32 v2, v0;
	v4 =	vbroadcast v4, $0x0;
	v9 =	vld [tilespmem:s28+$0xFFFFFE50]  }
0x33: {  	v1 =	vshll.u32 v1, v0;
	v2 =	vadd.s32 $0x1, v2;
	v7 =	vld [tilespmem:s28+$0xFFFFFE60]  }
0x34: {  	v1 =	vadd.s32 $0x7, v1;
	v2 =	vbroadcast v2, $0x0;
	v10 =	vld [tilespmem:s28+$0xFFFFFE80]  }
0x35: {  	v1 =	vbroadcast v1, $0x0;
	v14 =	vld [tilespmem:s28+$0xFFFFFE90]  }
0x36: {  	v15 =	vld [tilespmem:s28+$0xFFFFFEA0]  }
0x37: {  	v16 =	vld [tilespmem:s28+$0xFFFFFEB0]  }
0x38: {  	v4 =	vld.idx.msk [tilespmem:v4+s13+$0x0], $0xffff  }
0x39: {  	v3 =	vshrl.u32 v3, $0x3;
	v17 =	vld [tilespmem:s28+$0xFFFFFEC0]  }
0x3a: {  	v3 =	vshll.u32 v3, v0;
	v2 =	vld.idx.msk [tilespmem:v2+s13+$0x0], $0xffff  }
0x3b: {  	v3 =	vadd.s32 $0x2, v3;
	v1 =	vld.idx.msk [tilespmem:v1+s13+$0x0], $0xffff  }
0x3c: {  	v3 =	vbroadcast v3, $0x0;
	v19 =	vld [tilespmem:s28+$0xFFFFFED0]  }
0x3d: {  	v20 =	vld [tilespmem:s28+$0xFFFFFEE0];
	v11 =	vmul.f32 v11, v4  }
0x3e: {  	v53 =	vld [tilespmem:s28+$0xFFFFFEF0];
	v13 =	vmul.f32 v13, v4  }
0x3f: {  	v54 =	vld [tilespmem:s28+$0xFFFFFF70];
	v18 =	vmul.f32 v10, v2;
	[tilespmem:s28+$0xFFFFFE00] =	vst v11  }
0x40: {  	s30 =	sadd.s32 $0xB, s29;
	v55 =	vld [tilespmem:s28+$0xFFFFFF80];
	v8 =	vmul.f32 v8, v1;
	[tilespmem:s28+$0xFFFFFE20] =	vst v13  }
0x41: {  	v56 =	vld [tilespmem:s28+$0xFFFFFFD0];
	v10 =	vmov s30;
	v17 =	vmul.f32 v17, v2;
	[tilespmem:s28+$0xFFFFFE80] =	vst v18  }
0x42: {  	v3 =	vld.idx.msk [tilespmem:v3+s13+$0x0], $0xffff;
	v19 =	vmul.f32 v19, v2;
	v21 =	vshrl.u32 v10, $0x3;
	[tilespmem:s28+$0x1F0] =	vst v8  }
0x43: {  	v52 =	vshll.u32 v21, v0;
	v8 =	vmul.f32 v12, v4;
	v12 =	vld [tilespmem:s28+$0xFFFFFF00];
	[tilespmem:s28+$0xFFFFFEC0] =	vst v17  }
0x44: {  	v58 =	vld [tilespmem:s28+$0x40];
	v13 =	vmul.f32 v15, v2;
	[tilespmem:s28+$0xFFFFFED0] =	vst v19;
	v18 =	vadd.s32 $0x3, v52  }
0x45: {  	v11 =	vld [tilespmem:s28+$0xFFFFFF10];
	v18 =	vbroadcast v18, $0x0;
	[tilespmem:s28+$0xFFFFFE10] =	vst v8;
	v8 =	vmul.f32 v14, v2  }
0x46: {  	v17 =	vmul.f32 v20, v2;
	[tilespmem:s28+$0xFFFFFEA0] =	vst v13;
	v14 =	vld [tilespmem:s28+$0xFFFFFF20]  }
0x47: {  	v15 =	vld [tilespmem:s28+$0xFFFFFF30];
	[tilespmem:s28+$0xFFFFFE90] =	vst v8;
	v8 =	vmul.f32 v16, v2  }
0x48: {  	s30 =	sadd.s32 $0xC, s29;
	[tilespmem:s28+$0xFFFFFEE0] =	vst v17;
	v16 =	vld [tilespmem:s28+$0xFFFFFF40];
	v12 =	vmul.f32 v12, v3  }
0x49: {  	v22 =	vmov s30;
	v2 =	vmul.f32 v53, v2;
	[tilespmem:s28+$0xFFFFFEB0] =	vst v8;
	v8 =	vld [tilespmem:s28+$0xFFFFFF60]  }
0x4a: {  	v13 =	vld [tilespmem:s28+$0xFFFFFF50];
	v11 =	vmul.f32 v11, v3;
	[tilespmem:s28+$0xFFFFFF00] =	vst v12;
	v12 =	vshrl.u32 v22, $0x3  }
0x4b: {  	[tilespmem:s28+$0xFFFFFEF0] =	vst v2;
	v2 =	vmul.f32 v14, v3;
	v18 =	vld.idx.msk [tilespmem:v18+s13+$0x0], $0xffff;
	v12 =	vshll.u32 v12, v0  }
0x4c: {  	v17 =	vld [tilespmem:s28+$0xFFFFFF90];
	[tilespmem:s28+$0xFFFFFF10] =	vst v11;
	v11 =	vmul.f32 v15, v3;
	v12 =	vadd.s32 $0x4, v12  }
0x4d: {  	v14 =	vld [tilespmem:s28+$0xFFFFFFA0];
	[tilespmem:s28+$0xFFFFFF20] =	vst v2;
	v2 =	vmul.f32 v16, v3;
	v12 =	vbroadcast v12, $0x0  }
0x4e: {  	v59 =	vld [tilespmem:s28+$0x50];
	[tilespmem:s28+$0xFFFFFF30] =	vst v11;
	v8 =	vmul.f32 v8, v3  }
0x4f: {  	v15 =	vld [tilespmem:s28+$0xFFFFFFB0];
	v13 =	vmul.f32 v13, v3;
	[tilespmem:s28+$0xFFFFFF40] =	vst v2;
	v3 =	vmul.f32 v54, v3  }
0x50: {  	s30 =	sadd.s32 $0xD, s29;
	v2 =	vld [tilespmem:s28+$0xFFFFFFE0];
	v11 =	vmul.f32 v55, v18;
	[tilespmem:s28+$0xFFFFFF60] =	vst v8  }
0x51: {  	v57 =	vmov s30;
	v16 =	vld [tilespmem:s28+$0xFFFFFFC0];
	[tilespmem:s28+$0xFFFFFF70] =	vst v3  }
0x52: {  	v8 =	vmul.f32 v17, v18;
	v3 =	vmul.f32 v14, v18;
	v14 =	vld [tilespmem:s28+$0x10];
	[tilespmem:s28+$0xFFFFFF80] =	vst v11;
	v11 =	vshrl.u32 v57, $0x3  }
0x53: {  	[tilespmem:s28+$0xFFFFFF50] =	vst v13;
	v12 =	vld.idx.msk [tilespmem:v12+s13+$0x0], $0xffff;
	v11 =	vshll.u32 v11, v0  }
0x54: {  	v13 =	vld [tilespmem:s28+$0xFFFFFFF0];
	[tilespmem:s28+$0xFFFFFF90] =	vst v8;
	v8 =	vmul.f32 v15, v18;
	v11 =	vadd.s32 $0x5, v11  }
0x55: {  	v17 =	vld [tilespmem:s28+$0x0];
	[tilespmem:s28+$0xFFFFFFA0] =	vst v3;
	v2 =	vmul.f32 v2, v18;
	v11 =	vbroadcast v11, $0x0  }
0x56: {  	v3 =	vmul.f32 v16, v18;
	v16 =	vld [tilespmem:s28+$0x30];
	[tilespmem:s28+$0xFFFFFFB0] =	vst v8;
	v8 =	vmul.f32 v56, v18  }
0x57: {  	v61 =	vld [tilespmem:s28+$0xB0];
	[tilespmem:s28+$0xFFFFFFE0] =	vst v2  }
0x58: {  	s29 =	sadd.s32 $0xE, s29;
	[tilespmem:s28+$0xFFFFFFD0] =	vst v8;
	v8 =	vld [tilespmem:s28+$0x60];
	v2 =	vmul.f32 v14, v12  }
0x59: {  	v15 =	vld [tilespmem:s28+$0x20];
	[tilespmem:s28+$0xFFFFFFC0] =	vst v3;
	v3 =	vmov s29  }
0x5a: {  	v60 =	vshrl.u32 v3, $0x3;
	v17 =	vmul.f32 v17, v12;
	v14 =	vld [tilespmem:s28+$0x70];
	[tilespmem:s28+$0x10] =	vst v2  }
0x5b: {  	v2 =	vmul.f32 v16, v12;
	v3 =	vld.idx.msk [tilespmem:v11+s13+$0x0], $0xffff;
	v11 =	vmul.f32 v13, v18;
	v13 =	vshll.u32 v60, v0  }
0x5c: {  	v62 =	vld [tilespmem:s28+$0xC0];
	[tilespmem:s28+$0x0] =	vst v17;
	v13 =	vadd.s32 $0x6, v13  }
0x5d: {  	v17 =	vld [tilespmem:s28+$0xA0];
	v8 =	vmul.f32 v8, v12;
	[tilespmem:s28+$0x30] =	vst v2;
	v13 =	vbroadcast v13, $0x0  }
0x5e: {  	v2 =	vmul.f32 v59, v12;
	[tilespmem:s28+$0xFFFFFFF0] =	vst v11;
	v11 =	vmul.f32 v15, v12;
	v15 =	vld [tilespmem:s28+$0x80]  }
0x5f: {  	v16 =	vld [tilespmem:s28+$0x90];
	[tilespmem:s28+$0x60] =	vst v8  }
0x60: {  	v63 =	vld [tilespmem:s28+$0xD0];
	v14 =	vmul.f32 v14, v12;
	[tilespmem:s28+$0x50] =	vst v2  }
0x61: {  	v10 =	vld [tilespmem:s28+$0xFFFFFE70];
	[tilespmem:s28+$0x20] =	vst v11;
	v11 =	vmul.f32 v58, v12  }
0x62: {  	v12 =	vld [tilespmem:s28+$0xE0];
	[tilespmem:s28+$0x70] =	vst v14;
	v14 =	vmul.f32 v17, v3  }
0x63: {  	v5 =	vmul.f32 v5, v4;
	[tilespmem:s28+$0x40] =	vst v11;
	v11 =	vmul.f32 v15, v3;
	v2 =	vld.idx.msk [tilespmem:v13+s13+$0x0], $0xffff  }
0x64: {  	v7 =	vmul.f32 v7, v4;
	v15 =	vmul.f32 v16, v3;
	[tilespmem:s28+$0xA0] =	vst v14;
	v13 =	vld [tilespmem:s28+$0xF0]  }
0x65: {  	v8 =	vmul.f32 v6, v4;
	v16 =	vmul.f32 v61, v3;
	[tilespmem:s28+$0x80] =	vst v11;
	v11 =	vld [tilespmem:s28+$0x100]  }
0x66: {  	v6 =	vmul.f32 v9, v4;
	v9 =	vld [tilespmem:s28+$0x110];
	[tilespmem:s28+$0x90] =	vst v15;
	v15 =	vmul.f32 v62, v3  }
0x67: {  	s30 =	simm.s32 $0x0;
	s29 =	simm.s32 $0x7730;
	v4 =	vmul.f32 v10, v4;
	v10 =	vld [tilespmem:s28+$0x120];
	v14 =	vmul.f32 v63, v3;
	[tilespmem:s28+$0xB0] =	vst v16  }
.LBB2_3:
0x68: {  	s31 =	sadd.s32 s30, s24;
	s30 =	sadd.s32 $0x8, s30;
	[tilespmem:s28+$0xC0] =	vst v15;
	v12 =	vmul.f32 v12, v3;
	v15 =	vld [tilespmem:s28+$0x130]  }
0x69: {  	s1 =	sadd.s32 $0x9, s31;
	s0 =	sadd.s32 $0xF, s31;
	p1 =	slt.u32 s30, $0x48;
	[tilespmem:s28+$0xD0] =	vst v14;
	v3 =	vmul.f32 v13, v3;
	v13 =	vld [tilespmem:s28+$0x140]  }
0x6a: {  	s12 =	sadd.s32 $0xB, s31;
	s21 =	sadd.s32 $0xC, s31;
	v14 =	vmov s1;
	s1 =	sadd.s32 $0xA, s31;
	v16 =	vmov s0;
	[tilespmem:s28+$0xE0] =	vst v12;
	v11 =	vmul.f32 v11, v2;
	v12 =	vld [tilespmem:s28+$0x150]  }
0x6b: {  	s0 =	sadd.s32 $0x8, s31;
	v18 =	vmov s12;
	s12 =	sadd.s32 $0xE, s31;
	v17 =	vmov s1;
	s1 =	sadd.s32 $0xD, s31;
	v16 =	vshrl.u32 v16, $0x3;
	[tilespmem:s28+$0xF0] =	vst v3;
	v3 =	vld [tilespmem:s28+$0x160]  }
0x6c: {  	v19 =	vmov s21;
	v20 =	vmov s1;
	v16 =	vshll.u32 v16, v0;
	[tilespmem:s28+$0x100] =	vst v11;
	v11 =	vld [tilespmem:s28+$0x170]  }
0x6d: {  	v14 =	vshrl.u32 v14, $0x3;
	v21 =	vmov s12;
	v16 =	vadd.s32 $0x7, v16;
	[tilespmem:s28+$0xFFFFFE30] =	vst v5;
	v5 =	vld [tilespmem:s28+$0x180]  }
0x6e: {  	v18 =	vshrl.u32 v18, $0x3;
	v17 =	vshrl.u32 v17, $0x3;
	v16 =	vbroadcast v16, $0x0;
	[tilespmem:s28+$0xFFFFFE40] =	vst v8;
	v8 =	vld [tilespmem:s28+$0x190]  }
0x6f: {  	v19 =	vshrl.u32 v19, $0x3;
	v21 =	vshrl.u32 v21, $0x3;
	v20 =	vshrl.u32 v20, $0x3;
	[tilespmem:s28+$0xFFFFFE50] =	vst v6;
	v6 =	vld [tilespmem:s28+$0x1A0]  }
0x70: {  	v22 =	vmov s0;
	v14 =	vshll.u32 v14, v0;
	v17 =	vshll.u32 v17, v0;
	[tilespmem:s28+$0xFFFFFE60] =	vst v7;
	v7 =	vld [tilespmem:s28+$0x1B0]  }
0x71: {  	v18 =	vshll.u32 v18, v0;
	v19 =	vshll.u32 v19, v0;
	v20 =	vshll.u32 v20, v0;
	[tilespmem:s28+$0xFFFFFE70] =	vst v4;
	v4 =	vld [tilespmem:s28+$0x1C0]  }
0x72: {  	v22 =	vshrl.u32 v22, $0x3;
	v14 =	vadd.s32 $0x1, v14;
	v21 =	vshll.u32 v21, v0;
	v23 =	vld [tilespmem:s28+$0x1D0]  }
0x73: {  	v18 =	vadd.s32 $0x3, v18;
	v19 =	vadd.s32 $0x4, v19;
	v17 =	vadd.s32 $0x2, v17;
	v24 =	vld [tilespmem:s28+$0x1E0]  }
0x74: {  	v22 =	vshll.u32 v22, v0;
	v21 =	vadd.s32 $0x6, v21;
	v20 =	vadd.s32 $0x5, v20;
	s28 =	sadd.s32 $0x400, s28;
	v16 =	vld.idx.msk [tilespmem:v16+s13+$0x0], $0xffff  }
0x75: {  	v14 =	vbroadcast v14, $0x0;
	v17 =	vbroadcast v17, $0x0;
	v25 =	vld [tilespmem:s28+$0x1F0]  }
0x76: {  	v18 =	vbroadcast v18, $0x0;
	v19 =	vbroadcast v19, $0x0;
	v26 =	vld [tilespmem:s28+$0xFFFFFE00]  }
0x77: {  	v21 =	vbroadcast v21, $0x0;
	v20 =	vbroadcast v20, $0x0;
	v27 =	vld [tilespmem:s28+$0xFFFFFE10]  }
0x78: {  	v9 =	vmul.f32 v9, v2;
	v22 =	vbroadcast v22, $0x0;
	v28 =	vld [tilespmem:s28+$0xFFFFFE20]  }
0x79: {  	v10 =	vmul.f32 v10, v2;
	v15 =	vmul.f32 v15, v2;
	v29 =	vld [tilespmem:s28+$0xFFFFFE30]  }
0x7a: {  	v13 =	vmul.f32 v13, v2;
	v30 =	vld [tilespmem:s28+$0xFFFFFE40];
	v25 =	vmul.f32 v25, v16;
	[tilespmem:s29+$0x110] =	vst v9  }
0x7b: {  	v12 =	vmul.f32 v12, v2;
	v31 =	vmul.f32 v3, v2;
	v14 =	vld.idx.msk [tilespmem:v14+s13+$0x0], $0xffff;
	[tilespmem:s29+$0x120] =	vst v10  }
0x7c: {  	v11 =	vmul.f32 v11, v2;
	v5 =	vmul.f32 v5, v1;
	v17 =	vld.idx.msk [tilespmem:v17+s13+$0x0], $0xffff;
	[tilespmem:s28+$0x1F0] =	vst v25  }
0x7d: {  	v8 =	vmul.f32 v8, v1;
	v6 =	vmul.f32 v6, v1;
	v10 =	vld.idx.msk [tilespmem:v18+s13+$0x0], $0xffff;
	[tilespmem:s29+$0x130] =	vst v15  }
0x7e: {  	v7 =	vmul.f32 v7, v1;
	v4 =	vmul.f32 v4, v1;
	v9 =	vld.idx.msk [tilespmem:v19+s13+$0x0], $0xffff;
	[tilespmem:s29+$0x140] =	vst v13  }
0x7f: {  	v13 =	vmul.f32 v24, v1;
	v3 =	vld.idx.msk [tilespmem:v20+s13+$0x0], $0xffff;
	[tilespmem:s29+$0x150] =	vst v12;
	v12 =	vmul.f32 v23, v1;
	v1 =	vmov v16  }
0x80: {  	v2 =	vld.idx.msk [tilespmem:v21+s13+$0x0], $0xffff;
	[tilespmem:s29+$0x160] =	vst v31  }
0x81: {  	v15 =	vld.idx.msk [tilespmem:v22+s13+$0x0], $0xffff;
	[tilespmem:s29+$0x170] =	vst v11  }
0x82: {  	v11 =	vld [tilespmem:s28+$0xFFFFFE50];
	[tilespmem:s29+$0x180] =	vst v5  }
0x83: {  	v16 =	vld [tilespmem:s28+$0xFFFFFE60];
	[tilespmem:s29+$0x190] =	vst v8  }
0x84: {  	v18 =	vld [tilespmem:s28+$0xFFFFFE70];
	[tilespmem:s29+$0x1A0] =	vst v6  }
0x85: {  	v19 =	vld [tilespmem:s28+$0xFFFFFE80];
	[tilespmem:s29+$0x1B0] =	vst v7  }
0x86: {  	v20 =	vld [tilespmem:s28+$0xFFFFFE90];
	[tilespmem:s29+$0x1C0] =	vst v4  }
0x87: {  	v4 =	vmul.f32 v26, v15;
	v7 =	vmul.f32 v27, v15;
	v21 =	vld [tilespmem:s28+$0xFFFFFEA0];
	[tilespmem:s29+$0x1D0] =	vst v12  }
0x88: {  	v5 =	vmul.f32 v29, v15;
	v12 =	vmul.f32 v28, v15;
	v22 =	vld [tilespmem:s28+$0xFFFFFEB0];
	[tilespmem:s29+$0x1E0] =	vst v13;
	s29 =	smov.u32 s28  }
0x89: {  	v8 =	vmul.f32 v30, v15;
	v6 =	vmul.f32 v11, v15;
	[tilespmem:s28+$0xFFFFFE00] =	vst v4;
	v11 =	vld [tilespmem:s28+$0xFFFFFEC0]  }
0x8a: {  	[tilespmem:s28+$0xFFFFFE10] =	vst v7;
	v7 =	vmul.f32 v16, v15;
	v13 =	vmul.f32 v19, v14;
	v16 =	vld [tilespmem:s28+$0xFFFFFED0]  }
0x8b: {  	v4 =	vmul.f32 v18, v15;
	[tilespmem:s28+$0xFFFFFE20] =	vst v12;
	v12 =	vmul.f32 v20, v14;
	v15 =	vld [tilespmem:s28+$0xFFFFFEE0]  }
0x8c: {  	[tilespmem:s28+$0xFFFFFE80] =	vst v13;
	v13 =	vmul.f32 v21, v14;
	v18 =	vld [tilespmem:s28+$0xFFFFFEF0]  }
0x8d: {  	[tilespmem:s28+$0xFFFFFE90] =	vst v12;
	v12 =	vmul.f32 v22, v14;
	v19 =	vld [tilespmem:s28+$0xFFFFFF00]  }
0x8e: {  	[tilespmem:s28+$0xFFFFFEA0] =	vst v13;
	v11 =	vmul.f32 v11, v14;
	v13 =	vld [tilespmem:s28+$0xFFFFFF10]  }
0x8f: {  	[tilespmem:s28+$0xFFFFFEB0] =	vst v12;
	v12 =	vmul.f32 v16, v14;
	v16 =	vld [tilespmem:s28+$0xFFFFFF20]  }
0x90: {  	[tilespmem:s28+$0xFFFFFEC0] =	vst v11;
	v11 =	vmul.f32 v15, v14;
	v15 =	vld [tilespmem:s28+$0xFFFFFF30]  }
0x91: {  	[tilespmem:s28+$0xFFFFFED0] =	vst v12;
	v12 =	vmul.f32 v18, v14;
	v14 =	vld [tilespmem:s28+$0xFFFFFF40]  }
0x92: {  	[tilespmem:s28+$0xFFFFFEE0] =	vst v11;
	v11 =	vmul.f32 v19, v17;
	v18 =	vld [tilespmem:s28+$0xFFFFFF50]  }
0x93: {  	[tilespmem:s28+$0xFFFFFEF0] =	vst v12;
	v12 =	vmul.f32 v13, v17;
	v13 =	vld [tilespmem:s28+$0xFFFFFF60]  }
0x94: {  	[tilespmem:s28+$0xFFFFFF00] =	vst v11;
	v11 =	vmul.f32 v16, v17;
	v16 =	vld [tilespmem:s28+$0xFFFFFF70]  }
0x95: {  	[tilespmem:s28+$0xFFFFFF10] =	vst v12;
	v12 =	vmul.f32 v15, v17;
	v15 =	vld [tilespmem:s28+$0xFFFFFF80]  }
0x96: {  	[tilespmem:s28+$0xFFFFFF20] =	vst v11;
	v11 =	vmul.f32 v14, v17;
	v14 =	vld [tilespmem:s28+$0xFFFFFF90]  }
0x97: {  	[tilespmem:s28+$0xFFFFFF30] =	vst v12;
	v12 =	vmul.f32 v18, v17;
	v18 =	vld [tilespmem:s28+$0xFFFFFFA0]  }
0x98: {  	[tilespmem:s28+$0xFFFFFF40] =	vst v11;
	v11 =	vmul.f32 v13, v17;
	v13 =	vld [tilespmem:s28+$0xFFFFFFB0]  }
0x99: {  	[tilespmem:s28+$0xFFFFFF50] =	vst v12;
	v12 =	vmul.f32 v16, v17;
	v16 =	vld [tilespmem:s28+$0xFFFFFFC0]  }
0x9a: {  	[tilespmem:s28+$0xFFFFFF60] =	vst v11;
	v11 =	vmul.f32 v15, v10;
	v15 =	vld [tilespmem:s28+$0xFFFFFFD0]  }
0x9b: {  	[tilespmem:s28+$0xFFFFFF70] =	vst v12;
	v12 =	vmul.f32 v14, v10;
	v14 =	vld [tilespmem:s28+$0xFFFFFFE0]  }
0x9c: {  	[tilespmem:s28+$0xFFFFFF80] =	vst v11;
	v11 =	vmul.f32 v18, v10;
	v17 =	vld [tilespmem:s28+$0xFFFFFFF0]  }
0x9d: {  	[tilespmem:s28+$0xFFFFFF90] =	vst v12;
	v12 =	vmul.f32 v13, v10;
	v13 =	vld [tilespmem:s28+$0x0]  }
0x9e: {  	[tilespmem:s28+$0xFFFFFFA0] =	vst v11;
	v11 =	vmul.f32 v16, v10;
	v16 =	vld [tilespmem:s28+$0x10]  }
0x9f: {  	[tilespmem:s28+$0xFFFFFFB0] =	vst v12;
	v12 =	vmul.f32 v15, v10;
	v15 =	vld [tilespmem:s28+$0x20]  }
0xa0: {  	[tilespmem:s28+$0xFFFFFFC0] =	vst v11;
	v11 =	vmul.f32 v14, v10;
	v14 =	vld [tilespmem:s28+$0x30]  }
0xa1: {  	[tilespmem:s28+$0xFFFFFFD0] =	vst v12;
	v10 =	vmul.f32 v17, v10;
	v12 =	vld [tilespmem:s28+$0x40]  }
0xa2: {  	[tilespmem:s28+$0xFFFFFFE0] =	vst v11;
	v11 =	vmul.f32 v13, v9;
	v13 =	vld [tilespmem:s28+$0x50]  }
0xa3: {  	[tilespmem:s28+$0xFFFFFFF0] =	vst v10;
	v10 =	vmul.f32 v16, v9;
	v16 =	vld [tilespmem:s28+$0x60]  }
0xa4: {  	[tilespmem:s28+$0x0] =	vst v11;
	v11 =	vmul.f32 v15, v9;
	v15 =	vld [tilespmem:s28+$0x70]  }
0xa5: {  	[tilespmem:s28+$0x10] =	vst v10;
	v10 =	vmul.f32 v14, v9;
	v14 =	vld [tilespmem:s28+$0x80]  }
0xa6: {  	[tilespmem:s28+$0x20] =	vst v11;
	v11 =	vmul.f32 v12, v9;
	v12 =	vld [tilespmem:s28+$0x90]  }
0xa7: {  	[tilespmem:s28+$0x30] =	vst v10;
	v10 =	vmul.f32 v13, v9;
	v13 =	vld [tilespmem:s28+$0xA0]  }
0xa8: {  	[tilespmem:s28+$0x40] =	vst v11;
	v11 =	vmul.f32 v16, v9;
	v16 =	vld [tilespmem:s28+$0xB0]  }
0xa9: {  	[tilespmem:s28+$0x50] =	vst v10;
	v9 =	vmul.f32 v15, v9;
	v10 =	vld [tilespmem:s28+$0xC0]  }
0xaa: {  	[tilespmem:s28+$0x60] =	vst v11;
	v11 =	vmul.f32 v14, v3;
	v14 =	vld [tilespmem:s28+$0xD0]  }
.Ltmp0:
0xab: {  	[tilespmem:s28+$0x70] =	vst v9;
	v9 =	vmul.f32 v12, v3;
	v12 =	vld [tilespmem:s28+$0xE0];
	(pc) =	sbr.rel @p1 .LBB2_3-.Ltmp0, $4  }
0xac: {  	[tilespmem:s28+$0x80] =	vst v11;
	v15 =	vmul.f32 v13, v3;
	v13 =	vld [tilespmem:s28+$0xF0]  }
0xad: {  	[tilespmem:s28+$0x90] =	vst v9;
	v16 =	vmul.f32 v16, v3;
	v11 =	vld [tilespmem:s28+$0x100]  }
0xae: {  	[tilespmem:s28+$0xA0] =	vst v15;
	v15 =	vmul.f32 v10, v3;
	v9 =	vld [tilespmem:s28+$0x110]  }
0xaf: {  	[tilespmem:s28+$0xB0] =	vst v16;
	v14 =	vmul.f32 v14, v3;
	v10 =	vld [tilespmem:s28+$0x120]  }
0xb0: {  	[tilespmem:s28+$0xC0] =	vst v15  }
0xb1: {  	[tilespmem:s28+$0xFFFFFE30] =	vst v5  }
0xb2: {  	[tilespmem:s28+$0xFFFFFE40] =	vst v8  }
0xb3: {  	[tilespmem:s28+$0xFFFFFE50] =	vst v6  }
0xb4: {  	[tilespmem:s28+$0xFFFFFE60] =	vst v7  }
0xb5: {  	v12 =	vmul.f32 v12, v3;
	v15 =	vld [tilespmem:s28+$0x130];
	[tilespmem:s28+$0xFFFFFE70] =	vst v4  }
0xb6: {  	[tilespmem:s28+$0xD0] =	vst v14;
	v3 =	vmul.f32 v13, v3;
	v13 =	vld [tilespmem:s28+$0x140]  }
0xb7: {  	[tilespmem:s28+$0xE0] =	vst v12;
	v11 =	vmul.f32 v11, v2;
	v12 =	vld [tilespmem:s28+$0x150]  }
0xb8: {  	[tilespmem:s28+$0xF0] =	vst v3;
	v3 =	vld [tilespmem:s28+$0x160];
	v5 =	vmul.f32 v9, v2  }
0xb9: {  	v6 =	vld [tilespmem:s28+$0x170];
	[tilespmem:s28+$0x100] =	vst v11;
	v4 =	vmul.f32 v10, v2  }
0xba: {  	v7 =	vld [tilespmem:s28+$0x180];
	v8 =	vmul.f32 v15, v2;
	[tilespmem:s29+$0x110] =	vst v5  }
0xbb: {  	v5 =	vld [tilespmem:s28+$0x190];
	v9 =	vmul.f32 v13, v2;
	[tilespmem:s29+$0x120] =	vst v4  }
0xbc: {  	v4 =	vld [tilespmem:s28+$0x1A0];
	v10 =	vmul.f32 v12, v2;
	[tilespmem:s29+$0x130] =	vst v8  }
0xbd: {  	v8 =	vld [tilespmem:s28+$0x1B0];
	v3 =	vmul.f32 v3, v2;
	[tilespmem:s29+$0x140] =	vst v9  }
0xbe: {  	v9 =	vld [tilespmem:s28+$0x1C0];
	v2 =	vmul.f32 v6, v2;
	[tilespmem:s29+$0x150] =	vst v10  }
0xbf: {  	v7 =	vmul.f32 v7, v1;
	v6 =	vld [tilespmem:s28+$0x1D0];
	[tilespmem:s29+$0x160] =	vst v3  }
0xc0: {  	v3 =	vld [tilespmem:s28+$0x1E0];
	v5 =	vmul.f32 v5, v1;
	[tilespmem:s29+$0x170] =	vst v2  }
0xc1: {  	[tilespmem:s29+$0x180] =	vst v7;
	v2 =	vmul.f32 v4, v1  }
0xc2: {  	v4 =	vmul.f32 v8, v1;
	[tilespmem:s29+$0x190] =	vst v5  }
0xc3: {  	v5 =	vmul.f32 v9, v1;
	[tilespmem:s29+$0x1A0] =	vst v2  }
0xc4: {  	s0 =	smul.u32 $0x280, s25;
	v2 =	vmul.f32 v6, v1;
	[tilespmem:s29+$0x1B0] =	vst v4  }
0xc5: {  	v1 =	vmul.f32 v3, v1;
	[tilespmem:s29+$0x1C0] =	vst v5  }
0xc6: {  	s0 =	sshra.s32 s0, $0x2;
	[tilespmem:s29+$0x1D0] =	vst v2  }
0xc7: {  	s12 =	sadd.s32 $0x2710, s0;
	[tilespmem:s29+$0x1E0] =	vst v1  }
0xc8: {  	[spmem:s2] =	stream.indirect.scatter.add.f32 [tilespmem:s17], [sflag:$0x3], $0x80, s12, s16, $0xb8;
	[tilespmem:$0x1FDB0] =	vst v63  }
0xc9: {  	_ =	swait.ge [sflag:s11], $0x2800  }
0xca: {  	s30 =	sadd.s32 $0xFFFFFFF8, s24;
	[sflag:s11] =	ssyncset.done $0x0  }
0xcb: {  	s21 =	sadd.s32 $0x5A, s30;
	s0 =	sadd.s32 $0xA0, s0;
	[sflag:s11] =	ssyncadd.s32 $0xFFFFD800  }
0xcc: {  	v3 =	vmov s21;
	[tilespmem:s17], [sflag:$0x1] =	stream.indirect.gather [hbm4b:s4+s16], $0x80, s0, s16, $0xb8;
	[tilespmem:$0x1FDB0] =	vst v63  }
0xcd: {  	s31 =	sadd.s32 $0x58, s30;
	v3 =	vshrl.u32 v3, $0x3;
	_ =	swait.ge [sflag:s20], $0x2800  }
0xce: {  	v4 =	vmov s31;
	v3 =	vshll.u32 v3, v0;
	[sflag:s20] =	ssyncset.done $0x0  }
0xcf: {  	s28 =	simm.s32 $0x9F30;
	v4 =	vshrl.u32 v4, $0x3;
	v3 =	vadd.s32 $0x2, v3;
	[sflag:s20] =	ssyncadd.s32 $0xFFFFD800  }
0xd0: {  	v4 =	vshll.u32 v4, v0;
	v3 =	vbroadcast v3, $0x0;
	v8 =	vld [tilespmem:s28+$0x1F0]  }
0xd1: {  	v4 =	vbroadcast v4, $0x0;
	v11 =	vld [tilespmem:s28+$0xFFFFFE00]  }
0xd2: {  	v12 =	vld [tilespmem:s28+$0xFFFFFE10]  }
0xd3: {  	s1 =	sadd.s32 $0x5F, s30;
	v13 =	vld [tilespmem:s28+$0xFFFFFE20]  }
0xd4: {  	v1 =	vmov s1;
	s12 =	sadd.s32 $0x59, s30;
	v5 =	vld [tilespmem:s28+$0xFFFFFE30]  }
0xd5: {  	v1 =	vshrl.u32 v1, $0x3;
	v2 =	vmov s12;
	v6 =	vld [tilespmem:s28+$0xFFFFFE40]  }
0xd6: {  	v1 =	vshll.u32 v1, v0;
	v2 =	vshrl.u32 v2, $0x3;
	v3 =	vld.idx.msk [tilespmem:v3+s13+$0x0], $0xffff  }
0xd7: {  	v1 =	vadd.s32 $0x7, v1;
	v2 =	vshll.u32 v2, v0;
	v4 =	vld.idx.msk [tilespmem:v4+s13+$0x0], $0xffff  }
0xd8: {  	v1 =	vbroadcast v1, $0x0;
	v2 =	vadd.s32 $0x1, v2;
	v9 =	vld [tilespmem:s28+$0xFFFFFE50]  }
0xd9: {  	v2 =	vbroadcast v2, $0x0;
	v7 =	vld [tilespmem:s28+$0xFFFFFE60]  }
0xda: {  	v10 =	vld [tilespmem:s28+$0xFFFFFE80]  }
0xdb: {  	v14 =	vld [tilespmem:s28+$0xFFFFFE90]  }
0xdc: {  	v15 =	vld [tilespmem:s28+$0xFFFFFEA0]  }
0xdd: {  	v16 =	vld [tilespmem:s28+$0xFFFFFEB0]  }
0xde: {  	v1 =	vld.idx.msk [tilespmem:v1+s13+$0x0], $0xffff  }
0xdf: {  	v2 =	vld.idx.msk [tilespmem:v2+s13+$0x0], $0xffff  }
0xe0: {  	v17 =	vld [tilespmem:s28+$0xFFFFFEC0]  }
0xe1: {  	v19 =	vld [tilespmem:s28+$0xFFFFFED0];
	v11 =	vmul.f32 v11, v4  }
0xe2: {  	v20 =	vld [tilespmem:s28+$0xFFFFFEE0];
	v13 =	vmul.f32 v13, v4  }
0xe3: {  	v53 =	vld [tilespmem:s28+$0xFFFFFEF0];
	v8 =	vmul.f32 v8, v1;
	[tilespmem:s28+$0xFFFFFE00] =	vst v11  }
0xe4: {  	s1 =	sadd.s32 $0x5B, s30;
	v54 =	vld [tilespmem:s28+$0xFFFFFF70];
	[tilespmem:s28+$0xFFFFFE20] =	vst v13;
	v18 =	vmul.f32 v10, v2  }
0xe5: {  	v55 =	vld [tilespmem:s28+$0xFFFFFF80];
	v10 =	vmov s1;
	[tilespmem:s28+$0x1F0] =	vst v8;
	v8 =	vmul.f32 v12, v4  }
0xe6: {  	v56 =	vld [tilespmem:s28+$0xFFFFFFD0];
	v13 =	vmul.f32 v15, v2;
	v21 =	vshrl.u32 v10, $0x3;
	[tilespmem:s28+$0xFFFFFE80] =	vst v18  }
0xe7: {  	v12 =	vld [tilespmem:s28+$0xFFFFFF00];
	v17 =	vmul.f32 v17, v2;
	v52 =	vshll.u32 v21, v0;
	[tilespmem:s28+$0xFFFFFE10] =	vst v8  }
0xe8: {  	v58 =	vld [tilespmem:s28+$0x40];
	v19 =	vmul.f32 v19, v2;
	[tilespmem:s28+$0xFFFFFEA0] =	vst v13;
	v18 =	vadd.s32 $0x3, v52  }
0xe9: {  	v11 =	vld [tilespmem:s28+$0xFFFFFF10];
	v8 =	vmul.f32 v14, v2;
	[tilespmem:s28+$0xFFFFFEC0] =	vst v17;
	v18 =	vbroadcast v18, $0x0  }
0xea: {  	v14 =	vld [tilespmem:s28+$0xFFFFFF20];
	v17 =	vmul.f32 v20, v2;
	[tilespmem:s28+$0xFFFFFED0] =	vst v19  }
0xeb: {  	v15 =	vld [tilespmem:s28+$0xFFFFFF30];
	[tilespmem:s28+$0xFFFFFE90] =	vst v8;
	v8 =	vmul.f32 v16, v2  }
0xec: {  	s12 =	sadd.s32 $0x5C, s30;
	v16 =	vld [tilespmem:s28+$0xFFFFFF40];
	[tilespmem:s28+$0xFFFFFEE0] =	vst v17;
	v12 =	vmul.f32 v12, v3  }
0xed: {  	v22 =	vmov s12;
	v2 =	vmul.f32 v53, v2;
	[tilespmem:s28+$0xFFFFFEB0] =	vst v8;
	v8 =	vld [tilespmem:s28+$0xFFFFFF60]  }
0xee: {  	v13 =	vld [tilespmem:s28+$0xFFFFFF50];
	v11 =	vmul.f32 v11, v3;
	[tilespmem:s28+$0xFFFFFF00] =	vst v12;
	v12 =	vshrl.u32 v22, $0x3  }
0xef: {  	[tilespmem:s28+$0xFFFFFEF0] =	vst v2;
	v2 =	vmul.f32 v14, v3;
	v12 =	vshll.u32 v12, v0;
	v18 =	vld.idx.msk [tilespmem:v18+s13+$0x0], $0xffff  }
0xf0: {  	v17 =	vld [tilespmem:s28+$0xFFFFFF90];
	[tilespmem:s28+$0xFFFFFF10] =	vst v11;
	v11 =	vmul.f32 v15, v3;
	v12 =	vadd.s32 $0x4, v12  }
0xf1: {  	v14 =	vld [tilespmem:s28+$0xFFFFFFA0];
	[tilespmem:s28+$0xFFFFFF20] =	vst v2;
	v2 =	vmul.f32 v16, v3;
	v12 =	vbroadcast v12, $0x0  }
0xf2: {  	v59 =	vld [tilespmem:s28+$0x50];
	[tilespmem:s28+$0xFFFFFF30] =	vst v11;
	v8 =	vmul.f32 v8, v3  }
0xf3: {  	v13 =	vmul.f32 v13, v3;
	[tilespmem:s28+$0xFFFFFF40] =	vst v2;
	v2 =	vld [tilespmem:s28+$0xFFFFFFE0];
	v3 =	vmul.f32 v54, v3  }
0xf4: {  	s21 =	sadd.s32 $0x5D, s30;
	v15 =	vld [tilespmem:s28+$0xFFFFFFB0];
	[tilespmem:s28+$0xFFFFFF60] =	vst v8;
	v11 =	vmul.f32 v55, v18  }
0xf5: {  	v57 =	vmov s21;
	v16 =	vld [tilespmem:s28+$0xFFFFFFC0];
	[tilespmem:s28+$0xFFFFFF70] =	vst v3  }
0xf6: {  	v8 =	vmul.f32 v17, v18;
	v3 =	vmul.f32 v14, v18;
	v14 =	vld [tilespmem:s28+$0x10];
	[tilespmem:s28+$0xFFFFFF80] =	vst v11;
	v11 =	vshrl.u32 v57, $0x3  }
0xf7: {  	[tilespmem:s28+$0xFFFFFF50] =	vst v13;
	v12 =	vld.idx.msk [tilespmem:v12+s13+$0x0], $0xffff;
	v11 =	vshll.u32 v11, v0  }
0xf8: {  	v13 =	vld [tilespmem:s28+$0xFFFFFFF0];
	v2 =	vmul.f32 v2, v18;
	[tilespmem:s28+$0xFFFFFF90] =	vst v8;
	v11 =	vadd.s32 $0x5, v11  }
0xf9: {  	v17 =	vld [tilespmem:s28+$0x0];
	v8 =	vmul.f32 v15, v18;
	[tilespmem:s28+$0xFFFFFFA0] =	vst v3;
	v11 =	vbroadcast v11, $0x0  }
0xfa: {  	v3 =	vmul.f32 v16, v18;
	v16 =	vld [tilespmem:s28+$0x30];
	[tilespmem:s28+$0xFFFFFFE0] =	vst v2  }
0xfb: {  	v61 =	vld [tilespmem:s28+$0xB0];
	[tilespmem:s28+$0xFFFFFFB0] =	vst v8;
	v8 =	vmul.f32 v56, v18  }
0xfc: {  	s31 =	sadd.s32 $0x5E, s30;
	v15 =	vld [tilespmem:s28+$0x20];
	[tilespmem:s28+$0xFFFFFFC0] =	vst v3;
	v2 =	vmul.f32 v14, v12  }
0xfd: {  	v3 =	vmov s31;
	[tilespmem:s28+$0xFFFFFFD0] =	vst v8;
	v8 =	vld [tilespmem:s28+$0x60]  }
0xfe: {  	v60 =	vshrl.u32 v3, $0x3;
	v17 =	vmul.f32 v17, v12;
	v14 =	vld [tilespmem:s28+$0x70];
	[tilespmem:s28+$0x10] =	vst v2  }
0xff: {  	v2 =	vmul.f32 v16, v12;
	v3 =	vld.idx.msk [tilespmem:v11+s13+$0x0], $0xffff;
	v11 =	vmul.f32 v13, v18;
	v13 =	vshll.u32 v60, v0  }
0x100: {  	v62 =	vld [tilespmem:s28+$0xC0];
	[tilespmem:s28+$0x0] =	vst v17;
	v13 =	vadd.s32 $0x6, v13  }
0x101: {  	v17 =	vld [tilespmem:s28+$0xA0];
	[tilespmem:s28+$0x30] =	vst v2;
	v2 =	vmul.f32 v59, v12;
	v13 =	vbroadcast v13, $0x0  }
0x102: {  	v8 =	vmul.f32 v8, v12;
	[tilespmem:s28+$0xFFFFFFF0] =	vst v11;
	v11 =	vmul.f32 v15, v12;
	v15 =	vld [tilespmem:s28+$0x80]  }
0x103: {  	v16 =	vld [tilespmem:s28+$0x90];
	[tilespmem:s28+$0x50] =	vst v2  }
0x104: {  	v63 =	vld [tilespmem:s28+$0xD0];
	v14 =	vmul.f32 v14, v12;
	[tilespmem:s28+$0x60] =	vst v8  }
0x105: {  	v10 =	vld [tilespmem:s28+$0xFFFFFE70];
	[tilespmem:s28+$0x20] =	vst v11;
	v11 =	vmul.f32 v58, v12  }
0x106: {  	[tilespmem:s28+$0x70] =	vst v14;
	v12 =	vld [tilespmem:s28+$0xE0];
	v14 =	vmul.f32 v17, v3  }
0x107: {  	v5 =	vmul.f32 v5, v4;
	[tilespmem:s28+$0x40] =	vst v11;
	v11 =	vmul.f32 v15, v3;
	v2 =	vld.idx.msk [tilespmem:v13+s13+$0x0], $0xffff  }
0x108: {  	v7 =	vmul.f32 v7, v4;
	v15 =	vmul.f32 v16, v3;
	[tilespmem:s28+$0xA0] =	vst v14;
	v13 =	vld [tilespmem:s28+$0xF0]  }
0x109: {  	v8 =	vmul.f32 v6, v4;
	v16 =	vmul.f32 v61, v3;
	[tilespmem:s28+$0x80] =	vst v11;
	v11 =	vld [tilespmem:s28+$0x100]  }
0x10a: {  	v6 =	vmul.f32 v9, v4;
	v9 =	vld [tilespmem:s28+$0x110];
	[tilespmem:s28+$0x90] =	vst v15;
	v15 =	vmul.f32 v62, v3  }
0x10b: {  	s29 =	simm.s32 $0x9F30;
	s30 =	simm.s32 $0x0;
	v4 =	vmul.f32 v10, v4;
	v10 =	vld [tilespmem:s28+$0x120];
	v14 =	vmul.f32 v63, v3;
	[tilespmem:s28+$0xB0] =	vst v16  }
.LBB2_5:
0x10c: {  	s0 =	sadd.s32 s30, s24;
	s30 =	sadd.s32 $0x8, s30;
	[tilespmem:s28+$0xC0] =	vst v15;
	v12 =	vmul.f32 v12, v3;
	v15 =	vld [tilespmem:s28+$0x130]  }
0x10d: {  	s1 =	sadd.s32 $0x59, s0;
	s12 =	sadd.s32 $0x5F, s0;
	p1 =	slt.u32 s30, $0x48;
	[tilespmem:s28+$0xD0] =	vst v14;
	v3 =	vmul.f32 v13, v3;
	v13 =	vld [tilespmem:s28+$0x140]  }
0x10e: {  	s21 =	sadd.s32 $0x5B, s0;
	s31 =	sadd.s32 $0x5C, s0;
	v14 =	vmov s1;
	s1 =	sadd.s32 $0x5A, s0;
	v16 =	vmov s12;
	[tilespmem:s28+$0xE0] =	vst v12;
	v11 =	vmul.f32 v11, v2;
	v12 =	vld [tilespmem:s28+$0x150]  }
0x10f: {  	s12 =	sadd.s32 $0x58, s0;
	v18 =	vmov s21;
	v17 =	vmov s1;
	s1 =	sadd.s32 $0x5D, s0;
	s0 =	sadd.s32 $0x5E, s0;
	v16 =	vshrl.u32 v16, $0x3;
	[tilespmem:s28+$0xF0] =	vst v3;
	v3 =	vld [tilespmem:s28+$0x160]  }
0x110: {  	v19 =	vmov s31;
	v20 =	vmov s1;
	v16 =	vshll.u32 v16, v0;
	[tilespmem:s28+$0x100] =	vst v11;
	v11 =	vld [tilespmem:s28+$0x170]  }
0x111: {  	v14 =	vshrl.u32 v14, $0x3;
	v21 =	vmov s0;
	v16 =	vadd.s32 $0x7, v16;
	[tilespmem:s28+$0xFFFFFE30] =	vst v5;
	v5 =	vld [tilespmem:s28+$0x180]  }
0x112: {  	v18 =	vshrl.u32 v18, $0x3;
	v17 =	vshrl.u32 v17, $0x3;
	v16 =	vbroadcast v16, $0x0;
	[tilespmem:s28+$0xFFFFFE40] =	vst v8;
	v8 =	vld [tilespmem:s28+$0x190]  }
0x113: {  	v19 =	vshrl.u32 v19, $0x3;
	v20 =	vshrl.u32 v20, $0x3;
	v21 =	vshrl.u32 v21, $0x3;
	[tilespmem:s28+$0xFFFFFE50] =	vst v6;
	v6 =	vld [tilespmem:s28+$0x1A0]  }
0x114: {  	v22 =	vmov s12;
	v14 =	vshll.u32 v14, v0;
	v17 =	vshll.u32 v17, v0;
	[tilespmem:s28+$0xFFFFFE60] =	vst v7;
	v7 =	vld [tilespmem:s28+$0x1B0]  }
0x115: {  	v18 =	vshll.u32 v18, v0;
	v19 =	vshll.u32 v19, v0;
	v20 =	vshll.u32 v20, v0;
	[tilespmem:s28+$0xFFFFFE70] =	vst v4;
	v4 =	vld [tilespmem:s28+$0x1C0]  }
0x116: {  	v22 =	vshrl.u32 v22, $0x3;
	v14 =	vadd.s32 $0x1, v14;
	v21 =	vshll.u32 v21, v0;
	v23 =	vld [tilespmem:s28+$0x1D0]  }
0x117: {  	v18 =	vadd.s32 $0x3, v18;
	v19 =	vadd.s32 $0x4, v19;
	v17 =	vadd.s32 $0x2, v17;
	v24 =	vld [tilespmem:s28+$0x1E0]  }
0x118: {  	v22 =	vshll.u32 v22, v0;
	v20 =	vadd.s32 $0x5, v20;
	v21 =	vadd.s32 $0x6, v21;
	s28 =	sadd.s32 $0x400, s28;
	v16 =	vld.idx.msk [tilespmem:v16+s13+$0x0], $0xffff  }
0x119: {  	v14 =	vbroadcast v14, $0x0;
	v17 =	vbroadcast v17, $0x0;
	v25 =	vld [tilespmem:s28+$0x1F0]  }
0x11a: {  	v18 =	vbroadcast v18, $0x0;
	v19 =	vbroadcast v19, $0x0;
	v26 =	vld [tilespmem:s28+$0xFFFFFE00]  }
0x11b: {  	v20 =	vbroadcast v20, $0x0;
	v21 =	vbroadcast v21, $0x0;
	v27 =	vld [tilespmem:s28+$0xFFFFFE10]  }
0x11c: {  	v9 =	vmul.f32 v9, v2;
	v22 =	vbroadcast v22, $0x0;
	v28 =	vld [tilespmem:s28+$0xFFFFFE20]  }
0x11d: {  	v10 =	vmul.f32 v10, v2;
	v15 =	vmul.f32 v15, v2;
	v29 =	vld [tilespmem:s28+$0xFFFFFE30]  }
0x11e: {  	v13 =	vmul.f32 v13, v2;
	v30 =	vld [tilespmem:s28+$0xFFFFFE40];
	v25 =	vmul.f32 v25, v16;
	[tilespmem:s29+$0x110] =	vst v9  }
0x11f: {  	v12 =	vmul.f32 v12, v2;
	v31 =	vmul.f32 v3, v2;
	v14 =	vld.idx.msk [tilespmem:v14+s13+$0x0], $0xffff;
	[tilespmem:s29+$0x120] =	vst v10  }
0x120: {  	v11 =	vmul.f32 v11, v2;
	v5 =	vmul.f32 v5, v1;
	v17 =	vld.idx.msk [tilespmem:v17+s13+$0x0], $0xffff;
	[tilespmem:s28+$0x1F0] =	vst v25  }
0x121: {  	v8 =	vmul.f32 v8, v1;
	v6 =	vmul.f32 v6, v1;
	v10 =	vld.idx.msk [tilespmem:v18+s13+$0x0], $0xffff;
	[tilespmem:s29+$0x130] =	vst v15  }
0x122: {  	v7 =	vmul.f32 v7, v1;
	v4 =	vmul.f32 v4, v1;
	v9 =	vld.idx.msk [tilespmem:v19+s13+$0x0], $0xffff;
	[tilespmem:s29+$0x140] =	vst v13  }
0x123: {  	v13 =	vmul.f32 v24, v1;
	v3 =	vld.idx.msk [tilespmem:v20+s13+$0x0], $0xffff;
	[tilespmem:s29+$0x150] =	vst v12;
	v12 =	vmul.f32 v23, v1;
	v1 =	vmov v16  }
0x124: {  	v2 =	vld.idx.msk [tilespmem:v21+s13+$0x0], $0xffff;
	[tilespmem:s29+$0x160] =	vst v31  }
0x125: {  	v15 =	vld.idx.msk [tilespmem:v22+s13+$0x0], $0xffff;
	[tilespmem:s29+$0x170] =	vst v11  }
0x126: {  	v11 =	vld [tilespmem:s28+$0xFFFFFE50];
	[tilespmem:s29+$0x180] =	vst v5  }
0x127: {  	v16 =	vld [tilespmem:s28+$0xFFFFFE60];
	[tilespmem:s29+$0x190] =	vst v8  }
0x128: {  	v18 =	vld [tilespmem:s28+$0xFFFFFE70];
	[tilespmem:s29+$0x1A0] =	vst v6  }
0x129: {  	v19 =	vld [tilespmem:s28+$0xFFFFFE80];
	[tilespmem:s29+$0x1B0] =	vst v7  }
0x12a: {  	v20 =	vld [tilespmem:s28+$0xFFFFFE90];
	[tilespmem:s29+$0x1C0] =	vst v4  }
0x12b: {  	v4 =	vmul.f32 v26, v15;
	v7 =	vmul.f32 v27, v15;
	v21 =	vld [tilespmem:s28+$0xFFFFFEA0];
	[tilespmem:s29+$0x1D0] =	vst v12  }
0x12c: {  	v5 =	vmul.f32 v29, v15;
	v12 =	vmul.f32 v28, v15;
	v22 =	vld [tilespmem:s28+$0xFFFFFEB0];
	[tilespmem:s29+$0x1E0] =	vst v13;
	s29 =	smov.u32 s28  }
0x12d: {  	v8 =	vmul.f32 v30, v15;
	v6 =	vmul.f32 v11, v15;
	[tilespmem:s28+$0xFFFFFE00] =	vst v4;
	v11 =	vld [tilespmem:s28+$0xFFFFFEC0]  }
0x12e: {  	[tilespmem:s28+$0xFFFFFE10] =	vst v7;
	v7 =	vmul.f32 v16, v15;
	v13 =	vmul.f32 v19, v14;
	v16 =	vld [tilespmem:s28+$0xFFFFFED0]  }
0x12f: {  	v4 =	vmul.f32 v18, v15;
	[tilespmem:s28+$0xFFFFFE20] =	vst v12;
	v12 =	vmul.f32 v20, v14;
	v15 =	vld [tilespmem:s28+$0xFFFFFEE0]  }
0x130: {  	[tilespmem:s28+$0xFFFFFE80] =	vst v13;
	v13 =	vmul.f32 v21, v14;
	v18 =	vld [tilespmem:s28+$0xFFFFFEF0]  }
0x131: {  	[tilespmem:s28+$0xFFFFFE90] =	vst v12;
	v12 =	vmul.f32 v22, v14;
	v19 =	vld [tilespmem:s28+$0xFFFFFF00]  }
0x132: {  	[tilespmem:s28+$0xFFFFFEA0] =	vst v13;
	v11 =	vmul.f32 v11, v14;
	v13 =	vld [tilespmem:s28+$0xFFFFFF10]  }
0x133: {  	[tilespmem:s28+$0xFFFFFEB0] =	vst v12;
	v12 =	vmul.f32 v16, v14;
	v16 =	vld [tilespmem:s28+$0xFFFFFF20]  }
0x134: {  	[tilespmem:s28+$0xFFFFFEC0] =	vst v11;
	v11 =	vmul.f32 v15, v14;
	v15 =	vld [tilespmem:s28+$0xFFFFFF30]  }
0x135: {  	[tilespmem:s28+$0xFFFFFED0] =	vst v12;
	v12 =	vmul.f32 v18, v14;
	v14 =	vld [tilespmem:s28+$0xFFFFFF40]  }
0x136: {  	[tilespmem:s28+$0xFFFFFEE0] =	vst v11;
	v11 =	vmul.f32 v19, v17;
	v18 =	vld [tilespmem:s28+$0xFFFFFF50]  }
0x137: {  	[tilespmem:s28+$0xFFFFFEF0] =	vst v12;
	v12 =	vmul.f32 v13, v17;
	v13 =	vld [tilespmem:s28+$0xFFFFFF60]  }
0x138: {  	[tilespmem:s28+$0xFFFFFF00] =	vst v11;
	v11 =	vmul.f32 v16, v17;
	v16 =	vld [tilespmem:s28+$0xFFFFFF70]  }
0x139: {  	[tilespmem:s28+$0xFFFFFF10] =	vst v12;
	v12 =	vmul.f32 v15, v17;
	v15 =	vld [tilespmem:s28+$0xFFFFFF80]  }
0x13a: {  	[tilespmem:s28+$0xFFFFFF20] =	vst v11;
	v11 =	vmul.f32 v14, v17;
	v14 =	vld [tilespmem:s28+$0xFFFFFF90]  }
0x13b: {  	[tilespmem:s28+$0xFFFFFF30] =	vst v12;
	v12 =	vmul.f32 v18, v17;
	v18 =	vld [tilespmem:s28+$0xFFFFFFA0]  }
0x13c: {  	[tilespmem:s28+$0xFFFFFF40] =	vst v11;
	v11 =	vmul.f32 v13, v17;
	v13 =	vld [tilespmem:s28+$0xFFFFFFB0]  }
0x13d: {  	[tilespmem:s28+$0xFFFFFF50] =	vst v12;
	v12 =	vmul.f32 v16, v17;
	v16 =	vld [tilespmem:s28+$0xFFFFFFC0]  }
0x13e: {  	[tilespmem:s28+$0xFFFFFF60] =	vst v11;
	v11 =	vmul.f32 v15, v10;
	v15 =	vld [tilespmem:s28+$0xFFFFFFD0]  }
0x13f: {  	[tilespmem:s28+$0xFFFFFF70] =	vst v12;
	v12 =	vmul.f32 v14, v10;
	v14 =	vld [tilespmem:s28+$0xFFFFFFE0]  }
0x140: {  	[tilespmem:s28+$0xFFFFFF80] =	vst v11;
	v11 =	vmul.f32 v18, v10;
	v17 =	vld [tilespmem:s28+$0xFFFFFFF0]  }
0x141: {  	[tilespmem:s28+$0xFFFFFF90] =	vst v12;
	v12 =	vmul.f32 v13, v10;
	v13 =	vld [tilespmem:s28+$0x0]  }
0x142: {  	[tilespmem:s28+$0xFFFFFFA0] =	vst v11;
	v11 =	vmul.f32 v16, v10;
	v16 =	vld [tilespmem:s28+$0x10]  }
0x143: {  	[tilespmem:s28+$0xFFFFFFB0] =	vst v12;
	v12 =	vmul.f32 v15, v10;
	v15 =	vld [tilespmem:s28+$0x20]  }
0x144: {  	[tilespmem:s28+$0xFFFFFFC0] =	vst v11;
	v11 =	vmul.f32 v14, v10;
	v14 =	vld [tilespmem:s28+$0x30]  }
0x145: {  	[tilespmem:s28+$0xFFFFFFD0] =	vst v12;
	v10 =	vmul.f32 v17, v10;
	v12 =	vld [tilespmem:s28+$0x40]  }
0x146: {  	[tilespmem:s28+$0xFFFFFFE0] =	vst v11;
	v11 =	vmul.f32 v13, v9;
	v13 =	vld [tilespmem:s28+$0x50]  }
0x147: {  	[tilespmem:s28+$0xFFFFFFF0] =	vst v10;
	v10 =	vmul.f32 v16, v9;
	v16 =	vld [tilespmem:s28+$0x60]  }
0x148: {  	[tilespmem:s28+$0x0] =	vst v11;
	v11 =	vmul.f32 v15, v9;
	v15 =	vld [tilespmem:s28+$0x70]  }
0x149: {  	[tilespmem:s28+$0x10] =	vst v10;
	v10 =	vmul.f32 v14, v9;
	v14 =	vld [tilespmem:s28+$0x80]  }
0x14a: {  	[tilespmem:s28+$0x20] =	vst v11;
	v11 =	vmul.f32 v12, v9;
	v12 =	vld [tilespmem:s28+$0x90]  }
0x14b: {  	[tilespmem:s28+$0x30] =	vst v10;
	v10 =	vmul.f32 v13, v9;
	v13 =	vld [tilespmem:s28+$0xA0]  }
0x14c: {  	[tilespmem:s28+$0x40] =	vst v11;
	v11 =	vmul.f32 v16, v9;
	v16 =	vld [tilespmem:s28+$0xB0]  }
0x14d: {  	[tilespmem:s28+$0x50] =	vst v10;
	v9 =	vmul.f32 v15, v9;
	v10 =	vld [tilespmem:s28+$0xC0]  }
0x14e: {  	[tilespmem:s28+$0x60] =	vst v11;
	v11 =	vmul.f32 v14, v3;
	v14 =	vld [tilespmem:s28+$0xD0]  }
.Ltmp1:
0x14f: {  	[tilespmem:s28+$0x70] =	vst v9;
	v9 =	vmul.f32 v12, v3;
	v12 =	vld [tilespmem:s28+$0xE0];
	(pc) =	sbr.rel @p1 .LBB2_5-.Ltmp1, $4  }
0x150: {  	[tilespmem:s28+$0x80] =	vst v11;
	v15 =	vmul.f32 v13, v3;
	v13 =	vld [tilespmem:s28+$0xF0]  }
0x151: {  	[tilespmem:s28+$0x90] =	vst v9;
	v16 =	vmul.f32 v16, v3;
	v11 =	vld [tilespmem:s28+$0x100]  }
0x152: {  	[tilespmem:s28+$0xA0] =	vst v15;
	v15 =	vmul.f32 v10, v3;
	v9 =	vld [tilespmem:s28+$0x110]  }
0x153: {  	[tilespmem:s28+$0xB0] =	vst v16;
	v14 =	vmul.f32 v14, v3;
	v10 =	vld [tilespmem:s28+$0x120]  }
0x154: {  	[tilespmem:s28+$0xC0] =	vst v15  }
0x155: {  	[tilespmem:s28+$0xFFFFFE30] =	vst v5  }
0x156: {  	[tilespmem:s28+$0xFFFFFE40] =	vst v8  }
0x157: {  	[tilespmem:s28+$0xFFFFFE50] =	vst v6  }
0x158: {  	[tilespmem:s28+$0xFFFFFE60] =	vst v7  }
0x159: {  	v12 =	vmul.f32 v12, v3;
	v47 =	vld [tilespmem:s28+$0x130];
	[tilespmem:s28+$0xFFFFFE70] =	vst v4  }
0x15a: {  	v48 =	vld [tilespmem:s28+$0x140];
	[tilespmem:s28+$0xD0] =	vst v14;
	v3 =	vmul.f32 v13, v3  }
0x15b: {  	v49 =	vld [tilespmem:s28+$0x150];
	[tilespmem:s28+$0xE0] =	vst v12;
	v11 =	vmul.f32 v11, v2  }
0x15c: {  	[tilespmem:s28+$0xF0] =	vst v3;
	v3 =	vld [tilespmem:s28+$0x160];
	v50 =	vmul.f32 v9, v2  }
0x15d: {  	v51 =	vld [tilespmem:s28+$0x170];
	[tilespmem:s28+$0x100] =	vst v11;
	v52 =	vmul.f32 v10, v2  }
0x15e: {  	v53 =	vld [tilespmem:s28+$0x180];
	v54 =	vmul.f32 v47, v2;
	[tilespmem:s29+$0x110] =	vst v50  }
0x15f: {  	v55 =	vld [tilespmem:s28+$0x190];
	v56 =	vmul.f32 v48, v2;
	[tilespmem:s29+$0x120] =	vst v52  }
0x160: {  	v59 =	vld [tilespmem:s28+$0x1B0];
	v58 =	vmul.f32 v49, v2;
	[tilespmem:s29+$0x130] =	vst v54  }
0x161: {  	v57 =	vld [tilespmem:s28+$0x1A0];
	[tilespmem:s29+$0x140] =	vst v56;
	v3 =	vmul.f32 v3, v2  }
0x162: {  	v60 =	vld [tilespmem:s28+$0x1C0];
	[tilespmem:s29+$0x150] =	vst v58;
	v2 =	vmul.f32 v51, v2  }
0x163: {  	v61 =	vld [tilespmem:s28+$0x1D0];
	v7 =	vmul.f32 v53, v1;
	[tilespmem:s29+$0x160] =	vst v3  }
0x164: {  	v5 =	vmul.f32 v55, v1;
	v3 =	vld [tilespmem:s28+$0x1E0];
	[tilespmem:s29+$0x170] =	vst v2  }
0x165: {  	v62 =	vmul.f32 v59, v1;
	[tilespmem:s29+$0x180] =	vst v7  }
0x166: {  	v2 =	vmul.f32 v57, v1;
	[tilespmem:s29+$0x190] =	vst v5  }
0x167: {  	v63 =	vmul.f32 v60, v1;
	[tilespmem:s29+$0x1B0] =	vst v62  }
0x168: {  	[tilespmem:s29+$0x1A0] =	vst v2;
	v2 =	vmul.f32 v61, v1  }
0x169: {  	s25 =	sadd.s32 $0x1, s25;
	[tilespmem:s29+$0x1C0] =	vst v63;
	v1 =	vmul.f32 v3, v1  }
0x16a: {  	p1 =	sne.s32 s25, $0x3E;
	[tilespmem:s29+$0x1D0] =	vst v2  }
.Ltmp2:
0x16b: {  	s0 =	sadd.s32 $0x2710, s26;
	[tilespmem:s29+$0x1E0] =	vst v1;
	(pc) =	sbr.rel @p1 .LBB2_2-.Ltmp2, $4  }
0x16c: {  	[spmem:s2] =	stream.indirect.scatter.add.f32 [tilespmem:s18], [sflag:$0x3], $0x80, s0, s16, $0xb8;
	[tilespmem:$0x1FDB0] =	vst v63  }
0x16d: {  	_ =	swait.ge [sflag:s11], $0x2800  }
0x16e: {  	[sflag:s11] =	ssyncset.done $0x0  }
0x16f: {  	s24 =	sadd.s32 $0xA0, s24;
	[sflag:s11] =	ssyncadd.s32 $0xFFFFD800  }
0x170: {  	s0 =	simm.s32 $0x26C0  }
0x171: {  	s25 =	simm.s32 $0x26C7;
	v1 =	vmov s0  }
0x172: {  	v3 =	vmov s25;
	v1 =	vshrl.u32 v1, $0x3  }
0x173: {  	v3 =	vshrl.u32 v3, $0x3;
	v1 =	vshll.u32 v1, v0  }
0x174: {  	_ =	swait.ge [sflag:s19], $0x2800;
	v3 =	vshll.u32 v3, v0;
	v1 =	vbroadcast v1, $0x0  }
0x175: {  	[sflag:s19] =	ssyncset.done $0x0;
	v3 =	vadd.s32 $0x7, v3  }
0x176: {  	s24 =	simm.s32 $0x7730;
	[sflag:s19] =	ssyncadd.s32 $0xFFFFD800;
	v3 =	vbroadcast v3, $0x0  }
0x177: {  	v6 =	vld [tilespmem:s24+$0xFFFFFE00]  }
0x178: {  	s1 =	simm.s32 $0x26C1;
	v7 =	vld [tilespmem:s24+$0xFFFFFE10]  }
0x179: {  	s26 =	simm.s32 $0x26C2;
	v2 =	vmov s1;
	v8 =	vld [tilespmem:s24+$0xFFFFFE20]  }
0x17a: {  	v2 =	vshrl.u32 v2, $0x3;
	v4 =	vld.idx.msk [tilespmem:v1+s13+$0x0], $0xffff;
	v1 =	vmov s26  }
0x17b: {  	v2 =	vshll.u32 v2, v0;
	v9 =	vld [tilespmem:s24+$0xFFFFFE30];
	v5 =	vshrl.u32 v1, $0x3  }
0x17c: {  	v2 =	vadd.s32 $0x1, v2;
	v1 =	vld.idx.msk [tilespmem:v3+s13+$0x0], $0xffff;
	v3 =	vshll.u32 v5, v0  }
0x17d: {  	v10 =	vld [tilespmem:s24+$0xFFFFFE40];
	v2 =	vbroadcast v2, $0x0;
	v3 =	vadd.s32 $0x2, v3  }
0x17e: {  	v11 =	vld [tilespmem:s24+$0xFFFFFE50];
	v3 =	vbroadcast v3, $0x0  }
0x17f: {  	v13 =	vld [tilespmem:s24+$0xFFFFFE60]  }
0x180: {  	v5 =	vld [tilespmem:s24+$0x1F0]  }
0x181: {  	s28 =	simm.s32 $0x26C3;
	v52 =	vld [tilespmem:s24+$0xFFFFFE80]  }
0x182: {  	v12 =	vmov s28;
	v15 =	vld [tilespmem:s24+$0xFFFFFE90]  }
0x183: {  	v12 =	vshrl.u32 v12, $0x3;
	v2 =	vld.idx.msk [tilespmem:v2+s13+$0x0], $0xffff  }
0x184: {  	v6 =	vmul.f32 v6, v4;
	v14 =	vld.idx.msk [tilespmem:v3+s13+$0x0], $0xffff;
	v3 =	vshll.u32 v12, v0  }
0x185: {  	v16 =	vld [tilespmem:s24+$0xFFFFFEA0];
	v5 =	vmul.f32 v5, v1;
	v3 =	vadd.s32 $0x3, v3  }
0x186: {  	v53 =	vld [tilespmem:s24+$0xFFFFFED0];
	v7 =	vmul.f32 v7, v4;
	[tilespmem:s24+$0xFFFFFE00] =	vst v6;
	v3 =	vbroadcast v3, $0x0  }
0x187: {  	v55 =	vld [tilespmem:s24+$0xFFFFFF20];
	[tilespmem:s24+$0x1F0] =	vst v5;
	v5 =	vmul.f32 v8, v4  }
0x188: {  	v56 =	vld [tilespmem:s24+$0xFFFFFF50];
	v10 =	vmul.f32 v10, v4;
	[tilespmem:s24+$0xFFFFFE10] =	vst v7  }
0x189: {  	s29 =	simm.s32 $0x26C4;
	v6 =	vld [tilespmem:s24+$0xFFFFFE70];
	[tilespmem:s24+$0xFFFFFE20] =	vst v5;
	v5 =	vmul.f32 v52, v2  }
0x18a: {  	v17 =	vmov s29;
	v58 =	vld [tilespmem:s24+$0xFFFFFFC0];
	v7 =	vmul.f32 v9, v4;
	[tilespmem:s24+$0xFFFFFE40] =	vst v10  }
0x18b: {  	v10 =	vmul.f32 v13, v4;
	v8 =	vld [tilespmem:s24+$0xFFFFFEB0];
	[tilespmem:s24+$0xFFFFFE80] =	vst v5;
	v5 =	vshrl.u32 v17, $0x3  }
0x18c: {  	[tilespmem:s24+$0xFFFFFE30] =	vst v7;
	v5 =	vshll.u32 v5, v0;
	v54 =	vld.idx.msk [tilespmem:v3+s13+$0x0], $0xffff;
	v3 =	vmul.f32 v11, v4  }
0x18d: {  	v9 =	vld [tilespmem:s24+$0xFFFFFEC0];
	[tilespmem:s24+$0xFFFFFE60] =	vst v10;
	v12 =	vmul.f32 v53, v2;
	v5 =	vadd.s32 $0x4, v5  }
0x18e: {  	v5 =	vbroadcast v5, $0x0;
	[tilespmem:s24+$0xFFFFFE50] =	vst v3;
	v3 =	vmul.f32 v6, v4;
	v4 =	vld [tilespmem:s24+$0xFFFFFF00]  }
0x18f: {  	v7 =	vld [tilespmem:s24+$0xFFFFFEE0];
	[tilespmem:s24+$0xFFFFFED0] =	vst v12;
	v6 =	vmul.f32 v15, v2  }
0x190: {  	v11 =	vld [tilespmem:s24+$0xFFFFFEF0];
	[tilespmem:s24+$0xFFFFFE70] =	vst v3;
	v3 =	vmul.f32 v16, v2  }
0x191: {  	v10 =	vld [tilespmem:s24+$0xFFFFFF10];
	[tilespmem:s24+$0xFFFFFE90] =	vst v6;
	v6 =	vmul.f32 v8, v2  }
0x192: {  	s30 =	simm.s32 $0x26C5;
	v8 =	vld [tilespmem:s24+$0xFFFFFF30];
	[tilespmem:s24+$0xFFFFFEA0] =	vst v3;
	v3 =	vmul.f32 v9, v2  }
0x193: {  	v9 =	vld [tilespmem:s24+$0xFFFFFF40];
	[tilespmem:s24+$0xFFFFFEB0] =	vst v6;
	v6 =	vmul.f32 v4, v14;
	v4 =	vmov s30  }
0x194: {  	[tilespmem:s24+$0xFFFFFEC0] =	vst v3;
	v57 =	vshrl.u32 v4, $0x3;
	v4 =	vld.idx.msk [tilespmem:v5+s13+$0x0], $0xffff;
	v5 =	vmul.f32 v7, v2  }
0x195: {  	v3 =	vld [tilespmem:s24+$0xFFFFFF60];
	v2 =	vmul.f32 v11, v2;
	[tilespmem:s24+$0xFFFFFF00] =	vst v6;
	v6 =	vshll.u32 v57, v0  }
0x196: {  	v61 =	vld [tilespmem:s24+$0x20];
	v6 =	vadd.s32 $0x5, v6;
	[tilespmem:s24+$0xFFFFFEE0] =	vst v5;
	v5 =	vmul.f32 v10, v14  }
0x197: {  	v10 =	vld [tilespmem:s24+$0xFFFFFF80];
	[tilespmem:s24+$0xFFFFFEF0] =	vst v2;
	v2 =	vmul.f32 v55, v14;
	v6 =	vbroadcast v6, $0x0  }
0x198: {  	v7 =	vld [tilespmem:s24+$0xFFFFFF70];
	[tilespmem:s24+$0xFFFFFF10] =	vst v5;
	v5 =	vmul.f32 v8, v14  }
0x199: {  	v11 =	vld [tilespmem:s24+$0xFFFFFF90];
	[tilespmem:s24+$0xFFFFFF20] =	vst v2;
	v2 =	vmul.f32 v9, v14  }
0x19a: {  	v8 =	vld [tilespmem:s24+$0xFFFFFFA0];
	v60 =	vmul.f32 v3, v14;
	[tilespmem:s24+$0xFFFFFF30] =	vst v5  }
0x19b: {  	v9 =	vld [tilespmem:s24+$0xFFFFFFB0];
	v5 =	vmul.f32 v56, v14;
	[tilespmem:s24+$0xFFFFFF40] =	vst v2  }
0x19c: {  	v2 =	vmul.f32 v10, v54;
	v10 =	vld [tilespmem:s24+$0xFFFFFFD0];
	[tilespmem:s24+$0xFFFFFF60] =	vst v60  }
0x19d: {  	s31 =	simm.s32 $0x26C6;
	[tilespmem:s24+$0xFFFFFF50] =	vst v5;
	v3 =	vld.idx.msk [tilespmem:v6+s13+$0x0], $0xffff;
	v6 =	vmul.f32 v7, v14  }
0x19e: {  	v59 =	vmov s31;
	v5 =	vld [tilespmem:s24+$0xFFFFFFE0];
	[tilespmem:s24+$0xFFFFFF80] =	vst v2;
	v7 =	vmul.f32 v11, v54  }
0x19f: {  	v13 =	vshrl.u32 v59, $0x3;
	[tilespmem:s24+$0xFFFFFF70] =	vst v6;
	v6 =	vmul.f32 v8, v54;
	v8 =	vld [tilespmem:s24+$0x0]  }
0x1a0: {  	v2 =	vshll.u32 v13, v0;
	v11 =	vld [tilespmem:s24+$0xFFFFFFF0];
	[tilespmem:s24+$0xFFFFFF90] =	vst v7;
	v7 =	vmul.f32 v9, v54  }
0x1a1: {  	v2 =	vadd.s32 $0x6, v2;
	v9 =	vld [tilespmem:s24+$0x10];
	[tilespmem:s24+$0xFFFFFFA0] =	vst v6;
	v6 =	vmul.f32 v58, v54  }
0x1a2: {  	v62 =	vld [tilespmem:s24+$0x50];
	v2 =	vbroadcast v2, $0x0;
	[tilespmem:s24+$0xFFFFFFB0] =	vst v7;
	v7 =	vmul.f32 v10, v54  }
0x1a3: {  	v10 =	vld [tilespmem:s24+$0x30];
	v5 =	vmul.f32 v5, v54;
	[tilespmem:s24+$0xFFFFFFC0] =	vst v6  }
0x1a4: {  	v6 =	vld [tilespmem:s24+$0x40];
	[tilespmem:s24+$0xFFFFFFD0] =	vst v7;
	v7 =	vmul.f32 v8, v4  }
0x1a5: {  	v63 =	vld [tilespmem:s24+$0x60];
	[tilespmem:s24+$0xFFFFFFE0] =	vst v5;
	v8 =	vmul.f32 v11, v54  }
0x1a6: {  	v5 =	vmul.f32 v9, v4;
	v9 =	vld [tilespmem:s24+$0x80];
	[tilespmem:s24+$0x0] =	vst v7  }
0x1a7: {  	[tilespmem:s24+$0xFFFFFFF0] =	vst v8;
	v7 =	vmul.f32 v61, v4;
	v8 =	vld [tilespmem:s24+$0x70]  }
0x1a8: {  	v2 =	vld.idx.msk [tilespmem:v2+s13+$0x0], $0xffff;
	[tilespmem:s24+$0x10] =	vst v5;
	v5 =	vmul.f32 v10, v4  }
0x1a9: {  	[tilespmem:s24+$0x20] =	vst v7;
	v6 =	vmul.f32 v6, v4;
	v7 =	vld [tilespmem:s24+$0x90]  }
0x1aa: {  	v11 =	vmul.f32 v62, v4;
	[tilespmem:s24+$0x30] =	vst v5;
	v5 =	vld [tilespmem:s24+$0xA0]  }
0x1ab: {  	s25 =	simm.s32 $0x0;
	v10 =	vmul.f32 v63, v4;
	[tilespmem:s24+$0x40] =	vst v6;
	v6 =	vld [tilespmem:s24+$0xB0]  }
.LBB2_8:
0x1ac: {  	s0 =	sadd.s32 $0x26C8, s25;
	s1 =	sadd.s32 $0x26C9, s25;
	[tilespmem:s24+$0x50] =	vst v11;
	v4 =	vmul.f32 v8, v4;
	v8 =	vld [tilespmem:s24+$0xC0]  }
0x1ad: {  	v11 =	vmov s0;
	v12 =	vmov s1;
	s0 =	sadd.s32 $0x26CA, s25;
	s1 =	sadd.s32 $0x26CB, s25;
	[tilespmem:s24+$0x60] =	vst v10;
	v9 =	vmul.f32 v9, v3;
	v10 =	vld [tilespmem:s24+$0xD0]  }
0x1ae: {  	v13 =	vmov s0;
	v14 =	vmov s1;
	s0 =	sadd.s32 $0x26CC, s25;
	s1 =	sadd.s32 $0x26CD, s25;
	[tilespmem:s24+$0x70] =	vst v4;
	v4 =	vmul.f32 v7, v3;
	v7 =	vld [tilespmem:s24+$0xE0]  }
0x1af: {  	v15 =	vmov s0;
	v16 =	vmov s1;
	s0 =	sadd.s32 $0x26CE, s25;
	[tilespmem:s24+$0x80] =	vst v9;
	v5 =	vmul.f32 v5, v3;
	v9 =	vld [tilespmem:s24+$0xF0]  }
0x1b0: {  	v11 =	vshrl.u32 v11, $0x3;
	v17 =	vmov s0;
	[tilespmem:s24+$0x90] =	vst v4;
	v4 =	vmul.f32 v6, v3;
	v6 =	vld [tilespmem:s24+$0x100]  }
0x1b1: {  	v12 =	vshrl.u32 v12, $0x3;
	v13 =	vshrl.u32 v13, $0x3;
	[tilespmem:s24+$0xA0] =	vst v5;
	v5 =	vmul.f32 v8, v3;
	v8 =	vld [tilespmem:s24+$0x110]  }
0x1b2: {  	v14 =	vshrl.u32 v14, $0x3;
	v15 =	vshrl.u32 v15, $0x3;
	[tilespmem:s24+$0xB0] =	vst v4;
	v4 =	vmul.f32 v10, v3;
	v10 =	vld [tilespmem:s24+$0x120]  }
0x1b3: {  	v16 =	vshrl.u32 v16, $0x3;
	v17 =	vshrl.u32 v17, $0x3;
	[tilespmem:s24+$0xC0] =	vst v5;
	v5 =	vmul.f32 v7, v3;
	v7 =	vld [tilespmem:s24+$0x130]  }
0x1b4: {  	v11 =	vshll.u32 v11, v0;
	v12 =	vshll.u32 v12, v0;
	[tilespmem:s24+$0xD0] =	vst v4;
	v3 =	vmul.f32 v9, v3;
	v4 =	vld [tilespmem:s24+$0x140]  }
0x1b5: {  	v9 =	vshll.u32 v13, v0;
	v13 =	vshll.u32 v14, v0;
	[tilespmem:s24+$0xE0] =	vst v5;
	v5 =	vmul.f32 v6, v2;
	v6 =	vld [tilespmem:s24+$0x150]  }
0x1b6: {  	v14 =	vshll.u32 v15, v0;
	v15 =	vshll.u32 v16, v0;
	[tilespmem:s24+$0xF0] =	vst v3;
	v3 =	vmul.f32 v8, v2;
	v8 =	vld [tilespmem:s24+$0x160]  }
0x1b7: {  	v11 =	vbroadcast v11, $0x0;
	v16 =	vshll.u32 v17, v0;
	[tilespmem:s24+$0x100] =	vst v5;
	v5 =	vmul.f32 v10, v2;
	v10 =	vld [tilespmem:s24+$0x170]  }
0x1b8: {  	v12 =	vadd.s32 $0x1, v12;
	v9 =	vadd.s32 $0x2, v9;
	[tilespmem:s24+$0x110] =	vst v3;
	v3 =	vmul.f32 v7, v2;
	v7 =	vld [tilespmem:s24+$0x180]  }
0x1b9: {  	v13 =	vadd.s32 $0x3, v13;
	v14 =	vadd.s32 $0x4, v14;
	[tilespmem:s24+$0x120] =	vst v5;
	v4 =	vmul.f32 v4, v2;
	v5 =	vld [tilespmem:s24+$0x190]  }
0x1ba: {  	v12 =	vbroadcast v12, $0x0;
	v15 =	vadd.s32 $0x5, v15;
	[tilespmem:s24+$0x130] =	vst v3;
	v3 =	vmul.f32 v6, v2;
	v6 =	vld [tilespmem:s24+$0x1A0]  }
0x1bb: {  	s0 =	sadd.s32 $0x26CF, s25;
	s25 =	sadd.s32 $0x8, s25;
	v16 =	vadd.s32 $0x6, v16;
	v9 =	vbroadcast v9, $0x0;
	[tilespmem:s24+$0x140] =	vst v4;
	v4 =	vmul.f32 v8, v2;
	v8 =	vld [tilespmem:s24+$0x1B0]  }
0x1bc: {  	p1 =	slt.u32 s25, $0x48;
	v17 =	vmov s0;
	v13 =	vbroadcast v13, $0x0;
	[tilespmem:s24+$0x150] =	vst v3;
	v2 =	vmul.f32 v10, v2;
	v3 =	vld [tilespmem:s24+$0x1C0]  }
0x1bd: {  	v10 =	vbroadcast v14, $0x0;
	v14 =	vshrl.u32 v17, $0x3;
	[tilespmem:s24+$0x160] =	vst v4;
	v4 =	vmul.f32 v7, v1;
	v7 =	vld [tilespmem:s24+$0x1D0]  }
0x1be: {  	v15 =	vbroadcast v15, $0x0;
	v14 =	vshll.u32 v14, v0;
	[tilespmem:s24+$0x170] =	vst v2;
	v2 =	vmul.f32 v5, v1;
	v17 =	vld [tilespmem:s24+$0x1E0]  }
0x1bf: {  	v16 =	vbroadcast v16, $0x0;
	v5 =	vadd.s32 $0x7, v14;
	v11 =	vld.idx.msk [tilespmem:v11+s13+$0x0], $0xffff;
	[tilespmem:s24+$0x180] =	vst v4;
	v4 =	vmul.f32 v6, v1  }
0x1c0: {  	v6 =	vld.idx.msk [tilespmem:v12+s13+$0x0], $0xffff;
	v12 =	vbroadcast v5, $0x0;
	[tilespmem:s24+$0x190] =	vst v2;
	v2 =	vmul.f32 v8, v1  }
0x1c1: {  	v8 =	vld.idx.msk [tilespmem:v9+s13+$0x0], $0xffff;
	[tilespmem:s24+$0x1A0] =	vst v4;
	v3 =	vmul.f32 v3, v1  }
0x1c2: {  	v5 =	vld.idx.msk [tilespmem:v13+s13+$0x0], $0xffff;
	[tilespmem:s24+$0x1B0] =	vst v2;
	v2 =	vmul.f32 v7, v1  }
0x1c3: {  	v4 =	vld.idx.msk [tilespmem:v10+s13+$0x0], $0xffff;
	[tilespmem:s24+$0x1C0] =	vst v3;
	v1 =	vmul.f32 v17, v1  }
0x1c4: {  	v3 =	vld.idx.msk [tilespmem:v15+s13+$0x0], $0xffff;
	[tilespmem:s24+$0x1D0] =	vst v2  }
0x1c5: {  	v2 =	vld.idx.msk [tilespmem:v16+s13+$0x0], $0xffff;
	[tilespmem:s24+$0x1E0] =	vst v1  }
0x1c6: {  	s24 =	sadd.s32 $0x400, s24;
	v1 =	vld.idx.msk [tilespmem:v12+s13+$0x0], $0xffff  }
0x1c7: {  	v7 =	vld [tilespmem:s24+$0x1F0]  }
0x1c8: {  	v9 =	vld [tilespmem:s24+$0xFFFFFE00]  }
0x1c9: {  	v10 =	vld [tilespmem:s24+$0xFFFFFE10]  }
0x1ca: {  	v12 =	vld [tilespmem:s24+$0xFFFFFE20]  }
0x1cb: {  	v13 =	vld [tilespmem:s24+$0xFFFFFE30]  }
0x1cc: {  	v14 =	vld [tilespmem:s24+$0xFFFFFE40];
	v7 =	vmul.f32 v7, v1  }
0x1cd: {  	v9 =	vmul.f32 v9, v11;
	v15 =	vld [tilespmem:s24+$0xFFFFFE50]  }
0x1ce: {  	v10 =	vmul.f32 v10, v11;
	v16 =	vld [tilespmem:s24+$0xFFFFFE60];
	[tilespmem:s24+$0x1F0] =	vst v7  }
0x1cf: {  	[tilespmem:s24+$0xFFFFFE00] =	vst v9;
	v7 =	vmul.f32 v12, v11;
	v9 =	vld [tilespmem:s24+$0xFFFFFE70]  }
0x1d0: {  	[tilespmem:s24+$0xFFFFFE10] =	vst v10;
	v10 =	vmul.f32 v13, v11;
	v12 =	vld [tilespmem:s24+$0xFFFFFE80]  }
0x1d1: {  	[tilespmem:s24+$0xFFFFFE20] =	vst v7;
	v7 =	vmul.f32 v14, v11;
	v13 =	vld [tilespmem:s24+$0xFFFFFE90]  }
0x1d2: {  	[tilespmem:s24+$0xFFFFFE30] =	vst v10;
	v10 =	vmul.f32 v15, v11;
	v14 =	vld [tilespmem:s24+$0xFFFFFEA0]  }
0x1d3: {  	[tilespmem:s24+$0xFFFFFE40] =	vst v7;
	v7 =	vmul.f32 v16, v11;
	v15 =	vld [tilespmem:s24+$0xFFFFFEB0]  }
0x1d4: {  	[tilespmem:s24+$0xFFFFFE50] =	vst v10;
	v9 =	vmul.f32 v9, v11;
	v10 =	vld [tilespmem:s24+$0xFFFFFEC0]  }
0x1d5: {  	[tilespmem:s24+$0xFFFFFE60] =	vst v7;
	v7 =	vmul.f32 v12, v6;
	v11 =	vld [tilespmem:s24+$0xFFFFFED0]  }
0x1d6: {  	[tilespmem:s24+$0xFFFFFE70] =	vst v9;
	v9 =	vmul.f32 v13, v6;
	v12 =	vld [tilespmem:s24+$0xFFFFFEE0]  }
0x1d7: {  	[tilespmem:s24+$0xFFFFFE80] =	vst v7;
	v7 =	vmul.f32 v14, v6;
	v13 =	vld [tilespmem:s24+$0xFFFFFEF0]  }
0x1d8: {  	[tilespmem:s24+$0xFFFFFE90] =	vst v9;
	v9 =	vmul.f32 v15, v6;
	v14 =	vld [tilespmem:s24+$0xFFFFFF00]  }
0x1d9: {  	[tilespmem:s24+$0xFFFFFEA0] =	vst v7;
	v7 =	vmul.f32 v10, v6;
	v10 =	vld [tilespmem:s24+$0xFFFFFF10]  }
0x1da: {  	[tilespmem:s24+$0xFFFFFEB0] =	vst v9;
	v9 =	vmul.f32 v11, v6;
	v11 =	vld [tilespmem:s24+$0xFFFFFF20]  }
0x1db: {  	[tilespmem:s24+$0xFFFFFEC0] =	vst v7;
	v7 =	vmul.f32 v12, v6;
	v12 =	vld [tilespmem:s24+$0xFFFFFF30]  }
0x1dc: {  	[tilespmem:s24+$0xFFFFFED0] =	vst v9;
	v6 =	vmul.f32 v13, v6;
	v9 =	vld [tilespmem:s24+$0xFFFFFF40]  }
0x1dd: {  	[tilespmem:s24+$0xFFFFFEE0] =	vst v7;
	v7 =	vmul.f32 v14, v8;
	v13 =	vld [tilespmem:s24+$0xFFFFFF50]  }
0x1de: {  	[tilespmem:s24+$0xFFFFFEF0] =	vst v6;
	v6 =	vmul.f32 v10, v8;
	v10 =	vld [tilespmem:s24+$0xFFFFFF60]  }
0x1df: {  	[tilespmem:s24+$0xFFFFFF00] =	vst v7;
	v7 =	vmul.f32 v11, v8;
	v11 =	vld [tilespmem:s24+$0xFFFFFF70]  }
0x1e0: {  	[tilespmem:s24+$0xFFFFFF10] =	vst v6;
	v6 =	vmul.f32 v12, v8;
	v12 =	vld [tilespmem:s24+$0xFFFFFF80]  }
0x1e1: {  	[tilespmem:s24+$0xFFFFFF20] =	vst v7;
	v7 =	vmul.f32 v9, v8;
	v9 =	vld [tilespmem:s24+$0xFFFFFF90]  }
0x1e2: {  	[tilespmem:s24+$0xFFFFFF30] =	vst v6;
	v6 =	vmul.f32 v13, v8;
	v13 =	vld [tilespmem:s24+$0xFFFFFFA0]  }
0x1e3: {  	[tilespmem:s24+$0xFFFFFF40] =	vst v7;
	v7 =	vmul.f32 v10, v8;
	v10 =	vld [tilespmem:s24+$0xFFFFFFB0]  }
0x1e4: {  	[tilespmem:s24+$0xFFFFFF50] =	vst v6;
	v6 =	vmul.f32 v11, v8;
	v8 =	vld [tilespmem:s24+$0xFFFFFFC0]  }
0x1e5: {  	[tilespmem:s24+$0xFFFFFF60] =	vst v7;
	v7 =	vmul.f32 v12, v5;
	v11 =	vld [tilespmem:s24+$0xFFFFFFD0]  }
0x1e6: {  	[tilespmem:s24+$0xFFFFFF70] =	vst v6;
	v6 =	vmul.f32 v9, v5;
	v9 =	vld [tilespmem:s24+$0xFFFFFFE0]  }
0x1e7: {  	[tilespmem:s24+$0xFFFFFF80] =	vst v7;
	v7 =	vmul.f32 v13, v5;
	v12 =	vld [tilespmem:s24+$0xFFFFFFF0]  }
0x1e8: {  	[tilespmem:s24+$0xFFFFFF90] =	vst v6;
	v6 =	vmul.f32 v10, v5;
	v10 =	vld [tilespmem:s24+$0x0]  }
0x1e9: {  	[tilespmem:s24+$0xFFFFFFA0] =	vst v7;
	v7 =	vmul.f32 v8, v5;
	v8 =	vld [tilespmem:s24+$0x10]  }
0x1ea: {  	[tilespmem:s24+$0xFFFFFFB0] =	vst v6;
	v6 =	vmul.f32 v11, v5;
	v11 =	vld [tilespmem:s24+$0x20]  }
0x1eb: {  	[tilespmem:s24+$0xFFFFFFC0] =	vst v7;
	v7 =	vmul.f32 v9, v5;
	v9 =	vld [tilespmem:s24+$0x30]  }
0x1ec: {  	[tilespmem:s24+$0xFFFFFFD0] =	vst v6;
	v5 =	vmul.f32 v12, v5;
	v6 =	vld [tilespmem:s24+$0x40]  }
0x1ed: {  	[tilespmem:s24+$0xFFFFFFE0] =	vst v7;
	v7 =	vmul.f32 v10, v4;
	v10 =	vld [tilespmem:s24+$0x50]  }
0x1ee: {  	[tilespmem:s24+$0xFFFFFFF0] =	vst v5;
	v5 =	vmul.f32 v8, v4;
	v12 =	vld [tilespmem:s24+$0x60]  }
.Ltmp3:
0x1ef: {  	[tilespmem:s24+$0x0] =	vst v7;
	v7 =	vmul.f32 v11, v4;
	v8 =	vld [tilespmem:s24+$0x70];
	(pc) =	sbr.rel @p1 .LBB2_8-.Ltmp3, $4  }
0x1f0: {  	[tilespmem:s24+$0x10] =	vst v5;
	v5 =	vmul.f32 v9, v4;
	v9 =	vld [tilespmem:s24+$0x80]  }
0x1f1: {  	[tilespmem:s24+$0x20] =	vst v7;
	v6 =	vmul.f32 v6, v4;
	v7 =	vld [tilespmem:s24+$0x90]  }
0x1f2: {  	[tilespmem:s24+$0x30] =	vst v5;
	v11 =	vmul.f32 v10, v4;
	v5 =	vld [tilespmem:s24+$0xA0]  }
0x1f3: {  	[tilespmem:s24+$0x40] =	vst v6;
	v10 =	vmul.f32 v12, v4;
	v6 =	vld [tilespmem:s24+$0xB0]  }
0x1f4: {  	v12 =	vld [tilespmem:s24+$0xC0];
	[tilespmem:s24+$0x50] =	vst v11;
	v4 =	vmul.f32 v8, v4  }
0x1f5: {  	v13 =	vld [tilespmem:s24+$0xD0];
	v9 =	vmul.f32 v9, v3;
	[tilespmem:s24+$0x60] =	vst v10  }
0x1f6: {  	v42 =	vld [tilespmem:s24+$0xE0];
	v7 =	vmul.f32 v7, v3;
	[tilespmem:s24+$0x70] =	vst v4  }
0x1f7: {  	v45 =	vld [tilespmem:s24+$0x100];
	[tilespmem:s24+$0x80] =	vst v9;
	v44 =	vmul.f32 v5, v3  }
0x1f8: {  	v43 =	vld [tilespmem:s24+$0xF0];
	[tilespmem:s24+$0x90] =	vst v7;
	v6 =	vmul.f32 v6, v3  }
0x1f9: {  	v46 =	vld [tilespmem:s24+$0x110];
	[tilespmem:s24+$0xA0] =	vst v44;
	v47 =	vmul.f32 v12, v3  }
0x1fa: {  	v48 =	vld [tilespmem:s24+$0x120];
	v49 =	vmul.f32 v13, v3;
	[tilespmem:s24+$0xB0] =	vst v6  }
0x1fb: {  	v50 =	vld [tilespmem:s24+$0x130];
	v51 =	vmul.f32 v42, v3;
	[tilespmem:s24+$0xC0] =	vst v47  }
0x1fc: {  	v52 =	vld [tilespmem:s24+$0x140];
	v5 =	vmul.f32 v45, v2;
	[tilespmem:s24+$0xD0] =	vst v49  }
0x1fd: {  	v53 =	vld [tilespmem:s24+$0x150];
	v3 =	vmul.f32 v43, v3;
	[tilespmem:s24+$0xE0] =	vst v51  }
0x1fe: {  	v54 =	vld [tilespmem:s24+$0x160];
	v7 =	vmul.f32 v46, v2;
	[tilespmem:s24+$0x100] =	vst v5  }
0x1ff: {  	v55 =	vld [tilespmem:s24+$0x170];
	[tilespmem:s24+$0xF0] =	vst v3;
	v3 =	vmul.f32 v48, v2  }
0x200: {  	v57 =	vld [tilespmem:s24+$0x180];
	v56 =	vmul.f32 v50, v2;
	[tilespmem:s24+$0x110] =	vst v7  }
0x201: {  	v58 =	vld [tilespmem:s24+$0x190];
	[tilespmem:s24+$0x120] =	vst v3;
	v3 =	vmul.f32 v52, v2  }
0x202: {  	v59 =	vld [tilespmem:s24+$0x1A0];
	v6 =	vmul.f32 v53, v2;
	[tilespmem:s24+$0x130] =	vst v56  }
0x203: {  	v60 =	vld [tilespmem:s24+$0x1B0];
	[tilespmem:s24+$0x140] =	vst v3;
	v3 =	vmul.f32 v54, v2  }
0x204: {  	v61 =	vld [tilespmem:s24+$0x1C0];
	[tilespmem:s24+$0x150] =	vst v6;
	v2 =	vmul.f32 v55, v2  }
0x205: {  	v62 =	vld [tilespmem:s24+$0x1D0];
	[tilespmem:s24+$0x160] =	vst v3;
	v3 =	vmul.f32 v57, v1  }
0x206: {  	v63 =	vld [tilespmem:s24+$0x1E0];
	[tilespmem:s24+$0x170] =	vst v2;
	v2 =	vmul.f32 v58, v1  }
0x207: {  	[tilespmem:s24+$0x180] =	vst v3;
	v3 =	vmul.f32 v59, v1  }
0x208: {  	[tilespmem:s24+$0x190] =	vst v2;
	v2 =	vmul.f32 v60, v1  }
0x209: {  	[tilespmem:s24+$0x1A0] =	vst v3;
	v3 =	vmul.f32 v61, v1  }
0x20a: {  	[tilespmem:s24+$0x1B0] =	vst v2;
	v2 =	vmul.f32 v62, v1  }
0x20b: {  	v1 =	vmul.f32 v63, v1;
	[tilespmem:s24+$0x1C0] =	vst v3  }
0x20c: {  	[tilespmem:s24+$0x1D0] =	vst v2  }
0x20d: {  	s0 =	simm.s32 $0x4DD0;
	[tilespmem:s24+$0x1E0] =	vst v1  }
0x20e: {  	[spmem:s2] =	stream.indirect.scatter.add.f32 [tilespmem:s17], [sflag:$0x3], $0x80, s0, s16, $0xb8;
	[tilespmem:$0x1FDB0] =	vst v63  }
0x20f: {  	_ =	swait.ge [sflag:s11], $0x2800  }
0x210: {  	s23 =	sadd.s32 $0x1, s23;
	[sflag:s11] =	ssyncset.done $0x0  }
0x211: {  	p1 =	sne.s32 s23, s10;
	[sflag:s11] =	ssyncadd.s32 $0xFFFFD800  }
.Ltmp4:
0x212: {  	s0 =	simm.s32 @!p0 $0x3;
	[bflag:$0x0] =	sbarrier.arrive $0xFFFF;
	(pc) =	sbr.rel @p1 .LBB2_1-.Ltmp4, $4  }
0x213: {  	[hbm:s9], [sflag:s14] =	dma.local @!p0 [spmem:s22], $0x3E80  }
0x214: {  	_ =	swait.ge @!p0 [sflag:s0], $0x3E80  }
0x215: {  	[sflag:s0] =	ssyncset.done @!p0 $0x0  }
0x216: {  	[sflag:s0] =	ssyncadd.s32 @!p0 $0xFFFFC180  }
0x217: {  	_ =	sfence.sel $0x180000  }
0x218: {  	[bflag:$0x0] =	sbarrier.arrive $0xFFFF  }
0x219: {  	_ =	strace $0x9000004D  }
0x21a: {  	s0 =	stileid.u32;
	[bflag:$0x2] =	sbarrier.arrive $0xFFFF  }
0x21b: {  	p0 =	sne.s32 s0, $0x0;
	s0 =	rddreg [dreg:$0x4]  }
0x21c: {  	s0 =	sadd.s32 @!p0 $0x100000, s0  }
0x21d: {  	[sflag:s0] =	ssyncadd.tile.s32 @!p0 $0x1;
	_ =	shalt  }
.Lfunc_end2:
_tile_overlayer_lowered:
.L_overlay_start_2:
0x21e: {  	(tag) =	ssettag $0x2  }
0x21f: {  	s0 =	rddreg [dreg:$0x0];
	s2 =	stileid.u32  }
0x220: {  	s1 =	rddreg [dreg:$0x1];
	p0 =	sne.s32 s2, $0x0  }
0x221: {  	s3 =	rddreg [dreg:$0x2];
	[bflag:$0x3] =	sbarrier.arrive $0xFFFF;
	s2 =	simm.s32 @!p0 $0x1C03  }
0x222: {  	[timem:s3], [sflag:s2] =	dma.local @!p0 [hbm:s0], s1  }
0x223: {  	s0 =	simm.s32 @!p0 $0x3  }
0x224: {  	_ =	swait.ge @!p0 [sflag:s0], s1  }
0x225: {  	s1 =	ssub.s32 @!p0 $0x0, s1;
	[sflag:s0] =	ssyncset.done @!p0 $0x0  }
0x226: {  	[sflag:s0] =	ssyncadd.s32 @!p0 s1  }
0x227: {  	[bflag:$0x3] =	sbarrier.arrive $0xFFFF  }
0x228: {  	_ =	shalt  }

// kernel: kernel.19.cloned.1.call-start
scs
__scs_entry_jumppad:
0x0: {  	(pc) =	sbr.rel $0x88, $3  }
0x1: {  	(tag) =	ssettag $0x0;
	lr =	simm.s32 $0x1  }
0x2: {  	[smem:$0x3F98] =	sst lr;
	_ =	strace $0xD0000000  }
0x3: {  	_ = 	snop  }
0x4: {  	_ = 	snop  }
0x5: {  	_ = 	snop  }
0x6: {  	_ = 	snop  }
0x7: {  	_ = 	snop  }
__scs_overlays_trampoline_lowered:
0x8: {  	[smem:$0x3FA7] =	sst s0  }
0x9: {  	[smem:$0x3FA8] =	sst s1  }
0xa: {  	[smem:$0x3FA9] =	sst s2  }
0xb: {  	[smem:$0x3FAA] =	sst s3  }
0xc: {  	[smem:$0x3FAB] =	sst s4  }
0xd: {  	[smem:$0x3FAC] =	sst s5  }
0xe: {  	[smem:$0x3FAD] =	sst s6  }
0xf: {  	[smem:$0x3FAE] =	sst s7  }
0x10: {  	[smem:$0x3FAF] =	sst s8  }
0x11: {  	[smem:$0x3FB0] =	sst s9;
	s0 =	simm.s32 @!p0 $0x0  }
0x12: {  	s1 =	sld [smem:$0x3F96];
	s0 =	simm.s32 @p0 $0x1  }
0x13: {  	[smem:$0x3FB1] =	sst s0;
	s0 =	simm.s32 @!p1 $0x0  }
0x14: {  	s2 =	sld [smem:$0x3F95];
	s0 =	simm.s32 @p1 $0x1  }
0x15: {  	[smem:$0x3FB2] =	sst s0;
	s0 =	simm.s32 @!p2 $0x0  }
0x16: {  	s3 =	sld [smem:$0x3FDB];
	s0 =	simm.s32 @p2 $0x1  }
0x17: {  	s4 =	simm.s32 $0x1BF5;
	[smem:$0x3FB4] =	sst s0  }
0x18: {  	s0 =	sld [smem:$0x3F97];
	_ =	swait.ge [sflag:s4], $0x0  }
0x19: {  	s7 =	sld [smem:$0x3F98]  }
0x1a: {  	s8 =	sadd.s32 $0xFFFFE003, lr  }
0x1b: {  	s9 =	sadd.s32 $0xFFFFFEF7, lr;
	s5 =	simm.s32 $0xFFFFFFFF;
	p2 =	slt.u32 s8, $0xFFFFF086  }
0x1c: {  	p1 =	slt.u32 s9, $0xF7A;
	s5 =	simm.s32 @!p2 $0x0  }
0x1d: {  	s5 =	simm.s32 @p1 $0x1;
	p0 =	seq.s32 s7, s2  }
0x1e: {  	s7 =	smul.u32 @!p0 $0xF7A, s2;
	p2 =	seq.s32 @!p0 s5, $0x0  }
0x1f: {  	s9 =	smul.u32 $0xF7A, s1;
	s8 =	simm.s32 @!p0 $0x1BF5;
	p2 =	por !p2, p0  }
0x20: {  	[sflag:s8] =	ssyncset.s32 @!p0 $0xFFFFF086;
	s6 =	sadd.s32 @!p0 s3, s7;
	s7 =	simm.s32 @!p0 $0x108  }
0x21: {  	s3 =	sadd.s32 s3, s9;
	s6 =	sadd.s32 @!p0 $0x88, s6;
	s7 =	simm.s32 @p2 $0x1082  }
0x22: {  	[simem:s7], [sflag:s8] =	dma.local @!p0 [hbm:s6], $0xF7A  }
0x23: {  	s9 =	sor.u32 $0xD0000000, s2;
	s6 =	simm.s32 $0x108;
	_ =	swait.ge @!p0 [sflag:s8], $0x0  }
0x24: {  	s3 =	sadd.s32 $0x88, s3;
	s6 =	simm.s32 @!p1 $0x1082;
	[sflag:s4] =	ssyncset.s32 $0xFFFFF086  }
0x25: {  	[simem:s6], [sflag:s4] =	dma.local [hbm:s3], $0xF7A  }
0x26: {  	[smem:$0x3F98] =	sst s1;
	(tag) =	ssettag s2;
	_ =	strace s9  }
0x27: {  	s1 =	sld [smem:$0x3FA8]  }
0x28: {  	s2 =	sld [smem:$0x3FA9]  }
0x29: {  	s4 =	sld [smem:$0x3FAB]  }
0x2a: {  	p0 =	seq.s32 s5, $0x0;
	s5 =	sld [smem:$0x3FAC]  }
0x2b: {  	s6 =	sld [smem:$0x3FAD]  }
0x2c: {  	s7 =	sld [smem:$0x3FAE]  }
0x2d: {  	s3 =	simm.s32 $0x108;
	s8 =	sld [smem:$0x3FAF]  }
0x2e: {  	s3 =	simm.s32 @!p0 $0x1082;
	s9 =	sld [smem:$0x3FB0]  }
0x2f: {  	lr =	sadd.s32 s0, s3;
	s0 =	sld [smem:$0x3FA7]  }
0x30: {  	s3 =	sld [smem:$0x3FAA]  }
0x31: {  	[smem:$0x3FB3] =	sst s10  }
0x32: {  	s10 =	sld [smem:$0x3FB1];
	_ =	sdelay $0x3  }
0x33: {  	p0 =	seq.s32 s10, $0x1;
	s10 =	sld [smem:$0x3FB3];
	_ =	sdelay $0x3  }
0x34: {  	[smem:$0x3FB3] =	sst s10  }
0x35: {  	s10 =	sld [smem:$0x3FB2];
	_ =	sdelay $0x3  }
0x36: {  	p1 =	seq.s32 s10, $0x1;
	s10 =	sld [smem:$0x3FB3];
	_ =	sdelay $0x3  }
0x37: {  	[smem:$0x3FB3] =	sst s10  }
0x38: {  	s10 =	sld [smem:$0x3FB4]  }
0x39: {  	_ = 	snop;
	(pc) =	sbr.ind lr, $3  }
0x3a: {  	_ = 	snop  }
0x3b: {  	_ = 	snop  }
0x3c: {  	p2 =	seq.s32 s10, $0x1;
	s10 =	sld [smem:$0x3FB3]  }
0x3d: {  	_ =	shalt  }
0x3e: {  	_ =	shalt  }
0x3f: {  	_ =	shalt  }
0x40: {  	_ =	shalt  }
0x41: {  	_ =	shalt  }
0x42: {  	_ =	shalt  }
0x43: {  	_ =	shalt  }
0x44: {  	_ =	shalt  }
0x45: {  	_ =	shalt  }
0x46: {  	_ =	shalt  }
0x47: {  	_ =	shalt  }
0x48: {  	_ =	shalt  }
0x49: {  	_ =	shalt  }
0x4a: {  	_ =	shalt  }
0x4b: {  	_ =	shalt  }
0x4c: {  	_ =	shalt  }
0x4d: {  	_ =	shalt  }
0x4e: {  	_ =	shalt  }
0x4f: {  	_ =	shalt  }
0x50: {  	_ =	shalt  }
0x51: {  	_ =	shalt  }
0x52: {  	_ =	shalt  }
0x53: {  	_ =	shalt  }
0x54: {  	_ =	shalt  }
0x55: {  	_ =	shalt  }
0x56: {  	_ =	shalt  }
0x57: {  	_ =	shalt  }
0x58: {  	_ =	shalt  }
0x59: {  	_ =	shalt  }
0x5a: {  	_ =	shalt  }
0x5b: {  	_ =	shalt  }
0x5c: {  	_ =	shalt  }
0x5d: {  	_ =	shalt  }
0x5e: {  	_ =	shalt  }
0x5f: {  	_ =	shalt  }
0x60: {  	_ =	shalt  }
0x61: {  	_ =	shalt  }
0x62: {  	_ =	shalt  }
0x63: {  	_ =	shalt  }
0x64: {  	_ =	shalt  }
0x65: {  	_ =	shalt  }
0x66: {  	_ =	shalt  }
0x67: {  	_ =	shalt  }
0x68: {  	_ =	shalt  }
0x69: {  	_ =	shalt  }
0x6a: {  	_ =	shalt  }
0x6b: {  	_ =	shalt  }
0x6c: {  	_ =	shalt  }
0x6d: {  	_ =	shalt  }
0x6e: {  	_ =	shalt  }
0x6f: {  	_ =	shalt  }
0x70: {  	_ =	shalt  }
0x71: {  	_ =	shalt  }
0x72: {  	_ =	shalt  }
0x73: {  	_ =	shalt  }
0x74: {  	_ =	shalt  }
0x75: {  	_ =	shalt  }
0x76: {  	_ =	shalt  }
0x77: {  	_ =	shalt  }
0x78: {  	_ =	shalt  }
0x79: {  	_ =	shalt  }
0x7a: {  	_ =	shalt  }
0x7b: {  	_ =	shalt  }
0x7c: {  	_ =	shalt  }
0x7d: {  	_ =	shalt  }
0x7e: {  	_ =	shalt  }
0x7f: {  	_ =	shalt  }
0x80: {  	_ =	shalt  }
0x81: {  	_ =	shalt  }
0x82: {  	_ =	shalt  }
0x83: {  	_ =	shalt  }
0x84: {  	_ =	shalt  }
0x85: {  	_ =	shalt  }
0x86: {  	_ =	shalt  }
0x87: {  	_ =	shalt  }
.Lfunc_end0:
.L_simem_size_0:
called_computation.3_lowered:
.L_overlay_start_0:
0x88: {  	s2 =	sld [smem:$0x3FD9]  }
0x89: {  	s3 =	sld [smem:$0x3FFE];
	_ =	sdelay $0x1  }
0x8a: {  	s1 =	srdreg.scid  }
0x8b: {  	s0 =	sand.u32 $0x1, s1  }
0x8c: {  	s17 =	sshll.u32 s0, $0xA;
	s2 =	sadd.s32 s3, s2  }
0x8d: {  	s2 =	sadd.s32 s2, s17  }
0x8e: {  	[smem:$0x3FBF] =	sst s2  }
0x8f: {  	_ = 	snop  }
0x90: {  	s2 =	sld [smem:$0x3FC7]  }
0x91: {  	s18 =	sld [smem:$0x3FD0];
	(tm) =	ssettm $0x1  }
0x92: {  	s4 =	sld [smem:$0x3FFB];
	_ =	sdelay $0x3  }
0x93: {  	_ =	strace s4  }
0x94: {  	s4 =	sld [smem:$0x3FFC];
	_ =	sdelay $0x3  }
0x95: {  	_ =	strace s4  }
0x96: {  	s4 =	sld [smem:$0x3FFD];
	_ =	sdelay $0x3  }
0x97: {  	_ =	strace s4  }
0x98: {  	_ =	strace $0x8FFFFFFF  }
0x99: {  	s19 =	sld [smem:$0x3FDB];
	_ =	sdelay $0x1  }
0x9a: {  	s5 =	simm.s32 $_scs_section_size  }
0x9b: {  	s6 =	simm.s32 $_size__tile_overlayer_lowered;
	s7 =	simm.s32 $_tile_overlayer_lowered  }
0x9c: {  	s22 =	simm.s32 $0x1BFF;
	s21 =	sshll.u32 s7, $0x1;
	s4 =	sadd.s32 s5, s19  }
0x9d: {  	s8 =	simm.s32 $0x0;
	s20 =	sshll.u32 s6, $0x1;
	s6 =	sadd.s32 s21, s4  }
0x9e: {  	[timem:s8], [sflag:s22] =	dma.local [hbm:s6], s20  }
0x9f: {  	_ =	swait.ge [sflag:s22], s20  }
0xa0: {  	s5 =	ssub.s32 $0x0, s20;
	[sflag:s22] =	ssyncset.done $0x0  }
0xa1: {  	[sflag:s22] =	ssyncadd.s32 s5;
	_ =	sdelay $0x1  }
0xa2: {  	s23 =	simm.s32 $0x1B8B  }
0xa3: {  	_ =	swait.ge [sflag:s23], $0x1  }
0xa4: {  	[sflag:s23] =	ssyncset.done $0x0  }
0xa5: {  	s25 =	simm.s32 $0x1B8E;
	s24 =	sld [smem:$0x3FFE];
	[sflag:s23] =	ssyncadd.s32 $0xFFFFFFFF  }
0xa6: {  	s26 =	simm.s32 $execute0_lowered;
	[smem:$0x3FD2] =	sst s25  }
0xa7: {  	s6 =	sshll.u32 s26, $0x1;
	_ =	strace $0x8000004F;
	[dreg:$0x1] =	wrdreg $0xFFFFFFFF  }
0xa8: {  	s28 =	simm.s32 $_size_execute0_lowered;
	s4 =	sadd.s32 s4, s6;
	[dreg:$0x0] =	wrdreg $0x0  }
0xa9: {  	s6 =	sshll.u32 s28, $0x1;
	[dreg:$0x2] =	wrdreg s4  }
0xaa: {  	[dreg:$0x3] =	wrdreg s6  }
0xab: {  	[dreg:$0x4] =	wrdreg $0xC0  }
0xac: {  	_ =	task [dreg:s8], $0x5FFFF  }
0xad: {  	[dreg:$0x1] =	wrdreg $0xFFFFFFFF  }
0xae: {  	[dreg:$0x0] =	wrdreg $0x60  }
0xaf: {  	[dreg:$0x2] =	wrdreg s24  }
0xb0: {  	[dreg:$0x3] =	wrdreg s18  }
0xb1: {  	[dreg:$0x4] =	wrdreg s2  }
0xb2: {  	[dreg:$0x5] =	wrdreg $0xC5300  }
0xb3: {  	[dreg:$0x6] =	wrdreg $0x9  }
0xb4: {  	_ =	task.clear_ibuf [dreg:s8], $0x7FFFF;
	_ =	strace $0x9000004F  }
0xb5: {  	s29 =	simm.s32 $0x9;
	_ =	strace $0x80000051  }
0xb6: {  	_ =	swait.ge [sflag:s29], $0x1  }
0xb7: {  	[sflag:s29] =	ssyncadd.s32 $0xFFFFFFFF  }
0xb8: {  	_ =	strace $0x90000051  }
0xb9: {  	_ =	sfence  }
0xba: {  	s30 =	sld [smem:$0x0];
	_ =	sdelay $0x2  }
0xbb: {  	s31 =	sshll.u32 s1, $0xD;
	s1 =	sshrl.u32 s1, $0x2  }
0xbc: {  	s3 =	sand.u32 $0x4000, s31;
	s1 =	sadd.s32 s1, s30  }
0xbd: {  	s0 =	sor.u32 s3, s0;
	s1 =	sshll.u32 s1, $0x11  }
0xbe: {  	s0 =	sor.u32 s1, s0  }
0xbf: {  	s0 =	sadd.s32 $0x8F2B, s0  }
0xc0: {  	[sflag:s0] =	ssyncadd.remote.s32 $0x1  }
0xc1: {  	_ =	sfence.sel $0xFFFF  }
0xc2: {  	[dreg:$0x0] =	wrdreg $0xFFFFFFFF;
	(pc) =	sbr.abs _section_cstart, $3  }
0xc3: {  	[dreg:$0x1] =	wrdreg $0xFFFFFFFF  }
0xc4: {  	_ =	task.clear_ibuf [dreg:s8], $0x2FFFF;
	_ =	strace $0x9FFFFFFF  }
0xc5: {  	(tm) =	ssettm $0x7FFFFFFF  }
tec
execute0_lowered:
.L_overlay_start_1:
0x0: {  	(tag) =	ssettag $0x1  }
0x1: {  	s5 =	rddreg [dreg:$0x0]  }
0x2: {  	s6 =	rddreg [dreg:$0x1]  }
0x3: {  	s1 =	srdreg.scid;
	s8 =	rddreg [dreg:$0x2]  }
0x4: {  	s0 =	stileid.u32;
	s2 =	rddreg [dreg:$0x3]  }
0x5: {  	s3 =	simm.s32 $0x0;
	s17 =	simm.s32 $0x7530;
	s18 =	simm.s32 $0x9D30  }
0x6: {  	s19 =	simm.s32 $0x1;
	s20 =	simm.s32 $0x2;
	s23 =	simm.s32 $0x0  }
0x7: {  	s7 =	sand.u32 $0x1, s1;
	s29 =	sshll.u32 s0, $0x1;
	s10 =	smul.u32 $0x1F400, s0  }
0x8: {  	[smem:$0x7FF] =	sst s3;
	s4 =	sadd.s32 $0xC600, s5;
	s12 =	smul.u32 $0x3E80, s0  }
0x9: {  	s15 =	smul.u32 $0x7D000, s0;
	p0 =	sgt.u32 s0, $0x9;
	s1 =	sor.u32 s7, s29  }
0xa: {  	s11 =	smul.u32 $0x27100, s7;
	_ =	strace $0x80000050;
	s7 =	ssub.s32 $0x2, s7  }
0xb: {  	s9 =	smul.u32 $0x4E2, s1;
	s14 =	sshrl.u32 s10, $0x3;
	s30 =	sshrl.u32 s7, $0x1  }
0xc: {  	s16 =	sadd.s32 s10, s2;
	s31 =	sshrl.u32 s15, $0x2;
	s14 =	sadd.s32 s14, s5  }
0xd: {  	s11 =	sadd.s32 s12, s11;
	s12 =	ssub.s32 s7, s30;
	s22 =	sadd.s32 s31, s2  }
0xe: {  	s15 =	sshrl.u32 @!p0 s16, $0x3;
	s16 =	simm.s32 $0x50;
	s13 =	sadd.s32 s9, s5  }
0xf: {  	s11 =	sadd.s32 s11, s5;
	s5 =	sadd.s32 s6, s9;
	s7 =	sadd.s32 s8, s9  }
0x10: {  	s8 =	sadd.s32 $0x33800, s14;
	s10 =	smax.u32 s12, $0x1;
	s14 =	sshll.u32 @!p0 s0, $0x6  }
0x11: {  	v0 =	vimm.s32 $0x0;
	vm0 =	vcmask $0x300;
	s22 =	sshrl.u32 @!p0 s22, $0x3;
	s6 =	sadd.s32 $0x2800, s13;
	s9 =	sadd.s32 $0x5AA00, s11  }
0x12: {  	v0 =	vsel vm0, $0x3, v0;
	s11 =	simm.s32 $0x3;
	s13 =	simm.s32 $0x4E20;
	s14 =	sor.u32 @!p0 $0x1C03, s14  }
.LBB2_1:
0x13: {  	[tilespmem:s3], [sflag:$0x3] =	stream.linear.gather [hbm4b:s5+s3], $0x2710, $0x38;
	[tilespmem:$0x1FDB0] =	vst v63  }
0x14: {  	_ =	swait.ge [sflag:s11], $0x2710  }
0x15: {  	[sflag:s11] =	ssyncset.done $0x0  }
0x16: {  	s0 =	simm.s32 $0x2710;
	[sflag:s11] =	ssyncadd.s32 $0xFFFFD8F0  }
0x17: {  	[tilespmem:s0], [sflag:$0x3] =	stream.linear.gather [hbm4b:s6+s3], $0x2710, $0x38;
	[tilespmem:$0x1FDB0] =	vst v63  }
0x18: {  	_ =	swait.ge [sflag:s11], $0x2710  }
0x19: {  	[sflag:s11] =	ssyncset.done $0x0  }
0x1a: {  	[sflag:s11] =	ssyncadd.s32 $0xFFFFD8F0  }
0x1b: {  	[tilespmem:s13], [sflag:$0x3] =	stream.linear.gather [hbm4b:s7+s3], $0x2710, $0x38;
	[tilespmem:$0x1FDB0] =	vst v63  }
0x1c: {  	_ =	swait.ge [sflag:s11], $0x2710  }
0x1d: {  	[sflag:s11] =	ssyncset.done $0x0  }
0x1e: {  	s24 =	simm.s32 @!p0 $0x3;
	[sflag:s11] =	ssyncadd.s32 $0xFFFFD8F0  }
0x1f: {  	[spmem:s15], [sflag:s14] =	dma.local @!p0 [hbm:s8], $0x3E80  }
0x20: {  	_ =	swait.ge @!p0 [sflag:s24], $0x3E80  }
0x21: {  	[sflag:s24] =	ssyncset.done @!p0 $0x0  }
0x22: {  	[sflag:s24] =	ssyncadd.s32 @!p0 $0xFFFFC180  }
0x23: {  	s25 =	simm.s32 $0x0;
	s24 =	simm.s32 $0x0;
	[bflag:$0x0] =	sbarrier.arrive $0xFFFF  }
0x24: {  	[tilespmem:s17], [sflag:$0x1] =	stream.indirect.gather [hbm4b:s4+s16], $0x80, s3, s16, $0xb8;
	[tilespmem:$0x1FDB0] =	vst v63  }
.LBB2_2:
0x25: {  	s29 =	sadd.s32 $0xFFFFFFF8, s24;
	s31 =	smul.u32 $0xA0, s25  }
0x26: {  	s26 =	sadd.s32 $0xF, s29  }
0x27: {  	v1 =	vmov s26;
	s26 =	sadd.s32 $0x50, s31  }
0x28: {  	[tilespmem:s18], [sflag:$0x2] =	stream.indirect.gather [hbm4b:s4+s16], $0x80, s26, s16, $0xb8;
	[tilespmem:$0x1FDB0] =	vst v63  }
0x29: {  	s28 =	sadd.s32 $0x9, s29;
	_ =	swait.ge [sflag:s19], $0x2800  }
0x2a: {  	v2 =	vmov s28;
	s28 =	sadd.s32 $0xA, s29;
	[sflag:s19] =	ssyncset.done $0x0  }
0x2b: {  	v3 =	vmov s28;
	s28 =	simm.s32 $0x7730;
	[sflag:s19] =	ssyncadd.s32 $0xFFFFD800  }
0x2c: {  	v8 =	vld [tilespmem:s28+$0x1F0]  }
0x2d: {  	v11 =	vld [tilespmem:s28+$0xFFFFFE00]  }
0x2e: {  	s30 =	sadd.s32 $0x8, s29;
	v12 =	vld [tilespmem:s28+$0xFFFFFE10]  }
0x2f: {  	v4 =	vmov s30;
	v13 =	vld [tilespmem:s28+$0xFFFFFE20]  }
0x30: {  	v4 =	vshrl.u32 v4, $0x3;
	v5 =	vld [tilespmem:s28+$0xFFFFFE30]  }
0x31: {  	v2 =	vshrl.u32 v2, $0x3;
	v4 =	vshll.u32 v4, v0;
	v6 =	vld [tilespmem:s28+$0xFFFFFE40]  }
0x32: {  	v1 =	vshrl.u32 v1, $0x3;
	v2 =	vshll.u32 v2, v0;
	v4 =	vbroadcast v4, $0x0;
	v9 =	vld [tilespmem:s28+$0xFFFFFE50]  }
0x33: {  	v1 =	vshll.u32 v1, v0;
	v2 =	vadd.s32 $0x1, v2;
	v7 =	vld [tilespmem:s28+$0xFFFFFE60]  }
0x34: {  	v1 =	vadd.s32 $0x7, v1;
	v2 =	vbroadcast v2, $0x0;
	v10 =	vld [tilespmem:s28+$0xFFFFFE80]  }
0x35: {  	v1 =	vbroadcast v1, $0x0;
	v14 =	vld [tilespmem:s28+$0xFFFFFE90]  }
0x36: {  	v15 =	vld [tilespmem:s28+$0xFFFFFEA0]  }
0x37: {  	v16 =	vld [tilespmem:s28+$0xFFFFFEB0]  }
0x38: {  	v4 =	vld.idx.msk [tilespmem:v4+s13+$0x0], $0xffff  }
0x39: {  	v3 =	vshrl.u32 v3, $0x3;
	v17 =	vld [tilespmem:s28+$0xFFFFFEC0]  }
0x3a: {  	v3 =	vshll.u32 v3, v0;
	v2 =	vld.idx.msk [tilespmem:v2+s13+$0x0], $0xffff  }
0x3b: {  	v3 =	vadd.s32 $0x2, v3;
	v1 =	vld.idx.msk [tilespmem:v1+s13+$0x0], $0xffff  }
0x3c: {  	v3 =	vbroadcast v3, $0x0;
	v19 =	vld [tilespmem:s28+$0xFFFFFED0]  }
0x3d: {  	v20 =	vld [tilespmem:s28+$0xFFFFFEE0];
	v11 =	vmul.f32 v11, v4  }
0x3e: {  	v53 =	vld [tilespmem:s28+$0xFFFFFEF0];
	v13 =	vmul.f32 v13, v4  }
0x3f: {  	v54 =	vld [tilespmem:s28+$0xFFFFFF70];
	v18 =	vmul.f32 v10, v2;
	[tilespmem:s28+$0xFFFFFE00] =	vst v11  }
0x40: {  	s30 =	sadd.s32 $0xB, s29;
	v55 =	vld [tilespmem:s28+$0xFFFFFF80];
	v8 =	vmul.f32 v8, v1;
	[tilespmem:s28+$0xFFFFFE20] =	vst v13  }
0x41: {  	v56 =	vld [tilespmem:s28+$0xFFFFFFD0];
	v10 =	vmov s30;
	v17 =	vmul.f32 v17, v2;
	[tilespmem:s28+$0xFFFFFE80] =	vst v18  }
0x42: {  	v3 =	vld.idx.msk [tilespmem:v3+s13+$0x0], $0xffff;
	v19 =	vmul.f32 v19, v2;
	v21 =	vshrl.u32 v10, $0x3;
	[tilespmem:s28+$0x1F0] =	vst v8  }
0x43: {  	v52 =	vshll.u32 v21, v0;
	v8 =	vmul.f32 v12, v4;
	v12 =	vld [tilespmem:s28+$0xFFFFFF00];
	[tilespmem:s28+$0xFFFFFEC0] =	vst v17  }
0x44: {  	v58 =	vld [tilespmem:s28+$0x40];
	v13 =	vmul.f32 v15, v2;
	[tilespmem:s28+$0xFFFFFED0] =	vst v19;
	v18 =	vadd.s32 $0x3, v52  }
0x45: {  	v11 =	vld [tilespmem:s28+$0xFFFFFF10];
	v18 =	vbroadcast v18, $0x0;
	[tilespmem:s28+$0xFFFFFE10] =	vst v8;
	v8 =	vmul.f32 v14, v2  }
0x46: {  	v17 =	vmul.f32 v20, v2;
	[tilespmem:s28+$0xFFFFFEA0] =	vst v13;
	v14 =	vld [tilespmem:s28+$0xFFFFFF20]  }
0x47: {  	v15 =	vld [tilespmem:s28+$0xFFFFFF30];
	[tilespmem:s28+$0xFFFFFE90] =	vst v8;
	v8 =	vmul.f32 v16, v2  }
0x48: {  	s30 =	sadd.s32 $0xC, s29;
	[tilespmem:s28+$0xFFFFFEE0] =	vst v17;
	v16 =	vld [tilespmem:s28+$0xFFFFFF40];
	v12 =	vmul.f32 v12, v3  }
0x49: {  	v22 =	vmov s30;
	v2 =	vmul.f32 v53, v2;
	[tilespmem:s28+$0xFFFFFEB0] =	vst v8;
	v8 =	vld [tilespmem:s28+$0xFFFFFF60]  }
0x4a: {  	v13 =	vld [tilespmem:s28+$0xFFFFFF50];
	v11 =	vmul.f32 v11, v3;
	[tilespmem:s28+$0xFFFFFF00] =	vst v12;
	v12 =	vshrl.u32 v22, $0x3  }
0x4b: {  	[tilespmem:s28+$0xFFFFFEF0] =	vst v2;
	v2 =	vmul.f32 v14, v3;
	v18 =	vld.idx.msk [tilespmem:v18+s13+$0x0], $0xffff;
	v12 =	vshll.u32 v12, v0  }
0x4c: {  	v17 =	vld [tilespmem:s28+$0xFFFFFF90];
	[tilespmem:s28+$0xFFFFFF10] =	vst v11;
	v11 =	vmul.f32 v15, v3;
	v12 =	vadd.s32 $0x4, v12  }
0x4d: {  	v14 =	vld [tilespmem:s28+$0xFFFFFFA0];
	[tilespmem:s28+$0xFFFFFF20] =	vst v2;
	v2 =	vmul.f32 v16, v3;
	v12 =	vbroadcast v12, $0x0  }
0x4e: {  	v59 =	vld [tilespmem:s28+$0x50];
	[tilespmem:s28+$0xFFFFFF30] =	vst v11;
	v8 =	vmul.f32 v8, v3  }
0x4f: {  	v15 =	vld [tilespmem:s28+$0xFFFFFFB0];
	v13 =	vmul.f32 v13, v3;
	[tilespmem:s28+$0xFFFFFF40] =	vst v2;
	v3 =	vmul.f32 v54, v3  }
0x50: {  	s30 =	sadd.s32 $0xD, s29;
	v2 =	vld [tilespmem:s28+$0xFFFFFFE0];
	v11 =	vmul.f32 v55, v18;
	[tilespmem:s28+$0xFFFFFF60] =	vst v8  }
0x51: {  	v57 =	vmov s30;
	v16 =	vld [tilespmem:s28+$0xFFFFFFC0];
	[tilespmem:s28+$0xFFFFFF70] =	vst v3  }
0x52: {  	v8 =	vmul.f32 v17, v18;
	v3 =	vmul.f32 v14, v18;
	v14 =	vld [tilespmem:s28+$0x10];
	[tilespmem:s28+$0xFFFFFF80] =	vst v11;
	v11 =	vshrl.u32 v57, $0x3  }
0x53: {  	[tilespmem:s28+$0xFFFFFF50] =	vst v13;
	v12 =	vld.idx.msk [tilespmem:v12+s13+$0x0], $0xffff;
	v11 =	vshll.u32 v11, v0  }
0x54: {  	v13 =	vld [tilespmem:s28+$0xFFFFFFF0];
	[tilespmem:s28+$0xFFFFFF90] =	vst v8;
	v8 =	vmul.f32 v15, v18;
	v11 =	vadd.s32 $0x5, v11  }
0x55: {  	v17 =	vld [tilespmem:s28+$0x0];
	[tilespmem:s28+$0xFFFFFFA0] =	vst v3;
	v2 =	vmul.f32 v2, v18;
	v11 =	vbroadcast v11, $0x0  }
0x56: {  	v3 =	vmul.f32 v16, v18;
	v16 =	vld [tilespmem:s28+$0x30];
	[tilespmem:s28+$0xFFFFFFB0] =	vst v8;
	v8 =	vmul.f32 v56, v18  }
0x57: {  	v61 =	vld [tilespmem:s28+$0xB0];
	[tilespmem:s28+$0xFFFFFFE0] =	vst v2  }
0x58: {  	s29 =	sadd.s32 $0xE, s29;
	[tilespmem:s28+$0xFFFFFFD0] =	vst v8;
	v8 =	vld [tilespmem:s28+$0x60];
	v2 =	vmul.f32 v14, v12  }
0x59: {  	v15 =	vld [tilespmem:s28+$0x20];
	[tilespmem:s28+$0xFFFFFFC0] =	vst v3;
	v3 =	vmov s29  }
0x5a: {  	v60 =	vshrl.u32 v3, $0x3;
	v17 =	vmul.f32 v17, v12;
	v14 =	vld [tilespmem:s28+$0x70];
	[tilespmem:s28+$0x10] =	vst v2  }
0x5b: {  	v2 =	vmul.f32 v16, v12;
	v3 =	vld.idx.msk [tilespmem:v11+s13+$0x0], $0xffff;
	v11 =	vmul.f32 v13, v18;
	v13 =	vshll.u32 v60, v0  }
0x5c: {  	v62 =	vld [tilespmem:s28+$0xC0];
	[tilespmem:s28+$0x0] =	vst v17;
	v13 =	vadd.s32 $0x6, v13  }
0x5d: {  	v17 =	vld [tilespmem:s28+$0xA0];
	v8 =	vmul.f32 v8, v12;
	[tilespmem:s28+$0x30] =	vst v2;
	v13 =	vbroadcast v13, $0x0  }
0x5e: {  	v2 =	vmul.f32 v59, v12;
	[tilespmem:s28+$0xFFFFFFF0] =	vst v11;
	v11 =	vmul.f32 v15, v12;
	v15 =	vld [tilespmem:s28+$0x80]  }
0x5f: {  	v16 =	vld [tilespmem:s28+$0x90];
	[tilespmem:s28+$0x60] =	vst v8  }
0x60: {  	v63 =	vld [tilespmem:s28+$0xD0];
	v14 =	vmul.f32 v14, v12;
	[tilespmem:s28+$0x50] =	vst v2  }
0x61: {  	v10 =	vld [tilespmem:s28+$0xFFFFFE70];
	[tilespmem:s28+$0x20] =	vst v11;
	v11 =	vmul.f32 v58, v12  }
0x62: {  	v12 =	vld [tilespmem:s28+$0xE0];
	[tilespmem:s28+$0x70] =	vst v14;
	v14 =	vmul.f32 v17, v3  }
0x63: {  	v5 =	vmul.f32 v5, v4;
	[tilespmem:s28+$0x40] =	vst v11;
	v11 =	vmul.f32 v15, v3;
	v2 =	vld.idx.msk [tilespmem:v13+s13+$0x0], $0xffff  }
0x64: {  	v7 =	vmul.f32 v7, v4;
	v15 =	vmul.f32 v16, v3;
	[tilespmem:s28+$0xA0] =	vst v14;
	v13 =	vld [tilespmem:s28+$0xF0]  }
0x65: {  	v8 =	vmul.f32 v6, v4;
	v16 =	vmul.f32 v61, v3;
	[tilespmem:s28+$0x80] =	vst v11;
	v11 =	vld [tilespmem:s28+$0x100]  }
0x66: {  	v6 =	vmul.f32 v9, v4;
	v9 =	vld [tilespmem:s28+$0x110];
	[tilespmem:s28+$0x90] =	vst v15;
	v15 =	vmul.f32 v62, v3  }
0x67: {  	s30 =	simm.s32 $0x0;
	s29 =	simm.s32 $0x7730;
	v4 =	vmul.f32 v10, v4;
	v10 =	vld [tilespmem:s28+$0x120];
	v14 =	vmul.f32 v63, v3;
	[tilespmem:s28+$0xB0] =	vst v16  }
.LBB2_3:
0x68: {  	s31 =	sadd.s32 s30, s24;
	s30 =	sadd.s32 $0x8, s30;
	[tilespmem:s28+$0xC0] =	vst v15;
	v12 =	vmul.f32 v12, v3;
	v15 =	vld [tilespmem:s28+$0x130]  }
0x69: {  	s1 =	sadd.s32 $0x9, s31;
	s0 =	sadd.s32 $0xF, s31;
	p1 =	slt.u32 s30, $0x48;
	[tilespmem:s28+$0xD0] =	vst v14;
	v3 =	vmul.f32 v13, v3;
	v13 =	vld [tilespmem:s28+$0x140]  }
0x6a: {  	s12 =	sadd.s32 $0xB, s31;
	s21 =	sadd.s32 $0xC, s31;
	v14 =	vmov s1;
	s1 =	sadd.s32 $0xA, s31;
	v16 =	vmov s0;
	[tilespmem:s28+$0xE0] =	vst v12;
	v11 =	vmul.f32 v11, v2;
	v12 =	vld [tilespmem:s28+$0x150]  }
0x6b: {  	s0 =	sadd.s32 $0x8, s31;
	v18 =	vmov s12;
	s12 =	sadd.s32 $0xE, s31;
	v17 =	vmov s1;
	s1 =	sadd.s32 $0xD, s31;
	v16 =	vshrl.u32 v16, $0x3;
	[tilespmem:s28+$0xF0] =	vst v3;
	v3 =	vld [tilespmem:s28+$0x160]  }
0x6c: {  	v19 =	vmov s21;
	v20 =	vmov s1;
	v16 =	vshll.u32 v16, v0;
	[tilespmem:s28+$0x100] =	vst v11;
	v11 =	vld [tilespmem:s28+$0x170]  }
0x6d: {  	v14 =	vshrl.u32 v14, $0x3;
	v21 =	vmov s12;
	v16 =	vadd.s32 $0x7, v16;
	[tilespmem:s28+$0xFFFFFE30] =	vst v5;
	v5 =	vld [tilespmem:s28+$0x180]  }
0x6e: {  	v18 =	vshrl.u32 v18, $0x3;
	v17 =	vshrl.u32 v17, $0x3;
	v16 =	vbroadcast v16, $0x0;
	[tilespmem:s28+$0xFFFFFE40] =	vst v8;
	v8 =	vld [tilespmem:s28+$0x190]  }
0x6f: {  	v19 =	vshrl.u32 v19, $0x3;
	v21 =	vshrl.u32 v21, $0x3;
	v20 =	vshrl.u32 v20, $0x3;
	[tilespmem:s28+$0xFFFFFE50] =	vst v6;
	v6 =	vld [tilespmem:s28+$0x1A0]  }
0x70: {  	v22 =	vmov s0;
	v14 =	vshll.u32 v14, v0;
	v17 =	vshll.u32 v17, v0;
	[tilespmem:s28+$0xFFFFFE60] =	vst v7;
	v7 =	vld [tilespmem:s28+$0x1B0]  }
0x71: {  	v18 =	vshll.u32 v18, v0;
	v19 =	vshll.u32 v19, v0;
	v20 =	vshll.u32 v20, v0;
	[tilespmem:s28+$0xFFFFFE70] =	vst v4;
	v4 =	vld [tilespmem:s28+$0x1C0]  }
0x72: {  	v22 =	vshrl.u32 v22, $0x3;
	v14 =	vadd.s32 $0x1, v14;
	v21 =	vshll.u32 v21, v0;
	v23 =	vld [tilespmem:s28+$0x1D0]  }
0x73: {  	v18 =	vadd.s32 $0x3, v18;
	v19 =	vadd.s32 $0x4, v19;
	v17 =	vadd.s32 $0x2, v17;
	v24 =	vld [tilespmem:s28+$0x1E0]  }
0x74: {  	v22 =	vshll.u32 v22, v0;
	v21 =	vadd.s32 $0x6, v21;
	v20 =	vadd.s32 $0x5, v20;
	s28 =	sadd.s32 $0x400, s28;
	v16 =	vld.idx.msk [tilespmem:v16+s13+$0x0], $0xffff  }
0x75: {  	v14 =	vbroadcast v14, $0x0;
	v17 =	vbroadcast v17, $0x0;
	v25 =	vld [tilespmem:s28+$0x1F0]  }
0x76: {  	v18 =	vbroadcast v18, $0x0;
	v19 =	vbroadcast v19, $0x0;
	v26 =	vld [tilespmem:s28+$0xFFFFFE00]  }
0x77: {  	v21 =	vbroadcast v21, $0x0;
	v20 =	vbroadcast v20, $0x0;
	v27 =	vld [tilespmem:s28+$0xFFFFFE10]  }
0x78: {  	v9 =	vmul.f32 v9, v2;
	v22 =	vbroadcast v22, $0x0;
	v28 =	vld [tilespmem:s28+$0xFFFFFE20]  }
0x79: {  	v10 =	vmul.f32 v10, v2;
	v15 =	vmul.f32 v15, v2;
	v29 =	vld [tilespmem:s28+$0xFFFFFE30]  }
0x7a: {  	v13 =	vmul.f32 v13, v2;
	v30 =	vld [tilespmem:s28+$0xFFFFFE40];
	v25 =	vmul.f32 v25, v16;
	[tilespmem:s29+$0x110] =	vst v9  }
0x7b: {  	v12 =	vmul.f32 v12, v2;
	v31 =	vmul.f32 v3, v2;
	v14 =	vld.idx.msk [tilespmem:v14+s13+$0x0], $0xffff;
	[tilespmem:s29+$0x120] =	vst v10  }
0x7c: {  	v11 =	vmul.f32 v11, v2;
	v5 =	vmul.f32 v5, v1;
	v17 =	vld.idx.msk [tilespmem:v17+s13+$0x0], $0xffff;
	[tilespmem:s28+$0x1F0] =	vst v25  }
0x7d: {  	v8 =	vmul.f32 v8, v1;
	v6 =	vmul.f32 v6, v1;
	v10 =	vld.idx.msk [tilespmem:v18+s13+$0x0], $0xffff;
	[tilespmem:s29+$0x130] =	vst v15  }
0x7e: {  	v7 =	vmul.f32 v7, v1;
	v4 =	vmul.f32 v4, v1;
	v9 =	vld.idx.msk [tilespmem:v19+s13+$0x0], $0xffff;
	[tilespmem:s29+$0x140] =	vst v13  }
0x7f: {  	v13 =	vmul.f32 v24, v1;
	v3 =	vld.idx.msk [tilespmem:v20+s13+$0x0], $0xffff;
	[tilespmem:s29+$0x150] =	vst v12;
	v12 =	vmul.f32 v23, v1;
	v1 =	vmov v16  }
0x80: {  	v2 =	vld.idx.msk [tilespmem:v21+s13+$0x0], $0xffff;
	[tilespmem:s29+$0x160] =	vst v31  }
0x81: {  	v15 =	vld.idx.msk [tilespmem:v22+s13+$0x0], $0xffff;
	[tilespmem:s29+$0x170] =	vst v11  }
0x82: {  	v11 =	vld [tilespmem:s28+$0xFFFFFE50];
	[tilespmem:s29+$0x180] =	vst v5  }
0x83: {  	v16 =	vld [tilespmem:s28+$0xFFFFFE60];
	[tilespmem:s29+$0x190] =	vst v8  }
0x84: {  	v18 =	vld [tilespmem:s28+$0xFFFFFE70];
	[tilespmem:s29+$0x1A0] =	vst v6  }
0x85: {  	v19 =	vld [tilespmem:s28+$0xFFFFFE80];
	[tilespmem:s29+$0x1B0] =	vst v7  }
0x86: {  	v20 =	vld [tilespmem:s28+$0xFFFFFE90];
	[tilespmem:s29+$0x1C0] =	vst v4  }
0x87: {  	v4 =	vmul.f32 v26, v15;
	v7 =	vmul.f32 v27, v15;
	v21 =	vld [tilespmem:s28+$0xFFFFFEA0];
	[tilespmem:s29+$0x1D0] =	vst v12  }
0x88: {  	v5 =	vmul.f32 v29, v15;
	v12 =	vmul.f32 v28, v15;
	v22 =	vld [tilespmem:s28+$0xFFFFFEB0];
	[tilespmem:s29+$0x1E0] =	vst v13;
	s29 =	smov.u32 s28  }
0x89: {  	v8 =	vmul.f32 v30, v15;
	v6 =	vmul.f32 v11, v15;
	[tilespmem:s28+$0xFFFFFE00] =	vst v4;
	v11 =	vld [tilespmem:s28+$0xFFFFFEC0]  }
0x8a: {  	[tilespmem:s28+$0xFFFFFE10] =	vst v7;
	v7 =	vmul.f32 v16, v15;
	v13 =	vmul.f32 v19, v14;
	v16 =	vld [tilespmem:s28+$0xFFFFFED0]  }
0x8b: {  	v4 =	vmul.f32 v18, v15;
	[tilespmem:s28+$0xFFFFFE20] =	vst v12;
	v12 =	vmul.f32 v20, v14;
	v15 =	vld [tilespmem:s28+$0xFFFFFEE0]  }
0x8c: {  	[tilespmem:s28+$0xFFFFFE80] =	vst v13;
	v13 =	vmul.f32 v21, v14;
	v18 =	vld [tilespmem:s28+$0xFFFFFEF0]  }
0x8d: {  	[tilespmem:s28+$0xFFFFFE90] =	vst v12;
	v12 =	vmul.f32 v22, v14;
	v19 =	vld [tilespmem:s28+$0xFFFFFF00]  }
0x8e: {  	[tilespmem:s28+$0xFFFFFEA0] =	vst v13;
	v11 =	vmul.f32 v11, v14;
	v13 =	vld [tilespmem:s28+$0xFFFFFF10]  }
0x8f: {  	[tilespmem:s28+$0xFFFFFEB0] =	vst v12;
	v12 =	vmul.f32 v16, v14;
	v16 =	vld [tilespmem:s28+$0xFFFFFF20]  }
0x90: {  	[tilespmem:s28+$0xFFFFFEC0] =	vst v11;
	v11 =	vmul.f32 v15, v14;
	v15 =	vld [tilespmem:s28+$0xFFFFFF30]  }
0x91: {  	[tilespmem:s28+$0xFFFFFED0] =	vst v12;
	v12 =	vmul.f32 v18, v14;
	v14 =	vld [tilespmem:s28+$0xFFFFFF40]  }
0x92: {  	[tilespmem:s28+$0xFFFFFEE0] =	vst v11;
	v11 =	vmul.f32 v19, v17;
	v18 =	vld [tilespmem:s28+$0xFFFFFF50]  }
0x93: {  	[tilespmem:s28+$0xFFFFFEF0] =	vst v12;
	v12 =	vmul.f32 v13, v17;
	v13 =	vld [tilespmem:s28+$0xFFFFFF60]  }
0x94: {  	[tilespmem:s28+$0xFFFFFF00] =	vst v11;
	v11 =	vmul.f32 v16, v17;
	v16 =	vld [tilespmem:s28+$0xFFFFFF70]  }
0x95: {  	[tilespmem:s28+$0xFFFFFF10] =	vst v12;
	v12 =	vmul.f32 v15, v17;
	v15 =	vld [tilespmem:s28+$0xFFFFFF80]  }
0x96: {  	[tilespmem:s28+$0xFFFFFF20] =	vst v11;
	v11 =	vmul.f32 v14, v17;
	v14 =	vld [tilespmem:s28+$0xFFFFFF90]  }
0x97: {  	[tilespmem:s28+$0xFFFFFF30] =	vst v12;
	v12 =	vmul.f32 v18, v17;
	v18 =	vld [tilespmem:s28+$0xFFFFFFA0]  }
0x98: {  	[tilespmem:s28+$0xFFFFFF40] =	vst v11;
	v11 =	vmul.f32 v13, v17;
	v13 =	vld [tilespmem:s28+$0xFFFFFFB0]  }
0x99: {  	[tilespmem:s28+$0xFFFFFF50] =	vst v12;
	v12 =	vmul.f32 v16, v17;
	v16 =	vld [tilespmem:s28+$0xFFFFFFC0]  }
0x9a: {  	[tilespmem:s28+$0xFFFFFF60] =	vst v11;
	v11 =	vmul.f32 v15, v10;
	v15 =	vld [tilespmem:s28+$0xFFFFFFD0]  }
0x9b: {  	[tilespmem:s28+$0xFFFFFF70] =	vst v12;
	v12 =	vmul.f32 v14, v10;
	v14 =	vld [tilespmem:s28+$0xFFFFFFE0]  }
0x9c: {  	[tilespmem:s28+$0xFFFFFF80] =	vst v11;
	v11 =	vmul.f32 v18, v10;
	v17 =	vld [tilespmem:s28+$0xFFFFFFF0]  }
0x9d: {  	[tilespmem:s28+$0xFFFFFF90] =	vst v12;
	v12 =	vmul.f32 v13, v10;
	v13 =	vld [tilespmem:s28+$0x0]  }
0x9e: {  	[tilespmem:s28+$0xFFFFFFA0] =	vst v11;
	v11 =	vmul.f32 v16, v10;
	v16 =	vld [tilespmem:s28+$0x10]  }
0x9f: {  	[tilespmem:s28+$0xFFFFFFB0] =	vst v12;
	v12 =	vmul.f32 v15, v10;
	v15 =	vld [tilespmem:s28+$0x20]  }
0xa0: {  	[tilespmem:s28+$0xFFFFFFC0] =	vst v11;
	v11 =	vmul.f32 v14, v10;
	v14 =	vld [tilespmem:s28+$0x30]  }
0xa1: {  	[tilespmem:s28+$0xFFFFFFD0] =	vst v12;
	v10 =	vmul.f32 v17, v10;
	v12 =	vld [tilespmem:s28+$0x40]  }
0xa2: {  	[tilespmem:s28+$0xFFFFFFE0] =	vst v11;
	v11 =	vmul.f32 v13, v9;
	v13 =	vld [tilespmem:s28+$0x50]  }
0xa3: {  	[tilespmem:s28+$0xFFFFFFF0] =	vst v10;
	v10 =	vmul.f32 v16, v9;
	v16 =	vld [tilespmem:s28+$0x60]  }
0xa4: {  	[tilespmem:s28+$0x0] =	vst v11;
	v11 =	vmul.f32 v15, v9;
	v15 =	vld [tilespmem:s28+$0x70]  }
0xa5: {  	[tilespmem:s28+$0x10] =	vst v10;
	v10 =	vmul.f32 v14, v9;
	v14 =	vld [tilespmem:s28+$0x80]  }
0xa6: {  	[tilespmem:s28+$0x20] =	vst v11;
	v11 =	vmul.f32 v12, v9;
	v12 =	vld [tilespmem:s28+$0x90]  }
0xa7: {  	[tilespmem:s28+$0x30] =	vst v10;
	v10 =	vmul.f32 v13, v9;
	v13 =	vld [tilespmem:s28+$0xA0]  }
0xa8: {  	[tilespmem:s28+$0x40] =	vst v11;
	v11 =	vmul.f32 v16, v9;
	v16 =	vld [tilespmem:s28+$0xB0]  }
0xa9: {  	[tilespmem:s28+$0x50] =	vst v10;
	v9 =	vmul.f32 v15, v9;
	v10 =	vld [tilespmem:s28+$0xC0]  }
0xaa: {  	[tilespmem:s28+$0x60] =	vst v11;
	v11 =	vmul.f32 v14, v3;
	v14 =	vld [tilespmem:s28+$0xD0]  }
.Ltmp0:
0xab: {  	[tilespmem:s28+$0x70] =	vst v9;
	v9 =	vmul.f32 v12, v3;
	v12 =	vld [tilespmem:s28+$0xE0];
	(pc) =	sbr.rel @p1 .LBB2_3-.Ltmp0, $4  }
0xac: {  	[tilespmem:s28+$0x80] =	vst v11;
	v15 =	vmul.f32 v13, v3;
	v13 =	vld [tilespmem:s28+$0xF0]  }
0xad: {  	[tilespmem:s28+$0x90] =	vst v9;
	v16 =	vmul.f32 v16, v3;
	v11 =	vld [tilespmem:s28+$0x100]  }
0xae: {  	[tilespmem:s28+$0xA0] =	vst v15;
	v15 =	vmul.f32 v10, v3;
	v9 =	vld [tilespmem:s28+$0x110]  }
0xaf: {  	[tilespmem:s28+$0xB0] =	vst v16;
	v14 =	vmul.f32 v14, v3;
	v10 =	vld [tilespmem:s28+$0x120]  }
0xb0: {  	[tilespmem:s28+$0xC0] =	vst v15  }
0xb1: {  	[tilespmem:s28+$0xFFFFFE30] =	vst v5  }
0xb2: {  	[tilespmem:s28+$0xFFFFFE40] =	vst v8  }
0xb3: {  	[tilespmem:s28+$0xFFFFFE50] =	vst v6  }
0xb4: {  	[tilespmem:s28+$0xFFFFFE60] =	vst v7  }
0xb5: {  	v12 =	vmul.f32 v12, v3;
	v15 =	vld [tilespmem:s28+$0x130];
	[tilespmem:s28+$0xFFFFFE70] =	vst v4  }
0xb6: {  	[tilespmem:s28+$0xD0] =	vst v14;
	v3 =	vmul.f32 v13, v3;
	v13 =	vld [tilespmem:s28+$0x140]  }
0xb7: {  	[tilespmem:s28+$0xE0] =	vst v12;
	v11 =	vmul.f32 v11, v2;
	v12 =	vld [tilespmem:s28+$0x150]  }
0xb8: {  	[tilespmem:s28+$0xF0] =	vst v3;
	v3 =	vld [tilespmem:s28+$0x160];
	v5 =	vmul.f32 v9, v2  }
0xb9: {  	v6 =	vld [tilespmem:s28+$0x170];
	[tilespmem:s28+$0x100] =	vst v11;
	v4 =	vmul.f32 v10, v2  }
0xba: {  	v7 =	vld [tilespmem:s28+$0x180];
	v8 =	vmul.f32 v15, v2;
	[tilespmem:s29+$0x110] =	vst v5  }
0xbb: {  	v5 =	vld [tilespmem:s28+$0x190];
	v9 =	vmul.f32 v13, v2;
	[tilespmem:s29+$0x120] =	vst v4  }
0xbc: {  	v4 =	vld [tilespmem:s28+$0x1A0];
	v10 =	vmul.f32 v12, v2;
	[tilespmem:s29+$0x130] =	vst v8  }
0xbd: {  	v8 =	vld [tilespmem:s28+$0x1B0];
	v3 =	vmul.f32 v3, v2;
	[tilespmem:s29+$0x140] =	vst v9  }
0xbe: {  	v9 =	vld [tilespmem:s28+$0x1C0];
	v2 =	vmul.f32 v6, v2;
	[tilespmem:s29+$0x150] =	vst v10  }
0xbf: {  	v7 =	vmul.f32 v7, v1;
	v6 =	vld [tilespmem:s28+$0x1D0];
	[tilespmem:s29+$0x160] =	vst v3  }
0xc0: {  	v3 =	vld [tilespmem:s28+$0x1E0];
	v5 =	vmul.f32 v5, v1;
	[tilespmem:s29+$0x170] =	vst v2  }
0xc1: {  	[tilespmem:s29+$0x180] =	vst v7;
	v2 =	vmul.f32 v4, v1  }
0xc2: {  	v4 =	vmul.f32 v8, v1;
	[tilespmem:s29+$0x190] =	vst v5  }
0xc3: {  	v5 =	vmul.f32 v9, v1;
	[tilespmem:s29+$0x1A0] =	vst v2  }
0xc4: {  	s0 =	smul.u32 $0x280, s25;
	v2 =	vmul.f32 v6, v1;
	[tilespmem:s29+$0x1B0] =	vst v4  }
0xc5: {  	v1 =	vmul.f32 v3, v1;
	[tilespmem:s29+$0x1C0] =	vst v5  }
0xc6: {  	s0 =	sshra.s32 s0, $0x2;
	[tilespmem:s29+$0x1D0] =	vst v2  }
0xc7: {  	s12 =	sadd.s32 $0x2710, s0;
	[tilespmem:s29+$0x1E0] =	vst v1  }
0xc8: {  	[spmem:s2] =	stream.indirect.scatter.add.f32 [tilespmem:s17], [sflag:$0x3], $0x80, s12, s16, $0xb8;
	[tilespmem:$0x1FDB0] =	vst v63  }
0xc9: {  	_ =	swait.ge [sflag:s11], $0x2800  }
0xca: {  	s30 =	sadd.s32 $0xFFFFFFF8, s24;
	[sflag:s11] =	ssyncset.done $0x0  }
0xcb: {  	s21 =	sadd.s32 $0x5A, s30;
	s0 =	sadd.s32 $0xA0, s0;
	[sflag:s11] =	ssyncadd.s32 $0xFFFFD800  }
0xcc: {  	v3 =	vmov s21;
	[tilespmem:s17], [sflag:$0x1] =	stream.indirect.gather [hbm4b:s4+s16], $0x80, s0, s16, $0xb8;
	[tilespmem:$0x1FDB0] =	vst v63  }
0xcd: {  	s31 =	sadd.s32 $0x58, s30;
	v3 =	vshrl.u32 v3, $0x3;
	_ =	swait.ge [sflag:s20], $0x2800  }
0xce: {  	v4 =	vmov s31;
	v3 =	vshll.u32 v3, v0;
	[sflag:s20] =	ssyncset.done $0x0  }
0xcf: {  	s28 =	simm.s32 $0x9F30;
	v4 =	vshrl.u32 v4, $0x3;
	v3 =	vadd.s32 $0x2, v3;
	[sflag:s20] =	ssyncadd.s32 $0xFFFFD800  }
0xd0: {  	v4 =	vshll.u32 v4, v0;
	v3 =	vbroadcast v3, $0x0;
	v8 =	vld [tilespmem:s28+$0x1F0]  }
0xd1: {  	v4 =	vbroadcast v4, $0x0;
	v11 =	vld [tilespmem:s28+$0xFFFFFE00]  }
0xd2: {  	v12 =	vld [tilespmem:s28+$0xFFFFFE10]  }
0xd3: {  	s1 =	sadd.s32 $0x5F, s30;
	v13 =	vld [tilespmem:s28+$0xFFFFFE20]  }
0xd4: {  	v1 =	vmov s1;
	s12 =	sadd.s32 $0x59, s30;
	v5 =	vld [tilespmem:s28+$0xFFFFFE30]  }
0xd5: {  	v1 =	vshrl.u32 v1, $0x3;
	v2 =	vmov s12;
	v6 =	vld [tilespmem:s28+$0xFFFFFE40]  }
0xd6: {  	v1 =	vshll.u32 v1, v0;
	v2 =	vshrl.u32 v2, $0x3;
	v3 =	vld.idx.msk [tilespmem:v3+s13+$0x0], $0xffff  }
0xd7: {  	v1 =	vadd.s32 $0x7, v1;
	v2 =	vshll.u32 v2, v0;
	v4 =	vld.idx.msk [tilespmem:v4+s13+$0x0], $0xffff  }
0xd8: {  	v1 =	vbroadcast v1, $0x0;
	v2 =	vadd.s32 $0x1, v2;
	v9 =	vld [tilespmem:s28+$0xFFFFFE50]  }
0xd9: {  	v2 =	vbroadcast v2, $0x0;
	v7 =	vld [tilespmem:s28+$0xFFFFFE60]  }
0xda: {  	v10 =	vld [tilespmem:s28+$0xFFFFFE80]  }
0xdb: {  	v14 =	vld [tilespmem:s28+$0xFFFFFE90]  }
0xdc: {  	v15 =	vld [tilespmem:s28+$0xFFFFFEA0]  }
0xdd: {  	v16 =	vld [tilespmem:s28+$0xFFFFFEB0]  }
0xde: {  	v1 =	vld.idx.msk [tilespmem:v1+s13+$0x0], $0xffff  }
0xdf: {  	v2 =	vld.idx.msk [tilespmem:v2+s13+$0x0], $0xffff  }
0xe0: {  	v17 =	vld [tilespmem:s28+$0xFFFFFEC0]  }
0xe1: {  	v19 =	vld [tilespmem:s28+$0xFFFFFED0];
	v11 =	vmul.f32 v11, v4  }
0xe2: {  	v20 =	vld [tilespmem:s28+$0xFFFFFEE0];
	v13 =	vmul.f32 v13, v4  }
0xe3: {  	v53 =	vld [tilespmem:s28+$0xFFFFFEF0];
	v8 =	vmul.f32 v8, v1;
	[tilespmem:s28+$0xFFFFFE00] =	vst v11  }
0xe4: {  	s1 =	sadd.s32 $0x5B, s30;
	v54 =	vld [tilespmem:s28+$0xFFFFFF70];
	[tilespmem:s28+$0xFFFFFE20] =	vst v13;
	v18 =	vmul.f32 v10, v2  }
0xe5: {  	v55 =	vld [tilespmem:s28+$0xFFFFFF80];
	v10 =	vmov s1;
	[tilespmem:s28+$0x1F0] =	vst v8;
	v8 =	vmul.f32 v12, v4  }
0xe6: {  	v56 =	vld [tilespmem:s28+$0xFFFFFFD0];
	v13 =	vmul.f32 v15, v2;
	v21 =	vshrl.u32 v10, $0x3;
	[tilespmem:s28+$0xFFFFFE80] =	vst v18  }
0xe7: {  	v12 =	vld [tilespmem:s28+$0xFFFFFF00];
	v17 =	vmul.f32 v17, v2;
	v52 =	vshll.u32 v21, v0;
	[tilespmem:s28+$0xFFFFFE10] =	vst v8  }
0xe8: {  	v58 =	vld [tilespmem:s28+$0x40];
	v19 =	vmul.f32 v19, v2;
	[tilespmem:s28+$0xFFFFFEA0] =	vst v13;
	v18 =	vadd.s32 $0x3, v52  }
0xe9: {  	v11 =	vld [tilespmem:s28+$0xFFFFFF10];
	v8 =	vmul.f32 v14, v2;
	[tilespmem:s28+$0xFFFFFEC0] =	vst v17;
	v18 =	vbroadcast v18, $0x0  }
0xea: {  	v14 =	vld [tilespmem:s28+$0xFFFFFF20];
	v17 =	vmul.f32 v20, v2;
	[tilespmem:s28+$0xFFFFFED0] =	vst v19  }
0xeb: {  	v15 =	vld [tilespmem:s28+$0xFFFFFF30];
	[tilespmem:s28+$0xFFFFFE90] =	vst v8;
	v8 =	vmul.f32 v16, v2  }
0xec: {  	s12 =	sadd.s32 $0x5C, s30;
	v16 =	vld [tilespmem:s28+$0xFFFFFF40];
	[tilespmem:s28+$0xFFFFFEE0] =	vst v17;
	v12 =	vmul.f32 v12, v3  }
0xed: {  	v22 =	vmov s12;
	v2 =	vmul.f32 v53, v2;
	[tilespmem:s28+$0xFFFFFEB0] =	vst v8;
	v8 =	vld [tilespmem:s28+$0xFFFFFF60]  }
0xee: {  	v13 =	vld [tilespmem:s28+$0xFFFFFF50];
	v11 =	vmul.f32 v11, v3;
	[tilespmem:s28+$0xFFFFFF00] =	vst v12;
	v12 =	vshrl.u32 v22, $0x3  }
0xef: {  	[tilespmem:s28+$0xFFFFFEF0] =	vst v2;
	v2 =	vmul.f32 v14, v3;
	v12 =	vshll.u32 v12, v0;
	v18 =	vld.idx.msk [tilespmem:v18+s13+$0x0], $0xffff  }
0xf0: {  	v17 =	vld [tilespmem:s28+$0xFFFFFF90];
	[tilespmem:s28+$0xFFFFFF10] =	vst v11;
	v11 =	vmul.f32 v15, v3;
	v12 =	vadd.s32 $0x4, v12  }
0xf1: {  	v14 =	vld [tilespmem:s28+$0xFFFFFFA0];
	[tilespmem:s28+$0xFFFFFF20] =	vst v2;
	v2 =	vmul.f32 v16, v3;
	v12 =	vbroadcast v12, $0x0  }
0xf2: {  	v59 =	vld [tilespmem:s28+$0x50];
	[tilespmem:s28+$0xFFFFFF30] =	vst v11;
	v8 =	vmul.f32 v8, v3  }
0xf3: {  	v13 =	vmul.f32 v13, v3;
	[tilespmem:s28+$0xFFFFFF40] =	vst v2;
	v2 =	vld [tilespmem:s28+$0xFFFFFFE0];
	v3 =	vmul.f32 v54, v3  }
0xf4: {  	s21 =	sadd.s32 $0x5D, s30;
	v15 =	vld [tilespmem:s28+$0xFFFFFFB0];
	[tilespmem:s28+$0xFFFFFF60] =	vst v8;
	v11 =	vmul.f32 v55, v18  }
0xf5: {  	v57 =	vmov s21;
	v16 =	vld [tilespmem:s28+$0xFFFFFFC0];
	[tilespmem:s28+$0xFFFFFF70] =	vst v3  }
0xf6: {  	v8 =	vmul.f32 v17, v18;
	v3 =	vmul.f32 v14, v18;
	v14 =	vld [tilespmem:s28+$0x10];
	[tilespmem:s28+$0xFFFFFF80] =	vst v11;
	v11 =	vshrl.u32 v57, $0x3  }
0xf7: {  	[tilespmem:s28+$0xFFFFFF50] =	vst v13;
	v12 =	vld.idx.msk [tilespmem:v12+s13+$0x0], $0xffff;
	v11 =	vshll.u32 v11, v0  }
0xf8: {  	v13 =	vld [tilespmem:s28+$0xFFFFFFF0];
	v2 =	vmul.f32 v2, v18;
	[tilespmem:s28+$0xFFFFFF90] =	vst v8;
	v11 =	vadd.s32 $0x5, v11  }
0xf9: {  	v17 =	vld [tilespmem:s28+$0x0];
	v8 =	vmul.f32 v15, v18;
	[tilespmem:s28+$0xFFFFFFA0] =	vst v3;
	v11 =	vbroadcast v11, $0x0  }
0xfa: {  	v3 =	vmul.f32 v16, v18;
	v16 =	vld [tilespmem:s28+$0x30];
	[tilespmem:s28+$0xFFFFFFE0] =	vst v2  }
0xfb: {  	v61 =	vld [tilespmem:s28+$0xB0];
	[tilespmem:s28+$0xFFFFFFB0] =	vst v8;
	v8 =	vmul.f32 v56, v18  }
0xfc: {  	s31 =	sadd.s32 $0x5E, s30;
	v15 =	vld [tilespmem:s28+$0x20];
	[tilespmem:s28+$0xFFFFFFC0] =	vst v3;
	v2 =	vmul.f32 v14, v12  }
0xfd: {  	v3 =	vmov s31;
	[tilespmem:s28+$0xFFFFFFD0] =	vst v8;
	v8 =	vld [tilespmem:s28+$0x60]  }
0xfe: {  	v60 =	vshrl.u32 v3, $0x3;
	v17 =	vmul.f32 v17, v12;
	v14 =	vld [tilespmem:s28+$0x70];
	[tilespmem:s28+$0x10] =	vst v2  }
0xff: {  	v2 =	vmul.f32 v16, v12;
	v3 =	vld.idx.msk [tilespmem:v11+s13+$0x0], $0xffff;
	v11 =	vmul.f32 v13, v18;
	v13 =	vshll.u32 v60, v0  }
0x100: {  	v62 =	vld [tilespmem:s28+$0xC0];
	[tilespmem:s28+$0x0] =	vst v17;
	v13 =	vadd.s32 $0x6, v13  }
0x101: {  	v17 =	vld [tilespmem:s28+$0xA0];
	[tilespmem:s28+$0x30] =	vst v2;
	v2 =	vmul.f32 v59, v12;
	v13 =	vbroadcast v13, $0x0  }
0x102: {  	v8 =	vmul.f32 v8, v12;
	[tilespmem:s28+$0xFFFFFFF0] =	vst v11;
	v11 =	vmul.f32 v15, v12;
	v15 =	vld [tilespmem:s28+$0x80]  }
0x103: {  	v16 =	vld [tilespmem:s28+$0x90];
	[tilespmem:s28+$0x50] =	vst v2  }
0x104: {  	v63 =	vld [tilespmem:s28+$0xD0];
	v14 =	vmul.f32 v14, v12;
	[tilespmem:s28+$0x60] =	vst v8  }
0x105: {  	v10 =	vld [tilespmem:s28+$0xFFFFFE70];
	[tilespmem:s28+$0x20] =	vst v11;
	v11 =	vmul.f32 v58, v12  }
0x106: {  	[tilespmem:s28+$0x70] =	vst v14;
	v12 =	vld [tilespmem:s28+$0xE0];
	v14 =	vmul.f32 v17, v3  }
0x107: {  	v5 =	vmul.f32 v5, v4;
	[tilespmem:s28+$0x40] =	vst v11;
	v11 =	vmul.f32 v15, v3;
	v2 =	vld.idx.msk [tilespmem:v13+s13+$0x0], $0xffff  }
0x108: {  	v7 =	vmul.f32 v7, v4;
	v15 =	vmul.f32 v16, v3;
	[tilespmem:s28+$0xA0] =	vst v14;
	v13 =	vld [tilespmem:s28+$0xF0]  }
0x109: {  	v8 =	vmul.f32 v6, v4;
	v16 =	vmul.f32 v61, v3;
	[tilespmem:s28+$0x80] =	vst v11;
	v11 =	vld [tilespmem:s28+$0x100]  }
0x10a: {  	v6 =	vmul.f32 v9, v4;
	v9 =	vld [tilespmem:s28+$0x110];
	[tilespmem:s28+$0x90] =	vst v15;
	v15 =	vmul.f32 v62, v3  }
0x10b: {  	s29 =	simm.s32 $0x9F30;
	s30 =	simm.s32 $0x0;
	v4 =	vmul.f32 v10, v4;
	v10 =	vld [tilespmem:s28+$0x120];
	v14 =	vmul.f32 v63, v3;
	[tilespmem:s28+$0xB0] =	vst v16  }
.LBB2_5:
0x10c: {  	s0 =	sadd.s32 s30, s24;
	s30 =	sadd.s32 $0x8, s30;
	[tilespmem:s28+$0xC0] =	vst v15;
	v12 =	vmul.f32 v12, v3;
	v15 =	vld [tilespmem:s28+$0x130]  }
0x10d: {  	s1 =	sadd.s32 $0x59, s0;
	s12 =	sadd.s32 $0x5F, s0;
	p1 =	slt.u32 s30, $0x48;
	[tilespmem:s28+$0xD0] =	vst v14;
	v3 =	vmul.f32 v13, v3;
	v13 =	vld [tilespmem:s28+$0x140]  }
0x10e: {  	s21 =	sadd.s32 $0x5B, s0;
	s31 =	sadd.s32 $0x5C, s0;
	v14 =	vmov s1;
	s1 =	sadd.s32 $0x5A, s0;
	v16 =	vmov s12;
	[tilespmem:s28+$0xE0] =	vst v12;
	v11 =	vmul.f32 v11, v2;
	v12 =	vld [tilespmem:s28+$0x150]  }
0x10f: {  	s12 =	sadd.s32 $0x58, s0;
	v18 =	vmov s21;
	v17 =	vmov s1;
	s1 =	sadd.s32 $0x5D, s0;
	s0 =	sadd.s32 $0x5E, s0;
	v16 =	vshrl.u32 v16, $0x3;
	[tilespmem:s28+$0xF0] =	vst v3;
	v3 =	vld [tilespmem:s28+$0x160]  }
0x110: {  	v19 =	vmov s31;
	v20 =	vmov s1;
	v16 =	vshll.u32 v16, v0;
	[tilespmem:s28+$0x100] =	vst v11;
	v11 =	vld [tilespmem:s28+$0x170]  }
0x111: {  	v14 =	vshrl.u32 v14, $0x3;
	v21 =	vmov s0;
	v16 =	vadd.s32 $0x7, v16;
	[tilespmem:s28+$0xFFFFFE30] =	vst v5;
	v5 =	vld [tilespmem:s28+$0x180]  }
0x112: {  	v18 =	vshrl.u32 v18, $0x3;
	v17 =	vshrl.u32 v17, $0x3;
	v16 =	vbroadcast v16, $0x0;
	[tilespmem:s28+$0xFFFFFE40] =	vst v8;
	v8 =	vld [tilespmem:s28+$0x190]  }
0x113: {  	v19 =	vshrl.u32 v19, $0x3;
	v20 =	vshrl.u32 v20, $0x3;
	v21 =	vshrl.u32 v21, $0x3;
	[tilespmem:s28+$0xFFFFFE50] =	vst v6;
	v6 =	vld [tilespmem:s28+$0x1A0]  }
0x114: {  	v22 =	vmov s12;
	v14 =	vshll.u32 v14, v0;
	v17 =	vshll.u32 v17, v0;
	[tilespmem:s28+$0xFFFFFE60] =	vst v7;
	v7 =	vld [tilespmem:s28+$0x1B0]  }
0x115: {  	v18 =	vshll.u32 v18, v0;
	v19 =	vshll.u32 v19, v0;
	v20 =	vshll.u32 v20, v0;
	[tilespmem:s28+$0xFFFFFE70] =	vst v4;
	v4 =	vld [tilespmem:s28+$0x1C0]  }
0x116: {  	v22 =	vshrl.u32 v22, $0x3;
	v14 =	vadd.s32 $0x1, v14;
	v21 =	vshll.u32 v21, v0;
	v23 =	vld [tilespmem:s28+$0x1D0]  }
0x117: {  	v18 =	vadd.s32 $0x3, v18;
	v19 =	vadd.s32 $0x4, v19;
	v17 =	vadd.s32 $0x2, v17;
	v24 =	vld [tilespmem:s28+$0x1E0]  }
0x118: {  	v22 =	vshll.u32 v22, v0;
	v20 =	vadd.s32 $0x5, v20;
	v21 =	vadd.s32 $0x6, v21;
	s28 =	sadd.s32 $0x400, s28;
	v16 =	vld.idx.msk [tilespmem:v16+s13+$0x0], $0xffff  }
0x119: {  	v14 =	vbroadcast v14, $0x0;
	v17 =	vbroadcast v17, $0x0;
	v25 =	vld [tilespmem:s28+$0x1F0]  }
0x11a: {  	v18 =	vbroadcast v18, $0x0;
	v19 =	vbroadcast v19, $0x0;
	v26 =	vld [tilespmem:s28+$0xFFFFFE00]  }
0x11b: {  	v20 =	vbroadcast v20, $0x0;
	v21 =	vbroadcast v21, $0x0;
	v27 =	vld [tilespmem:s28+$0xFFFFFE10]  }
0x11c: {  	v9 =	vmul.f32 v9, v2;
	v22 =	vbroadcast v22, $0x0;
	v28 =	vld [tilespmem:s28+$0xFFFFFE20]  }
0x11d: {  	v10 =	vmul.f32 v10, v2;
	v15 =	vmul.f32 v15, v2;
	v29 =	vld [tilespmem:s28+$0xFFFFFE30]  }
0x11e: {  	v13 =	vmul.f32 v13, v2;
	v30 =	vld [tilespmem:s28+$0xFFFFFE40];
	v25 =	vmul.f32 v25, v16;
	[tilespmem:s29+$0x110] =	vst v9  }
0x11f: {  	v12 =	vmul.f32 v12, v2;
	v31 =	vmul.f32 v3, v2;
	v14 =	vld.idx.msk [tilespmem:v14+s13+$0x0], $0xffff;
	[tilespmem:s29+$0x120] =	vst v10  }
0x120: {  	v11 =	vmul.f32 v11, v2;
	v5 =	vmul.f32 v5, v1;
	v17 =	vld.idx.msk [tilespmem:v17+s13+$0x0], $0xffff;
	[tilespmem:s28+$0x1F0] =	vst v25  }
0x121: {  	v8 =	vmul.f32 v8, v1;
	v6 =	vmul.f32 v6, v1;
	v10 =	vld.idx.msk [tilespmem:v18+s13+$0x0], $0xffff;
	[tilespmem:s29+$0x130] =	vst v15  }
0x122: {  	v7 =	vmul.f32 v7, v1;
	v4 =	vmul.f32 v4, v1;
	v9 =	vld.idx.msk [tilespmem:v19+s13+$0x0], $0xffff;
	[tilespmem:s29+$0x140] =	vst v13  }
0x123: {  	v13 =	vmul.f32 v24, v1;
	v3 =	vld.idx.msk [tilespmem:v20+s13+$0x0], $0xffff;
	[tilespmem:s29+$0x150] =	vst v12;
	v12 =	vmul.f32 v23, v1;
	v1 =	vmov v16  }
0x124: {  	v2 =	vld.idx.msk [tilespmem:v21+s13+$0x0], $0xffff;
	[tilespmem:s29+$0x160] =	vst v31  }
0x125: {  	v15 =	vld.idx.msk [tilespmem:v22+s13+$0x0], $0xffff;
	[tilespmem:s29+$0x170] =	vst v11  }
0x126: {  	v11 =	vld [tilespmem:s28+$0xFFFFFE50];
	[tilespmem:s29+$0x180] =	vst v5  }
0x127: {  	v16 =	vld [tilespmem:s28+$0xFFFFFE60];
	[tilespmem:s29+$0x190] =	vst v8  }
0x128: {  	v18 =	vld [tilespmem:s28+$0xFFFFFE70];
	[tilespmem:s29+$0x1A0] =	vst v6  }
0x129: {  	v19 =	vld [tilespmem:s28+$0xFFFFFE80];
	[tilespmem:s29+$0x1B0] =	vst v7  }
0x12a: {  	v20 =	vld [tilespmem:s28+$0xFFFFFE90];
	[tilespmem:s29+$0x1C0] =	vst v4  }
0x12b: {  	v4 =	vmul.f32 v26, v15;
	v7 =	vmul.f32 v27, v15;
	v21 =	vld [tilespmem:s28+$0xFFFFFEA0];
	[tilespmem:s29+$0x1D0] =	vst v12  }
0x12c: {  	v5 =	vmul.f32 v29, v15;
	v12 =	vmul.f32 v28, v15;
	v22 =	vld [tilespmem:s28+$0xFFFFFEB0];
	[tilespmem:s29+$0x1E0] =	vst v13;
	s29 =	smov.u32 s28  }
0x12d: {  	v8 =	vmul.f32 v30, v15;
	v6 =	vmul.f32 v11, v15;
	[tilespmem:s28+$0xFFFFFE00] =	vst v4;
	v11 =	vld [tilespmem:s28+$0xFFFFFEC0]  }
0x12e: {  	[tilespmem:s28+$0xFFFFFE10] =	vst v7;
	v7 =	vmul.f32 v16, v15;
	v13 =	vmul.f32 v19, v14;
	v16 =	vld [tilespmem:s28+$0xFFFFFED0]  }
0x12f: {  	v4 =	vmul.f32 v18, v15;
	[tilespmem:s28+$0xFFFFFE20] =	vst v12;
	v12 =	vmul.f32 v20, v14;
	v15 =	vld [tilespmem:s28+$0xFFFFFEE0]  }
0x130: {  	[tilespmem:s28+$0xFFFFFE80] =	vst v13;
	v13 =	vmul.f32 v21, v14;
	v18 =	vld [tilespmem:s28+$0xFFFFFEF0]  }
0x131: {  	[tilespmem:s28+$0xFFFFFE90] =	vst v12;
	v12 =	vmul.f32 v22, v14;
	v19 =	vld [tilespmem:s28+$0xFFFFFF00]  }
0x132: {  	[tilespmem:s28+$0xFFFFFEA0] =	vst v13;
	v11 =	vmul.f32 v11, v14;
	v13 =	vld [tilespmem:s28+$0xFFFFFF10]  }
0x133: {  	[tilespmem:s28+$0xFFFFFEB0] =	vst v12;
	v12 =	vmul.f32 v16, v14;
	v16 =	vld [tilespmem:s28+$0xFFFFFF20]  }
0x134: {  	[tilespmem:s28+$0xFFFFFEC0] =	vst v11;
	v11 =	vmul.f32 v15, v14;
	v15 =	vld [tilespmem:s28+$0xFFFFFF30]  }
0x135: {  	[tilespmem:s28+$0xFFFFFED0] =	vst v12;
	v12 =	vmul.f32 v18, v14;
	v14 =	vld [tilespmem:s28+$0xFFFFFF40]  }
0x136: {  	[tilespmem:s28+$0xFFFFFEE0] =	vst v11;
	v11 =	vmul.f32 v19, v17;
	v18 =	vld [tilespmem:s28+$0xFFFFFF50]  }
0x137: {  	[tilespmem:s28+$0xFFFFFEF0] =	vst v12;
	v12 =	vmul.f32 v13, v17;
	v13 =	vld [tilespmem:s28+$0xFFFFFF60]  }
0x138: {  	[tilespmem:s28+$0xFFFFFF00] =	vst v11;
	v11 =	vmul.f32 v16, v17;
	v16 =	vld [tilespmem:s28+$0xFFFFFF70]  }
0x139: {  	[tilespmem:s28+$0xFFFFFF10] =	vst v12;
	v12 =	vmul.f32 v15, v17;
	v15 =	vld [tilespmem:s28+$0xFFFFFF80]  }
0x13a: {  	[tilespmem:s28+$0xFFFFFF20] =	vst v11;
	v11 =	vmul.f32 v14, v17;
	v14 =	vld [tilespmem:s28+$0xFFFFFF90]  }
0x13b: {  	[tilespmem:s28+$0xFFFFFF30] =	vst v12;
	v12 =	vmul.f32 v18, v17;
	v18 =	vld [tilespmem:s28+$0xFFFFFFA0]  }
0x13c: {  	[tilespmem:s28+$0xFFFFFF40] =	vst v11;
	v11 =	vmul.f32 v13, v17;
	v13 =	vld [tilespmem:s28+$0xFFFFFFB0]  }
0x13d: {  	[tilespmem:s28+$0xFFFFFF50] =	vst v12;
	v12 =	vmul.f32 v16, v17;
	v16 =	vld [tilespmem:s28+$0xFFFFFFC0]  }
0x13e: {  	[tilespmem:s28+$0xFFFFFF60] =	vst v11;
	v11 =	vmul.f32 v15, v10;
	v15 =	vld [tilespmem:s28+$0xFFFFFFD0]  }
0x13f: {  	[tilespmem:s28+$0xFFFFFF70] =	vst v12;
	v12 =	vmul.f32 v14, v10;
	v14 =	vld [tilespmem:s28+$0xFFFFFFE0]  }
0x140: {  	[tilespmem:s28+$0xFFFFFF80] =	vst v11;
	v11 =	vmul.f32 v18, v10;
	v17 =	vld [tilespmem:s28+$0xFFFFFFF0]  }
0x141: {  	[tilespmem:s28+$0xFFFFFF90] =	vst v12;
	v12 =	vmul.f32 v13, v10;
	v13 =	vld [tilespmem:s28+$0x0]  }
0x142: {  	[tilespmem:s28+$0xFFFFFFA0] =	vst v11;
	v11 =	vmul.f32 v16, v10;
	v16 =	vld [tilespmem:s28+$0x10]  }
0x143: {  	[tilespmem:s28+$0xFFFFFFB0] =	vst v12;
	v12 =	vmul.f32 v15, v10;
	v15 =	vld [tilespmem:s28+$0x20]  }
0x144: {  	[tilespmem:s28+$0xFFFFFFC0] =	vst v11;
	v11 =	vmul.f32 v14, v10;
	v14 =	vld [tilespmem:s28+$0x30]  }
0x145: {  	[tilespmem:s28+$0xFFFFFFD0] =	vst v12;
	v10 =	vmul.f32 v17, v10;
	v12 =	vld [tilespmem:s28+$0x40]  }
0x146: {  	[tilespmem:s28+$0xFFFFFFE0] =	vst v11;
	v11 =	vmul.f32 v13, v9;
	v13 =	vld [tilespmem:s28+$0x50]  }
0x147: {  	[tilespmem:s28+$0xFFFFFFF0] =	vst v10;
	v10 =	vmul.f32 v16, v9;
	v16 =	vld [tilespmem:s28+$0x60]  }
0x148: {  	[tilespmem:s28+$0x0] =	vst v11;
	v11 =	vmul.f32 v15, v9;
	v15 =	vld [tilespmem:s28+$0x70]  }
0x149: {  	[tilespmem:s28+$0x10] =	vst v10;
	v10 =	vmul.f32 v14, v9;
	v14 =	vld [tilespmem:s28+$0x80]  }
0x14a: {  	[tilespmem:s28+$0x20] =	vst v11;
	v11 =	vmul.f32 v12, v9;
	v12 =	vld [tilespmem:s28+$0x90]  }
0x14b: {  	[tilespmem:s28+$0x30] =	vst v10;
	v10 =	vmul.f32 v13, v9;
	v13 =	vld [tilespmem:s28+$0xA0]  }
0x14c: {  	[tilespmem:s28+$0x40] =	vst v11;
	v11 =	vmul.f32 v16, v9;
	v16 =	vld [tilespmem:s28+$0xB0]  }
0x14d: {  	[tilespmem:s28+$0x50] =	vst v10;
	v9 =	vmul.f32 v15, v9;
	v10 =	vld [tilespmem:s28+$0xC0]  }
0x14e: {  	[tilespmem:s28+$0x60] =	vst v11;
	v11 =	vmul.f32 v14, v3;
	v14 =	vld [tilespmem:s28+$0xD0]  }
.Ltmp1:
0x14f: {  	[tilespmem:s28+$0x70] =	vst v9;
	v9 =	vmul.f32 v12, v3;
	v12 =	vld [tilespmem:s28+$0xE0];
	(pc) =	sbr.rel @p1 .LBB2_5-.Ltmp1, $4  }
0x150: {  	[tilespmem:s28+$0x80] =	vst v11;
	v15 =	vmul.f32 v13, v3;
	v13 =	vld [tilespmem:s28+$0xF0]  }
0x151: {  	[tilespmem:s28+$0x90] =	vst v9;
	v16 =	vmul.f32 v16, v3;
	v11 =	vld [tilespmem:s28+$0x100]  }
0x152: {  	[tilespmem:s28+$0xA0] =	vst v15;
	v15 =	vmul.f32 v10, v3;
	v9 =	vld [tilespmem:s28+$0x110]  }
0x153: {  	[tilespmem:s28+$0xB0] =	vst v16;
	v14 =	vmul.f32 v14, v3;
	v10 =	vld [tilespmem:s28+$0x120]  }
0x154: {  	[tilespmem:s28+$0xC0] =	vst v15  }
0x155: {  	[tilespmem:s28+$0xFFFFFE30] =	vst v5  }
0x156: {  	[tilespmem:s28+$0xFFFFFE40] =	vst v8  }
0x157: {  	[tilespmem:s28+$0xFFFFFE50] =	vst v6  }
0x158: {  	[tilespmem:s28+$0xFFFFFE60] =	vst v7  }
0x159: {  	v12 =	vmul.f32 v12, v3;
	v47 =	vld [tilespmem:s28+$0x130];
	[tilespmem:s28+$0xFFFFFE70] =	vst v4  }
0x15a: {  	v48 =	vld [tilespmem:s28+$0x140];
	[tilespmem:s28+$0xD0] =	vst v14;
	v3 =	vmul.f32 v13, v3  }
0x15b: {  	v49 =	vld [tilespmem:s28+$0x150];
	[tilespmem:s28+$0xE0] =	vst v12;
	v11 =	vmul.f32 v11, v2  }
0x15c: {  	[tilespmem:s28+$0xF0] =	vst v3;
	v3 =	vld [tilespmem:s28+$0x160];
	v50 =	vmul.f32 v9, v2  }
0x15d: {  	v51 =	vld [tilespmem:s28+$0x170];
	[tilespmem:s28+$0x100] =	vst v11;
	v52 =	vmul.f32 v10, v2  }
0x15e: {  	v53 =	vld [tilespmem:s28+$0x180];
	v54 =	vmul.f32 v47, v2;
	[tilespmem:s29+$0x110] =	vst v50  }
0x15f: {  	v55 =	vld [tilespmem:s28+$0x190];
	v56 =	vmul.f32 v48, v2;
	[tilespmem:s29+$0x120] =	vst v52  }
0x160: {  	v59 =	vld [tilespmem:s28+$0x1B0];
	v58 =	vmul.f32 v49, v2;
	[tilespmem:s29+$0x130] =	vst v54  }
0x161: {  	v57 =	vld [tilespmem:s28+$0x1A0];
	[tilespmem:s29+$0x140] =	vst v56;
	v3 =	vmul.f32 v3, v2  }
0x162: {  	v60 =	vld [tilespmem:s28+$0x1C0];
	[tilespmem:s29+$0x150] =	vst v58;
	v2 =	vmul.f32 v51, v2  }
0x163: {  	v61 =	vld [tilespmem:s28+$0x1D0];
	v7 =	vmul.f32 v53, v1;
	[tilespmem:s29+$0x160] =	vst v3  }
0x164: {  	v5 =	vmul.f32 v55, v1;
	v3 =	vld [tilespmem:s28+$0x1E0];
	[tilespmem:s29+$0x170] =	vst v2  }
0x165: {  	v62 =	vmul.f32 v59, v1;
	[tilespmem:s29+$0x180] =	vst v7  }
0x166: {  	v2 =	vmul.f32 v57, v1;
	[tilespmem:s29+$0x190] =	vst v5  }
0x167: {  	v63 =	vmul.f32 v60, v1;
	[tilespmem:s29+$0x1B0] =	vst v62  }
0x168: {  	[tilespmem:s29+$0x1A0] =	vst v2;
	v2 =	vmul.f32 v61, v1  }
0x169: {  	s25 =	sadd.s32 $0x1, s25;
	[tilespmem:s29+$0x1C0] =	vst v63;
	v1 =	vmul.f32 v3, v1  }
0x16a: {  	p1 =	sne.s32 s25, $0x3E;
	[tilespmem:s29+$0x1D0] =	vst v2  }
.Ltmp2:
0x16b: {  	s0 =	sadd.s32 $0x2710, s26;
	[tilespmem:s29+$0x1E0] =	vst v1;
	(pc) =	sbr.rel @p1 .LBB2_2-.Ltmp2, $4  }
0x16c: {  	[spmem:s2] =	stream.indirect.scatter.add.f32 [tilespmem:s18], [sflag:$0x3], $0x80, s0, s16, $0xb8;
	[tilespmem:$0x1FDB0] =	vst v63  }
0x16d: {  	_ =	swait.ge [sflag:s11], $0x2800  }
0x16e: {  	[sflag:s11] =	ssyncset.done $0x0  }
0x16f: {  	s24 =	sadd.s32 $0xA0, s24;
	[sflag:s11] =	ssyncadd.s32 $0xFFFFD800  }
0x170: {  	s0 =	simm.s32 $0x26C0  }
0x171: {  	s25 =	simm.s32 $0x26C7;
	v1 =	vmov s0  }
0x172: {  	v3 =	vmov s25;
	v1 =	vshrl.u32 v1, $0x3  }
0x173: {  	v3 =	vshrl.u32 v3, $0x3;
	v1 =	vshll.u32 v1, v0  }
0x174: {  	_ =	swait.ge [sflag:s19], $0x2800;
	v3 =	vshll.u32 v3, v0;
	v1 =	vbroadcast v1, $0x0  }
0x175: {  	[sflag:s19] =	ssyncset.done $0x0;
	v3 =	vadd.s32 $0x7, v3  }
0x176: {  	s24 =	simm.s32 $0x7730;
	[sflag:s19] =	ssyncadd.s32 $0xFFFFD800;
	v3 =	vbroadcast v3, $0x0  }
0x177: {  	v6 =	vld [tilespmem:s24+$0xFFFFFE00]  }
0x178: {  	s1 =	simm.s32 $0x26C1;
	v7 =	vld [tilespmem:s24+$0xFFFFFE10]  }
0x179: {  	s26 =	simm.s32 $0x26C2;
	v2 =	vmov s1;
	v8 =	vld [tilespmem:s24+$0xFFFFFE20]  }
0x17a: {  	v2 =	vshrl.u32 v2, $0x3;
	v4 =	vld.idx.msk [tilespmem:v1+s13+$0x0], $0xffff;
	v1 =	vmov s26  }
0x17b: {  	v2 =	vshll.u32 v2, v0;
	v9 =	vld [tilespmem:s24+$0xFFFFFE30];
	v5 =	vshrl.u32 v1, $0x3  }
0x17c: {  	v2 =	vadd.s32 $0x1, v2;
	v1 =	vld.idx.msk [tilespmem:v3+s13+$0x0], $0xffff;
	v3 =	vshll.u32 v5, v0  }
0x17d: {  	v10 =	vld [tilespmem:s24+$0xFFFFFE40];
	v2 =	vbroadcast v2, $0x0;
	v3 =	vadd.s32 $0x2, v3  }
0x17e: {  	v11 =	vld [tilespmem:s24+$0xFFFFFE50];
	v3 =	vbroadcast v3, $0x0  }
0x17f: {  	v13 =	vld [tilespmem:s24+$0xFFFFFE60]  }
0x180: {  	v5 =	vld [tilespmem:s24+$0x1F0]  }
0x181: {  	s28 =	simm.s32 $0x26C3;
	v52 =	vld [tilespmem:s24+$0xFFFFFE80]  }
0x182: {  	v12 =	vmov s28;
	v15 =	vld [tilespmem:s24+$0xFFFFFE90]  }
0x183: {  	v12 =	vshrl.u32 v12, $0x3;
	v2 =	vld.idx.msk [tilespmem:v2+s13+$0x0], $0xffff  }
0x184: {  	v6 =	vmul.f32 v6, v4;
	v14 =	vld.idx.msk [tilespmem:v3+s13+$0x0], $0xffff;
	v3 =	vshll.u32 v12, v0  }
0x185: {  	v16 =	vld [tilespmem:s24+$0xFFFFFEA0];
	v5 =	vmul.f32 v5, v1;
	v3 =	vadd.s32 $0x3, v3  }
0x186: {  	v53 =	vld [tilespmem:s24+$0xFFFFFED0];
	v7 =	vmul.f32 v7, v4;
	[tilespmem:s24+$0xFFFFFE00] =	vst v6;
	v3 =	vbroadcast v3, $0x0  }
0x187: {  	v55 =	vld [tilespmem:s24+$0xFFFFFF20];
	[tilespmem:s24+$0x1F0] =	vst v5;
	v5 =	vmul.f32 v8, v4  }
0x188: {  	v56 =	vld [tilespmem:s24+$0xFFFFFF50];
	v10 =	vmul.f32 v10, v4;
	[tilespmem:s24+$0xFFFFFE10] =	vst v7  }
0x189: {  	s29 =	simm.s32 $0x26C4;
	v6 =	vld [tilespmem:s24+$0xFFFFFE70];
	[tilespmem:s24+$0xFFFFFE20] =	vst v5;
	v5 =	vmul.f32 v52, v2  }
0x18a: {  	v17 =	vmov s29;
	v58 =	vld [tilespmem:s24+$0xFFFFFFC0];
	v7 =	vmul.f32 v9, v4;
	[tilespmem:s24+$0xFFFFFE40] =	vst v10  }
0x18b: {  	v10 =	vmul.f32 v13, v4;
	v8 =	vld [tilespmem:s24+$0xFFFFFEB0];
	[tilespmem:s24+$0xFFFFFE80] =	vst v5;
	v5 =	vshrl.u32 v17, $0x3  }
0x18c: {  	[tilespmem:s24+$0xFFFFFE30] =	vst v7;
	v5 =	vshll.u32 v5, v0;
	v54 =	vld.idx.msk [tilespmem:v3+s13+$0x0], $0xffff;
	v3 =	vmul.f32 v11, v4  }
0x18d: {  	v9 =	vld [tilespmem:s24+$0xFFFFFEC0];
	[tilespmem:s24+$0xFFFFFE60] =	vst v10;
	v12 =	vmul.f32 v53, v2;
	v5 =	vadd.s32 $0x4, v5  }
0x18e: {  	v5 =	vbroadcast v5, $0x0;
	[tilespmem:s24+$0xFFFFFE50] =	vst v3;
	v3 =	vmul.f32 v6, v4;
	v4 =	vld [tilespmem:s24+$0xFFFFFF00]  }
0x18f: {  	v7 =	vld [tilespmem:s24+$0xFFFFFEE0];
	[tilespmem:s24+$0xFFFFFED0] =	vst v12;
	v6 =	vmul.f32 v15, v2  }
0x190: {  	v11 =	vld [tilespmem:s24+$0xFFFFFEF0];
	[tilespmem:s24+$0xFFFFFE70] =	vst v3;
	v3 =	vmul.f32 v16, v2  }
0x191: {  	v10 =	vld [tilespmem:s24+$0xFFFFFF10];
	[tilespmem:s24+$0xFFFFFE90] =	vst v6;
	v6 =	vmul.f32 v8, v2  }
0x192: {  	s30 =	simm.s32 $0x26C5;
	v8 =	vld [tilespmem:s24+$0xFFFFFF30];
	[tilespmem:s24+$0xFFFFFEA0] =	vst v3;
	v3 =	vmul.f32 v9, v2  }
0x193: {  	v9 =	vld [tilespmem:s24+$0xFFFFFF40];
	[tilespmem:s24+$0xFFFFFEB0] =	vst v6;
	v6 =	vmul.f32 v4, v14;
	v4 =	vmov s30  }
0x194: {  	[tilespmem:s24+$0xFFFFFEC0] =	vst v3;
	v57 =	vshrl.u32 v4, $0x3;
	v4 =	vld.idx.msk [tilespmem:v5+s13+$0x0], $0xffff;
	v5 =	vmul.f32 v7, v2  }
0x195: {  	v3 =	vld [tilespmem:s24+$0xFFFFFF60];
	v2 =	vmul.f32 v11, v2;
	[tilespmem:s24+$0xFFFFFF00] =	vst v6;
	v6 =	vshll.u32 v57, v0  }
0x196: {  	v61 =	vld [tilespmem:s24+$0x20];
	v6 =	vadd.s32 $0x5, v6;
	[tilespmem:s24+$0xFFFFFEE0] =	vst v5;
	v5 =	vmul.f32 v10, v14  }
0x197: {  	v10 =	vld [tilespmem:s24+$0xFFFFFF80];
	[tilespmem:s24+$0xFFFFFEF0] =	vst v2;
	v2 =	vmul.f32 v55, v14;
	v6 =	vbroadcast v6, $0x0  }
0x198: {  	v7 =	vld [tilespmem:s24+$0xFFFFFF70];
	[tilespmem:s24+$0xFFFFFF10] =	vst v5;
	v5 =	vmul.f32 v8, v14  }
0x199: {  	v11 =	vld [tilespmem:s24+$0xFFFFFF90];
	[tilespmem:s24+$0xFFFFFF20] =	vst v2;
	v2 =	vmul.f32 v9, v14  }
0x19a: {  	v8 =	vld [tilespmem:s24+$0xFFFFFFA0];
	v60 =	vmul.f32 v3, v14;
	[tilespmem:s24+$0xFFFFFF30] =	vst v5  }
0x19b: {  	v9 =	vld [tilespmem:s24+$0xFFFFFFB0];
	v5 =	vmul.f32 v56, v14;
	[tilespmem:s24+$0xFFFFFF40] =	vst v2  }
0x19c: {  	v2 =	vmul.f32 v10, v54;
	v10 =	vld [tilespmem:s24+$0xFFFFFFD0];
	[tilespmem:s24+$0xFFFFFF60] =	vst v60  }
0x19d: {  	s31 =	simm.s32 $0x26C6;
	[tilespmem:s24+$0xFFFFFF50] =	vst v5;
	v3 =	vld.idx.msk [tilespmem:v6+s13+$0x0], $0xffff;
	v6 =	vmul.f32 v7, v14  }
0x19e: {  	v59 =	vmov s31;
	v5 =	vld [tilespmem:s24+$0xFFFFFFE0];
	[tilespmem:s24+$0xFFFFFF80] =	vst v2;
	v7 =	vmul.f32 v11, v54  }
0x19f: {  	v13 =	vshrl.u32 v59, $0x3;
	[tilespmem:s24+$0xFFFFFF70] =	vst v6;
	v6 =	vmul.f32 v8, v54;
	v8 =	vld [tilespmem:s24+$0x0]  }
0x1a0: {  	v2 =	vshll.u32 v13, v0;
	v11 =	vld [tilespmem:s24+$0xFFFFFFF0];
	[tilespmem:s24+$0xFFFFFF90] =	vst v7;
	v7 =	vmul.f32 v9, v54  }
0x1a1: {  	v2 =	vadd.s32 $0x6, v2;
	v9 =	vld [tilespmem:s24+$0x10];
	[tilespmem:s24+$0xFFFFFFA0] =	vst v6;
	v6 =	vmul.f32 v58, v54  }
0x1a2: {  	v62 =	vld [tilespmem:s24+$0x50];
	v2 =	vbroadcast v2, $0x0;
	[tilespmem:s24+$0xFFFFFFB0] =	vst v7;
	v7 =	vmul.f32 v10, v54  }
0x1a3: {  	v10 =	vld [tilespmem:s24+$0x30];
	v5 =	vmul.f32 v5, v54;
	[tilespmem:s24+$0xFFFFFFC0] =	vst v6  }
0x1a4: {  	v6 =	vld [tilespmem:s24+$0x40];
	[tilespmem:s24+$0xFFFFFFD0] =	vst v7;
	v7 =	vmul.f32 v8, v4  }
0x1a5: {  	v63 =	vld [tilespmem:s24+$0x60];
	[tilespmem:s24+$0xFFFFFFE0] =	vst v5;
	v8 =	vmul.f32 v11, v54  }
0x1a6: {  	v5 =	vmul.f32 v9, v4;
	v9 =	vld [tilespmem:s24+$0x80];
	[tilespmem:s24+$0x0] =	vst v7  }
0x1a7: {  	[tilespmem:s24+$0xFFFFFFF0] =	vst v8;
	v7 =	vmul.f32 v61, v4;
	v8 =	vld [tilespmem:s24+$0x70]  }
0x1a8: {  	v2 =	vld.idx.msk [tilespmem:v2+s13+$0x0], $0xffff;
	[tilespmem:s24+$0x10] =	vst v5;
	v5 =	vmul.f32 v10, v4  }
0x1a9: {  	[tilespmem:s24+$0x20] =	vst v7;
	v6 =	vmul.f32 v6, v4;
	v7 =	vld [tilespmem:s24+$0x90]  }
0x1aa: {  	v11 =	vmul.f32 v62, v4;
	[tilespmem:s24+$0x30] =	vst v5;
	v5 =	vld [tilespmem:s24+$0xA0]  }
0x1ab: {  	s25 =	simm.s32 $0x0;
	v10 =	vmul.f32 v63, v4;
	[tilespmem:s24+$0x40] =	vst v6;
	v6 =	vld [tilespmem:s24+$0xB0]  }
.LBB2_8:
0x1ac: {  	s0 =	sadd.s32 $0x26C8, s25;
	s1 =	sadd.s32 $0x26C9, s25;
	[tilespmem:s24+$0x50] =	vst v11;
	v4 =	vmul.f32 v8, v4;
	v8 =	vld [tilespmem:s24+$0xC0]  }
0x1ad: {  	v11 =	vmov s0;
	v12 =	vmov s1;
	s0 =	sadd.s32 $0x26CA, s25;
	s1 =	sadd.s32 $0x26CB, s25;
	[tilespmem:s24+$0x60] =	vst v10;
	v9 =	vmul.f32 v9, v3;
	v10 =	vld [tilespmem:s24+$0xD0]  }
0x1ae: {  	v13 =	vmov s0;
	v14 =	vmov s1;
	s0 =	sadd.s32 $0x26CC, s25;
	s1 =	sadd.s32 $0x26CD, s25;
	[tilespmem:s24+$0x70] =	vst v4;
	v4 =	vmul.f32 v7, v3;
	v7 =	vld [tilespmem:s24+$0xE0]  }
0x1af: {  	v15 =	vmov s0;
	v16 =	vmov s1;
	s0 =	sadd.s32 $0x26CE, s25;
	[tilespmem:s24+$0x80] =	vst v9;
	v5 =	vmul.f32 v5, v3;
	v9 =	vld [tilespmem:s24+$0xF0]  }
0x1b0: {  	v11 =	vshrl.u32 v11, $0x3;
	v17 =	vmov s0;
	[tilespmem:s24+$0x90] =	vst v4;
	v4 =	vmul.f32 v6, v3;
	v6 =	vld [tilespmem:s24+$0x100]  }
0x1b1: {  	v12 =	vshrl.u32 v12, $0x3;
	v13 =	vshrl.u32 v13, $0x3;
	[tilespmem:s24+$0xA0] =	vst v5;
	v5 =	vmul.f32 v8, v3;
	v8 =	vld [tilespmem:s24+$0x110]  }
0x1b2: {  	v14 =	vshrl.u32 v14, $0x3;
	v15 =	vshrl.u32 v15, $0x3;
	[tilespmem:s24+$0xB0] =	vst v4;
	v4 =	vmul.f32 v10, v3;
	v10 =	vld [tilespmem:s24+$0x120]  }
0x1b3: {  	v16 =	vshrl.u32 v16, $0x3;
	v17 =	vshrl.u32 v17, $0x3;
	[tilespmem:s24+$0xC0] =	vst v5;
	v5 =	vmul.f32 v7, v3;
	v7 =	vld [tilespmem:s24+$0x130]  }
0x1b4: {  	v11 =	vshll.u32 v11, v0;
	v12 =	vshll.u32 v12, v0;
	[tilespmem:s24+$0xD0] =	vst v4;
	v3 =	vmul.f32 v9, v3;
	v4 =	vld [tilespmem:s24+$0x140]  }
0x1b5: {  	v9 =	vshll.u32 v13, v0;
	v13 =	vshll.u32 v14, v0;
	[tilespmem:s24+$0xE0] =	vst v5;
	v5 =	vmul.f32 v6, v2;
	v6 =	vld [tilespmem:s24+$0x150]  }
0x1b6: {  	v14 =	vshll.u32 v15, v0;
	v15 =	vshll.u32 v16, v0;
	[tilespmem:s24+$0xF0] =	vst v3;
	v3 =	vmul.f32 v8, v2;
	v8 =	vld [tilespmem:s24+$0x160]  }
0x1b7: {  	v11 =	vbroadcast v11, $0x0;
	v16 =	vshll.u32 v17, v0;
	[tilespmem:s24+$0x100] =	vst v5;
	v5 =	vmul.f32 v10, v2;
	v10 =	vld [tilespmem:s24+$0x170]  }
0x1b8: {  	v12 =	vadd.s32 $0x1, v12;
	v9 =	vadd.s32 $0x2, v9;
	[tilespmem:s24+$0x110] =	vst v3;
	v3 =	vmul.f32 v7, v2;
	v7 =	vld [tilespmem:s24+$0x180]  }
0x1b9: {  	v13 =	vadd.s32 $0x3, v13;
	v14 =	vadd.s32 $0x4, v14;
	[tilespmem:s24+$0x120] =	vst v5;
	v4 =	vmul.f32 v4, v2;
	v5 =	vld [tilespmem:s24+$0x190]  }
0x1ba: {  	v12 =	vbroadcast v12, $0x0;
	v15 =	vadd.s32 $0x5, v15;
	[tilespmem:s24+$0x130] =	vst v3;
	v3 =	vmul.f32 v6, v2;
	v6 =	vld [tilespmem:s24+$0x1A0]  }
0x1bb: {  	s0 =	sadd.s32 $0x26CF, s25;
	s25 =	sadd.s32 $0x8, s25;
	v16 =	vadd.s32 $0x6, v16;
	v9 =	vbroadcast v9, $0x0;
	[tilespmem:s24+$0x140] =	vst v4;
	v4 =	vmul.f32 v8, v2;
	v8 =	vld [tilespmem:s24+$0x1B0]  }
0x1bc: {  	p1 =	slt.u32 s25, $0x48;
	v17 =	vmov s0;
	v13 =	vbroadcast v13, $0x0;
	[tilespmem:s24+$0x150] =	vst v3;
	v2 =	vmul.f32 v10, v2;
	v3 =	vld [tilespmem:s24+$0x1C0]  }
0x1bd: {  	v10 =	vbroadcast v14, $0x0;
	v14 =	vshrl.u32 v17, $0x3;
	[tilespmem:s24+$0x160] =	vst v4;
	v4 =	vmul.f32 v7, v1;
	v7 =	vld [tilespmem:s24+$0x1D0]  }
0x1be: {  	v15 =	vbroadcast v15, $0x0;
	v14 =	vshll.u32 v14, v0;
	[tilespmem:s24+$0x170] =	vst v2;
	v2 =	vmul.f32 v5, v1;
	v17 =	vld [tilespmem:s24+$0x1E0]  }
0x1bf: {  	v16 =	vbroadcast v16, $0x0;
	v5 =	vadd.s32 $0x7, v14;
	v11 =	vld.idx.msk [tilespmem:v11+s13+$0x0], $0xffff;
	[tilespmem:s24+$0x180] =	vst v4;
	v4 =	vmul.f32 v6, v1  }
0x1c0: {  	v6 =	vld.idx.msk [tilespmem:v12+s13+$0x0], $0xffff;
	v12 =	vbroadcast v5, $0x0;
	[tilespmem:s24+$0x190] =	vst v2;
	v2 =	vmul.f32 v8, v1  }
0x1c1: {  	v8 =	vld.idx.msk [tilespmem:v9+s13+$0x0], $0xffff;
	[tilespmem:s24+$0x1A0] =	vst v4;
	v3 =	vmul.f32 v3, v1  }
0x1c2: {  	v5 =	vld.idx.msk [tilespmem:v13+s13+$0x0], $0xffff;
	[tilespmem:s24+$0x1B0] =	vst v2;
	v2 =	vmul.f32 v7, v1  }
0x1c3: {  	v4 =	vld.idx.msk [tilespmem:v10+s13+$0x0], $0xffff;
	[tilespmem:s24+$0x1C0] =	vst v3;
	v1 =	vmul.f32 v17, v1  }
0x1c4: {  	v3 =	vld.idx.msk [tilespmem:v15+s13+$0x0], $0xffff;
	[tilespmem:s24+$0x1D0] =	vst v2  }
0x1c5: {  	v2 =	vld.idx.msk [tilespmem:v16+s13+$0x0], $0xffff;
	[tilespmem:s24+$0x1E0] =	vst v1  }
0x1c6: {  	s24 =	sadd.s32 $0x400, s24;
	v1 =	vld.idx.msk [tilespmem:v12+s13+$0x0], $0xffff  }
0x1c7: {  	v7 =	vld [tilespmem:s24+$0x1F0]  }
0x1c8: {  	v9 =	vld [tilespmem:s24+$0xFFFFFE00]  }
0x1c9: {  	v10 =	vld [tilespmem:s24+$0xFFFFFE10]  }
0x1ca: {  	v12 =	vld [tilespmem:s24+$0xFFFFFE20]  }
0x1cb: {  	v13 =	vld [tilespmem:s24+$0xFFFFFE30]  }
0x1cc: {  	v14 =	vld [tilespmem:s24+$0xFFFFFE40];
	v7 =	vmul.f32 v7, v1  }
0x1cd: {  	v9 =	vmul.f32 v9, v11;
	v15 =	vld [tilespmem:s24+$0xFFFFFE50]  }
0x1ce: {  	v10 =	vmul.f32 v10, v11;
	v16 =	vld [tilespmem:s24+$0xFFFFFE60];
	[tilespmem:s24+$0x1F0] =	vst v7  }
0x1cf: {  	[tilespmem:s24+$0xFFFFFE00] =	vst v9;
	v7 =	vmul.f32 v12, v11;
	v9 =	vld [tilespmem:s24+$0xFFFFFE70]  }
0x1d0: {  	[tilespmem:s24+$0xFFFFFE10] =	vst v10;
	v10 =	vmul.f32 v13, v11;
	v12 =	vld [tilespmem:s24+$0xFFFFFE80]  }
0x1d1: {  	[tilespmem:s24+$0xFFFFFE20] =	vst v7;
	v7 =	vmul.f32 v14, v11;
	v13 =	vld [tilespmem:s24+$0xFFFFFE90]  }
0x1d2: {  	[tilespmem:s24+$0xFFFFFE30] =	vst v10;
	v10 =	vmul.f32 v15, v11;
	v14 =	vld [tilespmem:s24+$0xFFFFFEA0]  }
0x1d3: {  	[tilespmem:s24+$0xFFFFFE40] =	vst v7;
	v7 =	vmul.f32 v16, v11;
	v15 =	vld [tilespmem:s24+$0xFFFFFEB0]  }
0x1d4: {  	[tilespmem:s24+$0xFFFFFE50] =	vst v10;
	v9 =	vmul.f32 v9, v11;
	v10 =	vld [tilespmem:s24+$0xFFFFFEC0]  }
0x1d5: {  	[tilespmem:s24+$0xFFFFFE60] =	vst v7;
	v7 =	vmul.f32 v12, v6;
	v11 =	vld [tilespmem:s24+$0xFFFFFED0]  }
0x1d6: {  	[tilespmem:s24+$0xFFFFFE70] =	vst v9;
	v9 =	vmul.f32 v13, v6;
	v12 =	vld [tilespmem:s24+$0xFFFFFEE0]  }
0x1d7: {  	[tilespmem:s24+$0xFFFFFE80] =	vst v7;
	v7 =	vmul.f32 v14, v6;
	v13 =	vld [tilespmem:s24+$0xFFFFFEF0]  }
0x1d8: {  	[tilespmem:s24+$0xFFFFFE90] =	vst v9;
	v9 =	vmul.f32 v15, v6;
	v14 =	vld [tilespmem:s24+$0xFFFFFF00]  }
0x1d9: {  	[tilespmem:s24+$0xFFFFFEA0] =	vst v7;
	v7 =	vmul.f32 v10, v6;
	v10 =	vld [tilespmem:s24+$0xFFFFFF10]  }
0x1da: {  	[tilespmem:s24+$0xFFFFFEB0] =	vst v9;
	v9 =	vmul.f32 v11, v6;
	v11 =	vld [tilespmem:s24+$0xFFFFFF20]  }
0x1db: {  	[tilespmem:s24+$0xFFFFFEC0] =	vst v7;
	v7 =	vmul.f32 v12, v6;
	v12 =	vld [tilespmem:s24+$0xFFFFFF30]  }
0x1dc: {  	[tilespmem:s24+$0xFFFFFED0] =	vst v9;
	v6 =	vmul.f32 v13, v6;
	v9 =	vld [tilespmem:s24+$0xFFFFFF40]  }
0x1dd: {  	[tilespmem:s24+$0xFFFFFEE0] =	vst v7;
	v7 =	vmul.f32 v14, v8;
	v13 =	vld [tilespmem:s24+$0xFFFFFF50]  }
0x1de: {  	[tilespmem:s24+$0xFFFFFEF0] =	vst v6;
	v6 =	vmul.f32 v10, v8;
	v10 =	vld [tilespmem:s24+$0xFFFFFF60]  }
0x1df: {  	[tilespmem:s24+$0xFFFFFF00] =	vst v7;
	v7 =	vmul.f32 v11, v8;
	v11 =	vld [tilespmem:s24+$0xFFFFFF70]  }
0x1e0: {  	[tilespmem:s24+$0xFFFFFF10] =	vst v6;
	v6 =	vmul.f32 v12, v8;
	v12 =	vld [tilespmem:s24+$0xFFFFFF80]  }
0x1e1: {  	[tilespmem:s24+$0xFFFFFF20] =	vst v7;
	v7 =	vmul.f32 v9, v8;
	v9 =	vld [tilespmem:s24+$0xFFFFFF90]  }
0x1e2: {  	[tilespmem:s24+$0xFFFFFF30] =	vst v6;
	v6 =	vmul.f32 v13, v8;
	v13 =	vld [tilespmem:s24+$0xFFFFFFA0]  }
0x1e3: {  	[tilespmem:s24+$0xFFFFFF40] =	vst v7;
	v7 =	vmul.f32 v10, v8;
	v10 =	vld [tilespmem:s24+$0xFFFFFFB0]  }
0x1e4: {  	[tilespmem:s24+$0xFFFFFF50] =	vst v6;
	v6 =	vmul.f32 v11, v8;
	v8 =	vld [tilespmem:s24+$0xFFFFFFC0]  }
0x1e5: {  	[tilespmem:s24+$0xFFFFFF60] =	vst v7;
	v7 =	vmul.f32 v12, v5;
	v11 =	vld [tilespmem:s24+$0xFFFFFFD0]  }
0x1e6: {  	[tilespmem:s24+$0xFFFFFF70] =	vst v6;
	v6 =	vmul.f32 v9, v5;
	v9 =	vld [tilespmem:s24+$0xFFFFFFE0]  }
0x1e7: {  	[tilespmem:s24+$0xFFFFFF80] =	vst v7;
	v7 =	vmul.f32 v13, v5;
	v12 =	vld [tilespmem:s24+$0xFFFFFFF0]  }
0x1e8: {  	[tilespmem:s24+$0xFFFFFF90] =	vst v6;
	v6 =	vmul.f32 v10, v5;
	v10 =	vld [tilespmem:s24+$0x0]  }
0x1e9: {  	[tilespmem:s24+$0xFFFFFFA0] =	vst v7;
	v7 =	vmul.f32 v8, v5;
	v8 =	vld [tilespmem:s24+$0x10]  }
0x1ea: {  	[tilespmem:s24+$0xFFFFFFB0] =	vst v6;
	v6 =	vmul.f32 v11, v5;
	v11 =	vld [tilespmem:s24+$0x20]  }
0x1eb: {  	[tilespmem:s24+$0xFFFFFFC0] =	vst v7;
	v7 =	vmul.f32 v9, v5;
	v9 =	vld [tilespmem:s24+$0x30]  }
0x1ec: {  	[tilespmem:s24+$0xFFFFFFD0] =	vst v6;
	v5 =	vmul.f32 v12, v5;
	v6 =	vld [tilespmem:s24+$0x40]  }
0x1ed: {  	[tilespmem:s24+$0xFFFFFFE0] =	vst v7;
	v7 =	vmul.f32 v10, v4;
	v10 =	vld [tilespmem:s24+$0x50]  }
0x1ee: {  	[tilespmem:s24+$0xFFFFFFF0] =	vst v5;
	v5 =	vmul.f32 v8, v4;
	v12 =	vld [tilespmem:s24+$0x60]  }
.Ltmp3:
0x1ef: {  	[tilespmem:s24+$0x0] =	vst v7;
	v7 =	vmul.f32 v11, v4;
	v8 =	vld [tilespmem:s24+$0x70];
	(pc) =	sbr.rel @p1 .LBB2_8-.Ltmp3, $4  }
0x1f0: {  	[tilespmem:s24+$0x10] =	vst v5;
	v5 =	vmul.f32 v9, v4;
	v9 =	vld [tilespmem:s24+$0x80]  }
0x1f1: {  	[tilespmem:s24+$0x20] =	vst v7;
	v6 =	vmul.f32 v6, v4;
	v7 =	vld [tilespmem:s24+$0x90]  }
0x1f2: {  	[tilespmem:s24+$0x30] =	vst v5;
	v11 =	vmul.f32 v10, v4;
	v5 =	vld [tilespmem:s24+$0xA0]  }
0x1f3: {  	[tilespmem:s24+$0x40] =	vst v6;
	v10 =	vmul.f32 v12, v4;
	v6 =	vld [tilespmem:s24+$0xB0]  }
0x1f4: {  	v12 =	vld [tilespmem:s24+$0xC0];
	[tilespmem:s24+$0x50] =	vst v11;
	v4 =	vmul.f32 v8, v4  }
0x1f5: {  	v13 =	vld [tilespmem:s24+$0xD0];
	v9 =	vmul.f32 v9, v3;
	[tilespmem:s24+$0x60] =	vst v10  }
0x1f6: {  	v42 =	vld [tilespmem:s24+$0xE0];
	v7 =	vmul.f32 v7, v3;
	[tilespmem:s24+$0x70] =	vst v4  }
0x1f7: {  	v45 =	vld [tilespmem:s24+$0x100];
	[tilespmem:s24+$0x80] =	vst v9;
	v44 =	vmul.f32 v5, v3  }
0x1f8: {  	v43 =	vld [tilespmem:s24+$0xF0];
	[tilespmem:s24+$0x90] =	vst v7;
	v6 =	vmul.f32 v6, v3  }
0x1f9: {  	v46 =	vld [tilespmem:s24+$0x110];
	[tilespmem:s24+$0xA0] =	vst v44;
	v47 =	vmul.f32 v12, v3  }
0x1fa: {  	v48 =	vld [tilespmem:s24+$0x120];
	v49 =	vmul.f32 v13, v3;
	[tilespmem:s24+$0xB0] =	vst v6  }
0x1fb: {  	v50 =	vld [tilespmem:s24+$0x130];
	v51 =	vmul.f32 v42, v3;
	[tilespmem:s24+$0xC0] =	vst v47  }
0x1fc: {  	v52 =	vld [tilespmem:s24+$0x140];
	v5 =	vmul.f32 v45, v2;
	[tilespmem:s24+$0xD0] =	vst v49  }
0x1fd: {  	v53 =	vld [tilespmem:s24+$0x150];
	v3 =	vmul.f32 v43, v3;
	[tilespmem:s24+$0xE0] =	vst v51  }
0x1fe: {  	v54 =	vld [tilespmem:s24+$0x160];
	v7 =	vmul.f32 v46, v2;
	[tilespmem:s24+$0x100] =	vst v5  }
0x1ff: {  	v55 =	vld [tilespmem:s24+$0x170];
	[tilespmem:s24+$0xF0] =	vst v3;
	v3 =	vmul.f32 v48, v2  }
0x200: {  	v57 =	vld [tilespmem:s24+$0x180];
	v56 =	vmul.f32 v50, v2;
	[tilespmem:s24+$0x110] =	vst v7  }
0x201: {  	v58 =	vld [tilespmem:s24+$0x190];
	[tilespmem:s24+$0x120] =	vst v3;
	v3 =	vmul.f32 v52, v2  }
0x202: {  	v59 =	vld [tilespmem:s24+$0x1A0];
	v6 =	vmul.f32 v53, v2;
	[tilespmem:s24+$0x130] =	vst v56  }
0x203: {  	v60 =	vld [tilespmem:s24+$0x1B0];
	[tilespmem:s24+$0x140] =	vst v3;
	v3 =	vmul.f32 v54, v2  }
0x204: {  	v61 =	vld [tilespmem:s24+$0x1C0];
	[tilespmem:s24+$0x150] =	vst v6;
	v2 =	vmul.f32 v55, v2  }
0x205: {  	v62 =	vld [tilespmem:s24+$0x1D0];
	[tilespmem:s24+$0x160] =	vst v3;
	v3 =	vmul.f32 v57, v1  }
0x206: {  	v63 =	vld [tilespmem:s24+$0x1E0];
	[tilespmem:s24+$0x170] =	vst v2;
	v2 =	vmul.f32 v58, v1  }
0x207: {  	[tilespmem:s24+$0x180] =	vst v3;
	v3 =	vmul.f32 v59, v1  }
0x208: {  	[tilespmem:s24+$0x190] =	vst v2;
	v2 =	vmul.f32 v60, v1  }
0x209: {  	[tilespmem:s24+$0x1A0] =	vst v3;
	v3 =	vmul.f32 v61, v1  }
0x20a: {  	[tilespmem:s24+$0x1B0] =	vst v2;
	v2 =	vmul.f32 v62, v1  }
0x20b: {  	v1 =	vmul.f32 v63, v1;
	[tilespmem:s24+$0x1C0] =	vst v3  }
0x20c: {  	[tilespmem:s24+$0x1D0] =	vst v2  }
0x20d: {  	s0 =	simm.s32 $0x4DD0;
	[tilespmem:s24+$0x1E0] =	vst v1  }
0x20e: {  	[spmem:s2] =	stream.indirect.scatter.add.f32 [tilespmem:s17], [sflag:$0x3], $0x80, s0, s16, $0xb8;
	[tilespmem:$0x1FDB0] =	vst v63  }
0x20f: {  	_ =	swait.ge [sflag:s11], $0x2800  }
0x210: {  	s23 =	sadd.s32 $0x1, s23;
	[sflag:s11] =	ssyncset.done $0x0  }
0x211: {  	p1 =	sne.s32 s23, s10;
	[sflag:s11] =	ssyncadd.s32 $0xFFFFD800  }
.Ltmp4:
0x212: {  	s0 =	simm.s32 @!p0 $0x3;
	[bflag:$0x0] =	sbarrier.arrive $0xFFFF;
	(pc) =	sbr.rel @p1 .LBB2_1-.Ltmp4, $4  }
0x213: {  	[hbm:s9], [sflag:s14] =	dma.local @!p0 [spmem:s22], $0x3E80  }
0x214: {  	_ =	swait.ge @!p0 [sflag:s0], $0x3E80  }
0x215: {  	[sflag:s0] =	ssyncset.done @!p0 $0x0  }
0x216: {  	[sflag:s0] =	ssyncadd.s32 @!p0 $0xFFFFC180  }
0x217: {  	_ =	sfence.sel $0x180000  }
0x218: {  	[bflag:$0x0] =	sbarrier.arrive $0xFFFF  }
0x219: {  	_ =	strace $0x90000050  }
0x21a: {  	s0 =	stileid.u32;
	[bflag:$0x2] =	sbarrier.arrive $0xFFFF  }
0x21b: {  	p0 =	sne.s32 s0, $0x0;
	s0 =	rddreg [dreg:$0x4]  }
0x21c: {  	s0 =	sadd.s32 @!p0 $0x100000, s0  }
0x21d: {  	[sflag:s0] =	ssyncadd.tile.s32 @!p0 $0x1;
	_ =	shalt  }
.Lfunc_end2:
_tile_overlayer_lowered:
.L_overlay_start_2:
0x21e: {  	(tag) =	ssettag $0x2  }
0x21f: {  	s0 =	rddreg [dreg:$0x0];
	s2 =	stileid.u32  }
0x220: {  	s1 =	rddreg [dreg:$0x1];
	p0 =	sne.s32 s2, $0x0  }
0x221: {  	s3 =	rddreg [dreg:$0x2];
	[bflag:$0x3] =	sbarrier.arrive $0xFFFF;
	s2 =	simm.s32 @!p0 $0x1C03  }
0x222: {  	[timem:s3], [sflag:s2] =	dma.local @!p0 [hbm:s0], s1  }
0x223: {  	s0 =	simm.s32 @!p0 $0x3  }
0x224: {  	_ =	swait.ge @!p0 [sflag:s0], s1  }
0x225: {  	s1 =	ssub.s32 @!p0 $0x0, s1;
	[sflag:s0] =	ssyncset.done @!p0 $0x0  }
0x226: {  	[sflag:s0] =	ssyncadd.s32 @!p0 s1  }
0x227: {  	[bflag:$0x3] =	sbarrier.arrive $0xFFFF  }
0x228: {  	_ =	shalt  }

</sc_bundles>
